<compile_context>
chip_gen: v7x
topology: tpu7x:2x2x1
jax: 0.10.2.dev20260603
libtpu: 0.0.44.dev20260713+nightly
codegen_flags: <defaults>
</compile_context>

<pallas_src>
import functools

import jax
import jax.numpy as jnp
from jax import lax
from jax.experimental import pallas as pl
from jax.experimental.pallas import tpu as pltpu
from jax.experimental.pallas import tpu_sc as plsc

MAX_OUT = 200
OVERLAP_T = 0.9
SCORE_T = 0.1
N = 5000
NPAD = 5024
APAD = NPAD * 4
W = 384
WSTEP = 384
CMAX = 4608
NCH = 25
OUT_PAD = 256
GATH_PAD = OUT_PAD * 4
NEG = float("-inf")
BIG = 1 << 30

DONE, SRC, ODD, PREV, PENDA, PENDB, IDXA, IDXB = range(8)


def _nms_body(ov_hbm, sc_hbm, attr_hbm, gath_out, mask_out, sel_out,
              s_v, rf_v, ra_v, rb2_v, sel_v, mask_v, gsel_v, rb_v, pair_v,
              rows_v, attr_v, tf_v, ta_v, tb_v, sh, st_s,
              semf, sema, semb):
    b = lax.axis_index("c")
    sid = lax.axis_index("s")
    c0 = pl.multiple_of(jnp.minimum(WSTEP * sid, CMAX), 128)
    lane = lax.iota(jnp.int32, 16)
    neg_v = jnp.full((16,), NEG, jnp.float32)

    pltpu.sync_copy(sc_hbm.at[pl.ds(b * N + c0, W)], s_v.at[pl.ds(0, W)])
    for k in range(NCH - 1):
        v = s_v[pl.ds(16 * k, 16)]
        s_v[pl.ds(16 * k, 16)] = jnp.where(v > SCORE_T, v, neg_v)
    s_v[pl.ds(16 * (NCH - 1), 16)] = neg_v

    @pl.when(sid == 15)
    def _tail_scores():
        pltpu.sync_copy(sc_hbm.at[pl.ds(b * N + 4992, 8)],
                        s_v.at[pl.ds(16 * (NCH - 1), 8)])
        vt = s_v[pl.ds(16 * (NCH - 1), 16)]
        s_v[pl.ds(16 * (NCH - 1), 16)] = jnp.where(
            jnp.logical_and(vt > SCORE_T, lane < 8), vt, neg_v)

    zf = jnp.zeros((16,), jnp.float32)
    zi = jnp.zeros((16,), jnp.int32)
    pad_i = jnp.full((16,), NPAD - 1, jnp.int32)
    for k in range(OUT_PAD // 16):
        sel_v[pl.ds(16 * k, 16)] = zi
        mask_v[pl.ds(16 * k, 16)] = zf
        gsel_v[pl.ds(16 * k, 16)] = pad_i
    for j in range(8):
        st_s[j] = jnp.int32(0)

    bufs = {1: (rf_v, tf_v, semf), 2: (ra_v, ta_v, sema), 3: (rb2_v, tb_v, semb)}

    def _drain(code):
        rbuf, tbuf, sem = bufs[code]
        pltpu.make_async_copy(
            ov_hbm.at[b, pl.ds(0, 2), pl.ds(c0, W)], rbuf, sem).wait()

        @pl.when(sid == 15)
        def _():
            pltpu.make_async_copy(
                ov_hbm.at[b, pl.ds(0, 2), pl.ds(4992, 8)], tbuf, sem).wait()

    def _issue(code, ridx):
        rbuf, tbuf, sem = bufs[code]
        rp = pl.multiple_of((ridx >> 1) * 2, 2)
        pltpu.async_copy(ov_hbm.at[b, pl.ds(rp, 2), pl.ds(c0, W)], rbuf, sem)

        @pl.when(sid == 15)
        def _():
            pltpu.async_copy(
                ov_hbm.at[b, pl.ds(rp, 2), pl.ds(4992, 8)], tbuf, sem)

    def body(i):
        if True:
            src = st_s[SRC]
            oddi = st_s[ODD]
            odd = oddi == 1
            prev = st_s[PREV]

            def fused(code):
                cur = None
                curk = jnp.zeros((16,), jnp.int32)
                for k in range(NCH):
                    sv = s_v[pl.ds(16 * k, 16)]
                    if code:
                        rbuf, tbuf, _ = bufs[code]
                        if k < NCH - 1:
                            ovv = rbuf[oddi, pl.ds(16 * k, 16)]
                            g = c0 + 16 * k + lane
                            kill = jnp.logical_or(ovv > OVERLAP_T, g == prev)
                            sv = jnp.where(kill, neg_v, sv)
                            s_v[pl.ds(16 * k, 16)] = sv
                        else:
                            rowi = jnp.full((16,), jnp.where(odd, 1, 0),
                                            jnp.int32)
                            coli = jnp.where(lane < 8, lane, 0)
                            ovt = plsc.load_gather(tbuf, [rowi, coli])
                            g = 4992 + lane
                            kill = jnp.logical_or(
                                jnp.logical_and(ovt > OVERLAP_T, lane < 8),
                                g == prev)
                            sv = jnp.where(kill, neg_v, sv)
                            s_v[pl.ds(16 * k, 16)] = sv
                    if cur is None:
                        cur = sv
                    else:
                        better = sv > cur
                        cur = jnp.where(better, sv, cur)
                        curk = jnp.where(better,
                                         jnp.full((16,), k, jnp.int32), curk)
                cand = c0 + curk * 16 + lane
                mloc = jnp.max(cur)
                loc_best = jnp.min(jnp.where(cur == mloc, cand, BIG))
                pair_v[...] = jnp.where(
                    lane == 0, jnp.full((16,), mloc, jnp.float32),
                    plsc.bitcast(jnp.full((16,), loc_best, jnp.int32),
                                 jnp.float32))

            for code in (0, 1, 2, 3):
                @pl.when(src == code)
                def _var(code=code):
                    if code:
                        _drain(code)
                    fused(code)

            par = i & 1
            bank = pl.multiple_of(32 + 16 * par, 16)
            pltpu.sync_copy(pair_v, sh.at[bank + sid])
            plsc.subcore_barrier()
            pltpu.sync_copy(sh.at[pl.ds(bank, 16)], rb_v)
            maxes = plsc.load_gather(rb_v, [lane, zi])
            idxs = plsc.bitcast(
                plsc.load_gather(rb_v, [lane, jnp.full((16,), 1, jnp.int32)]),
                jnp.int32)
            mx = jnp.max(maxes)
            best = jnp.min(jnp.where(maxes == mx, idxs, BIG))
            any_active = mx > NEG

            @pl.when(jnp.logical_not(any_active))
            def _stop():
                st_s[DONE] = jnp.int32(1)
                st_s[SRC] = jnp.int32(0)

            @pl.when(any_active)
            def _select():
                lastA = par == 1
                lastpend = jnp.where(lastA, st_s[PENDA], st_s[PENDB])
                lastidx = jnp.where(lastA, st_s[IDXA], st_s[IDXB])
                hit = jnp.logical_and(lastpend == 1, lastidx == best)

                @pl.when(hit)
                def _hit():
                    st_s[SRC] = jnp.where(lastA, 2, 3)
                    st_s[PENDA] = jnp.where(lastA, 0, st_s[PENDA])
                    st_s[PENDB] = jnp.where(lastA, st_s[PENDB], 0)

                @pl.when(jnp.logical_not(hit))
                def _miss():
                    _issue(1, best)
                    st_s[SRC] = jnp.int32(1)

                st_s[ODD] = best & 1
                st_s[PREV] = best
                iv = jnp.full((16,), i, jnp.int32)
                l0 = lane == 0
                plsc.store_scatter(sel_v, [iv],
                                   jnp.full((16,), best, jnp.int32), mask=l0)
                plsc.store_scatter(mask_v, [iv],
                                   jnp.full((16,), 1.0, jnp.float32), mask=l0)
                plsc.store_scatter(gsel_v, [iv],
                                   jnp.full((16,), best, jnp.int32), mask=l0)

                m2v = jnp.where(idxs == best, neg_v, maxes)
                mx2 = jnp.max(m2v)
                spec = jnp.min(jnp.where(m2v == mx2, idxs, BIG))

                @pl.when(mx2 > NEG)
                def _spec():
                    curA = par == 0

                    @pl.when(jnp.logical_and(curA, st_s[PENDA] == 1))
                    def _dra():
                        _drain(2)

                    @pl.when(jnp.logical_and(jnp.logical_not(curA),
                                             st_s[PENDB] == 1))
                    def _drb():
                        _drain(3)

                    @pl.when(curA)
                    def _ia():
                        _issue(2, spec)
                        st_s[PENDA] = jnp.int32(1)
                        st_s[IDXA] = spec

                    @pl.when(jnp.logical_not(curA))
                    def _ib():
                        _issue(3, spec)
                        st_s[PENDB] = jnp.int32(1)
                        st_s[IDXB] = spec

    def _cond(c):
        return jnp.logical_and(c[0] < MAX_OUT, c[1] == 0)

    def _wbody(c):
        body(c[0])
        return (c[0] + 1, st_s[DONE])

    lax.while_loop(_cond, _wbody, (jnp.int32(0), jnp.int32(0)))

    for code, slot in ((1, SRC), (2, PENDA), (3, PENDB)):
        @pl.when((st_s[slot] == code) if code == 1 else (st_s[slot] == 1))
        def _fd(code=code):
            _drain(code)

    @pl.when(jnp.logical_or(st_s[SRC] == 2, st_s[SRC] == 3))
    def _fd_src_spec():
        @pl.when(st_s[SRC] == 2)
        def _():
            _drain(2)

        @pl.when(st_s[SRC] == 3)
        def _():
            _drain(3)

    @pl.when(sid == 0)
    def _out():
        pltpu.sync_copy(sel_v, sel_out.at[pl.ds(b * OUT_PAD, OUT_PAD)])
        pltpu.sync_copy(mask_v, mask_out.at[pl.ds(b * OUT_PAD, OUT_PAD)])
        pltpu.sync_copy(attr_hbm.at[pl.ds(b * APAD, APAD)], attr_v)
        row_of_lane = lane >> 2
        col_of_lane = lane & 3
        for c in range(GATH_PAD // 16):
            r = plsc.load_gather(gsel_v, [4 * c + row_of_lane])
            vals = plsc.load_gather(attr_v, [r * 4 + col_of_lane])
            rows_v[pl.ds(16 * c, 16)] = vals
        pltpu.sync_copy(rows_v, gath_out.at[pl.ds(b * GATH_PAD, GATH_PAD)])


@jax.jit
def _nms_call(overlaps, scores_flat, attr_flat):
    mesh = plsc.VectorSubcoreMesh(core_axis_name="c", subcore_axis_name="s",
                                  num_cores=2, num_subcores=16)
    f = functools.partial(
        pl.kernel,
        out_type=(
            jax.ShapeDtypeStruct((2 * GATH_PAD,), jnp.float32),
            jax.ShapeDtypeStruct((2 * OUT_PAD,), jnp.float32),
            jax.ShapeDtypeStruct((2 * OUT_PAD,), jnp.int32),
        ),
        mesh=mesh,
        scratch_types=[
            pltpu.VMEM((16 * NCH,), jnp.float32),
            pltpu.VMEM((2, W), jnp.float32),
            pltpu.VMEM((2, W), jnp.float32),
            pltpu.VMEM((2, W), jnp.float32),
            pltpu.VMEM((OUT_PAD,), jnp.int32),
            pltpu.VMEM((OUT_PAD,), jnp.float32),
            pltpu.VMEM((OUT_PAD,), jnp.int32),
            pltpu.VMEM((16, 16), jnp.float32),
            pltpu.VMEM((16,), jnp.float32),
            pltpu.VMEM((GATH_PAD,), jnp.float32),
            pltpu.VMEM((APAD,), jnp.float32),
            pltpu.VMEM((2, 8), jnp.float32),
            pltpu.VMEM((2, 8), jnp.float32),
            pltpu.VMEM((2, 8), jnp.float32),
            pltpu.VMEM_SHARED((64, 16), jnp.float32),
            pltpu.SMEM((8,), jnp.int32),
            pltpu.SemaphoreType.DMA,
            pltpu.SemaphoreType.DMA,
            pltpu.SemaphoreType.DMA,
        ],
        compiler_params=pltpu.CompilerParams(needs_layout_passes=False),
    )(_nms_body)
    return f(overlaps, scores_flat, attr_flat)


def kernel(overlaps, scores, attributes):
    attr_pad = jnp.concatenate(
        [attributes,
         jnp.zeros((attributes.shape[0], NPAD - N, attributes.shape[2]),
                   attributes.dtype)], axis=1)
    gath, mask, sel = _nms_call(
        overlaps, scores.reshape(-1), attr_pad.reshape(-1))
    gathered = gath.reshape(2, OUT_PAD, 4)[:, :MAX_OUT]
    mask = mask.reshape(2, OUT_PAD)[:, :MAX_OUT]
    sel = sel.reshape(2, OUT_PAD)[:, :MAX_OUT]
    return (gathered, mask, sel)

# --- scband reference (transcript-rebuilt; emitter-appended) ---
"""Pipeline reference for scband-overlaps-nms-35416300323286 (READ-ONLY COPY).

The authoritative reference and input builder live on the scoring server;
editing this copy changes nothing except your own understanding.
"""

import jax, jax.numpy as jnp
import numpy as np

MAX_OUTPUT_SIZE = 200
OVERLAP_THRESHOLD = 0.9
SCORE_THRESHOLD = 0.1


def setup_inputs(seed: int = 0) -> dict:
    key = jax.random.key(seed)
    k1, k2, k3 = jax.random.split(key, 3)
    overlaps = jax.random.uniform(k1, (2, 5000, 5000), dtype=jnp.float32)
    scores = jax.random.uniform(k2, (2, 5000), dtype=jnp.float32)
    attributes = jax.random.normal(k3, (2, 5000, 4), dtype=jnp.float32)
    return {"overlaps": overlaps, "scores": scores, "attributes": attributes}


def _nms_single(overlaps, scores, attributes):
    # Faithful greedy NMS using a precomputed overlaps matrix, matching
    # tf.image.non_max_suppression_overlaps semantics:
    #  - candidates must have score > score_threshold
    #  - pick highest-score active box, suppress boxes with overlap > overlap_threshold
    #  - up to max_output_size selections, outputs zero-padded, plus a validity mask
    max_out = MAX_OUTPUT_SIZE
    active0 = scores > SCORE_THRESHOLD
    sel0 = jnp.zeros((max_out,), jnp.int32)
    mask0 = jnp.zeros((max_out,), jnp.float32)

    def body(i, carry):
        active, sel, mask = carry
        masked_scores = jnp.where(active, scores, -jnp.inf)
        best = jnp.argmax(masked_scores).astype(jnp.int32)
        any_active = masked_scores[best] > -jnp.inf
        sel = sel.at[i].set(jnp.where(any_active, best, 0))
        mask = mask.at[i].set(jnp.where(any_active, 1.0, 0.0))
        suppress = overlaps[best] > OVERLAP_THRESHOLD
        new_active = jnp.logical_and(active, jnp.logical_not(suppress))
        new_active = new_active.at[best].set(False)
        active = jnp.where(any_active, new_active, active)
        return (active, sel, mask)

    _, sel, mask = jax.lax.fori_loop(0, max_out, body, (active0, sel0, mask0))
    # gather selected attributes and zero out padded slots (tf.pad with zeros)
    gathered = jnp.take(attributes, sel, axis=0) * mask[:, None]
    # return_indices=True: padded indices (pad value 0, matching tf.pad default)
    return gathered, mask, sel


def reference(overlaps, scores, attributes):
    # tf.map_fn over the batch dimension -> jax.vmap
    gathered, mask, sel = jax.vmap(_nms_single)(overlaps, scores, attributes)
    return (gathered, mask, sel)

if __name__ == "__main__":
    import jax
    _d = setup_inputs()
    print(jax.jit(kernel)(*tuple(_d.values())))

</pallas_src>

<mosaic_0001>
#map = affine_map<(d0, d1) -> (0, 0, 0)>
#map1 = affine_map<(d0, d1) -> (0)>
module attributes {stable_mosaic.version = 14 : i64} {
  func.func @_nms_body(%arg0: i32, %arg1: i32, %arg2: memref<2x5000x5000xf32, #tpu.memory_space<hbm>>, %arg3: memref<10000xf32, #tpu.memory_space<hbm>>, %arg4: memref<40192xf32, #tpu.memory_space<hbm>>, %arg5: memref<2048xf32, #tpu.memory_space<hbm>>, %arg6: memref<512xf32, #tpu.memory_space<hbm>>, %arg7: memref<512xi32, #tpu.memory_space<hbm>>, %arg8: memref<400xf32, #tpu.memory_space<vmem>>, %arg9: memref<2x384xf32, #tpu.memory_space<vmem>>, %arg10: memref<2x384xf32, #tpu.memory_space<vmem>>, %arg11: memref<2x384xf32, #tpu.memory_space<vmem>>, %arg12: memref<256xi32, #tpu.memory_space<vmem>>, %arg13: memref<256xf32, #tpu.memory_space<vmem>>, %arg14: memref<256xi32, #tpu.memory_space<vmem>>, %arg15: memref<16x16xf32, #tpu.memory_space<vmem>>, %arg16: memref<16xf32, #tpu.memory_space<vmem>>, %arg17: memref<1024xf32, #tpu.memory_space<vmem>>, %arg18: memref<20096xf32, #tpu.memory_space<vmem>>, %arg19: memref<2x8xf32, #tpu.memory_space<vmem>>, %arg20: memref<2x8xf32, #tpu.memory_space<vmem>>, %arg21: memref<2x8xf32, #tpu.memory_space<vmem>>, %arg22: memref<64x16xf32, #tpu.memory_space<vmem_shared>>, %arg23: memref<8xi32, #tpu.memory_space<smem>>, %arg24: memref<!tpu.dma_semaphore, #tpu.memory_space<semaphore_mem>>, %arg25: memref<!tpu.dma_semaphore, #tpu.memory_space<semaphore_mem>>, %arg26: memref<!tpu.dma_semaphore, #tpu.memory_space<semaphore_mem>>) attributes {dimension_semantics = [#tpu.dimension_semantics<core_parallel>, #tpu.dimension_semantics<subcore_parallel>], iteration_bounds = array<i64: 2, 16>, scalar_prefetch = 0 : i64, scratch_operands = 19 : i64, tpu.core_type = #tpu.core_type<sc_vector_subcore>, window_params = [{transform_indices = #map}, {transform_indices = #map1}, {transform_indices = #map1}, {transform_indices = #map1}, {transform_indices = #map1}, {transform_indices = #map1}]} {
    %mul3A = arith.constant 384 : i32
    %mul3A_0 = arith.muli %mul3A, %arg1 : i32
    %min3A = arith.constant 4608 : i32
    %min3A_1 = arith.minsi %mul3A_0, %min3A : i32
    %multiple_of3A = tpu.assume_multiple %min3A_1, 128 : i32
    %iota3A = tpu.iota {dimensions = array<i32: 0>} : vector<16xi32>
    %broadcast_in_dim3A = arith.constant 0xFF800000 : f32
    %broadcast_in_dim3A_2 = vector.broadcast %broadcast_in_dim3A : f32 to vector<16xf32>
    %mul3A_3 = arith.constant 5000 : i32
    %mul3A_4 = arith.muli %arg0, %mul3A_3 : i32
    %add3A = arith.addi %mul3A_4, %multiple_of3A : i32
    "tpu.region"() ({
      %run_scoped3A = tpu.sem_alloc : memref<!tpu.dma_semaphore, #tpu.memory_space<semaphore_mem>>
      %dma_start3A = arith.constant 0 : i32
      %dma_start3A_375 = tpu.memref_slice %arg8[%dma_start3A] : memref<400xf32, #tpu.memory_space<vmem>> -> memref<384xf32, #tpu.memory_space<vmem>>
      %dma_start3A_376 = tpu.memref_slice %arg3[%add3A] : memref<10000xf32, #tpu.memory_space<hbm>> -> memref<384xf32, #tpu.memory_space<hbm>>
      %dma_start3A_377 = arith.constant 0 : i32
      %dma_start3A_378 = tpu.memref_slice %arg8[%dma_start3A_377] : memref<400xf32, #tpu.memory_space<vmem>> -> memref<384xf32, #tpu.memory_space<vmem>>
      %dma_start3A_379 = tpu.memref_slice %arg3[%add3A] : memref<10000xf32, #tpu.memory_space<hbm>> -> memref<384xf32, #tpu.memory_space<hbm>>
      tpu.enqueue_dma source(%dma_start3A_379 : memref<384xf32, #tpu.memory_space<hbm>>) target(%dma_start3A_378 : memref<384xf32, #tpu.memory_space<vmem>>) target_semaphore(%run_scoped3A : memref<!tpu.dma_semaphore, #tpu.memory_space<semaphore_mem>>)
      %dma_wait3A = arith.constant 0 : i32
      %dma_wait3A_380 = tpu.memref_slice %arg8[%dma_wait3A] : memref<400xf32, #tpu.memory_space<vmem>> -> memref<384xf32, #tpu.memory_space<vmem>>
      %dma_wait3A_381 = tpu.memref_slice %arg3[%add3A] : memref<10000xf32, #tpu.memory_space<hbm>> -> memref<384xf32, #tpu.memory_space<hbm>>
      %dma_wait3A_382 = arith.constant 0 : i32
      %dma_wait3A_383 = tpu.memref_slice %arg8[%dma_wait3A_382] : memref<400xf32, #tpu.memory_space<vmem>> -> memref<384xf32, #tpu.memory_space<vmem>>
      %dma_wait3A_384 = tpu.memref_slice %arg3[%add3A] : memref<10000xf32, #tpu.memory_space<hbm>> -> memref<384xf32, #tpu.memory_space<hbm>>
      tpu.wait_dma2 semaphore(%run_scoped3A : memref<!tpu.dma_semaphore, #tpu.memory_space<semaphore_mem>>) src(%dma_wait3A_384 : memref<384xf32, #tpu.memory_space<hbm>>) dst(%dma_wait3A_383 : memref<384xf32, #tpu.memory_space<vmem>>)
      tpu.yield
    }) : () -> ()
    %get3A = arith.constant 0 : index
    %get3A_5 = tpu.vector_load %arg8[%get3A] {strides = array<i32>} : memref<400xf32, #tpu.memory_space<vmem>>, vector<16xf32>,
    %gt3A = arith.constant 1.000000e-01 : f32
    %gt3A_6 = vector.broadcast %gt3A : f32 to vector<16xf32>
    %gt3A_7 = arith.cmpf ogt, %get3A_5, %gt3A_6 : vector<16xf32>
    %select_n3A = arith.select %gt3A_7, %get3A_5, %broadcast_in_dim3A_2 : vector<16xi1>, vector<16xf32>
    %swap3A = arith.constant 0 : index
    %swap3A_8 = tpu.vector_load %arg8[%swap3A] {strides = array<i32>} : memref<400xf32, #tpu.memory_space<vmem>>, vector<16xf32>,
    tpu.vector_store %arg8[%swap3A], %select_n3A {strides = array<i32>} : memref<400xf32, #tpu.memory_space<vmem>>, vector<16xf32>,
    %get3A_9 = arith.constant 16 : index
    %get3A_10 = tpu.vector_load %arg8[%get3A_9] {strides = array<i32>} : memref<400xf32, #tpu.memory_space<vmem>>, vector<16xf32>,
    %gt3A_11 = arith.constant 1.000000e-01 : f32
    %gt3A_12 = vector.broadcast %gt3A_11 : f32 to vector<16xf32>
    %gt3A_13 = arith.cmpf ogt, %get3A_10, %gt3A_12 : vector<16xf32>
    %select_n3A_14 = arith.select %gt3A_13, %get3A_10, %broadcast_in_dim3A_2 : vector<16xi1>, vector<16xf32>
    %swap3A_15 = arith.constant 16 : index
    %swap3A_16 = tpu.vector_load %arg8[%swap3A_15] {strides = array<i32>} : memref<400xf32, #tpu.memory_space<vmem>>, vector<16xf32>,
    tpu.vector_store %arg8[%swap3A_15], %select_n3A_14 {strides = array<i32>} : memref<400xf32, #tpu.memory_space<vmem>>, vector<16xf32>,
    %get3A_17 = arith.constant 32 : index
    %get3A_18 = tpu.vector_load %arg8[%get3A_17] {strides = array<i32>} : memref<400xf32, #tpu.memory_space<vmem>>, vector<16xf32>,
    %gt3A_19 = arith.constant 1.000000e-01 : f32
    %gt3A_20 = vector.broadcast %gt3A_19 : f32 to vector<16xf32>
    %gt3A_21 = arith.cmpf ogt, %get3A_18, %gt3A_20 : vector<16xf32>
    %select_n3A_22 = arith.select %gt3A_21, %get3A_18, %broadcast_in_dim3A_2 : vector<16xi1>, vector<16xf32>
    %swap3A_23 = arith.constant 32 : index
    %swap3A_24 = tpu.vector_load %arg8[%swap3A_23] {strides = array<i32>} : memref<400xf32, #tpu.memory_space<vmem>>, vector<16xf32>,
    tpu.vector_store %arg8[%swap3A_23], %select_n3A_22 {strides = array<i32>} : memref<400xf32, #tpu.memory_space<vmem>>, vector<16xf32>,
    %get3A_25 = arith.constant 48 : index
    %get3A_26 = tpu.vector_load %arg8[%get3A_25] {strides = array<i32>} : memref<400xf32, #tpu.memory_space<vmem>>, vector<16xf32>,
    %gt3A_27 = arith.constant 1.000000e-01 : f32
    %gt3A_28 = vector.broadcast %gt3A_27 : f32 to vector<16xf32>
    %gt3A_29 = arith.cmpf ogt, %get3A_26, %gt3A_28 : vector<16xf32>
    %select_n3A_30 = arith.select %gt3A_29, %get3A_26, %broadcast_in_dim3A_2 : vector<16xi1>, vector<16xf32>
    %swap3A_31 = arith.constant 48 : index
    %swap3A_32 = tpu.vector_load %arg8[%swap3A_31] {strides = array<i32>} : memref<400xf32, #tpu.memory_space<vmem>>, vector<16xf32>,
    tpu.vector_store %arg8[%swap3A_31], %select_n3A_30 {strides = array<i32>} : memref<400xf32, #tpu.memory_space<vmem>>, vector<16xf32>,
    %get3A_33 = arith.constant 64 : index
    %get3A_34 = tpu.vector_load %arg8[%get3A_33] {strides = array<i32>} : memref<400xf32, #tpu.memory_space<vmem>>, vector<16xf32>,
    %gt3A_35 = arith.constant 1.000000e-01 : f32
    %gt3A_36 = vector.broadcast %gt3A_35 : f32 to vector<16xf32>
    %gt3A_37 = arith.cmpf ogt, %get3A_34, %gt3A_36 : vector<16xf32>
    %select_n3A_38 = arith.select %gt3A_37, %get3A_34, %broadcast_in_dim3A_2 : vector<16xi1>, vector<16xf32>
    %swap3A_39 = arith.constant 64 : index
    %swap3A_40 = tpu.vector_load %arg8[%swap3A_39] {strides = array<i32>} : memref<400xf32, #tpu.memory_space<vmem>>, vector<16xf32>,
    tpu.vector_store %arg8[%swap3A_39], %select_n3A_38 {strides = array<i32>} : memref<400xf32, #tpu.memory_space<vmem>>, vector<16xf32>,
    %get3A_41 = arith.constant 80 : index
    %get3A_42 = tpu.vector_load %arg8[%get3A_41] {strides = array<i32>} : memref<400xf32, #tpu.memory_space<vmem>>, vector<16xf32>,
    %gt3A_43 = arith.constant 1.000000e-01 : f32
    %gt3A_44 = vector.broadcast %gt3A_43 : f32 to vector<16xf32>
    %gt3A_45 = arith.cmpf ogt, %get3A_42, %gt3A_44 : vector<16xf32>
    %select_n3A_46 = arith.select %gt3A_45, %get3A_42, %broadcast_in_dim3A_2 : vector<16xi1>, vector<16xf32>
    %swap3A_47 = arith.constant 80 : index
    %swap3A_48 = tpu.vector_load %arg8[%swap3A_47] {strides = array<i32>} : memref<400xf32, #tpu.memory_space<vmem>>, vector<16xf32>,
    tpu.vector_store %arg8[%swap3A_47], %select_n3A_46 {strides = array<i32>} : memref<400xf32, #tpu.memory_space<vmem>>, vector<16xf32>,
    %get3A_49 = arith.constant 96 : index
    %get3A_50 = tpu.vector_load %arg8[%get3A_49] {strides = array<i32>} : memref<400xf32, #tpu.memory_space<vmem>>, vector<16xf32>,
    %gt3A_51 = arith.constant 1.000000e-01 : f32
    %gt3A_52 = vector.broadcast %gt3A_51 : f32 to vector<16xf32>
    %gt3A_53 = arith.cmpf ogt, %get3A_50, %gt3A_52 : vector<16xf32>
    %select_n3A_54 = arith.select %gt3A_53, %get3A_50, %broadcast_in_dim3A_2 : vector<16xi1>, vector<16xf32>
    %swap3A_55 = arith.constant 96 : index
    %swap3A_56 = tpu.vector_load %arg8[%swap3A_55] {strides = array<i32>} : memref<400xf32, #tpu.memory_space<vmem>>, vector<16xf32>,
    tpu.vector_store %arg8[%swap3A_55], %select_n3A_54 {strides = array<i32>} : memref<400xf32, #tpu.memory_space<vmem>>, vector<16xf32>,
    %get3A_57 = arith.constant 112 : index
    %get3A_58 = tpu.vector_load %arg8[%get3A_57] {strides = array<i32>} : memref<400xf32, #tpu.memory_space<vmem>>, vector<16xf32>,
    %gt3A_59 = arith.constant 1.000000e-01 : f32
    %gt3A_60 = vector.broadcast %gt3A_59 : f32 to vector<16xf32>
    %gt3A_61 = arith.cmpf ogt, %get3A_58, %gt3A_60 : vector<16xf32>
    %select_n3A_62 = arith.select %gt3A_61, %get3A_58, %broadcast_in_dim3A_2 : vector<16xi1>, vector<16xf32>
    %swap3A_63 = arith.constant 112 : index
    %swap3A_64 = tpu.vector_load %arg8[%swap3A_63] {strides = array<i32>} : memref<400xf32, #tpu.memory_space<vmem>>, vector<16xf32>,
    tpu.vector_store %arg8[%swap3A_63], %select_n3A_62 {strides = array<i32>} : memref<400xf32, #tpu.memory_space<vmem>>, vector<16xf32>,
    %get3A_65 = arith.constant 128 : index
    %get3A_66 = tpu.vector_load %arg8[%get3A_65] {strides = array<i32>} : memref<400xf32, #tpu.memory_space<vmem>>, vector<16xf32>,
    %gt3A_67 = arith.constant 1.000000e-01 : f32
    %gt3A_68 = vector.broadcast %gt3A_67 : f32 to vector<16xf32>
    %gt3A_69 = arith.cmpf ogt, %get3A_66, %gt3A_68 : vector<16xf32>
    %select_n3A_70 = arith.select %gt3A_69, %get3A_66, %broadcast_in_dim3A_2 : vector<16xi1>, vector<16xf32>
    %swap3A_71 = arith.constant 128 : index
    %swap3A_72 = tpu.vector_load %arg8[%swap3A_71] {strides = array<i32>} : memref<400xf32, #tpu.memory_space<vmem>>, vector<16xf32>,
    tpu.vector_store %arg8[%swap3A_71], %select_n3A_70 {strides = array<i32>} : memref<400xf32, #tpu.memory_space<vmem>>, vector<16xf32>,
    %get3A_73 = arith.constant 144 : index
    %get3A_74 = tpu.vector_load %arg8[%get3A_73] {strides = array<i32>} : memref<400xf32, #tpu.memory_space<vmem>>, vector<16xf32>,
    %gt3A_75 = arith.constant 1.000000e-01 : f32
    %gt3A_76 = vector.broadcast %gt3A_75 : f32 to vector<16xf32>
    %gt3A_77 = arith.cmpf ogt, %get3A_74, %gt3A_76 : vector<16xf32>
    %select_n3A_78 = arith.select %gt3A_77, %get3A_74, %broadcast_in_dim3A_2 : vector<16xi1>, vector<16xf32>
    %swap3A_79 = arith.constant 144 : index
    %swap3A_80 = tpu.vector_load %arg8[%swap3A_79] {strides = array<i32>} : memref<400xf32, #tpu.memory_space<vmem>>, vector<16xf32>,
    tpu.vector_store %arg8[%swap3A_79], %select_n3A_78 {strides = array<i32>} : memref<400xf32, #tpu.memory_space<vmem>>, vector<16xf32>,
    %get3A_81 = arith.constant 160 : index
    %get3A_82 = tpu.vector_load %arg8[%get3A_81] {strides = array<i32>} : memref<400xf32, #tpu.memory_space<vmem>>, vector<16xf32>,
    %gt3A_83 = arith.constant 1.000000e-01 : f32
    %gt3A_84 = vector.broadcast %gt3A_83 : f32 to vector<16xf32>
    %gt3A_85 = arith.cmpf ogt, %get3A_82, %gt3A_84 : vector<16xf32>
    %select_n3A_86 = arith.select %gt3A_85, %get3A_82, %broadcast_in_dim3A_2 : vector<16xi1>, vector<16xf32>
    %swap3A_87 = arith.constant 160 : index
    %swap3A_88 = tpu.vector_load %arg8[%swap3A_87] {strides = array<i32>} : memref<400xf32, #tpu.memory_space<vmem>>, vector<16xf32>,
    tpu.vector_store %arg8[%swap3A_87], %select_n3A_86 {strides = array<i32>} : memref<400xf32, #tpu.memory_space<vmem>>, vector<16xf32>,
    %get3A_89 = arith.constant 176 : index
    %get3A_90 = tpu.vector_load %arg8[%get3A_89] {strides = array<i32>} : memref<400xf32, #tpu.memory_space<vmem>>, vector<16xf32>,
    %gt3A_91 = arith.constant 1.000000e-01 : f32
    %gt3A_92 = vector.broadcast %gt3A_91 : f32 to vector<16xf32>
    %gt3A_93 = arith.cmpf ogt, %get3A_90, %gt3A_92 : vector<16xf32>
    %select_n3A_94 = arith.select %gt3A_93, %get3A_90, %broadcast_in_dim3A_2 : vector<16xi1>, vector<16xf32>
    %swap3A_95 = arith.constant 176 : index
    %swap3A_96 = tpu.vector_load %arg8[%swap3A_95] {strides = array<i32>} : memref<400xf32, #tpu.memory_space<vmem>>, vector<16xf32>,
    tpu.vector_store %arg8[%swap3A_95], %select_n3A_94 {strides = array<i32>} : memref<400xf32, #tpu.memory_space<vmem>>, vector<16xf32>,
    %get3A_97 = arith.constant 192 : index
    %get3A_98 = tpu.vector_load %arg8[%get3A_97] {strides = array<i32>} : memref<400xf32, #tpu.memory_space<vmem>>, vector<16xf32>,
    %gt3A_99 = arith.constant 1.000000e-01 : f32
    %gt3A_100 = vector.broadcast %gt3A_99 : f32 to vector<16xf32>
    %gt3A_101 = arith.cmpf ogt, %get3A_98, %gt3A_100 : vector<16xf32>
    %select_n3A_102 = arith.select %gt3A_101, %get3A_98, %broadcast_in_dim3A_2 : vector<16xi1>, vector<16xf32>
    %swap3A_103 = arith.constant 192 : index
    %swap3A_104 = tpu.vector_load %arg8[%swap3A_103] {strides = array<i32>} : memref<400xf32, #tpu.memory_space<vmem>>, vector<16xf32>,
    tpu.vector_store %arg8[%swap3A_103], %select_n3A_102 {strides = array<i32>} : memref<400xf32, #tpu.memory_space<vmem>>, vector<16xf32>,
    %get3A_105 = arith.constant 208 : index
    %get3A_106 = tpu.vector_load %arg8[%get3A_105] {strides = array<i32>} : memref<400xf32, #tpu.memory_space<vmem>>, vector<16xf32>,
    %gt3A_107 = arith.constant 1.000000e-01 : f32
    %gt3A_108 = vector.broadcast %gt3A_107 : f32 to vector<16xf32>
    %gt3A_109 = arith.cmpf ogt, %get3A_106, %gt3A_108 : vector<16xf32>
    %select_n3A_110 = arith.select %gt3A_109, %get3A_106, %broadcast_in_dim3A_2 : vector<16xi1>, vector<16xf32>
    %swap3A_111 = arith.constant 208 : index
    %swap3A_112 = tpu.vector_load %arg8[%swap3A_111] {strides = array<i32>} : memref<400xf32, #tpu.memory_space<vmem>>, vector<16xf32>,
    tpu.vector_store %arg8[%swap3A_111], %select_n3A_110 {strides = array<i32>} : memref<400xf32, #tpu.memory_space<vmem>>, vector<16xf32>,
    %get3A_113 = arith.constant 224 : index
    %get3A_114 = tpu.vector_load %arg8[%get3A_113] {strides = array<i32>} : memref<400xf32, #tpu.memory_space<vmem>>, vector<16xf32>,
    %gt3A_115 = arith.constant 1.000000e-01 : f32
    %gt3A_116 = vector.broadcast %gt3A_115 : f32 to vector<16xf32>
    %gt3A_117 = arith.cmpf ogt, %get3A_114, %gt3A_116 : vector<16xf32>
    %select_n3A_118 = arith.select %gt3A_117, %get3A_114, %broadcast_in_dim3A_2 : vector<16xi1>, vector<16xf32>
    %swap3A_119 = arith.constant 224 : index
    %swap3A_120 = tpu.vector_load %arg8[%swap3A_119] {strides = array<i32>} : memref<400xf32, #tpu.memory_space<vmem>>, vector<16xf32>,
    tpu.vector_store %arg8[%swap3A_119], %select_n3A_118 {strides = array<i32>} : memref<400xf32, #tpu.memory_space<vmem>>, vector<16xf32>,
    %get3A_121 = arith.constant 240 : index
    %get3A_122 = tpu.vector_load %arg8[%get3A_121] {strides = array<i32>} : memref<400xf32, #tpu.memory_space<vmem>>, vector<16xf32>,
    %gt3A_123 = arith.constant 1.000000e-01 : f32
    %gt3A_124 = vector.broadcast %gt3A_123 : f32 to vector<16xf32>
    %gt3A_125 = arith.cmpf ogt, %get3A_122, %gt3A_124 : vector<16xf32>
    %select_n3A_126 = arith.select %gt3A_125, %get3A_122, %broadcast_in_dim3A_2 : vector<16xi1>, vector<16xf32>
    %swap3A_127 = arith.constant 240 : index
    %swap3A_128 = tpu.vector_load %arg8[%swap3A_127] {strides = array<i32>} : memref<400xf32, #tpu.memory_space<vmem>>, vector<16xf32>,
    tpu.vector_store %arg8[%swap3A_127], %select_n3A_126 {strides = array<i32>} : memref<400xf32, #tpu.memory_space<vmem>>, vector<16xf32>,
    %get3A_129 = arith.constant 256 : index
    %get3A_130 = tpu.vector_load %arg8[%get3A_129] {strides = array<i32>} : memref<400xf32, #tpu.memory_space<vmem>>, vector<16xf32>,
    %gt3A_131 = arith.constant 1.000000e-01 : f32
    %gt3A_132 = vector.broadcast %gt3A_131 : f32 to vector<16xf32>
    %gt3A_133 = arith.cmpf ogt, %get3A_130, %gt3A_132 : vector<16xf32>
    %select_n3A_134 = arith.select %gt3A_133, %get3A_130, %broadcast_in_dim3A_2 : vector<16xi1>, vector<16xf32>
    %swap3A_135 = arith.constant 256 : index
    %swap3A_136 = tpu.vector_load %arg8[%swap3A_135] {strides = array<i32>} : memref<400xf32, #tpu.memory_space<vmem>>, vector<16xf32>,
    tpu.vector_store %arg8[%swap3A_135], %select_n3A_134 {strides = array<i32>} : memref<400xf32, #tpu.memory_space<vmem>>, vector<16xf32>,
    %get3A_137 = arith.constant 272 : index
    %get3A_138 = tpu.vector_load %arg8[%get3A_137] {strides = array<i32>} : memref<400xf32, #tpu.memory_space<vmem>>, vector<16xf32>,
    %gt3A_139 = arith.constant 1.000000e-01 : f32
    %gt3A_140 = vector.broadcast %gt3A_139 : f32 to vector<16xf32>
    %gt3A_141 = arith.cmpf ogt, %get3A_138, %gt3A_140 : vector<16xf32>
    %select_n3A_142 = arith.select %gt3A_141, %get3A_138, %broadcast_in_dim3A_2 : vector<16xi1>, vector<16xf32>
    %swap3A_143 = arith.constant 272 : index
    %swap3A_144 = tpu.vector_load %arg8[%swap3A_143] {strides = array<i32>} : memref<400xf32, #tpu.memory_space<vmem>>, vector<16xf32>,
    tpu.vector_store %arg8[%swap3A_143], %select_n3A_142 {strides = array<i32>} : memref<400xf32, #tpu.memory_space<vmem>>, vector<16xf32>,
    %get3A_145 = arith.constant 288 : index
    %get3A_146 = tpu.vector_load %arg8[%get3A_145] {strides = array<i32>} : memref<400xf32, #tpu.memory_space<vmem>>, vector<16xf32>,
    %gt3A_147 = arith.constant 1.000000e-01 : f32
    %gt3A_148 = vector.broadcast %gt3A_147 : f32 to vector<16xf32>
    %gt3A_149 = arith.cmpf ogt, %get3A_146, %gt3A_148 : vector<16xf32>
    %select_n3A_150 = arith.select %gt3A_149, %get3A_146, %broadcast_in_dim3A_2 : vector<16xi1>, vector<16xf32>
    %swap3A_151 = arith.constant 288 : index
    %swap3A_152 = tpu.vector_load %arg8[%swap3A_151] {strides = array<i32>} : memref<400xf32, #tpu.memory_space<vmem>>, vector<16xf32>,
    tpu.vector_store %arg8[%swap3A_151], %select_n3A_150 {strides = array<i32>} : memref<400xf32, #tpu.memory_space<vmem>>, vector<16xf32>,
    %get3A_153 = arith.constant 304 : index
    %get3A_154 = tpu.vector_load %arg8[%get3A_153] {strides = array<i32>} : memref<400xf32, #tpu.memory_space<vmem>>, vector<16xf32>,
    %gt3A_155 = arith.constant 1.000000e-01 : f32
    %gt3A_156 = vector.broadcast %gt3A_155 : f32 to vector<16xf32>
    %gt3A_157 = arith.cmpf ogt, %get3A_154, %gt3A_156 : vector<16xf32>
    %select_n3A_158 = arith.select %gt3A_157, %get3A_154, %broadcast_in_dim3A_2 : vector<16xi1>, vector<16xf32>
    %swap3A_159 = arith.constant 304 : index
    %swap3A_160 = tpu.vector_load %arg8[%swap3A_159] {strides = array<i32>} : memref<400xf32, #tpu.memory_space<vmem>>, vector<16xf32>,
    tpu.vector_store %arg8[%swap3A_159], %select_n3A_158 {strides = array<i32>} : memref<400xf32, #tpu.memory_space<vmem>>, vector<16xf32>,
    %get3A_161 = arith.constant 320 : index
    %get3A_162 = tpu.vector_load %arg8[%get3A_161] {strides = array<i32>} : memref<400xf32, #tpu.memory_space<vmem>>, vector<16xf32>,
    %gt3A_163 = arith.constant 1.000000e-01 : f32
    %gt3A_164 = vector.broadcast %gt3A_163 : f32 to vector<16xf32>
    %gt3A_165 = arith.cmpf ogt, %get3A_162, %gt3A_164 : vector<16xf32>
    %select_n3A_166 = arith.select %gt3A_165, %get3A_162, %broadcast_in_dim3A_2 : vector<16xi1>, vector<16xf32>
    %swap3A_167 = arith.constant 320 : index
    %swap3A_168 = tpu.vector_load %arg8[%swap3A_167] {strides = array<i32>} : memref<400xf32, #tpu.memory_space<vmem>>, vector<16xf32>,
    tpu.vector_store %arg8[%swap3A_167], %select_n3A_166 {strides = array<i32>} : memref<400xf32, #tpu.memory_space<vmem>>, vector<16xf32>,
    %get3A_169 = arith.constant 336 : index
    %get3A_170 = tpu.vector_load %arg8[%get3A_169] {strides = array<i32>} : memref<400xf32, #tpu.memory_space<vmem>>, vector<16xf32>,
    %gt3A_171 = arith.constant 1.000000e-01 : f32
    %gt3A_172 = vector.broadcast %gt3A_171 : f32 to vector<16xf32>
    %gt3A_173 = arith.cmpf ogt, %get3A_170, %gt3A_172 : vector<16xf32>
    %select_n3A_174 = arith.select %gt3A_173, %get3A_170, %broadcast_in_dim3A_2 : vector<16xi1>, vector<16xf32>
    %swap3A_175 = arith.constant 336 : index
    %swap3A_176 = tpu.vector_load %arg8[%swap3A_175] {strides = array<i32>} : memref<400xf32, #tpu.memory_space<vmem>>, vector<16xf32>,
    tpu.vector_store %arg8[%swap3A_175], %select_n3A_174 {strides = array<i32>} : memref<400xf32, #tpu.memory_space<vmem>>, vector<16xf32>,
    %get3A_177 = arith.constant 352 : index
    %get3A_178 = tpu.vector_load %arg8[%get3A_177] {strides = array<i32>} : memref<400xf32, #tpu.memory_space<vmem>>, vector<16xf32>,
    %gt3A_179 = arith.constant 1.000000e-01 : f32
    %gt3A_180 = vector.broadcast %gt3A_179 : f32 to vector<16xf32>
    %gt3A_181 = arith.cmpf ogt, %get3A_178, %gt3A_180 : vector<16xf32>
    %select_n3A_182 = arith.select %gt3A_181, %get3A_178, %broadcast_in_dim3A_2 : vector<16xi1>, vector<16xf32>
    %swap3A_183 = arith.constant 352 : index
    %swap3A_184 = tpu.vector_load %arg8[%swap3A_183] {strides = array<i32>} : memref<400xf32, #tpu.memory_space<vmem>>, vector<16xf32>,
    tpu.vector_store %arg8[%swap3A_183], %select_n3A_182 {strides = array<i32>} : memref<400xf32, #tpu.memory_space<vmem>>, vector<16xf32>,
    %get3A_185 = arith.constant 368 : index
    %get3A_186 = tpu.vector_load %arg8[%get3A_185] {strides = array<i32>} : memref<400xf32, #tpu.memory_space<vmem>>, vector<16xf32>,
    %gt3A_187 = arith.constant 1.000000e-01 : f32
    %gt3A_188 = vector.broadcast %gt3A_187 : f32 to vector<16xf32>
    %gt3A_189 = arith.cmpf ogt, %get3A_186, %gt3A_188 : vector<16xf32>
    %select_n3A_190 = arith.select %gt3A_189, %get3A_186, %broadcast_in_dim3A_2 : vector<16xi1>, vector<16xf32>
    %swap3A_191 = arith.constant 368 : index
    %swap3A_192 = tpu.vector_load %arg8[%swap3A_191] {strides = array<i32>} : memref<400xf32, #tpu.memory_space<vmem>>, vector<16xf32>,
    tpu.vector_store %arg8[%swap3A_191], %select_n3A_190 {strides = array<i32>} : memref<400xf32, #tpu.memory_space<vmem>>, vector<16xf32>,
    %swap3A_193 = arith.constant 384 : index
    %swap3A_194 = tpu.vector_load %arg8[%swap3A_193] {strides = array<i32>} : memref<400xf32, #tpu.memory_space<vmem>>, vector<16xf32>,
    tpu.vector_store %arg8[%swap3A_193], %broadcast_in_dim3A_2 {strides = array<i32>} : memref<400xf32, #tpu.memory_space<vmem>>, vector<16xf32>,
    %eq3A = arith.constant 15 : i32
    %eq3A_195 = arith.cmpi eq, %arg1, %eq3A : i32
    %convert_element_type3A = arith.extui %eq3A_195 : i1 to i32
    %cond3A = arith.constant 0 : i32
    %cond3A_196 = arith.cmpi ne, %convert_element_type3A, %cond3A : i32
    scf.if %cond3A_196 {
      %mul3A_375 = arith.constant 5000 : i32
      %mul3A_376 = arith.muli %arg0, %mul3A_375 : i32
      %add3A_377 = arith.constant 4992 : i32
      %add3A_378 = arith.addi %mul3A_376, %add3A_377 : i32
      "tpu.region"() ({
        %run_scoped3A = tpu.sem_alloc : memref<!tpu.dma_semaphore, #tpu.memory_space<semaphore_mem>>
        %dma_start3A = arith.constant 384 : i32
        %dma_start3A_389 = tpu.memref_slice %arg8[%dma_start3A] : memref<400xf32, #tpu.memory_space<vmem>> -> memref<8xf32, #tpu.memory_space<vmem>>
        %dma_start3A_390 = tpu.memref_slice %arg3[%add3A_378] : memref<10000xf32, #tpu.memory_space<hbm>> -> memref<8xf32, #tpu.memory_space<hbm>>
        %dma_start3A_391 = arith.constant 384 : i32
        %dma_start3A_392 = tpu.memref_slice %arg8[%dma_start3A_391] : memref<400xf32, #tpu.memory_space<vmem>> -> memref<8xf32, #tpu.memory_space<vmem>>
        %dma_start3A_393 = tpu.memref_slice %arg3[%add3A_378] : memref<10000xf32, #tpu.memory_space<hbm>> -> memref<8xf32, #tpu.memory_space<hbm>>
        tpu.enqueue_dma source(%dma_start3A_393 : memref<8xf32, #tpu.memory_space<hbm>>) target(%dma_start3A_392 : memref<8xf32, #tpu.memory_space<vmem>>) target_semaphore(%run_scoped3A : memref<!tpu.dma_semaphore, #tpu.memory_space<semaphore_mem>>)
        %dma_wait3A = arith.constant 384 : i32
        %dma_wait3A_394 = tpu.memref_slice %arg8[%dma_wait3A] : memref<400xf32, #tpu.memory_space<vmem>> -> memref<8xf32, #tpu.memory_space<vmem>>
        %dma_wait3A_395 = tpu.memref_slice %arg3[%add3A_378] : memref<10000xf32, #tpu.memory_space<hbm>> -> memref<8xf32, #tpu.memory_space<hbm>>
        %dma_wait3A_396 = arith.constant 384 : i32
        %dma_wait3A_397 = tpu.memref_slice %arg8[%dma_wait3A_396] : memref<400xf32, #tpu.memory_space<vmem>> -> memref<8xf32, #tpu.memory_space<vmem>>
        %dma_wait3A_398 = tpu.memref_slice %arg3[%add3A_378] : memref<10000xf32, #tpu.memory_space<hbm>> -> memref<8xf32, #tpu.memory_space<hbm>>
        tpu.wait_dma2 semaphore(%run_scoped3A : memref<!tpu.dma_semaphore, #tpu.memory_space<semaphore_mem>>) src(%dma_wait3A_398 : memref<8xf32, #tpu.memory_space<hbm>>) dst(%dma_wait3A_397 : memref<8xf32, #tpu.memory_space<vmem>>)
        tpu.yield
      }) : () -> ()
      %get3A_379 = arith.constant 384 : index
      %get3A_380 = tpu.vector_load %arg8[%get3A_379] {strides = array<i32>} : memref<400xf32, #tpu.memory_space<vmem>>, vector<16xf32>,
      %gt3A_381 = arith.constant 1.000000e-01 : f32
      %gt3A_382 = vector.broadcast %gt3A_381 : f32 to vector<16xf32>
      %gt3A_383 = arith.cmpf ogt, %get3A_380, %gt3A_382 : vector<16xf32>
      %lt3A = arith.constant 8 : i32
      %lt3A_384 = vector.broadcast %lt3A : i32 to vector<16xi32>
      %lt3A_385 = arith.cmpi slt, %iota3A, %lt3A_384 : vector<16xi32>
      %and3A = arith.andi %gt3A_383, %lt3A_385 : vector<16xi1>
      %select_n3A_386 = arith.select %and3A, %get3A_380, %broadcast_in_dim3A_2 : vector<16xi1>, vector<16xf32>
      %swap3A_387 = arith.constant 384 : index
      %swap3A_388 = tpu.vector_load %arg8[%swap3A_387] {strides = array<i32>} : memref<400xf32, #tpu.memory_space<vmem>>, vector<16xf32>,
      tpu.vector_store %arg8[%swap3A_387], %select_n3A_386 {strides = array<i32>} : memref<400xf32, #tpu.memory_space<vmem>>, vector<16xf32>,
    } else {
    }
    %broadcast_in_dim3A_197 = arith.constant 0.000000e+00 : f32
    %broadcast_in_dim3A_198 = vector.broadcast %broadcast_in_dim3A_197 : f32 to vector<16xf32>
    %broadcast_in_dim3A_199 = arith.constant 0 : i32
    %broadcast_in_dim3A_200 = vector.broadcast %broadcast_in_dim3A_199 : i32 to vector<16xi32>
    %broadcast_in_dim3A_201 = arith.constant 5023 : i32
    %broadcast_in_dim3A_202 = vector.broadcast %broadcast_in_dim3A_201 : i32 to vector<16xi32>
    %swap3A_203 = arith.constant 0 : index
    %swap3A_204 = tpu.vector_load %arg12[%swap3A_203] {strides = array<i32>} : memref<256xi32, #tpu.memory_space<vmem>>, vector<16xi32>,
    tpu.vector_store %arg12[%swap3A_203], %broadcast_in_dim3A_200 {strides = array<i32>} : memref<256xi32, #tpu.memory_space<vmem>>, vector<16xi32>,
    %swap3A_205 = arith.constant 0 : index
    %swap3A_206 = tpu.vector_load %arg13[%swap3A_205] {strides = array<i32>} : memref<256xf32, #tpu.memory_space<vmem>>, vector<16xf32>,
    tpu.vector_store %arg13[%swap3A_205], %broadcast_in_dim3A_198 {strides = array<i32>} : memref<256xf32, #tpu.memory_space<vmem>>, vector<16xf32>,
    %swap3A_207 = arith.constant 0 : index
    %swap3A_208 = tpu.vector_load %arg14[%swap3A_207] {strides = array<i32>} : memref<256xi32, #tpu.memory_space<vmem>>, vector<16xi32>,
    tpu.vector_store %arg14[%swap3A_207], %broadcast_in_dim3A_202 {strides = array<i32>} : memref<256xi32, #tpu.memory_space<vmem>>, vector<16xi32>,
    %swap3A_209 = arith.constant 16 : index
    %swap3A_210 = tpu.vector_load %arg12[%swap3A_209] {strides = array<i32>} : memref<256xi32, #tpu.memory_space<vmem>>, vector<16xi32>,
    tpu.vector_store %arg12[%swap3A_209], %broadcast_in_dim3A_200 {strides = array<i32>} : memref<256xi32, #tpu.memory_space<vmem>>, vector<16xi32>,
    %swap3A_211 = arith.constant 16 : index
    %swap3A_212 = tpu.vector_load %arg13[%swap3A_211] {strides = array<i32>} : memref<256xf32, #tpu.memory_space<vmem>>, vector<16xf32>,
    tpu.vector_store %arg13[%swap3A_211], %broadcast_in_dim3A_198 {strides = array<i32>} : memref<256xf32, #tpu.memory_space<vmem>>, vector<16xf32>,
    %swap3A_213 = arith.constant 16 : index
    %swap3A_214 = tpu.vector_load %arg14[%swap3A_213] {strides = array<i32>} : memref<256xi32, #tpu.memory_space<vmem>>, vector<16xi32>,
    tpu.vector_store %arg14[%swap3A_213], %broadcast_in_dim3A_202 {strides = array<i32>} : memref<256xi32, #tpu.memory_space<vmem>>, vector<16xi32>,
    %swap3A_215 = arith.constant 32 : index
    %swap3A_216 = tpu.vector_load %arg12[%swap3A_215] {strides = array<i32>} : memref<256xi32, #tpu.memory_space<vmem>>, vector<16xi32>,
    tpu.vector_store %arg12[%swap3A_215], %broadcast_in_dim3A_200 {strides = array<i32>} : memref<256xi32, #tpu.memory_space<vmem>>, vector<16xi32>,
    %swap3A_217 = arith.constant 32 : index
    %swap3A_218 = tpu.vector_load %arg13[%swap3A_217] {strides = array<i32>} : memref<256xf32, #tpu.memory_space<vmem>>, vector<16xf32>,
    tpu.vector_store %arg13[%swap3A_217], %broadcast_in_dim3A_198 {strides = array<i32>} : memref<256xf32, #tpu.memory_space<vmem>>, vector<16xf32>,
    %swap3A_219 = arith.constant 32 : index
    %swap3A_220 = tpu.vector_load %arg14[%swap3A_219] {strides = array<i32>} : memref<256xi32, #tpu.memory_space<vmem>>, vector<16xi32>,
    tpu.vector_store %arg14[%swap3A_219], %broadcast_in_dim3A_202 {strides = array<i32>} : memref<256xi32, #tpu.memory_space<vmem>>, vector<16xi32>,
    %swap3A_221 = arith.constant 48 : index
    %swap3A_222 = tpu.vector_load %arg12[%swap3A_221] {strides = array<i32>} : memref<256xi32, #tpu.memory_space<vmem>>, vector<16xi32>,
    tpu.vector_store %arg12[%swap3A_221], %broadcast_in_dim3A_200 {strides = array<i32>} : memref<256xi32, #tpu.memory_space<vmem>>, vector<16xi32>,
    %swap3A_223 = arith.constant 48 : index
    %swap3A_224 = tpu.vector_load %arg13[%swap3A_223] {strides = array<i32>} : memref<256xf32, #tpu.memory_space<vmem>>, vector<16xf32>,
    tpu.vector_store %arg13[%swap3A_223], %broadcast_in_dim3A_198 {strides = array<i32>} : memref<256xf32, #tpu.memory_space<vmem>>, vector<16xf32>,
    %swap3A_225 = arith.constant 48 : index
    %swap3A_226 = tpu.vector_load %arg14[%swap3A_225] {strides = array<i32>} : memref<256xi32, #tpu.memory_space<vmem>>, vector<16xi32>,
    tpu.vector_store %arg14[%swap3A_225], %broadcast_in_dim3A_202 {strides = array<i32>} : memref<256xi32, #tpu.memory_space<vmem>>, vector<16xi32>,
    %swap3A_227 = arith.constant 64 : index
    %swap3A_228 = tpu.vector_load %arg12[%swap3A_227] {strides = array<i32>} : memref<256xi32, #tpu.memory_space<vmem>>, vector<16xi32>,
    tpu.vector_store %arg12[%swap3A_227], %broadcast_in_dim3A_200 {strides = array<i32>} : memref<256xi32, #tpu.memory_space<vmem>>, vector<16xi32>,
    %swap3A_229 = arith.constant 64 : index
    %swap3A_230 = tpu.vector_load %arg13[%swap3A_229] {strides = array<i32>} : memref<256xf32, #tpu.memory_space<vmem>>, vector<16xf32>,
    tpu.vector_store %arg13[%swap3A_229], %broadcast_in_dim3A_198 {strides = array<i32>} : memref<256xf32, #tpu.memory_space<vmem>>, vector<16xf32>,
    %swap3A_231 = arith.constant 64 : index
    %swap3A_232 = tpu.vector_load %arg14[%swap3A_231] {strides = array<i32>} : memref<256xi32, #tpu.memory_space<vmem>>, vector<16xi32>,
    tpu.vector_store %arg14[%swap3A_231], %broadcast_in_dim3A_202 {strides = array<i32>} : memref<256xi32, #tpu.memory_space<vmem>>, vector<16xi32>,
    %swap3A_233 = arith.constant 80 : index
    %swap3A_234 = tpu.vector_load %arg12[%swap3A_233] {strides = array<i32>} : memref<256xi32, #tpu.memory_space<vmem>>, vector<16xi32>,
    tpu.vector_store %arg12[%swap3A_233], %broadcast_in_dim3A_200 {strides = array<i32>} : memref<256xi32, #tpu.memory_space<vmem>>, vector<16xi32>,
    %swap3A_235 = arith.constant 80 : index
    %swap3A_236 = tpu.vector_load %arg13[%swap3A_235] {strides = array<i32>} : memref<256xf32, #tpu.memory_space<vmem>>, vector<16xf32>,
    tpu.vector_store %arg13[%swap3A_235], %broadcast_in_dim3A_198 {strides = array<i32>} : memref<256xf32, #tpu.memory_space<vmem>>, vector<16xf32>,
    %swap3A_237 = arith.constant 80 : index
    %swap3A_238 = tpu.vector_load %arg14[%swap3A_237] {strides = array<i32>} : memref<256xi32, #tpu.memory_space<vmem>>, vector<16xi32>,
    tpu.vector_store %arg14[%swap3A_237], %broadcast_in_dim3A_202 {strides = array<i32>} : memref<256xi32, #tpu.memory_space<vmem>>, vector<16xi32>,
    %swap3A_239 = arith.constant 96 : index
    %swap3A_240 = tpu.vector_load %arg12[%swap3A_239] {strides = array<i32>} : memref<256xi32, #tpu.memory_space<vmem>>, vector<16xi32>,
    tpu.vector_store %arg12[%swap3A_239], %broadcast_in_dim3A_200 {strides = array<i32>} : memref<256xi32, #tpu.memory_space<vmem>>, vector<16xi32>,
    %swap3A_241 = arith.constant 96 : index
    %swap3A_242 = tpu.vector_load %arg13[%swap3A_241] {strides = array<i32>} : memref<256xf32, #tpu.memory_space<vmem>>, vector<16xf32>,
    tpu.vector_store %arg13[%swap3A_241], %broadcast_in_dim3A_198 {strides = array<i32>} : memref<256xf32, #tpu.memory_space<vmem>>, vector<16xf32>,
    %swap3A_243 = arith.constant 96 : index
    %swap3A_244 = tpu.vector_load %arg14[%swap3A_243] {strides = array<i32>} : memref<256xi32, #tpu.memory_space<vmem>>, vector<16xi32>,
    tpu.vector_store %arg14[%swap3A_243], %broadcast_in_dim3A_202 {strides = array<i32>} : memref<256xi32, #tpu.memory_space<vmem>>, vector<16xi32>,
    %swap3A_245 = arith.constant 112 : index
    %swap3A_246 = tpu.vector_load %arg12[%swap3A_245] {strides = array<i32>} : memref<256xi32, #tpu.memory_space<vmem>>, vector<16xi32>,
    tpu.vector_store %arg12[%swap3A_245], %broadcast_in_dim3A_200 {strides = array<i32>} : memref<256xi32, #tpu.memory_space<vmem>>, vector<16xi32>,
    %swap3A_247 = arith.constant 112 : index
    %swap3A_248 = tpu.vector_load %arg13[%swap3A_247] {strides = array<i32>} : memref<256xf32, #tpu.memory_space<vmem>>, vector<16xf32>,
    tpu.vector_store %arg13[%swap3A_247], %broadcast_in_dim3A_198 {strides = array<i32>} : memref<256xf32, #tpu.memory_space<vmem>>, vector<16xf32>,
    %swap3A_249 = arith.constant 112 : index
    %swap3A_250 = tpu.vector_load %arg14[%swap3A_249] {strides = array<i32>} : memref<256xi32, #tpu.memory_space<vmem>>, vector<16xi32>,
    tpu.vector_store %arg14[%swap3A_249], %broadcast_in_dim3A_202 {strides = array<i32>} : memref<256xi32, #tpu.memory_space<vmem>>, vector<16xi32>,
    %swap3A_251 = arith.constant 128 : index
    %swap3A_252 = tpu.vector_load %arg12[%swap3A_251] {strides = array<i32>} : memref<256xi32, #tpu.memory_space<vmem>>, vector<16xi32>,
    tpu.vector_store %arg12[%swap3A_251], %broadcast_in_dim3A_200 {strides = array<i32>} : memref<256xi32, #tpu.memory_space<vmem>>, vector<16xi32>,
    %swap3A_253 = arith.constant 128 : index
    %swap3A_254 = tpu.vector_load %arg13[%swap3A_253] {strides = array<i32>} : memref<256xf32, #tpu.memory_space<vmem>>, vector<16xf32>,
    tpu.vector_store %arg13[%swap3A_253], %broadcast_in_dim3A_198 {strides = array<i32>} : memref<256xf32, #tpu.memory_space<vmem>>, vector<16xf32>,
    %swap3A_255 = arith.constant 128 : index
    %swap3A_256 = tpu.vector_load %arg14[%swap3A_255] {strides = array<i32>} : memref<256xi32, #tpu.memory_space<vmem>>, vector<16xi32>,
    tpu.vector_store %arg14[%swap3A_255], %broadcast_in_dim3A_202 {strides = array<i32>} : memref<256xi32, #tpu.memory_space<vmem>>, vector<16xi32>,
    %swap3A_257 = arith.constant 144 : index
    %swap3A_258 = tpu.vector_load %arg12[%swap3A_257] {strides = array<i32>} : memref<256xi32, #tpu.memory_space<vmem>>, vector<16xi32>,
    tpu.vector_store %arg12[%swap3A_257], %broadcast_in_dim3A_200 {strides = array<i32>} : memref<256xi32, #tpu.memory_space<vmem>>, vector<16xi32>,
    %swap3A_259 = arith.constant 144 : index
    %swap3A_260 = tpu.vector_load %arg13[%swap3A_259] {strides = array<i32>} : memref<256xf32, #tpu.memory_space<vmem>>, vector<16xf32>,
    tpu.vector_store %arg13[%swap3A_259], %broadcast_in_dim3A_198 {strides = array<i32>} : memref<256xf32, #tpu.memory_space<vmem>>, vector<16xf32>,
    %swap3A_261 = arith.constant 144 : index
    %swap3A_262 = tpu.vector_load %arg14[%swap3A_261] {strides = array<i32>} : memref<256xi32, #tpu.memory_space<vmem>>, vector<16xi32>,
    tpu.vector_store %arg14[%swap3A_261], %broadcast_in_dim3A_202 {strides = array<i32>} : memref<256xi32, #tpu.memory_space<vmem>>, vector<16xi32>,
    %swap3A_263 = arith.constant 160 : index
    %swap3A_264 = tpu.vector_load %arg12[%swap3A_263] {strides = array<i32>} : memref<256xi32, #tpu.memory_space<vmem>>, vector<16xi32>,
    tpu.vector_store %arg12[%swap3A_263], %broadcast_in_dim3A_200 {strides = array<i32>} : memref<256xi32, #tpu.memory_space<vmem>>, vector<16xi32>,
    %swap3A_265 = arith.constant 160 : index
    %swap3A_266 = tpu.vector_load %arg13[%swap3A_265] {strides = array<i32>} : memref<256xf32, #tpu.memory_space<vmem>>, vector<16xf32>,
    tpu.vector_store %arg13[%swap3A_265], %broadcast_in_dim3A_198 {strides = array<i32>} : memref<256xf32, #tpu.memory_space<vmem>>, vector<16xf32>,
    %swap3A_267 = arith.constant 160 : index
    %swap3A_268 = tpu.vector_load %arg14[%swap3A_267] {strides = array<i32>} : memref<256xi32, #tpu.memory_space<vmem>>, vector<16xi32>,
    tpu.vector_store %arg14[%swap3A_267], %broadcast_in_dim3A_202 {strides = array<i32>} : memref<256xi32, #tpu.memory_space<vmem>>, vector<16xi32>,
    %swap3A_269 = arith.constant 176 : index
    %swap3A_270 = tpu.vector_load %arg12[%swap3A_269] {strides = array<i32>} : memref<256xi32, #tpu.memory_space<vmem>>, vector<16xi32>,
    tpu.vector_store %arg12[%swap3A_269], %broadcast_in_dim3A_200 {strides = array<i32>} : memref<256xi32, #tpu.memory_space<vmem>>, vector<16xi32>,
    %swap3A_271 = arith.constant 176 : index
    %swap3A_272 = tpu.vector_load %arg13[%swap3A_271] {strides = array<i32>} : memref<256xf32, #tpu.memory_space<vmem>>, vector<16xf32>,
    tpu.vector_store %arg13[%swap3A_271], %broadcast_in_dim3A_198 {strides = array<i32>} : memref<256xf32, #tpu.memory_space<vmem>>, vector<16xf32>,
    %swap3A_273 = arith.constant 176 : index
    %swap3A_274 = tpu.vector_load %arg14[%swap3A_273] {strides = array<i32>} : memref<256xi32, #tpu.memory_space<vmem>>, vector<16xi32>,
    tpu.vector_store %arg14[%swap3A_273], %broadcast_in_dim3A_202 {strides = array<i32>} : memref<256xi32, #tpu.memory_space<vmem>>, vector<16xi32>,
    %swap3A_275 = arith.constant 192 : index
    %swap3A_276 = tpu.vector_load %arg12[%swap3A_275] {strides = array<i32>} : memref<256xi32, #tpu.memory_space<vmem>>, vector<16xi32>,
    tpu.vector_store %arg12[%swap3A_275], %broadcast_in_dim3A_200 {strides = array<i32>} : memref<256xi32, #tpu.memory_space<vmem>>, vector<16xi32>,
    %swap3A_277 = arith.constant 192 : index
    %swap3A_278 = tpu.vector_load %arg13[%swap3A_277] {strides = array<i32>} : memref<256xf32, #tpu.memory_space<vmem>>, vector<16xf32>,
    tpu.vector_store %arg13[%swap3A_277], %broadcast_in_dim3A_198 {strides = array<i32>} : memref<256xf32, #tpu.memory_space<vmem>>, vector<16xf32>,
    %swap3A_279 = arith.constant 192 : index
    %swap3A_280 = tpu.vector_load %arg14[%swap3A_279] {strides = array<i32>} : memref<256xi32, #tpu.memory_space<vmem>>, vector<16xi32>,
    tpu.vector_store %arg14[%swap3A_279], %broadcast_in_dim3A_202 {strides = array<i32>} : memref<256xi32, #tpu.memory_space<vmem>>, vector<16xi32>,
    %swap3A_281 = arith.constant 208 : index
    %swap3A_282 = tpu.vector_load %arg12[%swap3A_281] {strides = array<i32>} : memref<256xi32, #tpu.memory_space<vmem>>, vector<16xi32>,
    tpu.vector_store %arg12[%swap3A_281], %broadcast_in_dim3A_200 {strides = array<i32>} : memref<256xi32, #tpu.memory_space<vmem>>, vector<16xi32>,
    %swap3A_283 = arith.constant 208 : index
    %swap3A_284 = tpu.vector_load %arg13[%swap3A_283] {strides = array<i32>} : memref<256xf32, #tpu.memory_space<vmem>>, vector<16xf32>,
    tpu.vector_store %arg13[%swap3A_283], %broadcast_in_dim3A_198 {strides = array<i32>} : memref<256xf32, #tpu.memory_space<vmem>>, vector<16xf32>,
    %swap3A_285 = arith.constant 208 : index
    %swap3A_286 = tpu.vector_load %arg14[%swap3A_285] {strides = array<i32>} : memref<256xi32, #tpu.memory_space<vmem>>, vector<16xi32>,
    tpu.vector_store %arg14[%swap3A_285], %broadcast_in_dim3A_202 {strides = array<i32>} : memref<256xi32, #tpu.memory_space<vmem>>, vector<16xi32>,
    %swap3A_287 = arith.constant 224 : index
    %swap3A_288 = tpu.vector_load %arg12[%swap3A_287] {strides = array<i32>} : memref<256xi32, #tpu.memory_space<vmem>>, vector<16xi32>,
    tpu.vector_store %arg12[%swap3A_287], %broadcast_in_dim3A_200 {strides = array<i32>} : memref<256xi32, #tpu.memory_space<vmem>>, vector<16xi32>,
    %swap3A_289 = arith.constant 224 : index
    %swap3A_290 = tpu.vector_load %arg13[%swap3A_289] {strides = array<i32>} : memref<256xf32, #tpu.memory_space<vmem>>, vector<16xf32>,
    tpu.vector_store %arg13[%swap3A_289], %broadcast_in_dim3A_198 {strides = array<i32>} : memref<256xf32, #tpu.memory_space<vmem>>, vector<16xf32>,
    %swap3A_291 = arith.constant 224 : index
    %swap3A_292 = tpu.vector_load %arg14[%swap3A_291] {strides = array<i32>} : memref<256xi32, #tpu.memory_space<vmem>>, vector<16xi32>,
    tpu.vector_store %arg14[%swap3A_291], %broadcast_in_dim3A_202 {strides = array<i32>} : memref<256xi32, #tpu.memory_space<vmem>>, vector<16xi32>,
    %swap3A_293 = arith.constant 240 : index
    %swap3A_294 = tpu.vector_load %arg12[%swap3A_293] {strides = array<i32>} : memref<256xi32, #tpu.memory_space<vmem>>, vector<16xi32>,
    tpu.vector_store %arg12[%swap3A_293], %broadcast_in_dim3A_200 {strides = array<i32>} : memref<256xi32, #tpu.memory_space<vmem>>, vector<16xi32>,
    %swap3A_295 = arith.constant 240 : index
    %swap3A_296 = tpu.vector_load %arg13[%swap3A_295] {strides = array<i32>} : memref<256xf32, #tpu.memory_space<vmem>>, vector<16xf32>,
    tpu.vector_store %arg13[%swap3A_295], %broadcast_in_dim3A_198 {strides = array<i32>} : memref<256xf32, #tpu.memory_space<vmem>>, vector<16xf32>,
    %swap3A_297 = arith.constant 240 : index
    %swap3A_298 = tpu.vector_load %arg14[%swap3A_297] {strides = array<i32>} : memref<256xi32, #tpu.memory_space<vmem>>, vector<16xi32>,
    tpu.vector_store %arg14[%swap3A_297], %broadcast_in_dim3A_202 {strides = array<i32>} : memref<256xi32, #tpu.memory_space<vmem>>, vector<16xi32>,
    %swap3A_299 = arith.constant 0 : i32
    %swap3A_300 = arith.constant 0 : i32
    %swap3A_301 = arith.index_cast %swap3A_300 : i32 to index
    %swap3A_302 = memref.load %arg23[%swap3A_301] : memref<8xi32, #tpu.memory_space<smem>>
    memref.store %swap3A_299, %arg23[%swap3A_301] : memref<8xi32, #tpu.memory_space<smem>>
    %swap3A_303 = arith.constant 0 : i32
    %swap3A_304 = arith.constant 1 : i32
    %swap3A_305 = arith.index_cast %swap3A_304 : i32 to index
    %swap3A_306 = memref.load %arg23[%swap3A_305] : memref<8xi32, #tpu.memory_space<smem>>
    memref.store %swap3A_303, %arg23[%swap3A_305] : memref<8xi32, #tpu.memory_space<smem>>
    %swap3A_307 = arith.constant 0 : i32
    %swap3A_308 = arith.constant 2 : i32
    %swap3A_309 = arith.index_cast %swap3A_308 : i32 to index
    %swap3A_310 = memref.load %arg23[%swap3A_309] : memref<8xi32, #tpu.memory_space<smem>>
    memref.store %swap3A_307, %arg23[%swap3A_309] : memref<8xi32, #tpu.memory_space<smem>>
    %swap3A_311 = arith.constant 0 : i32
    %swap3A_312 = arith.constant 3 : i32
    %swap3A_313 = arith.index_cast %swap3A_312 : i32 to index
    %swap3A_314 = memref.load %arg23[%swap3A_313] : memref<8xi32, #tpu.memory_space<smem>>
    memref.store %swap3A_311, %arg23[%swap3A_313] : memref<8xi32, #tpu.memory_space<smem>>
    %swap3A_315 = arith.constant 0 : i32
    %swap3A_316 = arith.constant 4 : i32
    %swap3A_317 = arith.index_cast %swap3A_316 : i32 to index
    %swap3A_318 = memref.load %arg23[%swap3A_317] : memref<8xi32, #tpu.memory_space<smem>>
    memref.store %swap3A_315, %arg23[%swap3A_317] : memref<8xi32, #tpu.memory_space<smem>>
    %swap3A_319 = arith.constant 0 : i32
    %swap3A_320 = arith.constant 5 : i32
    %swap3A_321 = arith.index_cast %swap3A_320 : i32 to index
    %swap3A_322 = memref.load %arg23[%swap3A_321] : memref<8xi32, #tpu.memory_space<smem>>
    memref.store %swap3A_319, %arg23[%swap3A_321] : memref<8xi32, #tpu.memory_space<smem>>
    %swap3A_323 = arith.constant 0 : i32
    %swap3A_324 = arith.constant 6 : i32
    %swap3A_325 = arith.index_cast %swap3A_324 : i32 to index
    %swap3A_326 = memref.load %arg23[%swap3A_325] : memref<8xi32, #tpu.memory_space<smem>>
    memref.store %swap3A_323, %arg23[%swap3A_325] : memref<8xi32, #tpu.memory_space<smem>>
    %swap3A_327 = arith.constant 0 : i32
    %swap3A_328 = arith.constant 7 : i32
    %swap3A_329 = arith.index_cast %swap3A_328 : i32 to index
    %swap3A_330 = memref.load %arg23[%swap3A_329] : memref<8xi32, #tpu.memory_space<smem>>
    memref.store %swap3A_327, %arg23[%swap3A_329] : memref<8xi32, #tpu.memory_space<smem>>
    %while3A = arith.constant 0 : i32
    %while3A_331 = arith.constant 0 : i32
    %while3A_332:2 = scf.while (%while3A_375 = %while3A, %while3A_376 = %while3A_331) : (i32, i32) -> (i32, i32) {
      %lt3A = arith.constant 200 : i32
      %lt3A_377 = arith.cmpi slt, %while3A_375, %lt3A : i32
      %eq3A_378 = arith.constant 0 : i32
      %eq3A_379 = arith.cmpi eq, %while3A_376, %eq3A_378 : i32
      %and3A = arith.andi %lt3A_377, %eq3A_379 : i1
      scf.condition(%and3A) %while3A_375, %while3A_376 : i32, i32
    } do {
    ^bb0(%while3A_375: i32, %while3A_376: i32):
      %get3A_377 = arith.constant 1 : i32
      %get3A_378 = arith.index_cast %get3A_377 : i32 to index
      %get3A_379 = memref.load %arg23[%get3A_378] : memref<8xi32, #tpu.memory_space<smem>>
      %get3A_380 = arith.constant 2 : i32
      %get3A_381 = arith.index_cast %get3A_380 : i32 to index
      %get3A_382 = memref.load %arg23[%get3A_381] : memref<8xi32, #tpu.memory_space<smem>>
      %eq3A_383 = arith.constant 1 : i32
      %eq3A_384 = arith.cmpi eq, %get3A_382, %eq3A_383 : i32
      %get3A_385 = arith.constant 3 : i32
      %get3A_386 = arith.index_cast %get3A_385 : i32 to index
      %get3A_387 = memref.load %arg23[%get3A_386] : memref<8xi32, #tpu.memory_space<smem>>
      %eq3A_388 = arith.constant 0 : i32
      %eq3A_389 = arith.cmpi eq, %get3A_379, %eq3A_388 : i32
      %convert_element_type3A_390 = arith.extui %eq3A_389 : i1 to i32
      %cond3A_391 = arith.constant 0 : i32
      %cond3A_392 = arith.cmpi ne, %convert_element_type3A_390, %cond3A_391 : i32
      scf.if %cond3A_392 {
        %broadcast_in_dim3A_446 = arith.constant 0 : i32
        %broadcast_in_dim3A_447 = vector.broadcast %broadcast_in_dim3A_446 : i32 to vector<16xi32>
        %get3A_448 = arith.constant 0 : index
        %get3A_449 = tpu.vector_load %arg8[%get3A_448] {strides = array<i32>} : memref<400xf32, #tpu.memory_space<vmem>>, vector<16xf32>,
        %get3A_450 = arith.constant 16 : index
        %get3A_451 = tpu.vector_load %arg8[%get3A_450] {strides = array<i32>} : memref<400xf32, #tpu.memory_space<vmem>>, vector<16xf32>,
        %gt3A_452 = arith.cmpf ogt, %get3A_451, %get3A_449 : vector<16xf32>
        %select_n3A_453 = arith.select %gt3A_452, %get3A_451, %get3A_449 : vector<16xi1>, vector<16xf32>
        %broadcast_in_dim3A_454 = arith.constant 1 : i32
        %broadcast_in_dim3A_455 = vector.broadcast %broadcast_in_dim3A_454 : i32 to vector<16xi32>
        %select_n3A_456 = arith.select %gt3A_452, %broadcast_in_dim3A_455, %broadcast_in_dim3A_447 : vector<16xi1>, vector<16xi32>
        %get3A_457 = arith.constant 32 : index
        %get3A_458 = tpu.vector_load %arg8[%get3A_457] {strides = array<i32>} : memref<400xf32, #tpu.memory_space<vmem>>, vector<16xf32>,
        %gt3A_459 = arith.cmpf ogt, %get3A_458, %select_n3A_453 : vector<16xf32>
        %select_n3A_460 = arith.select %gt3A_459, %get3A_458, %select_n3A_453 : vector<16xi1>, vector<16xf32>
        %broadcast_in_dim3A_461 = arith.constant 2 : i32
        %broadcast_in_dim3A_462 = vector.broadcast %broadcast_in_dim3A_461 : i32 to vector<16xi32>
        %select_n3A_463 = arith.select %gt3A_459, %broadcast_in_dim3A_462, %select_n3A_456 : vector<16xi1>, vector<16xi32>
        %get3A_464 = arith.constant 48 : index
        %get3A_465 = tpu.vector_load %arg8[%get3A_464] {strides = array<i32>} : memref<400xf32, #tpu.memory_space<vmem>>, vector<16xf32>,
        %gt3A_466 = arith.cmpf ogt, %get3A_465, %select_n3A_460 : vector<16xf32>
        %select_n3A_467 = arith.select %gt3A_466, %get3A_465, %select_n3A_460 : vector<16xi1>, vector<16xf32>
        %broadcast_in_dim3A_468 = arith.constant 3 : i32
        %broadcast_in_dim3A_469 = vector.broadcast %broadcast_in_dim3A_468 : i32 to vector<16xi32>
        %select_n3A_470 = arith.select %gt3A_466, %broadcast_in_dim3A_469, %select_n3A_463 : vector<16xi1>, vector<16xi32>
        %get3A_471 = arith.constant 64 : index
        %get3A_472 = tpu.vector_load %arg8[%get3A_471] {strides = array<i32>} : memref<400xf32, #tpu.memory_space<vmem>>, vector<16xf32>,
        %gt3A_473 = arith.cmpf ogt, %get3A_472, %select_n3A_467 : vector<16xf32>
        %select_n3A_474 = arith.select %gt3A_473, %get3A_472, %select_n3A_467 : vector<16xi1>, vector<16xf32>
        %broadcast_in_dim3A_475 = arith.constant 4 : i32
        %broadcast_in_dim3A_476 = vector.broadcast %broadcast_in_dim3A_475 : i32 to vector<16xi32>
        %select_n3A_477 = arith.select %gt3A_473, %broadcast_in_dim3A_476, %select_n3A_470 : vector<16xi1>, vector<16xi32>
        %get3A_478 = arith.constant 80 : index
        %get3A_479 = tpu.vector_load %arg8[%get3A_478] {strides = array<i32>} : memref<400xf32, #tpu.memory_space<vmem>>, vector<16xf32>,
        %gt3A_480 = arith.cmpf ogt, %get3A_479, %select_n3A_474 : vector<16xf32>
        %select_n3A_481 = arith.select %gt3A_480, %get3A_479, %select_n3A_474 : vector<16xi1>, vector<16xf32>
        %broadcast_in_dim3A_482 = arith.constant 5 : i32
        %broadcast_in_dim3A_483 = vector.broadcast %broadcast_in_dim3A_482 : i32 to vector<16xi32>
        %select_n3A_484 = arith.select %gt3A_480, %broadcast_in_dim3A_483, %select_n3A_477 : vector<16xi1>, vector<16xi32>
        %get3A_485 = arith.constant 96 : index
        %get3A_486 = tpu.vector_load %arg8[%get3A_485] {strides = array<i32>} : memref<400xf32, #tpu.memory_space<vmem>>, vector<16xf32>,
        %gt3A_487 = arith.cmpf ogt, %get3A_486, %select_n3A_481 : vector<16xf32>
        %select_n3A_488 = arith.select %gt3A_487, %get3A_486, %select_n3A_481 : vector<16xi1>, vector<16xf32>
        %broadcast_in_dim3A_489 = arith.constant 6 : i32
        %broadcast_in_dim3A_490 = vector.broadcast %broadcast_in_dim3A_489 : i32 to vector<16xi32>
        %select_n3A_491 = arith.select %gt3A_487, %broadcast_in_dim3A_490, %select_n3A_484 : vector<16xi1>, vector<16xi32>
        %get3A_492 = arith.constant 112 : index
        %get3A_493 = tpu.vector_load %arg8[%get3A_492] {strides = array<i32>} : memref<400xf32, #tpu.memory_space<vmem>>, vector<16xf32>,
        %gt3A_494 = arith.cmpf ogt, %get3A_493, %select_n3A_488 : vector<16xf32>
        %select_n3A_495 = arith.select %gt3A_494, %get3A_493, %select_n3A_488 : vector<16xi1>, vector<16xf32>
        %broadcast_in_dim3A_496 = arith.constant 7 : i32
        %broadcast_in_dim3A_497 = vector.broadcast %broadcast_in_dim3A_496 : i32 to vector<16xi32>
        %select_n3A_498 = arith.select %gt3A_494, %broadcast_in_dim3A_497, %select_n3A_491 : vector<16xi1>, vector<16xi32>
        %get3A_499 = arith.constant 128 : index
        %get3A_500 = tpu.vector_load %arg8[%get3A_499] {strides = array<i32>} : memref<400xf32, #tpu.memory_space<vmem>>, vector<16xf32>,
        %gt3A_501 = arith.cmpf ogt, %get3A_500, %select_n3A_495 : vector<16xf32>
        %select_n3A_502 = arith.select %gt3A_501, %get3A_500, %select_n3A_495 : vector<16xi1>, vector<16xf32>
        %broadcast_in_dim3A_503 = arith.constant 8 : i32
        %broadcast_in_dim3A_504 = vector.broadcast %broadcast_in_dim3A_503 : i32 to vector<16xi32>
        %select_n3A_505 = arith.select %gt3A_501, %broadcast_in_dim3A_504, %select_n3A_498 : vector<16xi1>, vector<16xi32>
        %get3A_506 = arith.constant 144 : index
        %get3A_507 = tpu.vector_load %arg8[%get3A_506] {strides = array<i32>} : memref<400xf32, #tpu.memory_space<vmem>>, vector<16xf32>,
        %gt3A_508 = arith.cmpf ogt, %get3A_507, %select_n3A_502 : vector<16xf32>
        %select_n3A_509 = arith.select %gt3A_508, %get3A_507, %select_n3A_502 : vector<16xi1>, vector<16xf32>
        %broadcast_in_dim3A_510 = arith.constant 9 : i32
        %broadcast_in_dim3A_511 = vector.broadcast %broadcast_in_dim3A_510 : i32 to vector<16xi32>
        %select_n3A_512 = arith.select %gt3A_508, %broadcast_in_dim3A_511, %select_n3A_505 : vector<16xi1>, vector<16xi32>
        %get3A_513 = arith.constant 160 : index
        %get3A_514 = tpu.vector_load %arg8[%get3A_513] {strides = array<i32>} : memref<400xf32, #tpu.memory_space<vmem>>, vector<16xf32>,
        %gt3A_515 = arith.cmpf ogt, %get3A_514, %select_n3A_509 : vector<16xf32>
        %select_n3A_516 = arith.select %gt3A_515, %get3A_514, %select_n3A_509 : vector<16xi1>, vector<16xf32>
        %broadcast_in_dim3A_517 = arith.constant 10 : i32
        %broadcast_in_dim3A_518 = vector.broadcast %broadcast_in_dim3A_517 : i32 to vector<16xi32>
        %select_n3A_519 = arith.select %gt3A_515, %broadcast_in_dim3A_518, %select_n3A_512 : vector<16xi1>, vector<16xi32>
        %get3A_520 = arith.constant 176 : index
        %get3A_521 = tpu.vector_load %arg8[%get3A_520] {strides = array<i32>} : memref<400xf32, #tpu.memory_space<vmem>>, vector<16xf32>,
        %gt3A_522 = arith.cmpf ogt, %get3A_521, %select_n3A_516 : vector<16xf32>
        %select_n3A_523 = arith.select %gt3A_522, %get3A_521, %select_n3A_516 : vector<16xi1>, vector<16xf32>
        %broadcast_in_dim3A_524 = arith.constant 11 : i32
        %broadcast_in_dim3A_525 = vector.broadcast %broadcast_in_dim3A_524 : i32 to vector<16xi32>
        %select_n3A_526 = arith.select %gt3A_522, %broadcast_in_dim3A_525, %select_n3A_519 : vector<16xi1>, vector<16xi32>
        %get3A_527 = arith.constant 192 : index
        %get3A_528 = tpu.vector_load %arg8[%get3A_527] {strides = array<i32>} : memref<400xf32, #tpu.memory_space<vmem>>, vector<16xf32>,
        %gt3A_529 = arith.cmpf ogt, %get3A_528, %select_n3A_523 : vector<16xf32>
        %select_n3A_530 = arith.select %gt3A_529, %get3A_528, %select_n3A_523 : vector<16xi1>, vector<16xf32>
        %broadcast_in_dim3A_531 = arith.constant 12 : i32
        %broadcast_in_dim3A_532 = vector.broadcast %broadcast_in_dim3A_531 : i32 to vector<16xi32>
        %select_n3A_533 = arith.select %gt3A_529, %broadcast_in_dim3A_532, %select_n3A_526 : vector<16xi1>, vector<16xi32>
        %get3A_534 = arith.constant 208 : index
        %get3A_535 = tpu.vector_load %arg8[%get3A_534] {strides = array<i32>} : memref<400xf32, #tpu.memory_space<vmem>>, vector<16xf32>,
        %gt3A_536 = arith.cmpf ogt, %get3A_535, %select_n3A_530 : vector<16xf32>
        %select_n3A_537 = arith.select %gt3A_536, %get3A_535, %select_n3A_530 : vector<16xi1>, vector<16xf32>
        %broadcast_in_dim3A_538 = arith.constant 13 : i32
        %broadcast_in_dim3A_539 = vector.broadcast %broadcast_in_dim3A_538 : i32 to vector<16xi32>
        %select_n3A_540 = arith.select %gt3A_536, %broadcast_in_dim3A_539, %select_n3A_533 : vector<16xi1>, vector<16xi32>
        %get3A_541 = arith.constant 224 : index
        %get3A_542 = tpu.vector_load %arg8[%get3A_541] {strides = array<i32>} : memref<400xf32, #tpu.memory_space<vmem>>, vector<16xf32>,
        %gt3A_543 = arith.cmpf ogt, %get3A_542, %select_n3A_537 : vector<16xf32>
        %select_n3A_544 = arith.select %gt3A_543, %get3A_542, %select_n3A_537 : vector<16xi1>, vector<16xf32>
        %broadcast_in_dim3A_545 = arith.constant 14 : i32
        %broadcast_in_dim3A_546 = vector.broadcast %broadcast_in_dim3A_545 : i32 to vector<16xi32>
        %select_n3A_547 = arith.select %gt3A_543, %broadcast_in_dim3A_546, %select_n3A_540 : vector<16xi1>, vector<16xi32>
        %get3A_548 = arith.constant 240 : index
        %get3A_549 = tpu.vector_load %arg8[%get3A_548] {strides = array<i32>} : memref<400xf32, #tpu.memory_space<vmem>>, vector<16xf32>,
        %gt3A_550 = arith.cmpf ogt, %get3A_549, %select_n3A_544 : vector<16xf32>
        %select_n3A_551 = arith.select %gt3A_550, %get3A_549, %select_n3A_544 : vector<16xi1>, vector<16xf32>
        %broadcast_in_dim3A_552 = arith.constant 15 : i32
        %broadcast_in_dim3A_553 = vector.broadcast %broadcast_in_dim3A_552 : i32 to vector<16xi32>
        %select_n3A_554 = arith.select %gt3A_550, %broadcast_in_dim3A_553, %select_n3A_547 : vector<16xi1>, vector<16xi32>
        %get3A_555 = arith.constant 256 : index
        %get3A_556 = tpu.vector_load %arg8[%get3A_555] {strides = array<i32>} : memref<400xf32, #tpu.memory_space<vmem>>, vector<16xf32>,
        %gt3A_557 = arith.cmpf ogt, %get3A_556, %select_n3A_551 : vector<16xf32>
        %select_n3A_558 = arith.select %gt3A_557, %get3A_556, %select_n3A_551 : vector<16xi1>, vector<16xf32>
        %broadcast_in_dim3A_559 = arith.constant 16 : i32
        %broadcast_in_dim3A_560 = vector.broadcast %broadcast_in_dim3A_559 : i32 to vector<16xi32>
        %select_n3A_561 = arith.select %gt3A_557, %broadcast_in_dim3A_560, %select_n3A_554 : vector<16xi1>, vector<16xi32>
        %get3A_562 = arith.constant 272 : index
        %get3A_563 = tpu.vector_load %arg8[%get3A_562] {strides = array<i32>} : memref<400xf32, #tpu.memory_space<vmem>>, vector<16xf32>,
        %gt3A_564 = arith.cmpf ogt, %get3A_563, %select_n3A_558 : vector<16xf32>
        %select_n3A_565 = arith.select %gt3A_564, %get3A_563, %select_n3A_558 : vector<16xi1>, vector<16xf32>
        %broadcast_in_dim3A_566 = arith.constant 17 : i32
        %broadcast_in_dim3A_567 = vector.broadcast %broadcast_in_dim3A_566 : i32 to vector<16xi32>
        %select_n3A_568 = arith.select %gt3A_564, %broadcast_in_dim3A_567, %select_n3A_561 : vector<16xi1>, vector<16xi32>
        %get3A_569 = arith.constant 288 : index
        %get3A_570 = tpu.vector_load %arg8[%get3A_569] {strides = array<i32>} : memref<400xf32, #tpu.memory_space<vmem>>, vector<16xf32>,
        %gt3A_571 = arith.cmpf ogt, %get3A_570, %select_n3A_565 : vector<16xf32>
        %select_n3A_572 = arith.select %gt3A_571, %get3A_570, %select_n3A_565 : vector<16xi1>, vector<16xf32>
        %broadcast_in_dim3A_573 = arith.constant 18 : i32
        %broadcast_in_dim3A_574 = vector.broadcast %broadcast_in_dim3A_573 : i32 to vector<16xi32>
        %select_n3A_575 = arith.select %gt3A_571, %broadcast_in_dim3A_574, %select_n3A_568 : vector<16xi1>, vector<16xi32>
        %get3A_576 = arith.constant 304 : index
        %get3A_577 = tpu.vector_load %arg8[%get3A_576] {strides = array<i32>} : memref<400xf32, #tpu.memory_space<vmem>>, vector<16xf32>,
        %gt3A_578 = arith.cmpf ogt, %get3A_577, %select_n3A_572 : vector<16xf32>
        %select_n3A_579 = arith.select %gt3A_578, %get3A_577, %select_n3A_572 : vector<16xi1>, vector<16xf32>
        %broadcast_in_dim3A_580 = arith.constant 19 : i32
        %broadcast_in_dim3A_581 = vector.broadcast %broadcast_in_dim3A_580 : i32 to vector<16xi32>
        %select_n3A_582 = arith.select %gt3A_578, %broadcast_in_dim3A_581, %select_n3A_575 : vector<16xi1>, vector<16xi32>
        %get3A_583 = arith.constant 320 : index
        %get3A_584 = tpu.vector_load %arg8[%get3A_583] {strides = array<i32>} : memref<400xf32, #tpu.memory_space<vmem>>, vector<16xf32>,
        %gt3A_585 = arith.cmpf ogt, %get3A_584, %select_n3A_579 : vector<16xf32>
        %select_n3A_586 = arith.select %gt3A_585, %get3A_584, %select_n3A_579 : vector<16xi1>, vector<16xf32>
        %broadcast_in_dim3A_587 = arith.constant 20 : i32
        %broadcast_in_dim3A_588 = vector.broadcast %broadcast_in_dim3A_587 : i32 to vector<16xi32>
        %select_n3A_589 = arith.select %gt3A_585, %broadcast_in_dim3A_588, %select_n3A_582 : vector<16xi1>, vector<16xi32>
        %get3A_590 = arith.constant 336 : index
        %get3A_591 = tpu.vector_load %arg8[%get3A_590] {strides = array<i32>} : memref<400xf32, #tpu.memory_space<vmem>>, vector<16xf32>,
        %gt3A_592 = arith.cmpf ogt, %get3A_591, %select_n3A_586 : vector<16xf32>
        %select_n3A_593 = arith.select %gt3A_592, %get3A_591, %select_n3A_586 : vector<16xi1>, vector<16xf32>
        %broadcast_in_dim3A_594 = arith.constant 21 : i32
        %broadcast_in_dim3A_595 = vector.broadcast %broadcast_in_dim3A_594 : i32 to vector<16xi32>
        %select_n3A_596 = arith.select %gt3A_592, %broadcast_in_dim3A_595, %select_n3A_589 : vector<16xi1>, vector<16xi32>
        %get3A_597 = arith.constant 352 : index
        %get3A_598 = tpu.vector_load %arg8[%get3A_597] {strides = array<i32>} : memref<400xf32, #tpu.memory_space<vmem>>, vector<16xf32>,
        %gt3A_599 = arith.cmpf ogt, %get3A_598, %select_n3A_593 : vector<16xf32>
        %select_n3A_600 = arith.select %gt3A_599, %get3A_598, %select_n3A_593 : vector<16xi1>, vector<16xf32>
        %broadcast_in_dim3A_601 = arith.constant 22 : i32
        %broadcast_in_dim3A_602 = vector.broadcast %broadcast_in_dim3A_601 : i32 to vector<16xi32>
        %select_n3A_603 = arith.select %gt3A_599, %broadcast_in_dim3A_602, %select_n3A_596 : vector<16xi1>, vector<16xi32>
        %get3A_604 = arith.constant 368 : index
        %get3A_605 = tpu.vector_load %arg8[%get3A_604] {strides = array<i32>} : memref<400xf32, #tpu.memory_space<vmem>>, vector<16xf32>,
        %gt3A_606 = arith.cmpf ogt, %get3A_605, %select_n3A_600 : vector<16xf32>
        %select_n3A_607 = arith.select %gt3A_606, %get3A_605, %select_n3A_600 : vector<16xi1>, vector<16xf32>
        %broadcast_in_dim3A_608 = arith.constant 23 : i32
        %broadcast_in_dim3A_609 = vector.broadcast %broadcast_in_dim3A_608 : i32 to vector<16xi32>
        %select_n3A_610 = arith.select %gt3A_606, %broadcast_in_dim3A_609, %select_n3A_603 : vector<16xi1>, vector<16xi32>
        %get3A_611 = arith.constant 384 : index
        %get3A_612 = tpu.vector_load %arg8[%get3A_611] {strides = array<i32>} : memref<400xf32, #tpu.memory_space<vmem>>, vector<16xf32>,
        %gt3A_613 = arith.cmpf ogt, %get3A_612, %select_n3A_607 : vector<16xf32>
        %select_n3A_614 = arith.select %gt3A_613, %get3A_612, %select_n3A_607 : vector<16xi1>, vector<16xf32>
        %broadcast_in_dim3A_615 = arith.constant 24 : i32
        %broadcast_in_dim3A_616 = vector.broadcast %broadcast_in_dim3A_615 : i32 to vector<16xi32>
        %select_n3A_617 = arith.select %gt3A_613, %broadcast_in_dim3A_616, %select_n3A_610 : vector<16xi1>, vector<16xi32>
        %mul3A_618 = arith.constant 16 : i32
        %mul3A_619 = vector.broadcast %mul3A_618 : i32 to vector<16xi32>
        %mul3A_620 = arith.muli %select_n3A_617, %mul3A_619 : vector<16xi32>
        %add3A_621 = vector.broadcast %multiple_of3A : i32 to vector<16xi32>
        %add3A_622 = arith.addi %add3A_621, %mul3A_620 : vector<16xi32>
        %add3A_623 = arith.addi %add3A_622, %iota3A : vector<16xi32>
        %reduce_max3A_624 = arith.constant true
        %reduce_max3A_625 = vector.broadcast %reduce_max3A_624 : i1 to vector<16xi1>
        %reduce_max3A_626 = tpu.scan <max>, %select_n3A_614 masked %reduce_max3A_625 : vector<16xf32>, vector<16xi1> -> vector<16xf32>
        %reduce_max3A_627 = vector.extract %reduce_max3A_626[15] : f32 from vector<16xf32>
        %eq3A_628 = vector.broadcast %reduce_max3A_627 : f32 to vector<16xf32>
        %eq3A_629 = arith.cmpf oeq, %select_n3A_614, %eq3A_628 : vector<16xf32>
        %jit3A_630 = arith.constant 1073741824 : i32
        %broadcast_in_dim3A_631 = vector.broadcast %jit3A_630 : i32 to vector<16xi32>
        %select_n3A_632 = arith.select %eq3A_629, %add3A_623, %broadcast_in_dim3A_631 : vector<16xi1>, vector<16xi32>
        %reduce_min3A_633 = arith.constant true
        %reduce_min3A_634 = vector.broadcast %reduce_min3A_633 : i1 to vector<16xi1>
        %reduce_min3A_635 = arith.constant -2147483648 : i32
        %reduce_min3A_636 = vector.broadcast %reduce_min3A_635 : i32 to vector<16xi32>
        %reduce_min3A_637 = arith.xori %select_n3A_632, %reduce_min3A_636 : vector<16xi32>
        %reduce_min3A_638 = tpu.scan <min>, %reduce_min3A_637 masked %reduce_min3A_634 : vector<16xi32>, vector<16xi1> -> vector<16xi32>
        %reduce_min3A_639 = arith.xori %reduce_min3A_638, %reduce_min3A_636 : vector<16xi32>
        %reduce_min3A_640 = vector.extract %reduce_min3A_639[15] : i32 from vector<16xi32>
        %eq3A_641 = arith.constant 0 : i32
        %eq3A_642 = vector.broadcast %eq3A_641 : i32 to vector<16xi32>
        %eq3A_643 = arith.cmpi eq, %iota3A, %eq3A_642 : vector<16xi32>
        %broadcast_in_dim3A_644 = vector.broadcast %reduce_max3A_627 : f32 to vector<16xf32>
        %broadcast_in_dim3A_645 = vector.broadcast %reduce_min3A_640 : i32 to vector<16xi32>
        %bitcast3A_646 = vector.bitcast %broadcast_in_dim3A_645 : vector<16xi32> to vector<16xf32>
        %select_n3A_647 = arith.select %eq3A_643, %broadcast_in_dim3A_644, %bitcast3A_646 : vector<16xi1>, vector<16xf32>
        %swap3A_648 = arith.constant 0 : index
        %swap3A_649 = tpu.vector_load %arg16[%swap3A_648] {strides = array<i32>} : memref<16xf32, #tpu.memory_space<vmem>>, vector<16xf32>,
        tpu.vector_store %arg16[%swap3A_648], %select_n3A_647 {strides = array<i32>} : memref<16xf32, #tpu.memory_space<vmem>>, vector<16xf32>,
      } else {
      }
      %eq3A_393 = arith.constant 1 : i32
      %eq3A_394 = arith.cmpi eq, %get3A_379, %eq3A_393 : i32
      %convert_element_type3A_395 = arith.extui %eq3A_394 : i1 to i32
      %cond3A_396 = arith.constant 0 : i32
      %cond3A_397 = arith.cmpi ne, %convert_element_type3A_395, %cond3A_396 : i32
      scf.if %cond3A_397 {
        %dma_wait3A = arith.constant 0 : i32
        %dma_wait3A_446 = tpu.memref_slice %arg2[%arg0, %dma_wait3A, %multiple_of3A] : memref<2x5000x5000xf32, #tpu.memory_space<hbm>> -> memref<1x2x384xf32, #tpu.memory_space<hbm>>
        %dma_wait3A_447 = tpu.memref_squeeze %dma_wait3A_446 : memref<1x2x384xf32, #tpu.memory_space<hbm>> -> memref<2x384xf32, #tpu.memory_space<hbm>>
        %dma_wait3A_448 = arith.constant 0 : i32
        %dma_wait3A_449 = tpu.memref_slice %arg2[%arg0, %dma_wait3A_448, %multiple_of3A] : memref<2x5000x5000xf32, #tpu.memory_space<hbm>> -> memref<1x2x384xf32, #tpu.memory_space<hbm>>
        %dma_wait3A_450 = tpu.memref_squeeze %dma_wait3A_449 : memref<1x2x384xf32, #tpu.memory_space<hbm>> -> memref<2x384xf32, #tpu.memory_space<hbm>>
        tpu.wait_dma2 semaphore(%arg24 : memref<!tpu.dma_semaphore, #tpu.memory_space<semaphore_mem>>) src(%dma_wait3A_450 : memref<2x384xf32, #tpu.memory_space<hbm>>) dst(%arg9 : memref<2x384xf32, #tpu.memory_space<vmem>>)
        %eq3A_451 = arith.constant 15 : i32
        %eq3A_452 = arith.cmpi eq, %arg1, %eq3A_451 : i32
        %convert_element_type3A_453 = arith.extui %eq3A_452 : i1 to i32
        %cond3A_454 = arith.constant 0 : i32
        %cond3A_455 = arith.cmpi ne, %convert_element_type3A_453, %cond3A_454 : i32
        scf.if %cond3A_455 {
          %dma_wait3A_1070 = arith.constant 0 : i32
          %dma_wait3A_1071 = arith.constant 4992 : i32
          %dma_wait3A_1072 = tpu.memref_slice %arg2[%arg0, %dma_wait3A_1070, %dma_wait3A_1071] : memref<2x5000x5000xf32, #tpu.memory_space<hbm>> -> memref<1x2x8xf32, #tpu.memory_space<hbm>>
          %dma_wait3A_1073 = tpu.memref_squeeze %dma_wait3A_1072 : memref<1x2x8xf32, #tpu.memory_space<hbm>> -> memref<2x8xf32, #tpu.memory_space<hbm>>
          %dma_wait3A_1074 = arith.constant 0 : i32
          %dma_wait3A_1075 = arith.constant 4992 : i32
          %dma_wait3A_1076 = tpu.memref_slice %arg2[%arg0, %dma_wait3A_1074, %dma_wait3A_1075] : memref<2x5000x5000xf32, #tpu.memory_space<hbm>> -> memref<1x2x8xf32, #tpu.memory_space<hbm>>
          %dma_wait3A_1077 = tpu.memref_squeeze %dma_wait3A_1076 : memref<1x2x8xf32, #tpu.memory_space<hbm>> -> memref<2x8xf32, #tpu.memory_space<hbm>>
          tpu.wait_dma2 semaphore(%arg24 : memref<!tpu.dma_semaphore, #tpu.memory_space<semaphore_mem>>) src(%dma_wait3A_1077 : memref<2x8xf32, #tpu.memory_space<hbm>>) dst(%arg19 : memref<2x8xf32, #tpu.memory_space<vmem>>)
        } else {
        }
        %broadcast_in_dim3A_456 = arith.constant 0 : i32
        %broadcast_in_dim3A_457 = vector.broadcast %broadcast_in_dim3A_456 : i32 to vector<16xi32>
        %get3A_458 = arith.constant 0 : index
        %get3A_459 = tpu.vector_load %arg8[%get3A_458] {strides = array<i32>} : memref<400xf32, #tpu.memory_space<vmem>>, vector<16xf32>,
        %get3A_460 = arith.index_cast %get3A_382 : i32 to index
        %get3A_461 = arith.constant 0 : index
        %get3A_462 = tpu.vector_load %arg9[%get3A_460, %get3A_461] {strides = array<i32>} : memref<2x384xf32, #tpu.memory_space<vmem>>, vector<16xf32>,
        %add3A_463 = arith.constant 0 : i32
        %add3A_464 = arith.addi %multiple_of3A, %add3A_463 : i32
        %add3A_465 = vector.broadcast %add3A_464 : i32 to vector<16xi32>
        %add3A_466 = arith.addi %add3A_465, %iota3A : vector<16xi32>
        %gt3A_467 = arith.constant 0.899999976 : f32
        %gt3A_468 = vector.broadcast %gt3A_467 : f32 to vector<16xf32>
        %gt3A_469 = arith.cmpf ogt, %get3A_462, %gt3A_468 : vector<16xf32>
        %eq3A_470 = vector.broadcast %get3A_387 : i32 to vector<16xi32>
        %eq3A_471 = arith.cmpi eq, %add3A_466, %eq3A_470 : vector<16xi32>
        %or3A_472 = arith.ori %gt3A_469, %eq3A_471 : vector<16xi1>
        %select_n3A_473 = arith.select %or3A_472, %broadcast_in_dim3A_2, %get3A_459 : vector<16xi1>, vector<16xf32>
        %swap3A_474 = arith.constant 0 : index
        %swap3A_475 = tpu.vector_load %arg8[%swap3A_474] {strides = array<i32>} : memref<400xf32, #tpu.memory_space<vmem>>, vector<16xf32>,
        tpu.vector_store %arg8[%swap3A_474], %select_n3A_473 {strides = array<i32>} : memref<400xf32, #tpu.memory_space<vmem>>, vector<16xf32>,
        %get3A_476 = arith.constant 16 : index
        %get3A_477 = tpu.vector_load %arg8[%get3A_476] {strides = array<i32>} : memref<400xf32, #tpu.memory_space<vmem>>, vector<16xf32>,
        %get3A_478 = arith.index_cast %get3A_382 : i32 to index
        %get3A_479 = arith.constant 16 : index
        %get3A_480 = tpu.vector_load %arg9[%get3A_478, %get3A_479] {strides = array<i32>} : memref<2x384xf32, #tpu.memory_space<vmem>>, vector<16xf32>,
        %add3A_481 = arith.constant 16 : i32
        %add3A_482 = arith.addi %multiple_of3A, %add3A_481 : i32
        %add3A_483 = vector.broadcast %add3A_482 : i32 to vector<16xi32>
        %add3A_484 = arith.addi %add3A_483, %iota3A : vector<16xi32>
        %gt3A_485 = arith.constant 0.899999976 : f32
        %gt3A_486 = vector.broadcast %gt3A_485 : f32 to vector<16xf32>
        %gt3A_487 = arith.cmpf ogt, %get3A_480, %gt3A_486 : vector<16xf32>
        %eq3A_488 = vector.broadcast %get3A_387 : i32 to vector<16xi32>
        %eq3A_489 = arith.cmpi eq, %add3A_484, %eq3A_488 : vector<16xi32>
        %or3A_490 = arith.ori %gt3A_487, %eq3A_489 : vector<16xi1>
        %select_n3A_491 = arith.select %or3A_490, %broadcast_in_dim3A_2, %get3A_477 : vector<16xi1>, vector<16xf32>
        %swap3A_492 = arith.constant 16 : index
        %swap3A_493 = tpu.vector_load %arg8[%swap3A_492] {strides = array<i32>} : memref<400xf32, #tpu.memory_space<vmem>>, vector<16xf32>,
        tpu.vector_store %arg8[%swap3A_492], %select_n3A_491 {strides = array<i32>} : memref<400xf32, #tpu.memory_space<vmem>>, vector<16xf32>,
        %gt3A_494 = arith.cmpf ogt, %select_n3A_491, %select_n3A_473 : vector<16xf32>
        %select_n3A_495 = arith.select %gt3A_494, %select_n3A_491, %select_n3A_473 : vector<16xi1>, vector<16xf32>
        %broadcast_in_dim3A_496 = arith.constant 1 : i32
        %broadcast_in_dim3A_497 = vector.broadcast %broadcast_in_dim3A_496 : i32 to vector<16xi32>
        %select_n3A_498 = arith.select %gt3A_494, %broadcast_in_dim3A_497, %broadcast_in_dim3A_457 : vector<16xi1>, vector<16xi32>
        %get3A_499 = arith.constant 32 : index
        %get3A_500 = tpu.vector_load %arg8[%get3A_499] {strides = array<i32>} : memref<400xf32, #tpu.memory_space<vmem>>, vector<16xf32>,
        %get3A_501 = arith.index_cast %get3A_382 : i32 to index
        %get3A_502 = arith.constant 32 : index
        %get3A_503 = tpu.vector_load %arg9[%get3A_501, %get3A_502] {strides = array<i32>} : memref<2x384xf32, #tpu.memory_space<vmem>>, vector<16xf32>,
        %add3A_504 = arith.constant 32 : i32
        %add3A_505 = arith.addi %multiple_of3A, %add3A_504 : i32
        %add3A_506 = vector.broadcast %add3A_505 : i32 to vector<16xi32>
        %add3A_507 = arith.addi %add3A_506, %iota3A : vector<16xi32>
        %gt3A_508 = arith.constant 0.899999976 : f32
        %gt3A_509 = vector.broadcast %gt3A_508 : f32 to vector<16xf32>
        %gt3A_510 = arith.cmpf ogt, %get3A_503, %gt3A_509 : vector<16xf32>
        %eq3A_511 = vector.broadcast %get3A_387 : i32 to vector<16xi32>
        %eq3A_512 = arith.cmpi eq, %add3A_507, %eq3A_511 : vector<16xi32>
        %or3A_513 = arith.ori %gt3A_510, %eq3A_512 : vector<16xi1>
        %select_n3A_514 = arith.select %or3A_513, %broadcast_in_dim3A_2, %get3A_500 : vector<16xi1>, vector<16xf32>
        %swap3A_515 = arith.constant 32 : index
        %swap3A_516 = tpu.vector_load %arg8[%swap3A_515] {strides = array<i32>} : memref<400xf32, #tpu.memory_space<vmem>>, vector<16xf32>,
        tpu.vector_store %arg8[%swap3A_515], %select_n3A_514 {strides = array<i32>} : memref<400xf32, #tpu.memory_space<vmem>>, vector<16xf32>,
        %gt3A_517 = arith.cmpf ogt, %select_n3A_514, %select_n3A_495 : vector<16xf32>
        %select_n3A_518 = arith.select %gt3A_517, %select_n3A_514, %select_n3A_495 : vector<16xi1>, vector<16xf32>
        %broadcast_in_dim3A_519 = arith.constant 2 : i32
        %broadcast_in_dim3A_520 = vector.broadcast %broadcast_in_dim3A_519 : i32 to vector<16xi32>
        %select_n3A_521 = arith.select %gt3A_517, %broadcast_in_dim3A_520, %select_n3A_498 : vector<16xi1>, vector<16xi32>
        %get3A_522 = arith.constant 48 : index
        %get3A_523 = tpu.vector_load %arg8[%get3A_522] {strides = array<i32>} : memref<400xf32, #tpu.memory_space<vmem>>, vector<16xf32>,
        %get3A_524 = arith.index_cast %get3A_382 : i32 to index
        %get3A_525 = arith.constant 48 : index
        %get3A_526 = tpu.vector_load %arg9[%get3A_524, %get3A_525] {strides = array<i32>} : memref<2x384xf32, #tpu.memory_space<vmem>>, vector<16xf32>,
        %add3A_527 = arith.constant 48 : i32
        %add3A_528 = arith.addi %multiple_of3A, %add3A_527 : i32
        %add3A_529 = vector.broadcast %add3A_528 : i32 to vector<16xi32>
        %add3A_530 = arith.addi %add3A_529, %iota3A : vector<16xi32>
        %gt3A_531 = arith.constant 0.899999976 : f32
        %gt3A_532 = vector.broadcast %gt3A_531 : f32 to vector<16xf32>
        %gt3A_533 = arith.cmpf ogt, %get3A_526, %gt3A_532 : vector<16xf32>
        %eq3A_534 = vector.broadcast %get3A_387 : i32 to vector<16xi32>
        %eq3A_535 = arith.cmpi eq, %add3A_530, %eq3A_534 : vector<16xi32>
        %or3A_536 = arith.ori %gt3A_533, %eq3A_535 : vector<16xi1>
        %select_n3A_537 = arith.select %or3A_536, %broadcast_in_dim3A_2, %get3A_523 : vector<16xi1>, vector<16xf32>
        %swap3A_538 = arith.constant 48 : index
        %swap3A_539 = tpu.vector_load %arg8[%swap3A_538] {strides = array<i32>} : memref<400xf32, #tpu.memory_space<vmem>>, vector<16xf32>,
        tpu.vector_store %arg8[%swap3A_538], %select_n3A_537 {strides = array<i32>} : memref<400xf32, #tpu.memory_space<vmem>>, vector<16xf32>,
        %gt3A_540 = arith.cmpf ogt, %select_n3A_537, %select_n3A_518 : vector<16xf32>
        %select_n3A_541 = arith.select %gt3A_540, %select_n3A_537, %select_n3A_518 : vector<16xi1>, vector<16xf32>
        %broadcast_in_dim3A_542 = arith.constant 3 : i32
        %broadcast_in_dim3A_543 = vector.broadcast %broadcast_in_dim3A_542 : i32 to vector<16xi32>
        %select_n3A_544 = arith.select %gt3A_540, %broadcast_in_dim3A_543, %select_n3A_521 : vector<16xi1>, vector<16xi32>
        %get3A_545 = arith.constant 64 : index
        %get3A_546 = tpu.vector_load %arg8[%get3A_545] {strides = array<i32>} : memref<400xf32, #tpu.memory_space<vmem>>, vector<16xf32>,
        %get3A_547 = arith.index_cast %get3A_382 : i32 to index
        %get3A_548 = arith.constant 64 : index
        %get3A_549 = tpu.vector_load %arg9[%get3A_547, %get3A_548] {strides = array<i32>} : memref<2x384xf32, #tpu.memory_space<vmem>>, vector<16xf32>,
        %add3A_550 = arith.constant 64 : i32
        %add3A_551 = arith.addi %multiple_of3A, %add3A_550 : i32
        %add3A_552 = vector.broadcast %add3A_551 : i32 to vector<16xi32>
        %add3A_553 = arith.addi %add3A_552, %iota3A : vector<16xi32>
        %gt3A_554 = arith.constant 0.899999976 : f32
        %gt3A_555 = vector.broadcast %gt3A_554 : f32 to vector<16xf32>
        %gt3A_556 = arith.cmpf ogt, %get3A_549, %gt3A_555 : vector<16xf32>
        %eq3A_557 = vector.broadcast %get3A_387 : i32 to vector<16xi32>
        %eq3A_558 = arith.cmpi eq, %add3A_553, %eq3A_557 : vector<16xi32>
        %or3A_559 = arith.ori %gt3A_556, %eq3A_558 : vector<16xi1>
        %select_n3A_560 = arith.select %or3A_559, %broadcast_in_dim3A_2, %get3A_546 : vector<16xi1>, vector<16xf32>
        %swap3A_561 = arith.constant 64 : index
        %swap3A_562 = tpu.vector_load %arg8[%swap3A_561] {strides = array<i32>} : memref<400xf32, #tpu.memory_space<vmem>>, vector<16xf32>,
        tpu.vector_store %arg8[%swap3A_561], %select_n3A_560 {strides = array<i32>} : memref<400xf32, #tpu.memory_space<vmem>>, vector<16xf32>,
        %gt3A_563 = arith.cmpf ogt, %select_n3A_560, %select_n3A_541 : vector<16xf32>
        %select_n3A_564 = arith.select %gt3A_563, %select_n3A_560, %select_n3A_541 : vector<16xi1>, vector<16xf32>
        %broadcast_in_dim3A_565 = arith.constant 4 : i32
        %broadcast_in_dim3A_566 = vector.broadcast %broadcast_in_dim3A_565 : i32 to vector<16xi32>
        %select_n3A_567 = arith.select %gt3A_563, %broadcast_in_dim3A_566, %select_n3A_544 : vector<16xi1>, vector<16xi32>
        %get3A_568 = arith.constant 80 : index
        %get3A_569 = tpu.vector_load %arg8[%get3A_568] {strides = array<i32>} : memref<400xf32, #tpu.memory_space<vmem>>, vector<16xf32>,
        %get3A_570 = arith.index_cast %get3A_382 : i32 to index
        %get3A_571 = arith.constant 80 : index
        %get3A_572 = tpu.vector_load %arg9[%get3A_570, %get3A_571] {strides = array<i32>} : memref<2x384xf32, #tpu.memory_space<vmem>>, vector<16xf32>,
        %add3A_573 = arith.constant 80 : i32
        %add3A_574 = arith.addi %multiple_of3A, %add3A_573 : i32
        %add3A_575 = vector.broadcast %add3A_574 : i32 to vector<16xi32>
        %add3A_576 = arith.addi %add3A_575, %iota3A : vector<16xi32>
        %gt3A_577 = arith.constant 0.899999976 : f32
        %gt3A_578 = vector.broadcast %gt3A_577 : f32 to vector<16xf32>
        %gt3A_579 = arith.cmpf ogt, %get3A_572, %gt3A_578 : vector<16xf32>
        %eq3A_580 = vector.broadcast %get3A_387 : i32 to vector<16xi32>
        %eq3A_581 = arith.cmpi eq, %add3A_576, %eq3A_580 : vector<16xi32>
        %or3A_582 = arith.ori %gt3A_579, %eq3A_581 : vector<16xi1>
        %select_n3A_583 = arith.select %or3A_582, %broadcast_in_dim3A_2, %get3A_569 : vector<16xi1>, vector<16xf32>
        %swap3A_584 = arith.constant 80 : index
        %swap3A_585 = tpu.vector_load %arg8[%swap3A_584] {strides = array<i32>} : memref<400xf32, #tpu.memory_space<vmem>>, vector<16xf32>,
        tpu.vector_store %arg8[%swap3A_584], %select_n3A_583 {strides = array<i32>} : memref<400xf32, #tpu.memory_space<vmem>>, vector<16xf32>,
        %gt3A_586 = arith.cmpf ogt, %select_n3A_583, %select_n3A_564 : vector<16xf32>
        %select_n3A_587 = arith.select %gt3A_586, %select_n3A_583, %select_n3A_564 : vector<16xi1>, vector<16xf32>
        %broadcast_in_dim3A_588 = arith.constant 5 : i32
        %broadcast_in_dim3A_589 = vector.broadcast %broadcast_in_dim3A_588 : i32 to vector<16xi32>
        %select_n3A_590 = arith.select %gt3A_586, %broadcast_in_dim3A_589, %select_n3A_567 : vector<16xi1>, vector<16xi32>
        %get3A_591 = arith.constant 96 : index
        %get3A_592 = tpu.vector_load %arg8[%get3A_591] {strides = array<i32>} : memref<400xf32, #tpu.memory_space<vmem>>, vector<16xf32>,
        %get3A_593 = arith.index_cast %get3A_382 : i32 to index
        %get3A_594 = arith.constant 96 : index
        %get3A_595 = tpu.vector_load %arg9[%get3A_593, %get3A_594] {strides = array<i32>} : memref<2x384xf32, #tpu.memory_space<vmem>>, vector<16xf32>,
        %add3A_596 = arith.constant 96 : i32
        %add3A_597 = arith.addi %multiple_of3A, %add3A_596 : i32
        %add3A_598 = vector.broadcast %add3A_597 : i32 to vector<16xi32>
        %add3A_599 = arith.addi %add3A_598, %iota3A : vector<16xi32>
        %gt3A_600 = arith.constant 0.899999976 : f32
        %gt3A_601 = vector.broadcast %gt3A_600 : f32 to vector<16xf32>
        %gt3A_602 = arith.cmpf ogt, %get3A_595, %gt3A_601 : vector<16xf32>
        %eq3A_603 = vector.broadcast %get3A_387 : i32 to vector<16xi32>
        %eq3A_604 = arith.cmpi eq, %add3A_599, %eq3A_603 : vector<16xi32>
        %or3A_605 = arith.ori %gt3A_602, %eq3A_604 : vector<16xi1>
        %select_n3A_606 = arith.select %or3A_605, %broadcast_in_dim3A_2, %get3A_592 : vector<16xi1>, vector<16xf32>
        %swap3A_607 = arith.constant 96 : index
        %swap3A_608 = tpu.vector_load %arg8[%swap3A_607] {strides = array<i32>} : memref<400xf32, #tpu.memory_space<vmem>>, vector<16xf32>,
        tpu.vector_store %arg8[%swap3A_607], %select_n3A_606 {strides = array<i32>} : memref<400xf32, #tpu.memory_space<vmem>>, vector<16xf32>,
        %gt3A_609 = arith.cmpf ogt, %select_n3A_606, %select_n3A_587 : vector<16xf32>
        %select_n3A_610 = arith.select %gt3A_609, %select_n3A_606, %select_n3A_587 : vector<16xi1>, vector<16xf32>
        %broadcast_in_dim3A_611 = arith.constant 6 : i32
        %broadcast_in_dim3A_612 = vector.broadcast %broadcast_in_dim3A_611 : i32 to vector<16xi32>
        %select_n3A_613 = arith.select %gt3A_609, %broadcast_in_dim3A_612, %select_n3A_590 : vector<16xi1>, vector<16xi32>
        %get3A_614 = arith.constant 112 : index
        %get3A_615 = tpu.vector_load %arg8[%get3A_614] {strides = array<i32>} : memref<400xf32, #tpu.memory_space<vmem>>, vector<16xf32>,
        %get3A_616 = arith.index_cast %get3A_382 : i32 to index
        %get3A_617 = arith.constant 112 : index
        %get3A_618 = tpu.vector_load %arg9[%get3A_616, %get3A_617] {strides = array<i32>} : memref<2x384xf32, #tpu.memory_space<vmem>>, vector<16xf32>,
        %add3A_619 = arith.constant 112 : i32
        %add3A_620 = arith.addi %multiple_of3A, %add3A_619 : i32
        %add3A_621 = vector.broadcast %add3A_620 : i32 to vector<16xi32>
        %add3A_622 = arith.addi %add3A_621, %iota3A : vector<16xi32>
        %gt3A_623 = arith.constant 0.899999976 : f32
        %gt3A_624 = vector.broadcast %gt3A_623 : f32 to vector<16xf32>
        %gt3A_625 = arith.cmpf ogt, %get3A_618, %gt3A_624 : vector<16xf32>
        %eq3A_626 = vector.broadcast %get3A_387 : i32 to vector<16xi32>
        %eq3A_627 = arith.cmpi eq, %add3A_622, %eq3A_626 : vector<16xi32>
        %or3A_628 = arith.ori %gt3A_625, %eq3A_627 : vector<16xi1>
        %select_n3A_629 = arith.select %or3A_628, %broadcast_in_dim3A_2, %get3A_615 : vector<16xi1>, vector<16xf32>
        %swap3A_630 = arith.constant 112 : index
        %swap3A_631 = tpu.vector_load %arg8[%swap3A_630] {strides = array<i32>} : memref<400xf32, #tpu.memory_space<vmem>>, vector<16xf32>,
        tpu.vector_store %arg8[%swap3A_630], %select_n3A_629 {strides = array<i32>} : memref<400xf32, #tpu.memory_space<vmem>>, vector<16xf32>,
        %gt3A_632 = arith.cmpf ogt, %select_n3A_629, %select_n3A_610 : vector<16xf32>
        %select_n3A_633 = arith.select %gt3A_632, %select_n3A_629, %select_n3A_610 : vector<16xi1>, vector<16xf32>
        %broadcast_in_dim3A_634 = arith.constant 7 : i32
        %broadcast_in_dim3A_635 = vector.broadcast %broadcast_in_dim3A_634 : i32 to vector<16xi32>
        %select_n3A_636 = arith.select %gt3A_632, %broadcast_in_dim3A_635, %select_n3A_613 : vector<16xi1>, vector<16xi32>
        %get3A_637 = arith.constant 128 : index
        %get3A_638 = tpu.vector_load %arg8[%get3A_637] {strides = array<i32>} : memref<400xf32, #tpu.memory_space<vmem>>, vector<16xf32>,
        %get3A_639 = arith.index_cast %get3A_382 : i32 to index
        %get3A_640 = arith.constant 128 : index
        %get3A_641 = tpu.vector_load %arg9[%get3A_639, %get3A_640] {strides = array<i32>} : memref<2x384xf32, #tpu.memory_space<vmem>>, vector<16xf32>,
        %add3A_642 = arith.constant 128 : i32
        %add3A_643 = arith.addi %multiple_of3A, %add3A_642 : i32
        %add3A_644 = vector.broadcast %add3A_643 : i32 to vector<16xi32>
        %add3A_645 = arith.addi %add3A_644, %iota3A : vector<16xi32>
        %gt3A_646 = arith.constant 0.899999976 : f32
        %gt3A_647 = vector.broadcast %gt3A_646 : f32 to vector<16xf32>
        %gt3A_648 = arith.cmpf ogt, %get3A_641, %gt3A_647 : vector<16xf32>
        %eq3A_649 = vector.broadcast %get3A_387 : i32 to vector<16xi32>
        %eq3A_650 = arith.cmpi eq, %add3A_645, %eq3A_649 : vector<16xi32>
        %or3A_651 = arith.ori %gt3A_648, %eq3A_650 : vector<16xi1>
        %select_n3A_652 = arith.select %or3A_651, %broadcast_in_dim3A_2, %get3A_638 : vector<16xi1>, vector<16xf32>
        %swap3A_653 = arith.constant 128 : index
        %swap3A_654 = tpu.vector_load %arg8[%swap3A_653] {strides = array<i32>} : memref<400xf32, #tpu.memory_space<vmem>>, vector<16xf32>,
        tpu.vector_store %arg8[%swap3A_653], %select_n3A_652 {strides = array<i32>} : memref<400xf32, #tpu.memory_space<vmem>>, vector<16xf32>,
        %gt3A_655 = arith.cmpf ogt, %select_n3A_652, %select_n3A_633 : vector<16xf32>
        %select_n3A_656 = arith.select %gt3A_655, %select_n3A_652, %select_n3A_633 : vector<16xi1>, vector<16xf32>
        %broadcast_in_dim3A_657 = arith.constant 8 : i32
        %broadcast_in_dim3A_658 = vector.broadcast %broadcast_in_dim3A_657 : i32 to vector<16xi32>
        %select_n3A_659 = arith.select %gt3A_655, %broadcast_in_dim3A_658, %select_n3A_636 : vector<16xi1>, vector<16xi32>
        %get3A_660 = arith.constant 144 : index
        %get3A_661 = tpu.vector_load %arg8[%get3A_660] {strides = array<i32>} : memref<400xf32, #tpu.memory_space<vmem>>, vector<16xf32>,
        %get3A_662 = arith.index_cast %get3A_382 : i32 to index
        %get3A_663 = arith.constant 144 : index
        %get3A_664 = tpu.vector_load %arg9[%get3A_662, %get3A_663] {strides = array<i32>} : memref<2x384xf32, #tpu.memory_space<vmem>>, vector<16xf32>,
        %add3A_665 = arith.constant 144 : i32
        %add3A_666 = arith.addi %multiple_of3A, %add3A_665 : i32
        %add3A_667 = vector.broadcast %add3A_666 : i32 to vector<16xi32>
        %add3A_668 = arith.addi %add3A_667, %iota3A : vector<16xi32>
        %gt3A_669 = arith.constant 0.899999976 : f32
        %gt3A_670 = vector.broadcast %gt3A_669 : f32 to vector<16xf32>
        %gt3A_671 = arith.cmpf ogt, %get3A_664, %gt3A_670 : vector<16xf32>
        %eq3A_672 = vector.broadcast %get3A_387 : i32 to vector<16xi32>
        %eq3A_673 = arith.cmpi eq, %add3A_668, %eq3A_672 : vector<16xi32>
        %or3A_674 = arith.ori %gt3A_671, %eq3A_673 : vector<16xi1>
        %select_n3A_675 = arith.select %or3A_674, %broadcast_in_dim3A_2, %get3A_661 : vector<16xi1>, vector<16xf32>
        %swap3A_676 = arith.constant 144 : index
        %swap3A_677 = tpu.vector_load %arg8[%swap3A_676] {strides = array<i32>} : memref<400xf32, #tpu.memory_space<vmem>>, vector<16xf32>,
        tpu.vector_store %arg8[%swap3A_676], %select_n3A_675 {strides = array<i32>} : memref<400xf32, #tpu.memory_space<vmem>>, vector<16xf32>,
        %gt3A_678 = arith.cmpf ogt, %select_n3A_675, %select_n3A_656 : vector<16xf32>
        %select_n3A_679 = arith.select %gt3A_678, %select_n3A_675, %select_n3A_656 : vector<16xi1>, vector<16xf32>
        %broadcast_in_dim3A_680 = arith.constant 9 : i32
        %broadcast_in_dim3A_681 = vector.broadcast %broadcast_in_dim3A_680 : i32 to vector<16xi32>
        %select_n3A_682 = arith.select %gt3A_678, %broadcast_in_dim3A_681, %select_n3A_659 : vector<16xi1>, vector<16xi32>
        %get3A_683 = arith.constant 160 : index
        %get3A_684 = tpu.vector_load %arg8[%get3A_683] {strides = array<i32>} : memref<400xf32, #tpu.memory_space<vmem>>, vector<16xf32>,
        %get3A_685 = arith.index_cast %get3A_382 : i32 to index
        %get3A_686 = arith.constant 160 : index
        %get3A_687 = tpu.vector_load %arg9[%get3A_685, %get3A_686] {strides = array<i32>} : memref<2x384xf32, #tpu.memory_space<vmem>>, vector<16xf32>,
        %add3A_688 = arith.constant 160 : i32
        %add3A_689 = arith.addi %multiple_of3A, %add3A_688 : i32
        %add3A_690 = vector.broadcast %add3A_689 : i32 to vector<16xi32>
        %add3A_691 = arith.addi %add3A_690, %iota3A : vector<16xi32>
        %gt3A_692 = arith.constant 0.899999976 : f32
        %gt3A_693 = vector.broadcast %gt3A_692 : f32 to vector<16xf32>
        %gt3A_694 = arith.cmpf ogt, %get3A_687, %gt3A_693 : vector<16xf32>
        %eq3A_695 = vector.broadcast %get3A_387 : i32 to vector<16xi32>
        %eq3A_696 = arith.cmpi eq, %add3A_691, %eq3A_695 : vector<16xi32>
        %or3A_697 = arith.ori %gt3A_694, %eq3A_696 : vector<16xi1>
        %select_n3A_698 = arith.select %or3A_697, %broadcast_in_dim3A_2, %get3A_684 : vector<16xi1>, vector<16xf32>
        %swap3A_699 = arith.constant 160 : index
        %swap3A_700 = tpu.vector_load %arg8[%swap3A_699] {strides = array<i32>} : memref<400xf32, #tpu.memory_space<vmem>>, vector<16xf32>,
        tpu.vector_store %arg8[%swap3A_699], %select_n3A_698 {strides = array<i32>} : memref<400xf32, #tpu.memory_space<vmem>>, vector<16xf32>,
        %gt3A_701 = arith.cmpf ogt, %select_n3A_698, %select_n3A_679 : vector<16xf32>
        %select_n3A_702 = arith.select %gt3A_701, %select_n3A_698, %select_n3A_679 : vector<16xi1>, vector<16xf32>
        %broadcast_in_dim3A_703 = arith.constant 10 : i32
        %broadcast_in_dim3A_704 = vector.broadcast %broadcast_in_dim3A_703 : i32 to vector<16xi32>
        %select_n3A_705 = arith.select %gt3A_701, %broadcast_in_dim3A_704, %select_n3A_682 : vector<16xi1>, vector<16xi32>
        %get3A_706 = arith.constant 176 : index
        %get3A_707 = tpu.vector_load %arg8[%get3A_706] {strides = array<i32>} : memref<400xf32, #tpu.memory_space<vmem>>, vector<16xf32>,
        %get3A_708 = arith.index_cast %get3A_382 : i32 to index
        %get3A_709 = arith.constant 176 : index
        %get3A_710 = tpu.vector_load %arg9[%get3A_708, %get3A_709] {strides = array<i32>} : memref<2x384xf32, #tpu.memory_space<vmem>>, vector<16xf32>,
        %add3A_711 = arith.constant 176 : i32
        %add3A_712 = arith.addi %multiple_of3A, %add3A_711 : i32
        %add3A_713 = vector.broadcast %add3A_712 : i32 to vector<16xi32>
        %add3A_714 = arith.addi %add3A_713, %iota3A : vector<16xi32>
        %gt3A_715 = arith.constant 0.899999976 : f32
        %gt3A_716 = vector.broadcast %gt3A_715 : f32 to vector<16xf32>
        %gt3A_717 = arith.cmpf ogt, %get3A_710, %gt3A_716 : vector<16xf32>
        %eq3A_718 = vector.broadcast %get3A_387 : i32 to vector<16xi32>
        %eq3A_719 = arith.cmpi eq, %add3A_714, %eq3A_718 : vector<16xi32>
        %or3A_720 = arith.ori %gt3A_717, %eq3A_719 : vector<16xi1>
        %select_n3A_721 = arith.select %or3A_720, %broadcast_in_dim3A_2, %get3A_707 : vector<16xi1>, vector<16xf32>
        %swap3A_722 = arith.constant 176 : index
        %swap3A_723 = tpu.vector_load %arg8[%swap3A_722] {strides = array<i32>} : memref<400xf32, #tpu.memory_space<vmem>>, vector<16xf32>,
        tpu.vector_store %arg8[%swap3A_722], %select_n3A_721 {strides = array<i32>} : memref<400xf32, #tpu.memory_space<vmem>>, vector<16xf32>,
        %gt3A_724 = arith.cmpf ogt, %select_n3A_721, %select_n3A_702 : vector<16xf32>
        %select_n3A_725 = arith.select %gt3A_724, %select_n3A_721, %select_n3A_702 : vector<16xi1>, vector<16xf32>
        %broadcast_in_dim3A_726 = arith.constant 11 : i32
        %broadcast_in_dim3A_727 = vector.broadcast %broadcast_in_dim3A_726 : i32 to vector<16xi32>
        %select_n3A_728 = arith.select %gt3A_724, %broadcast_in_dim3A_727, %select_n3A_705 : vector<16xi1>, vector<16xi32>
        %get3A_729 = arith.constant 192 : index
        %get3A_730 = tpu.vector_load %arg8[%get3A_729] {strides = array<i32>} : memref<400xf32, #tpu.memory_space<vmem>>, vector<16xf32>,
        %get3A_731 = arith.index_cast %get3A_382 : i32 to index
        %get3A_732 = arith.constant 192 : index
        %get3A_733 = tpu.vector_load %arg9[%get3A_731, %get3A_732] {strides = array<i32>} : memref<2x384xf32, #tpu.memory_space<vmem>>, vector<16xf32>,
        %add3A_734 = arith.constant 192 : i32
        %add3A_735 = arith.addi %multiple_of3A, %add3A_734 : i32
        %add3A_736 = vector.broadcast %add3A_735 : i32 to vector<16xi32>
        %add3A_737 = arith.addi %add3A_736, %iota3A : vector<16xi32>
        %gt3A_738 = arith.constant 0.899999976 : f32
        %gt3A_739 = vector.broadcast %gt3A_738 : f32 to vector<16xf32>
        %gt3A_740 = arith.cmpf ogt, %get3A_733, %gt3A_739 : vector<16xf32>
        %eq3A_741 = vector.broadcast %get3A_387 : i32 to vector<16xi32>
        %eq3A_742 = arith.cmpi eq, %add3A_737, %eq3A_741 : vector<16xi32>
        %or3A_743 = arith.ori %gt3A_740, %eq3A_742 : vector<16xi1>
        %select_n3A_744 = arith.select %or3A_743, %broadcast_in_dim3A_2, %get3A_730 : vector<16xi1>, vector<16xf32>
        %swap3A_745 = arith.constant 192 : index
        %swap3A_746 = tpu.vector_load %arg8[%swap3A_745] {strides = array<i32>} : memref<400xf32, #tpu.memory_space<vmem>>, vector<16xf32>,
        tpu.vector_store %arg8[%swap3A_745], %select_n3A_744 {strides = array<i32>} : memref<400xf32, #tpu.memory_space<vmem>>, vector<16xf32>,
        %gt3A_747 = arith.cmpf ogt, %select_n3A_744, %select_n3A_725 : vector<16xf32>
        %select_n3A_748 = arith.select %gt3A_747, %select_n3A_744, %select_n3A_725 : vector<16xi1>, vector<16xf32>
        %broadcast_in_dim3A_749 = arith.constant 12 : i32
        %broadcast_in_dim3A_750 = vector.broadcast %broadcast_in_dim3A_749 : i32 to vector<16xi32>
        %select_n3A_751 = arith.select %gt3A_747, %broadcast_in_dim3A_750, %select_n3A_728 : vector<16xi1>, vector<16xi32>
        %get3A_752 = arith.constant 208 : index
        %get3A_753 = tpu.vector_load %arg8[%get3A_752] {strides = array<i32>} : memref<400xf32, #tpu.memory_space<vmem>>, vector<16xf32>,
        %get3A_754 = arith.index_cast %get3A_382 : i32 to index
        %get3A_755 = arith.constant 208 : index
        %get3A_756 = tpu.vector_load %arg9[%get3A_754, %get3A_755] {strides = array<i32>} : memref<2x384xf32, #tpu.memory_space<vmem>>, vector<16xf32>,
        %add3A_757 = arith.constant 208 : i32
        %add3A_758 = arith.addi %multiple_of3A, %add3A_757 : i32
        %add3A_759 = vector.broadcast %add3A_758 : i32 to vector<16xi32>
        %add3A_760 = arith.addi %add3A_759, %iota3A : vector<16xi32>
        %gt3A_761 = arith.constant 0.899999976 : f32
        %gt3A_762 = vector.broadcast %gt3A_761 : f32 to vector<16xf32>
        %gt3A_763 = arith.cmpf ogt, %get3A_756, %gt3A_762 : vector<16xf32>
        %eq3A_764 = vector.broadcast %get3A_387 : i32 to vector<16xi32>
        %eq3A_765 = arith.cmpi eq, %add3A_760, %eq3A_764 : vector<16xi32>
        %or3A_766 = arith.ori %gt3A_763, %eq3A_765 : vector<16xi1>
        %select_n3A_767 = arith.select %or3A_766, %broadcast_in_dim3A_2, %get3A_753 : vector<16xi1>, vector<16xf32>
        %swap3A_768 = arith.constant 208 : index
        %swap3A_769 = tpu.vector_load %arg8[%swap3A_768] {strides = array<i32>} : memref<400xf32, #tpu.memory_space<vmem>>, vector<16xf32>,
        tpu.vector_store %arg8[%swap3A_768], %select_n3A_767 {strides = array<i32>} : memref<400xf32, #tpu.memory_space<vmem>>, vector<16xf32>,
        %gt3A_770 = arith.cmpf ogt, %select_n3A_767, %select_n3A_748 : vector<16xf32>
        %select_n3A_771 = arith.select %gt3A_770, %select_n3A_767, %select_n3A_748 : vector<16xi1>, vector<16xf32>
        %broadcast_in_dim3A_772 = arith.constant 13 : i32
        %broadcast_in_dim3A_773 = vector.broadcast %broadcast_in_dim3A_772 : i32 to vector<16xi32>
        %select_n3A_774 = arith.select %gt3A_770, %broadcast_in_dim3A_773, %select_n3A_751 : vector<16xi1>, vector<16xi32>
        %get3A_775 = arith.constant 224 : index
        %get3A_776 = tpu.vector_load %arg8[%get3A_775] {strides = array<i32>} : memref<400xf32, #tpu.memory_space<vmem>>, vector<16xf32>,
        %get3A_777 = arith.index_cast %get3A_382 : i32 to index
        %get3A_778 = arith.constant 224 : index
        %get3A_779 = tpu.vector_load %arg9[%get3A_777, %get3A_778] {strides = array<i32>} : memref<2x384xf32, #tpu.memory_space<vmem>>, vector<16xf32>,
        %add3A_780 = arith.constant 224 : i32
        %add3A_781 = arith.addi %multiple_of3A, %add3A_780 : i32
        %add3A_782 = vector.broadcast %add3A_781 : i32 to vector<16xi32>
        %add3A_783 = arith.addi %add3A_782, %iota3A : vector<16xi32>
        %gt3A_784 = arith.constant 0.899999976 : f32
        %gt3A_785 = vector.broadcast %gt3A_784 : f32 to vector<16xf32>
        %gt3A_786 = arith.cmpf ogt, %get3A_779, %gt3A_785 : vector<16xf32>
        %eq3A_787 = vector.broadcast %get3A_387 : i32 to vector<16xi32>
        %eq3A_788 = arith.cmpi eq, %add3A_783, %eq3A_787 : vector<16xi32>
        %or3A_789 = arith.ori %gt3A_786, %eq3A_788 : vector<16xi1>
        %select_n3A_790 = arith.select %or3A_789, %broadcast_in_dim3A_2, %get3A_776 : vector<16xi1>, vector<16xf32>
        %swap3A_791 = arith.constant 224 : index
        %swap3A_792 = tpu.vector_load %arg8[%swap3A_791] {strides = array<i32>} : memref<400xf32, #tpu.memory_space<vmem>>, vector<16xf32>,
        tpu.vector_store %arg8[%swap3A_791], %select_n3A_790 {strides = array<i32>} : memref<400xf32, #tpu.memory_space<vmem>>, vector<16xf32>,
        %gt3A_793 = arith.cmpf ogt, %select_n3A_790, %select_n3A_771 : vector<16xf32>
        %select_n3A_794 = arith.select %gt3A_793, %select_n3A_790, %select_n3A_771 : vector<16xi1>, vector<16xf32>
        %broadcast_in_dim3A_795 = arith.constant 14 : i32
        %broadcast_in_dim3A_796 = vector.broadcast %broadcast_in_dim3A_795 : i32 to vector<16xi32>
        %select_n3A_797 = arith.select %gt3A_793, %broadcast_in_dim3A_796, %select_n3A_774 : vector<16xi1>, vector<16xi32>
        %get3A_798 = arith.constant 240 : index
        %get3A_799 = tpu.vector_load %arg8[%get3A_798] {strides = array<i32>} : memref<400xf32, #tpu.memory_space<vmem>>, vector<16xf32>,
        %get3A_800 = arith.index_cast %get3A_382 : i32 to index
        %get3A_801 = arith.constant 240 : index
        %get3A_802 = tpu.vector_load %arg9[%get3A_800, %get3A_801] {strides = array<i32>} : memref<2x384xf32, #tpu.memory_space<vmem>>, vector<16xf32>,
        %add3A_803 = arith.constant 240 : i32
        %add3A_804 = arith.addi %multiple_of3A, %add3A_803 : i32
        %add3A_805 = vector.broadcast %add3A_804 : i32 to vector<16xi32>
        %add3A_806 = arith.addi %add3A_805, %iota3A : vector<16xi32>
        %gt3A_807 = arith.constant 0.899999976 : f32
        %gt3A_808 = vector.broadcast %gt3A_807 : f32 to vector<16xf32>
        %gt3A_809 = arith.cmpf ogt, %get3A_802, %gt3A_808 : vector<16xf32>
        %eq3A_810 = vector.broadcast %get3A_387 : i32 to vector<16xi32>
        %eq3A_811 = arith.cmpi eq, %add3A_806, %eq3A_810 : vector<16xi32>
        %or3A_812 = arith.ori %gt3A_809, %eq3A_811 : vector<16xi1>
        %select_n3A_813 = arith.select %or3A_812, %broadcast_in_dim3A_2, %get3A_799 : vector<16xi1>, vector<16xf32>
        %swap3A_814 = arith.constant 240 : index
        %swap3A_815 = tpu.vector_load %arg8[%swap3A_814] {strides = array<i32>} : memref<400xf32, #tpu.memory_space<vmem>>, vector<16xf32>,
        tpu.vector_store %arg8[%swap3A_814], %select_n3A_813 {strides = array<i32>} : memref<400xf32, #tpu.memory_space<vmem>>, vector<16xf32>,
        %gt3A_816 = arith.cmpf ogt, %select_n3A_813, %select_n3A_794 : vector<16xf32>
        %select_n3A_817 = arith.select %gt3A_816, %select_n3A_813, %select_n3A_794 : vector<16xi1>, vector<16xf32>
        %broadcast_in_dim3A_818 = arith.constant 15 : i32
        %broadcast_in_dim3A_819 = vector.broadcast %broadcast_in_dim3A_818 : i32 to vector<16xi32>
        %select_n3A_820 = arith.select %gt3A_816, %broadcast_in_dim3A_819, %select_n3A_797 : vector<16xi1>, vector<16xi32>
        %get3A_821 = arith.constant 256 : index
        %get3A_822 = tpu.vector_load %arg8[%get3A_821] {strides = array<i32>} : memref<400xf32, #tpu.memory_space<vmem>>, vector<16xf32>,
        %get3A_823 = arith.index_cast %get3A_382 : i32 to index
        %get3A_824 = arith.constant 256 : index
        %get3A_825 = tpu.vector_load %arg9[%get3A_823, %get3A_824] {strides = array<i32>} : memref<2x384xf32, #tpu.memory_space<vmem>>, vector<16xf32>,
        %add3A_826 = arith.constant 256 : i32
        %add3A_827 = arith.addi %multiple_of3A, %add3A_826 : i32
        %add3A_828 = vector.broadcast %add3A_827 : i32 to vector<16xi32>
        %add3A_829 = arith.addi %add3A_828, %iota3A : vector<16xi32>
        %gt3A_830 = arith.constant 0.899999976 : f32
        %gt3A_831 = vector.broadcast %gt3A_830 : f32 to vector<16xf32>
        %gt3A_832 = arith.cmpf ogt, %get3A_825, %gt3A_831 : vector<16xf32>
        %eq3A_833 = vector.broadcast %get3A_387 : i32 to vector<16xi32>
        %eq3A_834 = arith.cmpi eq, %add3A_829, %eq3A_833 : vector<16xi32>
        %or3A_835 = arith.ori %gt3A_832, %eq3A_834 : vector<16xi1>
        %select_n3A_836 = arith.select %or3A_835, %broadcast_in_dim3A_2, %get3A_822 : vector<16xi1>, vector<16xf32>
        %swap3A_837 = arith.constant 256 : index
        %swap3A_838 = tpu.vector_load %arg8[%swap3A_837] {strides = array<i32>} : memref<400xf32, #tpu.memory_space<vmem>>, vector<16xf32>,
        tpu.vector_store %arg8[%swap3A_837], %select_n3A_836 {strides = array<i32>} : memref<400xf32, #tpu.memory_space<vmem>>, vector<16xf32>,
        %gt3A_839 = arith.cmpf ogt, %select_n3A_836, %select_n3A_817 : vector<16xf32>
        %select_n3A_840 = arith.select %gt3A_839, %select_n3A_836, %select_n3A_817 : vector<16xi1>, vector<16xf32>
        %broadcast_in_dim3A_841 = arith.constant 16 : i32
        %broadcast_in_dim3A_842 = vector.broadcast %broadcast_in_dim3A_841 : i32 to vector<16xi32>
        %select_n3A_843 = arith.select %gt3A_839, %broadcast_in_dim3A_842, %select_n3A_820 : vector<16xi1>, vector<16xi32>
        %get3A_844 = arith.constant 272 : index
        %get3A_845 = tpu.vector_load %arg8[%get3A_844] {strides = array<i32>} : memref<400xf32, #tpu.memory_space<vmem>>, vector<16xf32>,
        %get3A_846 = arith.index_cast %get3A_382 : i32 to index
        %get3A_847 = arith.constant 272 : index
        %get3A_848 = tpu.vector_load %arg9[%get3A_846, %get3A_847] {strides = array<i32>} : memref<2x384xf32, #tpu.memory_space<vmem>>, vector<16xf32>,
        %add3A_849 = arith.constant 272 : i32
        %add3A_850 = arith.addi %multiple_of3A, %add3A_849 : i32
        %add3A_851 = vector.broadcast %add3A_850 : i32 to vector<16xi32>
        %add3A_852 = arith.addi %add3A_851, %iota3A : vector<16xi32>
        %gt3A_853 = arith.constant 0.899999976 : f32
        %gt3A_854 = vector.broadcast %gt3A_853 : f32 to vector<16xf32>
        %gt3A_855 = arith.cmpf ogt, %get3A_848, %gt3A_854 : vector<16xf32>
        %eq3A_856 = vector.broadcast %get3A_387 : i32 to vector<16xi32>
        %eq3A_857 = arith.cmpi eq, %add3A_852, %eq3A_856 : vector<16xi32>
        %or3A_858 = arith.ori %gt3A_855, %eq3A_857 : vector<16xi1>
        %select_n3A_859 = arith.select %or3A_858, %broadcast_in_dim3A_2, %get3A_845 : vector<16xi1>, vector<16xf32>
        %swap3A_860 = arith.constant 272 : index
        %swap3A_861 = tpu.vector_load %arg8[%swap3A_860] {strides = array<i32>} : memref<400xf32, #tpu.memory_space<vmem>>, vector<16xf32>,
        tpu.vector_store %arg8[%swap3A_860], %select_n3A_859 {strides = array<i32>} : memref<400xf32, #tpu.memory_space<vmem>>, vector<16xf32>,
        %gt3A_862 = arith.cmpf ogt, %select_n3A_859, %select_n3A_840 : vector<16xf32>
        %select_n3A_863 = arith.select %gt3A_862, %select_n3A_859, %select_n3A_840 : vector<16xi1>, vector<16xf32>
        %broadcast_in_dim3A_864 = arith.constant 17 : i32
        %broadcast_in_dim3A_865 = vector.broadcast %broadcast_in_dim3A_864 : i32 to vector<16xi32>
        %select_n3A_866 = arith.select %gt3A_862, %broadcast_in_dim3A_865, %select_n3A_843 : vector<16xi1>, vector<16xi32>
        %get3A_867 = arith.constant 288 : index
        %get3A_868 = tpu.vector_load %arg8[%get3A_867] {strides = array<i32>} : memref<400xf32, #tpu.memory_space<vmem>>, vector<16xf32>,
        %get3A_869 = arith.index_cast %get3A_382 : i32 to index
        %get3A_870 = arith.constant 288 : index
        %get3A_871 = tpu.vector_load %arg9[%get3A_869, %get3A_870] {strides = array<i32>} : memref<2x384xf32, #tpu.memory_space<vmem>>, vector<16xf32>,
        %add3A_872 = arith.constant 288 : i32
        %add3A_873 = arith.addi %multiple_of3A, %add3A_872 : i32
        %add3A_874 = vector.broadcast %add3A_873 : i32 to vector<16xi32>
        %add3A_875 = arith.addi %add3A_874, %iota3A : vector<16xi32>
        %gt3A_876 = arith.constant 0.899999976 : f32
        %gt3A_877 = vector.broadcast %gt3A_876 : f32 to vector<16xf32>
        %gt3A_878 = arith.cmpf ogt, %get3A_871, %gt3A_877 : vector<16xf32>
        %eq3A_879 = vector.broadcast %get3A_387 : i32 to vector<16xi32>
        %eq3A_880 = arith.cmpi eq, %add3A_875, %eq3A_879 : vector<16xi32>
        %or3A_881 = arith.ori %gt3A_878, %eq3A_880 : vector<16xi1>
        %select_n3A_882 = arith.select %or3A_881, %broadcast_in_dim3A_2, %get3A_868 : vector<16xi1>, vector<16xf32>
        %swap3A_883 = arith.constant 288 : index
        %swap3A_884 = tpu.vector_load %arg8[%swap3A_883] {strides = array<i32>} : memref<400xf32, #tpu.memory_space<vmem>>, vector<16xf32>,
        tpu.vector_store %arg8[%swap3A_883], %select_n3A_882 {strides = array<i32>} : memref<400xf32, #tpu.memory_space<vmem>>, vector<16xf32>,
        %gt3A_885 = arith.cmpf ogt, %select_n3A_882, %select_n3A_863 : vector<16xf32>
        %select_n3A_886 = arith.select %gt3A_885, %select_n3A_882, %select_n3A_863 : vector<16xi1>, vector<16xf32>
        %broadcast_in_dim3A_887 = arith.constant 18 : i32
        %broadcast_in_dim3A_888 = vector.broadcast %broadcast_in_dim3A_887 : i32 to vector<16xi32>
        %select_n3A_889 = arith.select %gt3A_885, %broadcast_in_dim3A_888, %select_n3A_866 : vector<16xi1>, vector<16xi32>
        %get3A_890 = arith.constant 304 : index
        %get3A_891 = tpu.vector_load %arg8[%get3A_890] {strides = array<i32>} : memref<400xf32, #tpu.memory_space<vmem>>, vector<16xf32>,
        %get3A_892 = arith.index_cast %get3A_382 : i32 to index
        %get3A_893 = arith.constant 304 : index
        %get3A_894 = tpu.vector_load %arg9[%get3A_892, %get3A_893] {strides = array<i32>} : memref<2x384xf32, #tpu.memory_space<vmem>>, vector<16xf32>,
        %add3A_895 = arith.constant 304 : i32
        %add3A_896 = arith.addi %multiple_of3A, %add3A_895 : i32
        %add3A_897 = vector.broadcast %add3A_896 : i32 to vector<16xi32>
        %add3A_898 = arith.addi %add3A_897, %iota3A : vector<16xi32>
        %gt3A_899 = arith.constant 0.899999976 : f32
        %gt3A_900 = vector.broadcast %gt3A_899 : f32 to vector<16xf32>
        %gt3A_901 = arith.cmpf ogt, %get3A_894, %gt3A_900 : vector<16xf32>
        %eq3A_902 = vector.broadcast %get3A_387 : i32 to vector<16xi32>
        %eq3A_903 = arith.cmpi eq, %add3A_898, %eq3A_902 : vector<16xi32>
        %or3A_904 = arith.ori %gt3A_901, %eq3A_903 : vector<16xi1>
        %select_n3A_905 = arith.select %or3A_904, %broadcast_in_dim3A_2, %get3A_891 : vector<16xi1>, vector<16xf32>
        %swap3A_906 = arith.constant 304 : index
        %swap3A_907 = tpu.vector_load %arg8[%swap3A_906] {strides = array<i32>} : memref<400xf32, #tpu.memory_space<vmem>>, vector<16xf32>,
        tpu.vector_store %arg8[%swap3A_906], %select_n3A_905 {strides = array<i32>} : memref<400xf32, #tpu.memory_space<vmem>>, vector<16xf32>,
        %gt3A_908 = arith.cmpf ogt, %select_n3A_905, %select_n3A_886 : vector<16xf32>
        %select_n3A_909 = arith.select %gt3A_908, %select_n3A_905, %select_n3A_886 : vector<16xi1>, vector<16xf32>
        %broadcast_in_dim3A_910 = arith.constant 19 : i32
        %broadcast_in_dim3A_911 = vector.broadcast %broadcast_in_dim3A_910 : i32 to vector<16xi32>
        %select_n3A_912 = arith.select %gt3A_908, %broadcast_in_dim3A_911, %select_n3A_889 : vector<16xi1>, vector<16xi32>
        %get3A_913 = arith.constant 320 : index
        %get3A_914 = tpu.vector_load %arg8[%get3A_913] {strides = array<i32>} : memref<400xf32, #tpu.memory_space<vmem>>, vector<16xf32>,
        %get3A_915 = arith.index_cast %get3A_382 : i32 to index
        %get3A_916 = arith.constant 320 : index
        %get3A_917 = tpu.vector_load %arg9[%get3A_915, %get3A_916] {strides = array<i32>} : memref<2x384xf32, #tpu.memory_space<vmem>>, vector<16xf32>,
        %add3A_918 = arith.constant 320 : i32
        %add3A_919 = arith.addi %multiple_of3A, %add3A_918 : i32
        %add3A_920 = vector.broadcast %add3A_919 : i32 to vector<16xi32>
        %add3A_921 = arith.addi %add3A_920, %iota3A : vector<16xi32>
        %gt3A_922 = arith.constant 0.899999976 : f32
        %gt3A_923 = vector.broadcast %gt3A_922 : f32 to vector<16xf32>
        %gt3A_924 = arith.cmpf ogt, %get3A_917, %gt3A_923 : vector<16xf32>
        %eq3A_925 = vector.broadcast %get3A_387 : i32 to vector<16xi32>
        %eq3A_926 = arith.cmpi eq, %add3A_921, %eq3A_925 : vector<16xi32>
        %or3A_927 = arith.ori %gt3A_924, %eq3A_926 : vector<16xi1>
        %select_n3A_928 = arith.select %or3A_927, %broadcast_in_dim3A_2, %get3A_914 : vector<16xi1>, vector<16xf32>
        %swap3A_929 = arith.constant 320 : index
        %swap3A_930 = tpu.vector_load %arg8[%swap3A_929] {strides = array<i32>} : memref<400xf32, #tpu.memory_space<vmem>>, vector<16xf32>,
        tpu.vector_store %arg8[%swap3A_929], %select_n3A_928 {strides = array<i32>} : memref<400xf32, #tpu.memory_space<vmem>>, vector<16xf32>,
        %gt3A_931 = arith.cmpf ogt, %select_n3A_928, %select_n3A_909 : vector<16xf32>
        %select_n3A_932 = arith.select %gt3A_931, %select_n3A_928, %select_n3A_909 : vector<16xi1>, vector<16xf32>
        %broadcast_in_dim3A_933 = arith.constant 20 : i32
        %broadcast_in_dim3A_934 = vector.broadcast %broadcast_in_dim3A_933 : i32 to vector<16xi32>
        %select_n3A_935 = arith.select %gt3A_931, %broadcast_in_dim3A_934, %select_n3A_912 : vector<16xi1>, vector<16xi32>
        %get3A_936 = arith.constant 336 : index
        %get3A_937 = tpu.vector_load %arg8[%get3A_936] {strides = array<i32>} : memref<400xf32, #tpu.memory_space<vmem>>, vector<16xf32>,
        %get3A_938 = arith.index_cast %get3A_382 : i32 to index
        %get3A_939 = arith.constant 336 : index
        %get3A_940 = tpu.vector_load %arg9[%get3A_938, %get3A_939] {strides = array<i32>} : memref<2x384xf32, #tpu.memory_space<vmem>>, vector<16xf32>,
        %add3A_941 = arith.constant 336 : i32
        %add3A_942 = arith.addi %multiple_of3A, %add3A_941 : i32
        %add3A_943 = vector.broadcast %add3A_942 : i32 to vector<16xi32>
        %add3A_944 = arith.addi %add3A_943, %iota3A : vector<16xi32>
        %gt3A_945 = arith.constant 0.899999976 : f32
        %gt3A_946 = vector.broadcast %gt3A_945 : f32 to vector<16xf32>
        %gt3A_947 = arith.cmpf ogt, %get3A_940, %gt3A_946 : vector<16xf32>
        %eq3A_948 = vector.broadcast %get3A_387 : i32 to vector<16xi32>
        %eq3A_949 = arith.cmpi eq, %add3A_944, %eq3A_948 : vector<16xi32>
        %or3A_950 = arith.ori %gt3A_947, %eq3A_949 : vector<16xi1>
        %select_n3A_951 = arith.select %or3A_950, %broadcast_in_dim3A_2, %get3A_937 : vector<16xi1>, vector<16xf32>
        %swap3A_952 = arith.constant 336 : index
        %swap3A_953 = tpu.vector_load %arg8[%swap3A_952] {strides = array<i32>} : memref<400xf32, #tpu.memory_space<vmem>>, vector<16xf32>,
        tpu.vector_store %arg8[%swap3A_952], %select_n3A_951 {strides = array<i32>} : memref<400xf32, #tpu.memory_space<vmem>>, vector<16xf32>,
        %gt3A_954 = arith.cmpf ogt, %select_n3A_951, %select_n3A_932 : vector<16xf32>
        %select_n3A_955 = arith.select %gt3A_954, %select_n3A_951, %select_n3A_932 : vector<16xi1>, vector<16xf32>
        %broadcast_in_dim3A_956 = arith.constant 21 : i32
        %broadcast_in_dim3A_957 = vector.broadcast %broadcast_in_dim3A_956 : i32 to vector<16xi32>
        %select_n3A_958 = arith.select %gt3A_954, %broadcast_in_dim3A_957, %select_n3A_935 : vector<16xi1>, vector<16xi32>
        %get3A_959 = arith.constant 352 : index
        %get3A_960 = tpu.vector_load %arg8[%get3A_959] {strides = array<i32>} : memref<400xf32, #tpu.memory_space<vmem>>, vector<16xf32>,
        %get3A_961 = arith.index_cast %get3A_382 : i32 to index
        %get3A_962 = arith.constant 352 : index
        %get3A_963 = tpu.vector_load %arg9[%get3A_961, %get3A_962] {strides = array<i32>} : memref<2x384xf32, #tpu.memory_space<vmem>>, vector<16xf32>,
        %add3A_964 = arith.constant 352 : i32
        %add3A_965 = arith.addi %multiple_of3A, %add3A_964 : i32
        %add3A_966 = vector.broadcast %add3A_965 : i32 to vector<16xi32>
        %add3A_967 = arith.addi %add3A_966, %iota3A : vector<16xi32>
        %gt3A_968 = arith.constant 0.899999976 : f32
        %gt3A_969 = vector.broadcast %gt3A_968 : f32 to vector<16xf32>
        %gt3A_970 = arith.cmpf ogt, %get3A_963, %gt3A_969 : vector<16xf32>
        %eq3A_971 = vector.broadcast %get3A_387 : i32 to vector<16xi32>
        %eq3A_972 = arith.cmpi eq, %add3A_967, %eq3A_971 : vector<16xi32>
        %or3A_973 = arith.ori %gt3A_970, %eq3A_972 : vector<16xi1>
        %select_n3A_974 = arith.select %or3A_973, %broadcast_in_dim3A_2, %get3A_960 : vector<16xi1>, vector<16xf32>
        %swap3A_975 = arith.constant 352 : index
        %swap3A_976 = tpu.vector_load %arg8[%swap3A_975] {strides = array<i32>} : memref<400xf32, #tpu.memory_space<vmem>>, vector<16xf32>,
        tpu.vector_store %arg8[%swap3A_975], %select_n3A_974 {strides = array<i32>} : memref<400xf32, #tpu.memory_space<vmem>>, vector<16xf32>,
        %gt3A_977 = arith.cmpf ogt, %select_n3A_974, %select_n3A_955 : vector<16xf32>
        %select_n3A_978 = arith.select %gt3A_977, %select_n3A_974, %select_n3A_955 : vector<16xi1>, vector<16xf32>
        %broadcast_in_dim3A_979 = arith.constant 22 : i32
        %broadcast_in_dim3A_980 = vector.broadcast %broadcast_in_dim3A_979 : i32 to vector<16xi32>
        %select_n3A_981 = arith.select %gt3A_977, %broadcast_in_dim3A_980, %select_n3A_958 : vector<16xi1>, vector<16xi32>
        %get3A_982 = arith.constant 368 : index
        %get3A_983 = tpu.vector_load %arg8[%get3A_982] {strides = array<i32>} : memref<400xf32, #tpu.memory_space<vmem>>, vector<16xf32>,
        %get3A_984 = arith.index_cast %get3A_382 : i32 to index
        %get3A_985 = arith.constant 368 : index
        %get3A_986 = tpu.vector_load %arg9[%get3A_984, %get3A_985] {strides = array<i32>} : memref<2x384xf32, #tpu.memory_space<vmem>>, vector<16xf32>,
        %add3A_987 = arith.constant 368 : i32
        %add3A_988 = arith.addi %multiple_of3A, %add3A_987 : i32
        %add3A_989 = vector.broadcast %add3A_988 : i32 to vector<16xi32>
        %add3A_990 = arith.addi %add3A_989, %iota3A : vector<16xi32>
        %gt3A_991 = arith.constant 0.899999976 : f32
        %gt3A_992 = vector.broadcast %gt3A_991 : f32 to vector<16xf32>
        %gt3A_993 = arith.cmpf ogt, %get3A_986, %gt3A_992 : vector<16xf32>
        %eq3A_994 = vector.broadcast %get3A_387 : i32 to vector<16xi32>
        %eq3A_995 = arith.cmpi eq, %add3A_990, %eq3A_994 : vector<16xi32>
        %or3A_996 = arith.ori %gt3A_993, %eq3A_995 : vector<16xi1>
        %select_n3A_997 = arith.select %or3A_996, %broadcast_in_dim3A_2, %get3A_983 : vector<16xi1>, vector<16xf32>
        %swap3A_998 = arith.constant 368 : index
        %swap3A_999 = tpu.vector_load %arg8[%swap3A_998] {strides = array<i32>} : memref<400xf32, #tpu.memory_space<vmem>>, vector<16xf32>,
        tpu.vector_store %arg8[%swap3A_998], %select_n3A_997 {strides = array<i32>} : memref<400xf32, #tpu.memory_space<vmem>>, vector<16xf32>,
        %gt3A_1000 = arith.cmpf ogt, %select_n3A_997, %select_n3A_978 : vector<16xf32>
        %select_n3A_1001 = arith.select %gt3A_1000, %select_n3A_997, %select_n3A_978 : vector<16xi1>, vector<16xf32>
        %broadcast_in_dim3A_1002 = arith.constant 23 : i32
        %broadcast_in_dim3A_1003 = vector.broadcast %broadcast_in_dim3A_1002 : i32 to vector<16xi32>
        %select_n3A_1004 = arith.select %gt3A_1000, %broadcast_in_dim3A_1003, %select_n3A_981 : vector<16xi1>, vector<16xi32>
        %get3A_1005 = arith.constant 384 : index
        %get3A_1006 = tpu.vector_load %arg8[%get3A_1005] {strides = array<i32>} : memref<400xf32, #tpu.memory_space<vmem>>, vector<16xf32>,
        %jit3A_1007 = arith.constant 1 : i32
        %jit3A_1008 = arith.constant 0 : i32
        %select_n3A_1009 = arith.select %eq3A_384, %jit3A_1007, %jit3A_1008 : i32
        %broadcast_in_dim3A_1010 = vector.broadcast %select_n3A_1009 : i32 to vector<16xi32>
        %lt3A = arith.constant 8 : i32
        %lt3A_1011 = vector.broadcast %lt3A : i32 to vector<16xi32>
        %lt3A_1012 = arith.cmpi slt, %iota3A, %lt3A_1011 : vector<16xi32>
        %jit3A_1013 = arith.constant 0 : i32
        %broadcast_in_dim3A_1014 = vector.broadcast %jit3A_1013 : i32 to vector<16xi32>
        %select_n3A_1015 = arith.select %lt3A_1012, %iota3A, %broadcast_in_dim3A_1014 : vector<16xi1>, vector<16xi32>
        %gather3A_1016 = tpu.vector_load_idx %arg19[%broadcast_in_dim3A_1010, %select_n3A_1015] : memref<2x8xf32, #tpu.memory_space<vmem>>[vector<16xi32>, vector<16xi32>], vector<16xf32>,
        %add3A_1017 = arith.constant 4992 : i32
        %add3A_1018 = vector.broadcast %add3A_1017 : i32 to vector<16xi32>
        %add3A_1019 = arith.addi %add3A_1018, %iota3A : vector<16xi32>
        %gt3A_1020 = arith.constant 0.899999976 : f32
        %gt3A_1021 = vector.broadcast %gt3A_1020 : f32 to vector<16xf32>
        %gt3A_1022 = arith.cmpf ogt, %gather3A_1016, %gt3A_1021 : vector<16xf32>
        %lt3A_1023 = arith.constant 8 : i32
        %lt3A_1024 = vector.broadcast %lt3A_1023 : i32 to vector<16xi32>
        %lt3A_1025 = arith.cmpi slt, %iota3A, %lt3A_1024 : vector<16xi32>
        %and3A_1026 = arith.andi %gt3A_1022, %lt3A_1025 : vector<16xi1>
        %eq3A_1027 = vector.broadcast %get3A_387 : i32 to vector<16xi32>
        %eq3A_1028 = arith.cmpi eq, %add3A_1019, %eq3A_1027 : vector<16xi32>
        %or3A_1029 = arith.ori %and3A_1026, %eq3A_1028 : vector<16xi1>
        %select_n3A_1030 = arith.select %or3A_1029, %broadcast_in_dim3A_2, %get3A_1006 : vector<16xi1>, vector<16xf32>
        %swap3A_1031 = arith.constant 384 : index
        %swap3A_1032 = tpu.vector_load %arg8[%swap3A_1031] {strides = array<i32>} : memref<400xf32, #tpu.memory_space<vmem>>, vector<16xf32>,
        tpu.vector_store %arg8[%swap3A_1031], %select_n3A_1030 {strides = array<i32>} : memref<400xf32, #tpu.memory_space<vmem>>, vector<16xf32>,
        %gt3A_1033 = arith.cmpf ogt, %select_n3A_1030, %select_n3A_1001 : vector<16xf32>
        %select_n3A_1034 = arith.select %gt3A_1033, %select_n3A_1030, %select_n3A_1001 : vector<16xi1>, vector<16xf32>
        %broadcast_in_dim3A_1035 = arith.constant 24 : i32
        %broadcast_in_dim3A_1036 = vector.broadcast %broadcast_in_dim3A_1035 : i32 to vector<16xi32>
        %select_n3A_1037 = arith.select %gt3A_1033, %broadcast_in_dim3A_1036, %select_n3A_1004 : vector<16xi1>, vector<16xi32>
        %mul3A_1038 = arith.constant 16 : i32
        %mul3A_1039 = vector.broadcast %mul3A_1038 : i32 to vector<16xi32>
        %mul3A_1040 = arith.muli %select_n3A_1037, %mul3A_1039 : vector<16xi32>
        %add3A_1041 = vector.broadcast %multiple_of3A : i32 to vector<16xi32>
        %add3A_1042 = arith.addi %add3A_1041, %mul3A_1040 : vector<16xi32>
        %add3A_1043 = arith.addi %add3A_1042, %iota3A : vector<16xi32>
        %reduce_max3A_1044 = arith.constant true
        %reduce_max3A_1045 = vector.broadcast %reduce_max3A_1044 : i1 to vector<16xi1>
        %reduce_max3A_1046 = tpu.scan <max>, %select_n3A_1034 masked %reduce_max3A_1045 : vector<16xf32>, vector<16xi1> -> vector<16xf32>
        %reduce_max3A_1047 = vector.extract %reduce_max3A_1046[15] : f32 from vector<16xf32>
        %eq3A_1048 = vector.broadcast %reduce_max3A_1047 : f32 to vector<16xf32>
        %eq3A_1049 = arith.cmpf oeq, %select_n3A_1034, %eq3A_1048 : vector<16xf32>
        %jit3A_1050 = arith.constant 1073741824 : i32
        %broadcast_in_dim3A_1051 = vector.broadcast %jit3A_1050 : i32 to vector<16xi32>
        %select_n3A_1052 = arith.select %eq3A_1049, %add3A_1043, %broadcast_in_dim3A_1051 : vector<16xi1>, vector<16xi32>
        %reduce_min3A_1053 = arith.constant true
        %reduce_min3A_1054 = vector.broadcast %reduce_min3A_1053 : i1 to vector<16xi1>
        %reduce_min3A_1055 = arith.constant -2147483648 : i32
        %reduce_min3A_1056 = vector.broadcast %reduce_min3A_1055 : i32 to vector<16xi32>
        %reduce_min3A_1057 = arith.xori %select_n3A_1052, %reduce_min3A_1056 : vector<16xi32>
        %reduce_min3A_1058 = tpu.scan <min>, %reduce_min3A_1057 masked %reduce_min3A_1054 : vector<16xi32>, vector<16xi1> -> vector<16xi32>
        %reduce_min3A_1059 = arith.xori %reduce_min3A_1058, %reduce_min3A_1056 : vector<16xi32>
        %reduce_min3A_1060 = vector.extract %reduce_min3A_1059[15] : i32 from vector<16xi32>
        %eq3A_1061 = arith.constant 0 : i32
        %eq3A_1062 = vector.broadcast %eq3A_1061 : i32 to vector<16xi32>
        %eq3A_1063 = arith.cmpi eq, %iota3A, %eq3A_1062 : vector<16xi32>
        %broadcast_in_dim3A_1064 = vector.broadcast %reduce_max3A_1047 : f32 to vector<16xf32>
        %broadcast_in_dim3A_1065 = vector.broadcast %reduce_min3A_1060 : i32 to vector<16xi32>
        %bitcast3A_1066 = vector.bitcast %broadcast_in_dim3A_1065 : vector<16xi32> to vector<16xf32>
        %select_n3A_1067 = arith.select %eq3A_1063, %broadcast_in_dim3A_1064, %bitcast3A_1066 : vector<16xi1>, vector<16xf32>
        %swap3A_1068 = arith.constant 0 : index
        %swap3A_1069 = tpu.vector_load %arg16[%swap3A_1068] {strides = array<i32>} : memref<16xf32, #tpu.memory_space<vmem>>, vector<16xf32>,
        tpu.vector_store %arg16[%swap3A_1068], %select_n3A_1067 {strides = array<i32>} : memref<16xf32, #tpu.memory_space<vmem>>, vector<16xf32>,
      } else {
      }
      %eq3A_398 = arith.constant 2 : i32
      %eq3A_399 = arith.cmpi eq, %get3A_379, %eq3A_398 : i32
      %convert_element_type3A_400 = arith.extui %eq3A_399 : i1 to i32
      %cond3A_401 = arith.constant 0 : i32
      %cond3A_402 = arith.cmpi ne, %convert_element_type3A_400, %cond3A_401 : i32
      scf.if %cond3A_402 {
        %dma_wait3A = arith.constant 0 : i32
        %dma_wait3A_446 = tpu.memref_slice %arg2[%arg0, %dma_wait3A, %multiple_of3A] : memref<2x5000x5000xf32, #tpu.memory_space<hbm>> -> memref<1x2x384xf32, #tpu.memory_space<hbm>>
        %dma_wait3A_447 = tpu.memref_squeeze %dma_wait3A_446 : memref<1x2x384xf32, #tpu.memory_space<hbm>> -> memref<2x384xf32, #tpu.memory_space<hbm>>
        %dma_wait3A_448 = arith.constant 0 : i32
        %dma_wait3A_449 = tpu.memref_slice %arg2[%arg0, %dma_wait3A_448, %multiple_of3A] : memref<2x5000x5000xf32, #tpu.memory_space<hbm>> -> memref<1x2x384xf32, #tpu.memory_space<hbm>>
        %dma_wait3A_450 = tpu.memref_squeeze %dma_wait3A_449 : memref<1x2x384xf32, #tpu.memory_space<hbm>> -> memref<2x384xf32, #tpu.memory_space<hbm>>
        tpu.wait_dma2 semaphore(%arg25 : memref<!tpu.dma_semaphore, #tpu.memory_space<semaphore_mem>>) src(%dma_wait3A_450 : memref<2x384xf32, #tpu.memory_space<hbm>>) dst(%arg10 : memref<2x384xf32, #tpu.memory_space<vmem>>)
        %eq3A_451 = arith.constant 15 : i32
        %eq3A_452 = arith.cmpi eq, %arg1, %eq3A_451 : i32
        %convert_element_type3A_453 = arith.extui %eq3A_452 : i1 to i32
        %cond3A_454 = arith.constant 0 : i32
        %cond3A_455 = arith.cmpi ne, %convert_element_type3A_453, %cond3A_454 : i32
        scf.if %cond3A_455 {
          %dma_wait3A_1070 = arith.constant 0 : i32
          %dma_wait3A_1071 = arith.constant 4992 : i32
          %dma_wait3A_1072 = tpu.memref_slice %arg2[%arg0, %dma_wait3A_1070, %dma_wait3A_1071] : memref<2x5000x5000xf32, #tpu.memory_space<hbm>> -> memref<1x2x8xf32, #tpu.memory_space<hbm>>
          %dma_wait3A_1073 = tpu.memref_squeeze %dma_wait3A_1072 : memref<1x2x8xf32, #tpu.memory_space<hbm>> -> memref<2x8xf32, #tpu.memory_space<hbm>>
          %dma_wait3A_1074 = arith.constant 0 : i32
          %dma_wait3A_1075 = arith.constant 4992 : i32
          %dma_wait3A_1076 = tpu.memref_slice %arg2[%arg0, %dma_wait3A_1074, %dma_wait3A_1075] : memref<2x5000x5000xf32, #tpu.memory_space<hbm>> -> memref<1x2x8xf32, #tpu.memory_space<hbm>>
          %dma_wait3A_1077 = tpu.memref_squeeze %dma_wait3A_1076 : memref<1x2x8xf32, #tpu.memory_space<hbm>> -> memref<2x8xf32, #tpu.memory_space<hbm>>
          tpu.wait_dma2 semaphore(%arg25 : memref<!tpu.dma_semaphore, #tpu.memory_space<semaphore_mem>>) src(%dma_wait3A_1077 : memref<2x8xf32, #tpu.memory_space<hbm>>) dst(%arg20 : memref<2x8xf32, #tpu.memory_space<vmem>>)
        } else {
        }
        %broadcast_in_dim3A_456 = arith.constant 0 : i32
        %broadcast_in_dim3A_457 = vector.broadcast %broadcast_in_dim3A_456 : i32 to vector<16xi32>
        %get3A_458 = arith.constant 0 : index
        %get3A_459 = tpu.vector_load %arg8[%get3A_458] {strides = array<i32>} : memref<400xf32, #tpu.memory_space<vmem>>, vector<16xf32>,
        %get3A_460 = arith.index_cast %get3A_382 : i32 to index
        %get3A_461 = arith.constant 0 : index
        %get3A_462 = tpu.vector_load %arg10[%get3A_460, %get3A_461] {strides = array<i32>} : memref<2x384xf32, #tpu.memory_space<vmem>>, vector<16xf32>,
        %add3A_463 = arith.constant 0 : i32
        %add3A_464 = arith.addi %multiple_of3A, %add3A_463 : i32
        %add3A_465 = vector.broadcast %add3A_464 : i32 to vector<16xi32>
        %add3A_466 = arith.addi %add3A_465, %iota3A : vector<16xi32>
        %gt3A_467 = arith.constant 0.899999976 : f32
        %gt3A_468 = vector.broadcast %gt3A_467 : f32 to vector<16xf32>
        %gt3A_469 = arith.cmpf ogt, %get3A_462, %gt3A_468 : vector<16xf32>
        %eq3A_470 = vector.broadcast %get3A_387 : i32 to vector<16xi32>
        %eq3A_471 = arith.cmpi eq, %add3A_466, %eq3A_470 : vector<16xi32>
        %or3A_472 = arith.ori %gt3A_469, %eq3A_471 : vector<16xi1>
        %select_n3A_473 = arith.select %or3A_472, %broadcast_in_dim3A_2, %get3A_459 : vector<16xi1>, vector<16xf32>
        %swap3A_474 = arith.constant 0 : index
        %swap3A_475 = tpu.vector_load %arg8[%swap3A_474] {strides = array<i32>} : memref<400xf32, #tpu.memory_space<vmem>>, vector<16xf32>,
        tpu.vector_store %arg8[%swap3A_474], %select_n3A_473 {strides = array<i32>} : memref<400xf32, #tpu.memory_space<vmem>>, vector<16xf32>,
        %get3A_476 = arith.constant 16 : index
        %get3A_477 = tpu.vector_load %arg8[%get3A_476] {strides = array<i32>} : memref<400xf32, #tpu.memory_space<vmem>>, vector<16xf32>,
        %get3A_478 = arith.index_cast %get3A_382 : i32 to index
        %get3A_479 = arith.constant 16 : index
        %get3A_480 = tpu.vector_load %arg10[%get3A_478, %get3A_479] {strides = array<i32>} : memref<2x384xf32, #tpu.memory_space<vmem>>, vector<16xf32>,
        %add3A_481 = arith.constant 16 : i32
        %add3A_482 = arith.addi %multiple_of3A, %add3A_481 : i32
        %add3A_483 = vector.broadcast %add3A_482 : i32 to vector<16xi32>
        %add3A_484 = arith.addi %add3A_483, %iota3A : vector<16xi32>
        %gt3A_485 = arith.constant 0.899999976 : f32
        %gt3A_486 = vector.broadcast %gt3A_485 : f32 to vector<16xf32>
        %gt3A_487 = arith.cmpf ogt, %get3A_480, %gt3A_486 : vector<16xf32>
        %eq3A_488 = vector.broadcast %get3A_387 : i32 to vector<16xi32>
        %eq3A_489 = arith.cmpi eq, %add3A_484, %eq3A_488 : vector<16xi32>
        %or3A_490 = arith.ori %gt3A_487, %eq3A_489 : vector<16xi1>
        %select_n3A_491 = arith.select %or3A_490, %broadcast_in_dim3A_2, %get3A_477 : vector<16xi1>, vector<16xf32>
        %swap3A_492 = arith.constant 16 : index
        %swap3A_493 = tpu.vector_load %arg8[%swap3A_492] {strides = array<i32>} : memref<400xf32, #tpu.memory_space<vmem>>, vector<16xf32>,
        tpu.vector_store %arg8[%swap3A_492], %select_n3A_491 {strides = array<i32>} : memref<400xf32, #tpu.memory_space<vmem>>, vector<16xf32>,
        %gt3A_494 = arith.cmpf ogt, %select_n3A_491, %select_n3A_473 : vector<16xf32>
        %select_n3A_495 = arith.select %gt3A_494, %select_n3A_491, %select_n3A_473 : vector<16xi1>, vector<16xf32>
        %broadcast_in_dim3A_496 = arith.constant 1 : i32
        %broadcast_in_dim3A_497 = vector.broadcast %broadcast_in_dim3A_496 : i32 to vector<16xi32>
        %select_n3A_498 = arith.select %gt3A_494, %broadcast_in_dim3A_497, %broadcast_in_dim3A_457 : vector<16xi1>, vector<16xi32>
        %get3A_499 = arith.constant 32 : index
        %get3A_500 = tpu.vector_load %arg8[%get3A_499] {strides = array<i32>} : memref<400xf32, #tpu.memory_space<vmem>>, vector<16xf32>,
        %get3A_501 = arith.index_cast %get3A_382 : i32 to index
        %get3A_502 = arith.constant 32 : index
        %get3A_503 = tpu.vector_load %arg10[%get3A_501, %get3A_502] {strides = array<i32>} : memref<2x384xf32, #tpu.memory_space<vmem>>, vector<16xf32>,
        %add3A_504 = arith.constant 32 : i32
        %add3A_505 = arith.addi %multiple_of3A, %add3A_504 : i32
        %add3A_506 = vector.broadcast %add3A_505 : i32 to vector<16xi32>
        %add3A_507 = arith.addi %add3A_506, %iota3A : vector<16xi32>
        %gt3A_508 = arith.constant 0.899999976 : f32
        %gt3A_509 = vector.broadcast %gt3A_508 : f32 to vector<16xf32>
        %gt3A_510 = arith.cmpf ogt, %get3A_503, %gt3A_509 : vector<16xf32>
        %eq3A_511 = vector.broadcast %get3A_387 : i32 to vector<16xi32>
        %eq3A_512 = arith.cmpi eq, %add3A_507, %eq3A_511 : vector<16xi32>
        %or3A_513 = arith.ori %gt3A_510, %eq3A_512 : vector<16xi1>
        %select_n3A_514 = arith.select %or3A_513, %broadcast_in_dim3A_2, %get3A_500 : vector<16xi1>, vector<16xf32>
        %swap3A_515 = arith.constant 32 : index
        %swap3A_516 = tpu.vector_load %arg8[%swap3A_515] {strides = array<i32>} : memref<400xf32, #tpu.memory_space<vmem>>, vector<16xf32>,
        tpu.vector_store %arg8[%swap3A_515], %select_n3A_514 {strides = array<i32>} : memref<400xf32, #tpu.memory_space<vmem>>, vector<16xf32>,
        %gt3A_517 = arith.cmpf ogt, %select_n3A_514, %select_n3A_495 : vector<16xf32>
        %select_n3A_518 = arith.select %gt3A_517, %select_n3A_514, %select_n3A_495 : vector<16xi1>, vector<16xf32>
        %broadcast_in_dim3A_519 = arith.constant 2 : i32
        %broadcast_in_dim3A_520 = vector.broadcast %broadcast_in_dim3A_519 : i32 to vector<16xi32>
        %select_n3A_521 = arith.select %gt3A_517, %broadcast_in_dim3A_520, %select_n3A_498 : vector<16xi1>, vector<16xi32>
        %get3A_522 = arith.constant 48 : index
        %get3A_523 = tpu.vector_load %arg8[%get3A_522] {strides = array<i32>} : memref<400xf32, #tpu.memory_space<vmem>>, vector<16xf32>,
        %get3A_524 = arith.index_cast %get3A_382 : i32 to index
        %get3A_525 = arith.constant 48 : index
        %get3A_526 = tpu.vector_load %arg10[%get3A_524, %get3A_525] {strides = array<i32>} : memref<2x384xf32, #tpu.memory_space<vmem>>, vector<16xf32>,
        %add3A_527 = arith.constant 48 : i32
        %add3A_528 = arith.addi %multiple_of3A, %add3A_527 : i32
        %add3A_529 = vector.broadcast %add3A_528 : i32 to vector<16xi32>
        %add3A_530 = arith.addi %add3A_529, %iota3A : vector<16xi32>
        %gt3A_531 = arith.constant 0.899999976 : f32
        %gt3A_532 = vector.broadcast %gt3A_531 : f32 to vector<16xf32>
        %gt3A_533 = arith.cmpf ogt, %get3A_526, %gt3A_532 : vector<16xf32>
        %eq3A_534 = vector.broadcast %get3A_387 : i32 to vector<16xi32>
        %eq3A_535 = arith.cmpi eq, %add3A_530, %eq3A_534 : vector<16xi32>
        %or3A_536 = arith.ori %gt3A_533, %eq3A_535 : vector<16xi1>
        %select_n3A_537 = arith.select %or3A_536, %broadcast_in_dim3A_2, %get3A_523 : vector<16xi1>, vector<16xf32>
        %swap3A_538 = arith.constant 48 : index
        %swap3A_539 = tpu.vector_load %arg8[%swap3A_538] {strides = array<i32>} : memref<400xf32, #tpu.memory_space<vmem>>, vector<16xf32>,
        tpu.vector_store %arg8[%swap3A_538], %select_n3A_537 {strides = array<i32>} : memref<400xf32, #tpu.memory_space<vmem>>, vector<16xf32>,
        %gt3A_540 = arith.cmpf ogt, %select_n3A_537, %select_n3A_518 : vector<16xf32>
        %select_n3A_541 = arith.select %gt3A_540, %select_n3A_537, %select_n3A_518 : vector<16xi1>, vector<16xf32>
        %broadcast_in_dim3A_542 = arith.constant 3 : i32
        %broadcast_in_dim3A_543 = vector.broadcast %broadcast_in_dim3A_542 : i32 to vector<16xi32>
        %select_n3A_544 = arith.select %gt3A_540, %broadcast_in_dim3A_543, %select_n3A_521 : vector<16xi1>, vector<16xi32>
        %get3A_545 = arith.constant 64 : index
        %get3A_546 = tpu.vector_load %arg8[%get3A_545] {strides = array<i32>} : memref<400xf32, #tpu.memory_space<vmem>>, vector<16xf32>,
        %get3A_547 = arith.index_cast %get3A_382 : i32 to index
        %get3A_548 = arith.constant 64 : index
        %get3A_549 = tpu.vector_load %arg10[%get3A_547, %get3A_548] {strides = array<i32>} : memref<2x384xf32, #tpu.memory_space<vmem>>, vector<16xf32>,
        %add3A_550 = arith.constant 64 : i32
        %add3A_551 = arith.addi %multiple_of3A, %add3A_550 : i32
        %add3A_552 = vector.broadcast %add3A_551 : i32 to vector<16xi32>
        %add3A_553 = arith.addi %add3A_552, %iota3A : vector<16xi32>
        %gt3A_554 = arith.constant 0.899999976 : f32
        %gt3A_555 = vector.broadcast %gt3A_554 : f32 to vector<16xf32>
        %gt3A_556 = arith.cmpf ogt, %get3A_549, %gt3A_555 : vector<16xf32>
        %eq3A_557 = vector.broadcast %get3A_387 : i32 to vector<16xi32>
        %eq3A_558 = arith.cmpi eq, %add3A_553, %eq3A_557 : vector<16xi32>
        %or3A_559 = arith.ori %gt3A_556, %eq3A_558 : vector<16xi1>
        %select_n3A_560 = arith.select %or3A_559, %broadcast_in_dim3A_2, %get3A_546 : vector<16xi1>, vector<16xf32>
        %swap3A_561 = arith.constant 64 : index
        %swap3A_562 = tpu.vector_load %arg8[%swap3A_561] {strides = array<i32>} : memref<400xf32, #tpu.memory_space<vmem>>, vector<16xf32>,
        tpu.vector_store %arg8[%swap3A_561], %select_n3A_560 {strides = array<i32>} : memref<400xf32, #tpu.memory_space<vmem>>, vector<16xf32>,
        %gt3A_563 = arith.cmpf ogt, %select_n3A_560, %select_n3A_541 : vector<16xf32>
        %select_n3A_564 = arith.select %gt3A_563, %select_n3A_560, %select_n3A_541 : vector<16xi1>, vector<16xf32>
        %broadcast_in_dim3A_565 = arith.constant 4 : i32
        %broadcast_in_dim3A_566 = vector.broadcast %broadcast_in_dim3A_565 : i32 to vector<16xi32>
        %select_n3A_567 = arith.select %gt3A_563, %broadcast_in_dim3A_566, %select_n3A_544 : vector<16xi1>, vector<16xi32>
        %get3A_568 = arith.constant 80 : index
        %get3A_569 = tpu.vector_load %arg8[%get3A_568] {strides = array<i32>} : memref<400xf32, #tpu.memory_space<vmem>>, vector<16xf32>,
        %get3A_570 = arith.index_cast %get3A_382 : i32 to index
        %get3A_571 = arith.constant 80 : index
        %get3A_572 = tpu.vector_load %arg10[%get3A_570, %get3A_571] {strides = array<i32>} : memref<2x384xf32, #tpu.memory_space<vmem>>, vector<16xf32>,
        %add3A_573 = arith.constant 80 : i32
        %add3A_574 = arith.addi %multiple_of3A, %add3A_573 : i32
        %add3A_575 = vector.broadcast %add3A_574 : i32 to vector<16xi32>
        %add3A_576 = arith.addi %add3A_575, %iota3A : vector<16xi32>
        %gt3A_577 = arith.constant 0.899999976 : f32
        %gt3A_578 = vector.broadcast %gt3A_577 : f32 to vector<16xf32>
        %gt3A_579 = arith.cmpf ogt, %get3A_572, %gt3A_578 : vector<16xf32>
        %eq3A_580 = vector.broadcast %get3A_387 : i32 to vector<16xi32>
        %eq3A_581 = arith.cmpi eq, %add3A_576, %eq3A_580 : vector<16xi32>
        %or3A_582 = arith.ori %gt3A_579, %eq3A_581 : vector<16xi1>
        %select_n3A_583 = arith.select %or3A_582, %broadcast_in_dim3A_2, %get3A_569 : vector<16xi1>, vector<16xf32>
        %swap3A_584 = arith.constant 80 : index
        %swap3A_585 = tpu.vector_load %arg8[%swap3A_584] {strides = array<i32>} : memref<400xf32, #tpu.memory_space<vmem>>, vector<16xf32>,
        tpu.vector_store %arg8[%swap3A_584], %select_n3A_583 {strides = array<i32>} : memref<400xf32, #tpu.memory_space<vmem>>, vector<16xf32>,
        %gt3A_586 = arith.cmpf ogt, %select_n3A_583, %select_n3A_564 : vector<16xf32>
        %select_n3A_587 = arith.select %gt3A_586, %select_n3A_583, %select_n3A_564 : vector<16xi1>, vector<16xf32>
        %broadcast_in_dim3A_588 = arith.constant 5 : i32
        %broadcast_in_dim3A_589 = vector.broadcast %broadcast_in_dim3A_588 : i32 to vector<16xi32>
        %select_n3A_590 = arith.select %gt3A_586, %broadcast_in_dim3A_589, %select_n3A_567 : vector<16xi1>, vector<16xi32>
        %get3A_591 = arith.constant 96 : index
        %get3A_592 = tpu.vector_load %arg8[%get3A_591] {strides = array<i32>} : memref<400xf32, #tpu.memory_space<vmem>>, vector<16xf32>,
        %get3A_593 = arith.index_cast %get3A_382 : i32 to index
        %get3A_594 = arith.constant 96 : index
        %get3A_595 = tpu.vector_load %arg10[%get3A_593, %get3A_594] {strides = array<i32>} : memref<2x384xf32, #tpu.memory_space<vmem>>, vector<16xf32>,
        %add3A_596 = arith.constant 96 : i32
        %add3A_597 = arith.addi %multiple_of3A, %add3A_596 : i32
        %add3A_598 = vector.broadcast %add3A_597 : i32 to vector<16xi32>
        %add3A_599 = arith.addi %add3A_598, %iota3A : vector<16xi32>
        %gt3A_600 = arith.constant 0.899999976 : f32
        %gt3A_601 = vector.broadcast %gt3A_600 : f32 to vector<16xf32>
        %gt3A_602 = arith.cmpf ogt, %get3A_595, %gt3A_601 : vector<16xf32>
        %eq3A_603 = vector.broadcast %get3A_387 : i32 to vector<16xi32>
        %eq3A_604 = arith.cmpi eq, %add3A_599, %eq3A_603 : vector<16xi32>
        %or3A_605 = arith.ori %gt3A_602, %eq3A_604 : vector<16xi1>
        %select_n3A_606 = arith.select %or3A_605, %broadcast_in_dim3A_2, %get3A_592 : vector<16xi1>, vector<16xf32>
        %swap3A_607 = arith.constant 96 : index
        %swap3A_608 = tpu.vector_load %arg8[%swap3A_607] {strides = array<i32>} : memref<400xf32, #tpu.memory_space<vmem>>, vector<16xf32>,
        tpu.vector_store %arg8[%swap3A_607], %select_n3A_606 {strides = array<i32>} : memref<400xf32, #tpu.memory_space<vmem>>, vector<16xf32>,
        %gt3A_609 = arith.cmpf ogt, %select_n3A_606, %select_n3A_587 : vector<16xf32>
        %select_n3A_610 = arith.select %gt3A_609, %select_n3A_606, %select_n3A_587 : vector<16xi1>, vector<16xf32>
        %broadcast_in_dim3A_611 = arith.constant 6 : i32
        %broadcast_in_dim3A_612 = vector.broadcast %broadcast_in_dim3A_611 : i32 to vector<16xi32>
        %select_n3A_613 = arith.select %gt3A_609, %broadcast_in_dim3A_612, %select_n3A_590 : vector<16xi1>, vector<16xi32>
        %get3A_614 = arith.constant 112 : index
        %get3A_615 = tpu.vector_load %arg8[%get3A_614] {strides = array<i32>} : memref<400xf32, #tpu.memory_space<vmem>>, vector<16xf32>,
        %get3A_616 = arith.index_cast %get3A_382 : i32 to index
        %get3A_617 = arith.constant 112 : index
        %get3A_618 = tpu.vector_load %arg10[%get3A_616, %get3A_617] {strides = array<i32>} : memref<2x384xf32, #tpu.memory_space<vmem>>, vector<16xf32>,
        %add3A_619 = arith.constant 112 : i32
        %add3A_620 = arith.addi %multiple_of3A, %add3A_619 : i32
        %add3A_621 = vector.broadcast %add3A_620 : i32 to vector<16xi32>
        %add3A_622 = arith.addi %add3A_621, %iota3A : vector<16xi32>
        %gt3A_623 = arith.constant 0.899999976 : f32
        %gt3A_624 = vector.broadcast %gt3A_623 : f32 to vector<16xf32>
        %gt3A_625 = arith.cmpf ogt, %get3A_618, %gt3A_624 : vector<16xf32>
        %eq3A_626 = vector.broadcast %get3A_387 : i32 to vector<16xi32>
        %eq3A_627 = arith.cmpi eq, %add3A_622, %eq3A_626 : vector<16xi32>
        %or3A_628 = arith.ori %gt3A_625, %eq3A_627 : vector<16xi1>
        %select_n3A_629 = arith.select %or3A_628, %broadcast_in_dim3A_2, %get3A_615 : vector<16xi1>, vector<16xf32>
        %swap3A_630 = arith.constant 112 : index
        %swap3A_631 = tpu.vector_load %arg8[%swap3A_630] {strides = array<i32>} : memref<400xf32, #tpu.memory_space<vmem>>, vector<16xf32>,
        tpu.vector_store %arg8[%swap3A_630], %select_n3A_629 {strides = array<i32>} : memref<400xf32, #tpu.memory_space<vmem>>, vector<16xf32>,
        %gt3A_632 = arith.cmpf ogt, %select_n3A_629, %select_n3A_610 : vector<16xf32>
        %select_n3A_633 = arith.select %gt3A_632, %select_n3A_629, %select_n3A_610 : vector<16xi1>, vector<16xf32>
        %broadcast_in_dim3A_634 = arith.constant 7 : i32
        %broadcast_in_dim3A_635 = vector.broadcast %broadcast_in_dim3A_634 : i32 to vector<16xi32>
        %select_n3A_636 = arith.select %gt3A_632, %broadcast_in_dim3A_635, %select_n3A_613 : vector<16xi1>, vector<16xi32>
        %get3A_637 = arith.constant 128 : index
        %get3A_638 = tpu.vector_load %arg8[%get3A_637] {strides = array<i32>} : memref<400xf32, #tpu.memory_space<vmem>>, vector<16xf32>,
        %get3A_639 = arith.index_cast %get3A_382 : i32 to index
        %get3A_640 = arith.constant 128 : index
        %get3A_641 = tpu.vector_load %arg10[%get3A_639, %get3A_640] {strides = array<i32>} : memref<2x384xf32, #tpu.memory_space<vmem>>, vector<16xf32>,
        %add3A_642 = arith.constant 128 : i32
        %add3A_643 = arith.addi %multiple_of3A, %add3A_642 : i32
        %add3A_644 = vector.broadcast %add3A_643 : i32 to vector<16xi32>
        %add3A_645 = arith.addi %add3A_644, %iota3A : vector<16xi32>
        %gt3A_646 = arith.constant 0.899999976 : f32
        %gt3A_647 = vector.broadcast %gt3A_646 : f32 to vector<16xf32>
        %gt3A_648 = arith.cmpf ogt, %get3A_641, %gt3A_647 : vector<16xf32>
        %eq3A_649 = vector.broadcast %get3A_387 : i32 to vector<16xi32>
        %eq3A_650 = arith.cmpi eq, %add3A_645, %eq3A_649 : vector<16xi32>
        %or3A_651 = arith.ori %gt3A_648, %eq3A_650 : vector<16xi1>
        %select_n3A_652 = arith.select %or3A_651, %broadcast_in_dim3A_2, %get3A_638 : vector<16xi1>, vector<16xf32>
        %swap3A_653 = arith.constant 128 : index
        %swap3A_654 = tpu.vector_load %arg8[%swap3A_653] {strides = array<i32>} : memref<400xf32, #tpu.memory_space<vmem>>, vector<16xf32>,
        tpu.vector_store %arg8[%swap3A_653], %select_n3A_652 {strides = array<i32>} : memref<400xf32, #tpu.memory_space<vmem>>, vector<16xf32>,
        %gt3A_655 = arith.cmpf ogt, %select_n3A_652, %select_n3A_633 : vector<16xf32>
        %select_n3A_656 = arith.select %gt3A_655, %select_n3A_652, %select_n3A_633 : vector<16xi1>, vector<16xf32>
        %broadcast_in_dim3A_657 = arith.constant 8 : i32
        %broadcast_in_dim3A_658 = vector.broadcast %broadcast_in_dim3A_657 : i32 to vector<16xi32>
        %select_n3A_659 = arith.select %gt3A_655, %broadcast_in_dim3A_658, %select_n3A_636 : vector<16xi1>, vector<16xi32>
        %get3A_660 = arith.constant 144 : index
        %get3A_661 = tpu.vector_load %arg8[%get3A_660] {strides = array<i32>} : memref<400xf32, #tpu.memory_space<vmem>>, vector<16xf32>,
        %get3A_662 = arith.index_cast %get3A_382 : i32 to index
        %get3A_663 = arith.constant 144 : index
        %get3A_664 = tpu.vector_load %arg10[%get3A_662, %get3A_663] {strides = array<i32>} : memref<2x384xf32, #tpu.memory_space<vmem>>, vector<16xf32>,
        %add3A_665 = arith.constant 144 : i32
        %add3A_666 = arith.addi %multiple_of3A, %add3A_665 : i32
        %add3A_667 = vector.broadcast %add3A_666 : i32 to vector<16xi32>
        %add3A_668 = arith.addi %add3A_667, %iota3A : vector<16xi32>
        %gt3A_669 = arith.constant 0.899999976 : f32
        %gt3A_670 = vector.broadcast %gt3A_669 : f32 to vector<16xf32>
        %gt3A_671 = arith.cmpf ogt, %get3A_664, %gt3A_670 : vector<16xf32>
        %eq3A_672 = vector.broadcast %get3A_387 : i32 to vector<16xi32>
        %eq3A_673 = arith.cmpi eq, %add3A_668, %eq3A_672 : vector<16xi32>
        %or3A_674 = arith.ori %gt3A_671, %eq3A_673 : vector<16xi1>
        %select_n3A_675 = arith.select %or3A_674, %broadcast_in_dim3A_2, %get3A_661 : vector<16xi1>, vector<16xf32>
        %swap3A_676 = arith.constant 144 : index
        %swap3A_677 = tpu.vector_load %arg8[%swap3A_676] {strides = array<i32>} : memref<400xf32, #tpu.memory_space<vmem>>, vector<16xf32>,
        tpu.vector_store %arg8[%swap3A_676], %select_n3A_675 {strides = array<i32>} : memref<400xf32, #tpu.memory_space<vmem>>, vector<16xf32>,
        %gt3A_678 = arith.cmpf ogt, %select_n3A_675, %select_n3A_656 : vector<16xf32>
        %select_n3A_679 = arith.select %gt3A_678, %select_n3A_675, %select_n3A_656 : vector<16xi1>, vector<16xf32>
        %broadcast_in_dim3A_680 = arith.constant 9 : i32
        %broadcast_in_dim3A_681 = vector.broadcast %broadcast_in_dim3A_680 : i32 to vector<16xi32>
        %select_n3A_682 = arith.select %gt3A_678, %broadcast_in_dim3A_681, %select_n3A_659 : vector<16xi1>, vector<16xi32>
        %get3A_683 = arith.constant 160 : index
        %get3A_684 = tpu.vector_load %arg8[%get3A_683] {strides = array<i32>} : memref<400xf32, #tpu.memory_space<vmem>>, vector<16xf32>,
        %get3A_685 = arith.index_cast %get3A_382 : i32 to index
        %get3A_686 = arith.constant 160 : index
        %get3A_687 = tpu.vector_load %arg10[%get3A_685, %get3A_686] {strides = array<i32>} : memref<2x384xf32, #tpu.memory_space<vmem>>, vector<16xf32>,
        %add3A_688 = arith.constant 160 : i32
        %add3A_689 = arith.addi %multiple_of3A, %add3A_688 : i32
        %add3A_690 = vector.broadcast %add3A_689 : i32 to vector<16xi32>
        %add3A_691 = arith.addi %add3A_690, %iota3A : vector<16xi32>
        %gt3A_692 = arith.constant 0.899999976 : f32
        %gt3A_693 = vector.broadcast %gt3A_692 : f32 to vector<16xf32>
        %gt3A_694 = arith.cmpf ogt, %get3A_687, %gt3A_693 : vector<16xf32>
        %eq3A_695 = vector.broadcast %get3A_387 : i32 to vector<16xi32>
        %eq3A_696 = arith.cmpi eq, %add3A_691, %eq3A_695 : vector<16xi32>
        %or3A_697 = arith.ori %gt3A_694, %eq3A_696 : vector<16xi1>
        %select_n3A_698 = arith.select %or3A_697, %broadcast_in_dim3A_2, %get3A_684 : vector<16xi1>, vector<16xf32>
        %swap3A_699 = arith.constant 160 : index
        %swap3A_700 = tpu.vector_load %arg8[%swap3A_699] {strides = array<i32>} : memref<400xf32, #tpu.memory_space<vmem>>, vector<16xf32>,
        tpu.vector_store %arg8[%swap3A_699], %select_n3A_698 {strides = array<i32>} : memref<400xf32, #tpu.memory_space<vmem>>, vector<16xf32>,
        %gt3A_701 = arith.cmpf ogt, %select_n3A_698, %select_n3A_679 : vector<16xf32>
        %select_n3A_702 = arith.select %gt3A_701, %select_n3A_698, %select_n3A_679 : vector<16xi1>, vector<16xf32>
        %broadcast_in_dim3A_703 = arith.constant 10 : i32
        %broadcast_in_dim3A_704 = vector.broadcast %broadcast_in_dim3A_703 : i32 to vector<16xi32>
        %select_n3A_705 = arith.select %gt3A_701, %broadcast_in_dim3A_704, %select_n3A_682 : vector<16xi1>, vector<16xi32>
        %get3A_706 = arith.constant 176 : index
        %get3A_707 = tpu.vector_load %arg8[%get3A_706] {strides = array<i32>} : memref<400xf32, #tpu.memory_space<vmem>>, vector<16xf32>,
        %get3A_708 = arith.index_cast %get3A_382 : i32 to index
        %get3A_709 = arith.constant 176 : index
        %get3A_710 = tpu.vector_load %arg10[%get3A_708, %get3A_709] {strides = array<i32>} : memref<2x384xf32, #tpu.memory_space<vmem>>, vector<16xf32>,
        %add3A_711 = arith.constant 176 : i32
        %add3A_712 = arith.addi %multiple_of3A, %add3A_711 : i32
        %add3A_713 = vector.broadcast %add3A_712 : i32 to vector<16xi32>
        %add3A_714 = arith.addi %add3A_713, %iota3A : vector<16xi32>
        %gt3A_715 = arith.constant 0.899999976 : f32
        %gt3A_716 = vector.broadcast %gt3A_715 : f32 to vector<16xf32>
        %gt3A_717 = arith.cmpf ogt, %get3A_710, %gt3A_716 : vector<16xf32>
        %eq3A_718 = vector.broadcast %get3A_387 : i32 to vector<16xi32>
        %eq3A_719 = arith.cmpi eq, %add3A_714, %eq3A_718 : vector<16xi32>
        %or3A_720 = arith.ori %gt3A_717, %eq3A_719 : vector<16xi1>
        %select_n3A_721 = arith.select %or3A_720, %broadcast_in_dim3A_2, %get3A_707 : vector<16xi1>, vector<16xf32>
        %swap3A_722 = arith.constant 176 : index
        %swap3A_723 = tpu.vector_load %arg8[%swap3A_722] {strides = array<i32>} : memref<400xf32, #tpu.memory_space<vmem>>, vector<16xf32>,
        tpu.vector_store %arg8[%swap3A_722], %select_n3A_721 {strides = array<i32>} : memref<400xf32, #tpu.memory_space<vmem>>, vector<16xf32>,
        %gt3A_724 = arith.cmpf ogt, %select_n3A_721, %select_n3A_702 : vector<16xf32>
        %select_n3A_725 = arith.select %gt3A_724, %select_n3A_721, %select_n3A_702 : vector<16xi1>, vector<16xf32>
        %broadcast_in_dim3A_726 = arith.constant 11 : i32
        %broadcast_in_dim3A_727 = vector.broadcast %broadcast_in_dim3A_726 : i32 to vector<16xi32>
        %select_n3A_728 = arith.select %gt3A_724, %broadcast_in_dim3A_727, %select_n3A_705 : vector<16xi1>, vector<16xi32>
        %get3A_729 = arith.constant 192 : index
        %get3A_730 = tpu.vector_load %arg8[%get3A_729] {strides = array<i32>} : memref<400xf32, #tpu.memory_space<vmem>>, vector<16xf32>,
        %get3A_731 = arith.index_cast %get3A_382 : i32 to index
        %get3A_732 = arith.constant 192 : index
        %get3A_733 = tpu.vector_load %arg10[%get3A_731, %get3A_732] {strides = array<i32>} : memref<2x384xf32, #tpu.memory_space<vmem>>, vector<16xf32>,
        %add3A_734 = arith.constant 192 : i32
        %add3A_735 = arith.addi %multiple_of3A, %add3A_734 : i32
        %add3A_736 = vector.broadcast %add3A_735 : i32 to vector<16xi32>
        %add3A_737 = arith.addi %add3A_736, %iota3A : vector<16xi32>
        %gt3A_738 = arith.constant 0.899999976 : f32
        %gt3A_739 = vector.broadcast %gt3A_738 : f32 to vector<16xf32>
        %gt3A_740 = arith.cmpf ogt, %get3A_733, %gt3A_739 : vector<16xf32>
        %eq3A_741 = vector.broadcast %get3A_387 : i32 to vector<16xi32>
        %eq3A_742 = arith.cmpi eq, %add3A_737, %eq3A_741 : vector<16xi32>
        %or3A_743 = arith.ori %gt3A_740, %eq3A_742 : vector<16xi1>
        %select_n3A_744 = arith.select %or3A_743, %broadcast_in_dim3A_2, %get3A_730 : vector<16xi1>, vector<16xf32>
        %swap3A_745 = arith.constant 192 : index
        %swap3A_746 = tpu.vector_load %arg8[%swap3A_745] {strides = array<i32>} : memref<400xf32, #tpu.memory_space<vmem>>, vector<16xf32>,
        tpu.vector_store %arg8[%swap3A_745], %select_n3A_744 {strides = array<i32>} : memref<400xf32, #tpu.memory_space<vmem>>, vector<16xf32>,
        %gt3A_747 = arith.cmpf ogt, %select_n3A_744, %select_n3A_725 : vector<16xf32>
        %select_n3A_748 = arith.select %gt3A_747, %select_n3A_744, %select_n3A_725 : vector<16xi1>, vector<16xf32>
        %broadcast_in_dim3A_749 = arith.constant 12 : i32
        %broadcast_in_dim3A_750 = vector.broadcast %broadcast_in_dim3A_749 : i32 to vector<16xi32>
        %select_n3A_751 = arith.select %gt3A_747, %broadcast_in_dim3A_750, %select_n3A_728 : vector<16xi1>, vector<16xi32>
        %get3A_752 = arith.constant 208 : index
        %get3A_753 = tpu.vector_load %arg8[%get3A_752] {strides = array<i32>} : memref<400xf32, #tpu.memory_space<vmem>>, vector<16xf32>,
        %get3A_754 = arith.index_cast %get3A_382 : i32 to index
        %get3A_755 = arith.constant 208 : index
        %get3A_756 = tpu.vector_load %arg10[%get3A_754, %get3A_755] {strides = array<i32>} : memref<2x384xf32, #tpu.memory_space<vmem>>, vector<16xf32>,
        %add3A_757 = arith.constant 208 : i32
        %add3A_758 = arith.addi %multiple_of3A, %add3A_757 : i32
        %add3A_759 = vector.broadcast %add3A_758 : i32 to vector<16xi32>
        %add3A_760 = arith.addi %add3A_759, %iota3A : vector<16xi32>
        %gt3A_761 = arith.constant 0.899999976 : f32
        %gt3A_762 = vector.broadcast %gt3A_761 : f32 to vector<16xf32>
        %gt3A_763 = arith.cmpf ogt, %get3A_756, %gt3A_762 : vector<16xf32>
        %eq3A_764 = vector.broadcast %get3A_387 : i32 to vector<16xi32>
        %eq3A_765 = arith.cmpi eq, %add3A_760, %eq3A_764 : vector<16xi32>
        %or3A_766 = arith.ori %gt3A_763, %eq3A_765 : vector<16xi1>
        %select_n3A_767 = arith.select %or3A_766, %broadcast_in_dim3A_2, %get3A_753 : vector<16xi1>, vector<16xf32>
        %swap3A_768 = arith.constant 208 : index
        %swap3A_769 = tpu.vector_load %arg8[%swap3A_768] {strides = array<i32>} : memref<400xf32, #tpu.memory_space<vmem>>, vector<16xf32>,
        tpu.vector_store %arg8[%swap3A_768], %select_n3A_767 {strides = array<i32>} : memref<400xf32, #tpu.memory_space<vmem>>, vector<16xf32>,
        %gt3A_770 = arith.cmpf ogt, %select_n3A_767, %select_n3A_748 : vector<16xf32>
        %select_n3A_771 = arith.select %gt3A_770, %select_n3A_767, %select_n3A_748 : vector<16xi1>, vector<16xf32>
        %broadcast_in_dim3A_772 = arith.constant 13 : i32
        %broadcast_in_dim3A_773 = vector.broadcast %broadcast_in_dim3A_772 : i32 to vector<16xi32>
        %select_n3A_774 = arith.select %gt3A_770, %broadcast_in_dim3A_773, %select_n3A_751 : vector<16xi1>, vector<16xi32>
        %get3A_775 = arith.constant 224 : index
        %get3A_776 = tpu.vector_load %arg8[%get3A_775] {strides = array<i32>} : memref<400xf32, #tpu.memory_space<vmem>>, vector<16xf32>,
        %get3A_777 = arith.index_cast %get3A_382 : i32 to index
        %get3A_778 = arith.constant 224 : index
        %get3A_779 = tpu.vector_load %arg10[%get3A_777, %get3A_778] {strides = array<i32>} : memref<2x384xf32, #tpu.memory_space<vmem>>, vector<16xf32>,
        %add3A_780 = arith.constant 224 : i32
        %add3A_781 = arith.addi %multiple_of3A, %add3A_780 : i32
        %add3A_782 = vector.broadcast %add3A_781 : i32 to vector<16xi32>
        %add3A_783 = arith.addi %add3A_782, %iota3A : vector<16xi32>
        %gt3A_784 = arith.constant 0.899999976 : f32
        %gt3A_785 = vector.broadcast %gt3A_784 : f32 to vector<16xf32>
        %gt3A_786 = arith.cmpf ogt, %get3A_779, %gt3A_785 : vector<16xf32>
        %eq3A_787 = vector.broadcast %get3A_387 : i32 to vector<16xi32>
        %eq3A_788 = arith.cmpi eq, %add3A_783, %eq3A_787 : vector<16xi32>
        %or3A_789 = arith.ori %gt3A_786, %eq3A_788 : vector<16xi1>
        %select_n3A_790 = arith.select %or3A_789, %broadcast_in_dim3A_2, %get3A_776 : vector<16xi1>, vector<16xf32>
        %swap3A_791 = arith.constant 224 : index
        %swap3A_792 = tpu.vector_load %arg8[%swap3A_791] {strides = array<i32>} : memref<400xf32, #tpu.memory_space<vmem>>, vector<16xf32>,
        tpu.vector_store %arg8[%swap3A_791], %select_n3A_790 {strides = array<i32>} : memref<400xf32, #tpu.memory_space<vmem>>, vector<16xf32>,
        %gt3A_793 = arith.cmpf ogt, %select_n3A_790, %select_n3A_771 : vector<16xf32>
        %select_n3A_794 = arith.select %gt3A_793, %select_n3A_790, %select_n3A_771 : vector<16xi1>, vector<16xf32>
        %broadcast_in_dim3A_795 = arith.constant 14 : i32
        %broadcast_in_dim3A_796 = vector.broadcast %broadcast_in_dim3A_795 : i32 to vector<16xi32>
        %select_n3A_797 = arith.select %gt3A_793, %broadcast_in_dim3A_796, %select_n3A_774 : vector<16xi1>, vector<16xi32>
        %get3A_798 = arith.constant 240 : index
        %get3A_799 = tpu.vector_load %arg8[%get3A_798] {strides = array<i32>} : memref<400xf32, #tpu.memory_space<vmem>>, vector<16xf32>,
        %get3A_800 = arith.index_cast %get3A_382 : i32 to index
        %get3A_801 = arith.constant 240 : index
        %get3A_802 = tpu.vector_load %arg10[%get3A_800, %get3A_801] {strides = array<i32>} : memref<2x384xf32, #tpu.memory_space<vmem>>, vector<16xf32>,
        %add3A_803 = arith.constant 240 : i32
        %add3A_804 = arith.addi %multiple_of3A, %add3A_803 : i32
        %add3A_805 = vector.broadcast %add3A_804 : i32 to vector<16xi32>
        %add3A_806 = arith.addi %add3A_805, %iota3A : vector<16xi32>
        %gt3A_807 = arith.constant 0.899999976 : f32
        %gt3A_808 = vector.broadcast %gt3A_807 : f32 to vector<16xf32>
        %gt3A_809 = arith.cmpf ogt, %get3A_802, %gt3A_808 : vector<16xf32>
        %eq3A_810 = vector.broadcast %get3A_387 : i32 to vector<16xi32>
        %eq3A_811 = arith.cmpi eq, %add3A_806, %eq3A_810 : vector<16xi32>
        %or3A_812 = arith.ori %gt3A_809, %eq3A_811 : vector<16xi1>
        %select_n3A_813 = arith.select %or3A_812, %broadcast_in_dim3A_2, %get3A_799 : vector<16xi1>, vector<16xf32>
        %swap3A_814 = arith.constant 240 : index
        %swap3A_815 = tpu.vector_load %arg8[%swap3A_814] {strides = array<i32>} : memref<400xf32, #tpu.memory_space<vmem>>, vector<16xf32>,
        tpu.vector_store %arg8[%swap3A_814], %select_n3A_813 {strides = array<i32>} : memref<400xf32, #tpu.memory_space<vmem>>, vector<16xf32>,
        %gt3A_816 = arith.cmpf ogt, %select_n3A_813, %select_n3A_794 : vector<16xf32>
        %select_n3A_817 = arith.select %gt3A_816, %select_n3A_813, %select_n3A_794 : vector<16xi1>, vector<16xf32>
        %broadcast_in_dim3A_818 = arith.constant 15 : i32
        %broadcast_in_dim3A_819 = vector.broadcast %broadcast_in_dim3A_818 : i32 to vector<16xi32>
        %select_n3A_820 = arith.select %gt3A_816, %broadcast_in_dim3A_819, %select_n3A_797 : vector<16xi1>, vector<16xi32>
        %get3A_821 = arith.constant 256 : index
        %get3A_822 = tpu.vector_load %arg8[%get3A_821] {strides = array<i32>} : memref<400xf32, #tpu.memory_space<vmem>>, vector<16xf32>,
        %get3A_823 = arith.index_cast %get3A_382 : i32 to index
        %get3A_824 = arith.constant 256 : index
        %get3A_825 = tpu.vector_load %arg10[%get3A_823, %get3A_824] {strides = array<i32>} : memref<2x384xf32, #tpu.memory_space<vmem>>, vector<16xf32>,
        %add3A_826 = arith.constant 256 : i32
        %add3A_827 = arith.addi %multiple_of3A, %add3A_826 : i32
        %add3A_828 = vector.broadcast %add3A_827 : i32 to vector<16xi32>
        %add3A_829 = arith.addi %add3A_828, %iota3A : vector<16xi32>
        %gt3A_830 = arith.constant 0.899999976 : f32
        %gt3A_831 = vector.broadcast %gt3A_830 : f32 to vector<16xf32>
        %gt3A_832 = arith.cmpf ogt, %get3A_825, %gt3A_831 : vector<16xf32>
        %eq3A_833 = vector.broadcast %get3A_387 : i32 to vector<16xi32>
        %eq3A_834 = arith.cmpi eq, %add3A_829, %eq3A_833 : vector<16xi32>
        %or3A_835 = arith.ori %gt3A_832, %eq3A_834 : vector<16xi1>
        %select_n3A_836 = arith.select %or3A_835, %broadcast_in_dim3A_2, %get3A_822 : vector<16xi1>, vector<16xf32>
        %swap3A_837 = arith.constant 256 : index
        %swap3A_838 = tpu.vector_load %arg8[%swap3A_837] {strides = array<i32>} : memref<400xf32, #tpu.memory_space<vmem>>, vector<16xf32>,
        tpu.vector_store %arg8[%swap3A_837], %select_n3A_836 {strides = array<i32>} : memref<400xf32, #tpu.memory_space<vmem>>, vector<16xf32>,
        %gt3A_839 = arith.cmpf ogt, %select_n3A_836, %select_n3A_817 : vector<16xf32>
        %select_n3A_840 = arith.select %gt3A_839, %select_n3A_836, %select_n3A_817 : vector<16xi1>, vector<16xf32>
        %broadcast_in_dim3A_841 = arith.constant 16 : i32
        %broadcast_in_dim3A_842 = vector.broadcast %broadcast_in_dim3A_841 : i32 to vector<16xi32>
        %select_n3A_843 = arith.select %gt3A_839, %broadcast_in_dim3A_842, %select_n3A_820 : vector<16xi1>, vector<16xi32>
        %get3A_844 = arith.constant 272 : index
        %get3A_845 = tpu.vector_load %arg8[%get3A_844] {strides = array<i32>} : memref<400xf32, #tpu.memory_space<vmem>>, vector<16xf32>,
        %get3A_846 = arith.index_cast %get3A_382 : i32 to index
        %get3A_847 = arith.constant 272 : index
        %get3A_848 = tpu.vector_load %arg10[%get3A_846, %get3A_847] {strides = array<i32>} : memref<2x384xf32, #tpu.memory_space<vmem>>, vector<16xf32>,
        %add3A_849 = arith.constant 272 : i32
        %add3A_850 = arith.addi %multiple_of3A, %add3A_849 : i32
        %add3A_851 = vector.broadcast %add3A_850 : i32 to vector<16xi32>
        %add3A_852 = arith.addi %add3A_851, %iota3A : vector<16xi32>
        %gt3A_853 = arith.constant 0.899999976 : f32
        %gt3A_854 = vector.broadcast %gt3A_853 : f32 to vector<16xf32>
        %gt3A_855 = arith.cmpf ogt, %get3A_848, %gt3A_854 : vector<16xf32>
        %eq3A_856 = vector.broadcast %get3A_387 : i32 to vector<16xi32>
        %eq3A_857 = arith.cmpi eq, %add3A_852, %eq3A_856 : vector<16xi32>
        %or3A_858 = arith.ori %gt3A_855, %eq3A_857 : vector<16xi1>
        %select_n3A_859 = arith.select %or3A_858, %broadcast_in_dim3A_2, %get3A_845 : vector<16xi1>, vector<16xf32>
        %swap3A_860 = arith.constant 272 : index
        %swap3A_861 = tpu.vector_load %arg8[%swap3A_860] {strides = array<i32>} : memref<400xf32, #tpu.memory_space<vmem>>, vector<16xf32>,
        tpu.vector_store %arg8[%swap3A_860], %select_n3A_859 {strides = array<i32>} : memref<400xf32, #tpu.memory_space<vmem>>, vector<16xf32>,
        %gt3A_862 = arith.cmpf ogt, %select_n3A_859, %select_n3A_840 : vector<16xf32>
        %select_n3A_863 = arith.select %gt3A_862, %select_n3A_859, %select_n3A_840 : vector<16xi1>, vector<16xf32>
        %broadcast_in_dim3A_864 = arith.constant 17 : i32
        %broadcast_in_dim3A_865 = vector.broadcast %broadcast_in_dim3A_864 : i32 to vector<16xi32>
        %select_n3A_866 = arith.select %gt3A_862, %broadcast_in_dim3A_865, %select_n3A_843 : vector<16xi1>, vector<16xi32>
        %get3A_867 = arith.constant 288 : index
        %get3A_868 = tpu.vector_load %arg8[%get3A_867] {strides = array<i32>} : memref<400xf32, #tpu.memory_space<vmem>>, vector<16xf32>,
        %get3A_869 = arith.index_cast %get3A_382 : i32 to index
        %get3A_870 = arith.constant 288 : index
        %get3A_871 = tpu.vector_load %arg10[%get3A_869, %get3A_870] {strides = array<i32>} : memref<2x384xf32, #tpu.memory_space<vmem>>, vector<16xf32>,
        %add3A_872 = arith.constant 288 : i32
        %add3A_873 = arith.addi %multiple_of3A, %add3A_872 : i32
        %add3A_874 = vector.broadcast %add3A_873 : i32 to vector<16xi32>
        %add3A_875 = arith.addi %add3A_874, %iota3A : vector<16xi32>
        %gt3A_876 = arith.constant 0.899999976 : f32
        %gt3A_877 = vector.broadcast %gt3A_876 : f32 to vector<16xf32>
        %gt3A_878 = arith.cmpf ogt, %get3A_871, %gt3A_877 : vector<16xf32>
        %eq3A_879 = vector.broadcast %get3A_387 : i32 to vector<16xi32>
        %eq3A_880 = arith.cmpi eq, %add3A_875, %eq3A_879 : vector<16xi32>
        %or3A_881 = arith.ori %gt3A_878, %eq3A_880 : vector<16xi1>
        %select_n3A_882 = arith.select %or3A_881, %broadcast_in_dim3A_2, %get3A_868 : vector<16xi1>, vector<16xf32>
        %swap3A_883 = arith.constant 288 : index
        %swap3A_884 = tpu.vector_load %arg8[%swap3A_883] {strides = array<i32>} : memref<400xf32, #tpu.memory_space<vmem>>, vector<16xf32>,
        tpu.vector_store %arg8[%swap3A_883], %select_n3A_882 {strides = array<i32>} : memref<400xf32, #tpu.memory_space<vmem>>, vector<16xf32>,
        %gt3A_885 = arith.cmpf ogt, %select_n3A_882, %select_n3A_863 : vector<16xf32>
        %select_n3A_886 = arith.select %gt3A_885, %select_n3A_882, %select_n3A_863 : vector<16xi1>, vector<16xf32>
        %broadcast_in_dim3A_887 = arith.constant 18 : i32
        %broadcast_in_dim3A_888 = vector.broadcast %broadcast_in_dim3A_887 : i32 to vector<16xi32>
        %select_n3A_889 = arith.select %gt3A_885, %broadcast_in_dim3A_888, %select_n3A_866 : vector<16xi1>, vector<16xi32>
        %get3A_890 = arith.constant 304 : index
        %get3A_891 = tpu.vector_load %arg8[%get3A_890] {strides = array<i32>} : memref<400xf32, #tpu.memory_space<vmem>>, vector<16xf32>,
        %get3A_892 = arith.index_cast %get3A_382 : i32 to index
        %get3A_893 = arith.constant 304 : index
        %get3A_894 = tpu.vector_load %arg10[%get3A_892, %get3A_893] {strides = array<i32>} : memref<2x384xf32, #tpu.memory_space<vmem>>, vector<16xf32>,
        %add3A_895 = arith.constant 304 : i32
        %add3A_896 = arith.addi %multiple_of3A, %add3A_895 : i32
        %add3A_897 = vector.broadcast %add3A_896 : i32 to vector<16xi32>
        %add3A_898 = arith.addi %add3A_897, %iota3A : vector<16xi32>
        %gt3A_899 = arith.constant 0.899999976 : f32
        %gt3A_900 = vector.broadcast %gt3A_899 : f32 to vector<16xf32>
        %gt3A_901 = arith.cmpf ogt, %get3A_894, %gt3A_900 : vector<16xf32>
        %eq3A_902 = vector.broadcast %get3A_387 : i32 to vector<16xi32>
        %eq3A_903 = arith.cmpi eq, %add3A_898, %eq3A_902 : vector<16xi32>
        %or3A_904 = arith.ori %gt3A_901, %eq3A_903 : vector<16xi1>
        %select_n3A_905 = arith.select %or3A_904, %broadcast_in_dim3A_2, %get3A_891 : vector<16xi1>, vector<16xf32>
        %swap3A_906 = arith.constant 304 : index
        %swap3A_907 = tpu.vector_load %arg8[%swap3A_906] {strides = array<i32>} : memref<400xf32, #tpu.memory_space<vmem>>, vector<16xf32>,
        tpu.vector_store %arg8[%swap3A_906], %select_n3A_905 {strides = array<i32>} : memref<400xf32, #tpu.memory_space<vmem>>, vector<16xf32>,
        %gt3A_908 = arith.cmpf ogt, %select_n3A_905, %select_n3A_886 : vector<16xf32>
        %select_n3A_909 = arith.select %gt3A_908, %select_n3A_905, %select_n3A_886 : vector<16xi1>, vector<16xf32>
        %broadcast_in_dim3A_910 = arith.constant 19 : i32
        %broadcast_in_dim3A_911 = vector.broadcast %broadcast_in_dim3A_910 : i32 to vector<16xi32>
        %select_n3A_912 = arith.select %gt3A_908, %broadcast_in_dim3A_911, %select_n3A_889 : vector<16xi1>, vector<16xi32>
        %get3A_913 = arith.constant 320 : index
        %get3A_914 = tpu.vector_load %arg8[%get3A_913] {strides = array<i32>} : memref<400xf32, #tpu.memory_space<vmem>>, vector<16xf32>,
        %get3A_915 = arith.index_cast %get3A_382 : i32 to index
        %get3A_916 = arith.constant 320 : index
        %get3A_917 = tpu.vector_load %arg10[%get3A_915, %get3A_916] {strides = array<i32>} : memref<2x384xf32, #tpu.memory_space<vmem>>, vector<16xf32>,
        %add3A_918 = arith.constant 320 : i32
        %add3A_919 = arith.addi %multiple_of3A, %add3A_918 : i32
        %add3A_920 = vector.broadcast %add3A_919 : i32 to vector<16xi32>
        %add3A_921 = arith.addi %add3A_920, %iota3A : vector<16xi32>
        %gt3A_922 = arith.constant 0.899999976 : f32
        %gt3A_923 = vector.broadcast %gt3A_922 : f32 to vector<16xf32>
        %gt3A_924 = arith.cmpf ogt, %get3A_917, %gt3A_923 : vector<16xf32>
        %eq3A_925 = vector.broadcast %get3A_387 : i32 to vector<16xi32>
        %eq3A_926 = arith.cmpi eq, %add3A_921, %eq3A_925 : vector<16xi32>
        %or3A_927 = arith.ori %gt3A_924, %eq3A_926 : vector<16xi1>
        %select_n3A_928 = arith.select %or3A_927, %broadcast_in_dim3A_2, %get3A_914 : vector<16xi1>, vector<16xf32>
        %swap3A_929 = arith.constant 320 : index
        %swap3A_930 = tpu.vector_load %arg8[%swap3A_929] {strides = array<i32>} : memref<400xf32, #tpu.memory_space<vmem>>, vector<16xf32>,
        tpu.vector_store %arg8[%swap3A_929], %select_n3A_928 {strides = array<i32>} : memref<400xf32, #tpu.memory_space<vmem>>, vector<16xf32>,
        %gt3A_931 = arith.cmpf ogt, %select_n3A_928, %select_n3A_909 : vector<16xf32>
        %select_n3A_932 = arith.select %gt3A_931, %select_n3A_928, %select_n3A_909 : vector<16xi1>, vector<16xf32>
        %broadcast_in_dim3A_933 = arith.constant 20 : i32
        %broadcast_in_dim3A_934 = vector.broadcast %broadcast_in_dim3A_933 : i32 to vector<16xi32>
        %select_n3A_935 = arith.select %gt3A_931, %broadcast_in_dim3A_934, %select_n3A_912 : vector<16xi1>, vector<16xi32>
        %get3A_936 = arith.constant 336 : index
        %get3A_937 = tpu.vector_load %arg8[%get3A_936] {strides = array<i32>} : memref<400xf32, #tpu.memory_space<vmem>>, vector<16xf32>,
        %get3A_938 = arith.index_cast %get3A_382 : i32 to index
        %get3A_939 = arith.constant 336 : index
        %get3A_940 = tpu.vector_load %arg10[%get3A_938, %get3A_939] {strides = array<i32>} : memref<2x384xf32, #tpu.memory_space<vmem>>, vector<16xf32>,
        %add3A_941 = arith.constant 336 : i32
        %add3A_942 = arith.addi %multiple_of3A, %add3A_941 : i32
        %add3A_943 = vector.broadcast %add3A_942 : i32 to vector<16xi32>
        %add3A_944 = arith.addi %add3A_943, %iota3A : vector<16xi32>
        %gt3A_945 = arith.constant 0.899999976 : f32
        %gt3A_946 = vector.broadcast %gt3A_945 : f32 to vector<16xf32>
        %gt3A_947 = arith.cmpf ogt, %get3A_940, %gt3A_946 : vector<16xf32>
        %eq3A_948 = vector.broadcast %get3A_387 : i32 to vector<16xi32>
        %eq3A_949 = arith.cmpi eq, %add3A_944, %eq3A_948 : vector<16xi32>
        %or3A_950 = arith.ori %gt3A_947, %eq3A_949 : vector<16xi1>
        %select_n3A_951 = arith.select %or3A_950, %broadcast_in_dim3A_2, %get3A_937 : vector<16xi1>, vector<16xf32>
        %swap3A_952 = arith.constant 336 : index
        %swap3A_953 = tpu.vector_load %arg8[%swap3A_952] {strides = array<i32>} : memref<400xf32, #tpu.memory_space<vmem>>, vector<16xf32>,
        tpu.vector_store %arg8[%swap3A_952], %select_n3A_951 {strides = array<i32>} : memref<400xf32, #tpu.memory_space<vmem>>, vector<16xf32>,
        %gt3A_954 = arith.cmpf ogt, %select_n3A_951, %select_n3A_932 : vector<16xf32>
        %select_n3A_955 = arith.select %gt3A_954, %select_n3A_951, %select_n3A_932 : vector<16xi1>, vector<16xf32>
        %broadcast_in_dim3A_956 = arith.constant 21 : i32
        %broadcast_in_dim3A_957 = vector.broadcast %broadcast_in_dim3A_956 : i32 to vector<16xi32>
        %select_n3A_958 = arith.select %gt3A_954, %broadcast_in_dim3A_957, %select_n3A_935 : vector<16xi1>, vector<16xi32>
        %get3A_959 = arith.constant 352 : index
        %get3A_960 = tpu.vector_load %arg8[%get3A_959] {strides = array<i32>} : memref<400xf32, #tpu.memory_space<vmem>>, vector<16xf32>,
        %get3A_961 = arith.index_cast %get3A_382 : i32 to index
        %get3A_962 = arith.constant 352 : index
        %get3A_963 = tpu.vector_load %arg10[%get3A_961, %get3A_962] {strides = array<i32>} : memref<2x384xf32, #tpu.memory_space<vmem>>, vector<16xf32>,
        %add3A_964 = arith.constant 352 : i32
        %add3A_965 = arith.addi %multiple_of3A, %add3A_964 : i32
        %add3A_966 = vector.broadcast %add3A_965 : i32 to vector<16xi32>
        %add3A_967 = arith.addi %add3A_966, %iota3A : vector<16xi32>
        %gt3A_968 = arith.constant 0.899999976 : f32
        %gt3A_969 = vector.broadcast %gt3A_968 : f32 to vector<16xf32>
        %gt3A_970 = arith.cmpf ogt, %get3A_963, %gt3A_969 : vector<16xf32>
        %eq3A_971 = vector.broadcast %get3A_387 : i32 to vector<16xi32>
        %eq3A_972 = arith.cmpi eq, %add3A_967, %eq3A_971 : vector<16xi32>
        %or3A_973 = arith.ori %gt3A_970, %eq3A_972 : vector<16xi1>
        %select_n3A_974 = arith.select %or3A_973, %broadcast_in_dim3A_2, %get3A_960 : vector<16xi1>, vector<16xf32>
        %swap3A_975 = arith.constant 352 : index
        %swap3A_976 = tpu.vector_load %arg8[%swap3A_975] {strides = array<i32>} : memref<400xf32, #tpu.memory_space<vmem>>, vector<16xf32>,
        tpu.vector_store %arg8[%swap3A_975], %select_n3A_974 {strides = array<i32>} : memref<400xf32, #tpu.memory_space<vmem>>, vector<16xf32>,
        %gt3A_977 = arith.cmpf ogt, %select_n3A_974, %select_n3A_955 : vector<16xf32>
        %select_n3A_978 = arith.select %gt3A_977, %select_n3A_974, %select_n3A_955 : vector<16xi1>, vector<16xf32>
        %broadcast_in_dim3A_979 = arith.constant 22 : i32
        %broadcast_in_dim3A_980 = vector.broadcast %broadcast_in_dim3A_979 : i32 to vector<16xi32>
        %select_n3A_981 = arith.select %gt3A_977, %broadcast_in_dim3A_980, %select_n3A_958 : vector<16xi1>, vector<16xi32>
        %get3A_982 = arith.constant 368 : index
        %get3A_983 = tpu.vector_load %arg8[%get3A_982] {strides = array<i32>} : memref<400xf32, #tpu.memory_space<vmem>>, vector<16xf32>,
        %get3A_984 = arith.index_cast %get3A_382 : i32 to index
        %get3A_985 = arith.constant 368 : index
        %get3A_986 = tpu.vector_load %arg10[%get3A_984, %get3A_985] {strides = array<i32>} : memref<2x384xf32, #tpu.memory_space<vmem>>, vector<16xf32>,
        %add3A_987 = arith.constant 368 : i32
        %add3A_988 = arith.addi %multiple_of3A, %add3A_987 : i32
        %add3A_989 = vector.broadcast %add3A_988 : i32 to vector<16xi32>
        %add3A_990 = arith.addi %add3A_989, %iota3A : vector<16xi32>
        %gt3A_991 = arith.constant 0.899999976 : f32
        %gt3A_992 = vector.broadcast %gt3A_991 : f32 to vector<16xf32>
        %gt3A_993 = arith.cmpf ogt, %get3A_986, %gt3A_992 : vector<16xf32>
        %eq3A_994 = vector.broadcast %get3A_387 : i32 to vector<16xi32>
        %eq3A_995 = arith.cmpi eq, %add3A_990, %eq3A_994 : vector<16xi32>
        %or3A_996 = arith.ori %gt3A_993, %eq3A_995 : vector<16xi1>
        %select_n3A_997 = arith.select %or3A_996, %broadcast_in_dim3A_2, %get3A_983 : vector<16xi1>, vector<16xf32>
        %swap3A_998 = arith.constant 368 : index
        %swap3A_999 = tpu.vector_load %arg8[%swap3A_998] {strides = array<i32>} : memref<400xf32, #tpu.memory_space<vmem>>, vector<16xf32>,
        tpu.vector_store %arg8[%swap3A_998], %select_n3A_997 {strides = array<i32>} : memref<400xf32, #tpu.memory_space<vmem>>, vector<16xf32>,
        %gt3A_1000 = arith.cmpf ogt, %select_n3A_997, %select_n3A_978 : vector<16xf32>
        %select_n3A_1001 = arith.select %gt3A_1000, %select_n3A_997, %select_n3A_978 : vector<16xi1>, vector<16xf32>
        %broadcast_in_dim3A_1002 = arith.constant 23 : i32
        %broadcast_in_dim3A_1003 = vector.broadcast %broadcast_in_dim3A_1002 : i32 to vector<16xi32>
        %select_n3A_1004 = arith.select %gt3A_1000, %broadcast_in_dim3A_1003, %select_n3A_981 : vector<16xi1>, vector<16xi32>
        %get3A_1005 = arith.constant 384 : index
        %get3A_1006 = tpu.vector_load %arg8[%get3A_1005] {strides = array<i32>} : memref<400xf32, #tpu.memory_space<vmem>>, vector<16xf32>,
        %jit3A_1007 = arith.constant 1 : i32
        %jit3A_1008 = arith.constant 0 : i32
        %select_n3A_1009 = arith.select %eq3A_384, %jit3A_1007, %jit3A_1008 : i32
        %broadcast_in_dim3A_1010 = vector.broadcast %select_n3A_1009 : i32 to vector<16xi32>
        %lt3A = arith.constant 8 : i32
        %lt3A_1011 = vector.broadcast %lt3A : i32 to vector<16xi32>
        %lt3A_1012 = arith.cmpi slt, %iota3A, %lt3A_1011 : vector<16xi32>
        %jit3A_1013 = arith.constant 0 : i32
        %broadcast_in_dim3A_1014 = vector.broadcast %jit3A_1013 : i32 to vector<16xi32>
        %select_n3A_1015 = arith.select %lt3A_1012, %iota3A, %broadcast_in_dim3A_1014 : vector<16xi1>, vector<16xi32>
        %gather3A_1016 = tpu.vector_load_idx %arg20[%broadcast_in_dim3A_1010, %select_n3A_1015] : memref<2x8xf32, #tpu.memory_space<vmem>>[vector<16xi32>, vector<16xi32>], vector<16xf32>,
        %add3A_1017 = arith.constant 4992 : i32
        %add3A_1018 = vector.broadcast %add3A_1017 : i32 to vector<16xi32>
        %add3A_1019 = arith.addi %add3A_1018, %iota3A : vector<16xi32>
        %gt3A_1020 = arith.constant 0.899999976 : f32
        %gt3A_1021 = vector.broadcast %gt3A_1020 : f32 to vector<16xf32>
        %gt3A_1022 = arith.cmpf ogt, %gather3A_1016, %gt3A_1021 : vector<16xf32>
        %lt3A_1023 = arith.constant 8 : i32
        %lt3A_1024 = vector.broadcast %lt3A_1023 : i32 to vector<16xi32>
        %lt3A_1025 = arith.cmpi slt, %iota3A, %lt3A_1024 : vector<16xi32>
        %and3A_1026 = arith.andi %gt3A_1022, %lt3A_1025 : vector<16xi1>
        %eq3A_1027 = vector.broadcast %get3A_387 : i32 to vector<16xi32>
        %eq3A_1028 = arith.cmpi eq, %add3A_1019, %eq3A_1027 : vector<16xi32>
        %or3A_1029 = arith.ori %and3A_1026, %eq3A_1028 : vector<16xi1>
        %select_n3A_1030 = arith.select %or3A_1029, %broadcast_in_dim3A_2, %get3A_1006 : vector<16xi1>, vector<16xf32>
        %swap3A_1031 = arith.constant 384 : index
        %swap3A_1032 = tpu.vector_load %arg8[%swap3A_1031] {strides = array<i32>} : memref<400xf32, #tpu.memory_space<vmem>>, vector<16xf32>,
        tpu.vector_store %arg8[%swap3A_1031], %select_n3A_1030 {strides = array<i32>} : memref<400xf32, #tpu.memory_space<vmem>>, vector<16xf32>,
        %gt3A_1033 = arith.cmpf ogt, %select_n3A_1030, %select_n3A_1001 : vector<16xf32>
        %select_n3A_1034 = arith.select %gt3A_1033, %select_n3A_1030, %select_n3A_1001 : vector<16xi1>, vector<16xf32>
        %broadcast_in_dim3A_1035 = arith.constant 24 : i32
        %broadcast_in_dim3A_1036 = vector.broadcast %broadcast_in_dim3A_1035 : i32 to vector<16xi32>
        %select_n3A_1037 = arith.select %gt3A_1033, %broadcast_in_dim3A_1036, %select_n3A_1004 : vector<16xi1>, vector<16xi32>
        %mul3A_1038 = arith.constant 16 : i32
        %mul3A_1039 = vector.broadcast %mul3A_1038 : i32 to vector<16xi32>
        %mul3A_1040 = arith.muli %select_n3A_1037, %mul3A_1039 : vector<16xi32>
        %add3A_1041 = vector.broadcast %multiple_of3A : i32 to vector<16xi32>
        %add3A_1042 = arith.addi %add3A_1041, %mul3A_1040 : vector<16xi32>
        %add3A_1043 = arith.addi %add3A_1042, %iota3A : vector<16xi32>
        %reduce_max3A_1044 = arith.constant true
        %reduce_max3A_1045 = vector.broadcast %reduce_max3A_1044 : i1 to vector<16xi1>
        %reduce_max3A_1046 = tpu.scan <max>, %select_n3A_1034 masked %reduce_max3A_1045 : vector<16xf32>, vector<16xi1> -> vector<16xf32>
        %reduce_max3A_1047 = vector.extract %reduce_max3A_1046[15] : f32 from vector<16xf32>
        %eq3A_1048 = vector.broadcast %reduce_max3A_1047 : f32 to vector<16xf32>
        %eq3A_1049 = arith.cmpf oeq, %select_n3A_1034, %eq3A_1048 : vector<16xf32>
        %jit3A_1050 = arith.constant 1073741824 : i32
        %broadcast_in_dim3A_1051 = vector.broadcast %jit3A_1050 : i32 to vector<16xi32>
        %select_n3A_1052 = arith.select %eq3A_1049, %add3A_1043, %broadcast_in_dim3A_1051 : vector<16xi1>, vector<16xi32>
        %reduce_min3A_1053 = arith.constant true
        %reduce_min3A_1054 = vector.broadcast %reduce_min3A_1053 : i1 to vector<16xi1>
        %reduce_min3A_1055 = arith.constant -2147483648 : i32
        %reduce_min3A_1056 = vector.broadcast %reduce_min3A_1055 : i32 to vector<16xi32>
        %reduce_min3A_1057 = arith.xori %select_n3A_1052, %reduce_min3A_1056 : vector<16xi32>
        %reduce_min3A_1058 = tpu.scan <min>, %reduce_min3A_1057 masked %reduce_min3A_1054 : vector<16xi32>, vector<16xi1> -> vector<16xi32>
        %reduce_min3A_1059 = arith.xori %reduce_min3A_1058, %reduce_min3A_1056 : vector<16xi32>
        %reduce_min3A_1060 = vector.extract %reduce_min3A_1059[15] : i32 from vector<16xi32>
        %eq3A_1061 = arith.constant 0 : i32
        %eq3A_1062 = vector.broadcast %eq3A_1061 : i32 to vector<16xi32>
        %eq3A_1063 = arith.cmpi eq, %iota3A, %eq3A_1062 : vector<16xi32>
        %broadcast_in_dim3A_1064 = vector.broadcast %reduce_max3A_1047 : f32 to vector<16xf32>
        %broadcast_in_dim3A_1065 = vector.broadcast %reduce_min3A_1060 : i32 to vector<16xi32>
        %bitcast3A_1066 = vector.bitcast %broadcast_in_dim3A_1065 : vector<16xi32> to vector<16xf32>
        %select_n3A_1067 = arith.select %eq3A_1063, %broadcast_in_dim3A_1064, %bitcast3A_1066 : vector<16xi1>, vector<16xf32>
        %swap3A_1068 = arith.constant 0 : index
        %swap3A_1069 = tpu.vector_load %arg16[%swap3A_1068] {strides = array<i32>} : memref<16xf32, #tpu.memory_space<vmem>>, vector<16xf32>,
        tpu.vector_store %arg16[%swap3A_1068], %select_n3A_1067 {strides = array<i32>} : memref<16xf32, #tpu.memory_space<vmem>>, vector<16xf32>,
      } else {
      }
      %eq3A_403 = arith.constant 3 : i32
      %eq3A_404 = arith.cmpi eq, %get3A_379, %eq3A_403 : i32
      %convert_element_type3A_405 = arith.extui %eq3A_404 : i1 to i32
      %cond3A_406 = arith.constant 0 : i32
      %cond3A_407 = arith.cmpi ne, %convert_element_type3A_405, %cond3A_406 : i32
      scf.if %cond3A_407 {
        %dma_wait3A = arith.constant 0 : i32
        %dma_wait3A_446 = tpu.memref_slice %arg2[%arg0, %dma_wait3A, %multiple_of3A] : memref<2x5000x5000xf32, #tpu.memory_space<hbm>> -> memref<1x2x384xf32, #tpu.memory_space<hbm>>
        %dma_wait3A_447 = tpu.memref_squeeze %dma_wait3A_446 : memref<1x2x384xf32, #tpu.memory_space<hbm>> -> memref<2x384xf32, #tpu.memory_space<hbm>>
        %dma_wait3A_448 = arith.constant 0 : i32
        %dma_wait3A_449 = tpu.memref_slice %arg2[%arg0, %dma_wait3A_448, %multiple_of3A] : memref<2x5000x5000xf32, #tpu.memory_space<hbm>> -> memref<1x2x384xf32, #tpu.memory_space<hbm>>
        %dma_wait3A_450 = tpu.memref_squeeze %dma_wait3A_449 : memref<1x2x384xf32, #tpu.memory_space<hbm>> -> memref<2x384xf32, #tpu.memory_space<hbm>>
        tpu.wait_dma2 semaphore(%arg26 : memref<!tpu.dma_semaphore, #tpu.memory_space<semaphore_mem>>) src(%dma_wait3A_450 : memref<2x384xf32, #tpu.memory_space<hbm>>) dst(%arg11 : memref<2x384xf32, #tpu.memory_space<vmem>>)
        %eq3A_451 = arith.constant 15 : i32
        %eq3A_452 = arith.cmpi eq, %arg1, %eq3A_451 : i32
        %convert_element_type3A_453 = arith.extui %eq3A_452 : i1 to i32
        %cond3A_454 = arith.constant 0 : i32
        %cond3A_455 = arith.cmpi ne, %convert_element_type3A_453, %cond3A_454 : i32
        scf.if %cond3A_455 {
          %dma_wait3A_1070 = arith.constant 0 : i32
          %dma_wait3A_1071 = arith.constant 4992 : i32
          %dma_wait3A_1072 = tpu.memref_slice %arg2[%arg0, %dma_wait3A_1070, %dma_wait3A_1071] : memref<2x5000x5000xf32, #tpu.memory_space<hbm>> -> memref<1x2x8xf32, #tpu.memory_space<hbm>>
          %dma_wait3A_1073 = tpu.memref_squeeze %dma_wait3A_1072 : memref<1x2x8xf32, #tpu.memory_space<hbm>> -> memref<2x8xf32, #tpu.memory_space<hbm>>
          %dma_wait3A_1074 = arith.constant 0 : i32
          %dma_wait3A_1075 = arith.constant 4992 : i32
          %dma_wait3A_1076 = tpu.memref_slice %arg2[%arg0, %dma_wait3A_1074, %dma_wait3A_1075] : memref<2x5000x5000xf32, #tpu.memory_space<hbm>> -> memref<1x2x8xf32, #tpu.memory_space<hbm>>
          %dma_wait3A_1077 = tpu.memref_squeeze %dma_wait3A_1076 : memref<1x2x8xf32, #tpu.memory_space<hbm>> -> memref<2x8xf32, #tpu.memory_space<hbm>>
          tpu.wait_dma2 semaphore(%arg26 : memref<!tpu.dma_semaphore, #tpu.memory_space<semaphore_mem>>) src(%dma_wait3A_1077 : memref<2x8xf32, #tpu.memory_space<hbm>>) dst(%arg21 : memref<2x8xf32, #tpu.memory_space<vmem>>)
        } else {
        }
        %broadcast_in_dim3A_456 = arith.constant 0 : i32
        %broadcast_in_dim3A_457 = vector.broadcast %broadcast_in_dim3A_456 : i32 to vector<16xi32>
        %get3A_458 = arith.constant 0 : index
        %get3A_459 = tpu.vector_load %arg8[%get3A_458] {strides = array<i32>} : memref<400xf32, #tpu.memory_space<vmem>>, vector<16xf32>,
        %get3A_460 = arith.index_cast %get3A_382 : i32 to index
        %get3A_461 = arith.constant 0 : index
        %get3A_462 = tpu.vector_load %arg11[%get3A_460, %get3A_461] {strides = array<i32>} : memref<2x384xf32, #tpu.memory_space<vmem>>, vector<16xf32>,
        %add3A_463 = arith.constant 0 : i32
        %add3A_464 = arith.addi %multiple_of3A, %add3A_463 : i32
        %add3A_465 = vector.broadcast %add3A_464 : i32 to vector<16xi32>
        %add3A_466 = arith.addi %add3A_465, %iota3A : vector<16xi32>
        %gt3A_467 = arith.constant 0.899999976 : f32
        %gt3A_468 = vector.broadcast %gt3A_467 : f32 to vector<16xf32>
        %gt3A_469 = arith.cmpf ogt, %get3A_462, %gt3A_468 : vector<16xf32>
        %eq3A_470 = vector.broadcast %get3A_387 : i32 to vector<16xi32>
        %eq3A_471 = arith.cmpi eq, %add3A_466, %eq3A_470 : vector<16xi32>
        %or3A_472 = arith.ori %gt3A_469, %eq3A_471 : vector<16xi1>
        %select_n3A_473 = arith.select %or3A_472, %broadcast_in_dim3A_2, %get3A_459 : vector<16xi1>, vector<16xf32>
        %swap3A_474 = arith.constant 0 : index
        %swap3A_475 = tpu.vector_load %arg8[%swap3A_474] {strides = array<i32>} : memref<400xf32, #tpu.memory_space<vmem>>, vector<16xf32>,
        tpu.vector_store %arg8[%swap3A_474], %select_n3A_473 {strides = array<i32>} : memref<400xf32, #tpu.memory_space<vmem>>, vector<16xf32>,
        %get3A_476 = arith.constant 16 : index
        %get3A_477 = tpu.vector_load %arg8[%get3A_476] {strides = array<i32>} : memref<400xf32, #tpu.memory_space<vmem>>, vector<16xf32>,
        %get3A_478 = arith.index_cast %get3A_382 : i32 to index
        %get3A_479 = arith.constant 16 : index
        %get3A_480 = tpu.vector_load %arg11[%get3A_478, %get3A_479] {strides = array<i32>} : memref<2x384xf32, #tpu.memory_space<vmem>>, vector<16xf32>,
        %add3A_481 = arith.constant 16 : i32
        %add3A_482 = arith.addi %multiple_of3A, %add3A_481 : i32
        %add3A_483 = vector.broadcast %add3A_482 : i32 to vector<16xi32>
        %add3A_484 = arith.addi %add3A_483, %iota3A : vector<16xi32>
        %gt3A_485 = arith.constant 0.899999976 : f32
        %gt3A_486 = vector.broadcast %gt3A_485 : f32 to vector<16xf32>
        %gt3A_487 = arith.cmpf ogt, %get3A_480, %gt3A_486 : vector<16xf32>
        %eq3A_488 = vector.broadcast %get3A_387 : i32 to vector<16xi32>
        %eq3A_489 = arith.cmpi eq, %add3A_484, %eq3A_488 : vector<16xi32>
        %or3A_490 = arith.ori %gt3A_487, %eq3A_489 : vector<16xi1>
        %select_n3A_491 = arith.select %or3A_490, %broadcast_in_dim3A_2, %get3A_477 : vector<16xi1>, vector<16xf32>
        %swap3A_492 = arith.constant 16 : index
        %swap3A_493 = tpu.vector_load %arg8[%swap3A_492] {strides = array<i32>} : memref<400xf32, #tpu.memory_space<vmem>>, vector<16xf32>,
        tpu.vector_store %arg8[%swap3A_492], %select_n3A_491 {strides = array<i32>} : memref<400xf32, #tpu.memory_space<vmem>>, vector<16xf32>,
        %gt3A_494 = arith.cmpf ogt, %select_n3A_491, %select_n3A_473 : vector<16xf32>
        %select_n3A_495 = arith.select %gt3A_494, %select_n3A_491, %select_n3A_473 : vector<16xi1>, vector<16xf32>
        %broadcast_in_dim3A_496 = arith.constant 1 : i32
        %broadcast_in_dim3A_497 = vector.broadcast %broadcast_in_dim3A_496 : i32 to vector<16xi32>
        %select_n3A_498 = arith.select %gt3A_494, %broadcast_in_dim3A_497, %broadcast_in_dim3A_457 : vector<16xi1>, vector<16xi32>
        %get3A_499 = arith.constant 32 : index
        %get3A_500 = tpu.vector_load %arg8[%get3A_499] {strides = array<i32>} : memref<400xf32, #tpu.memory_space<vmem>>, vector<16xf32>,
        %get3A_501 = arith.index_cast %get3A_382 : i32 to index
        %get3A_502 = arith.constant 32 : index
        %get3A_503 = tpu.vector_load %arg11[%get3A_501, %get3A_502] {strides = array<i32>} : memref<2x384xf32, #tpu.memory_space<vmem>>, vector<16xf32>,
        %add3A_504 = arith.constant 32 : i32
        %add3A_505 = arith.addi %multiple_of3A, %add3A_504 : i32
        %add3A_506 = vector.broadcast %add3A_505 : i32 to vector<16xi32>
        %add3A_507 = arith.addi %add3A_506, %iota3A : vector<16xi32>
        %gt3A_508 = arith.constant 0.899999976 : f32
        %gt3A_509 = vector.broadcast %gt3A_508 : f32 to vector<16xf32>
        %gt3A_510 = arith.cmpf ogt, %get3A_503, %gt3A_509 : vector<16xf32>
        %eq3A_511 = vector.broadcast %get3A_387 : i32 to vector<16xi32>
        %eq3A_512 = arith.cmpi eq, %add3A_507, %eq3A_511 : vector<16xi32>
        %or3A_513 = arith.ori %gt3A_510, %eq3A_512 : vector<16xi1>
        %select_n3A_514 = arith.select %or3A_513, %broadcast_in_dim3A_2, %get3A_500 : vector<16xi1>, vector<16xf32>
        %swap3A_515 = arith.constant 32 : index
        %swap3A_516 = tpu.vector_load %arg8[%swap3A_515] {strides = array<i32>} : memref<400xf32, #tpu.memory_space<vmem>>, vector<16xf32>,
        tpu.vector_store %arg8[%swap3A_515], %select_n3A_514 {strides = array<i32>} : memref<400xf32, #tpu.memory_space<vmem>>, vector<16xf32>,
        %gt3A_517 = arith.cmpf ogt, %select_n3A_514, %select_n3A_495 : vector<16xf32>
        %select_n3A_518 = arith.select %gt3A_517, %select_n3A_514, %select_n3A_495 : vector<16xi1>, vector<16xf32>
        %broadcast_in_dim3A_519 = arith.constant 2 : i32
        %broadcast_in_dim3A_520 = vector.broadcast %broadcast_in_dim3A_519 : i32 to vector<16xi32>
        %select_n3A_521 = arith.select %gt3A_517, %broadcast_in_dim3A_520, %select_n3A_498 : vector<16xi1>, vector<16xi32>
        %get3A_522 = arith.constant 48 : index
        %get3A_523 = tpu.vector_load %arg8[%get3A_522] {strides = array<i32>} : memref<400xf32, #tpu.memory_space<vmem>>, vector<16xf32>,
        %get3A_524 = arith.index_cast %get3A_382 : i32 to index
        %get3A_525 = arith.constant 48 : index
        %get3A_526 = tpu.vector_load %arg11[%get3A_524, %get3A_525] {strides = array<i32>} : memref<2x384xf32, #tpu.memory_space<vmem>>, vector<16xf32>,
        %add3A_527 = arith.constant 48 : i32
        %add3A_528 = arith.addi %multiple_of3A, %add3A_527 : i32
        %add3A_529 = vector.broadcast %add3A_528 : i32 to vector<16xi32>
        %add3A_530 = arith.addi %add3A_529, %iota3A : vector<16xi32>
        %gt3A_531 = arith.constant 0.899999976 : f32
        %gt3A_532 = vector.broadcast %gt3A_531 : f32 to vector<16xf32>
        %gt3A_533 = arith.cmpf ogt, %get3A_526, %gt3A_532 : vector<16xf32>
        %eq3A_534 = vector.broadcast %get3A_387 : i32 to vector<16xi32>
        %eq3A_535 = arith.cmpi eq, %add3A_530, %eq3A_534 : vector<16xi32>
        %or3A_536 = arith.ori %gt3A_533, %eq3A_535 : vector<16xi1>
        %select_n3A_537 = arith.select %or3A_536, %broadcast_in_dim3A_2, %get3A_523 : vector<16xi1>, vector<16xf32>
        %swap3A_538 = arith.constant 48 : index
        %swap3A_539 = tpu.vector_load %arg8[%swap3A_538] {strides = array<i32>} : memref<400xf32, #tpu.memory_space<vmem>>, vector<16xf32>,
        tpu.vector_store %arg8[%swap3A_538], %select_n3A_537 {strides = array<i32>} : memref<400xf32, #tpu.memory_space<vmem>>, vector<16xf32>,
        %gt3A_540 = arith.cmpf ogt, %select_n3A_537, %select_n3A_518 : vector<16xf32>
        %select_n3A_541 = arith.select %gt3A_540, %select_n3A_537, %select_n3A_518 : vector<16xi1>, vector<16xf32>
        %broadcast_in_dim3A_542 = arith.constant 3 : i32
        %broadcast_in_dim3A_543 = vector.broadcast %broadcast_in_dim3A_542 : i32 to vector<16xi32>
        %select_n3A_544 = arith.select %gt3A_540, %broadcast_in_dim3A_543, %select_n3A_521 : vector<16xi1>, vector<16xi32>
        %get3A_545 = arith.constant 64 : index
        %get3A_546 = tpu.vector_load %arg8[%get3A_545] {strides = array<i32>} : memref<400xf32, #tpu.memory_space<vmem>>, vector<16xf32>,
        %get3A_547 = arith.index_cast %get3A_382 : i32 to index
        %get3A_548 = arith.constant 64 : index
        %get3A_549 = tpu.vector_load %arg11[%get3A_547, %get3A_548] {strides = array<i32>} : memref<2x384xf32, #tpu.memory_space<vmem>>, vector<16xf32>,
        %add3A_550 = arith.constant 64 : i32
        %add3A_551 = arith.addi %multiple_of3A, %add3A_550 : i32
        %add3A_552 = vector.broadcast %add3A_551 : i32 to vector<16xi32>
        %add3A_553 = arith.addi %add3A_552, %iota3A : vector<16xi32>
        %gt3A_554 = arith.constant 0.899999976 : f32
        %gt3A_555 = vector.broadcast %gt3A_554 : f32 to vector<16xf32>
        %gt3A_556 = arith.cmpf ogt, %get3A_549, %gt3A_555 : vector<16xf32>
        %eq3A_557 = vector.broadcast %get3A_387 : i32 to vector<16xi32>
        %eq3A_558 = arith.cmpi eq, %add3A_553, %eq3A_557 : vector<16xi32>
        %or3A_559 = arith.ori %gt3A_556, %eq3A_558 : vector<16xi1>
        %select_n3A_560 = arith.select %or3A_559, %broadcast_in_dim3A_2, %get3A_546 : vector<16xi1>, vector<16xf32>
        %swap3A_561 = arith.constant 64 : index
        %swap3A_562 = tpu.vector_load %arg8[%swap3A_561] {strides = array<i32>} : memref<400xf32, #tpu.memory_space<vmem>>, vector<16xf32>,
        tpu.vector_store %arg8[%swap3A_561], %select_n3A_560 {strides = array<i32>} : memref<400xf32, #tpu.memory_space<vmem>>, vector<16xf32>,
        %gt3A_563 = arith.cmpf ogt, %select_n3A_560, %select_n3A_541 : vector<16xf32>
        %select_n3A_564 = arith.select %gt3A_563, %select_n3A_560, %select_n3A_541 : vector<16xi1>, vector<16xf32>
        %broadcast_in_dim3A_565 = arith.constant 4 : i32
        %broadcast_in_dim3A_566 = vector.broadcast %broadcast_in_dim3A_565 : i32 to vector<16xi32>
        %select_n3A_567 = arith.select %gt3A_563, %broadcast_in_dim3A_566, %select_n3A_544 : vector<16xi1>, vector<16xi32>
        %get3A_568 = arith.constant 80 : index
        %get3A_569 = tpu.vector_load %arg8[%get3A_568] {strides = array<i32>} : memref<400xf32, #tpu.memory_space<vmem>>, vector<16xf32>,
        %get3A_570 = arith.index_cast %get3A_382 : i32 to index
        %get3A_571 = arith.constant 80 : index
        %get3A_572 = tpu.vector_load %arg11[%get3A_570, %get3A_571] {strides = array<i32>} : memref<2x384xf32, #tpu.memory_space<vmem>>, vector<16xf32>,
        %add3A_573 = arith.constant 80 : i32
        %add3A_574 = arith.addi %multiple_of3A, %add3A_573 : i32
        %add3A_575 = vector.broadcast %add3A_574 : i32 to vector<16xi32>
        %add3A_576 = arith.addi %add3A_575, %iota3A : vector<16xi32>
        %gt3A_577 = arith.constant 0.899999976 : f32
        %gt3A_578 = vector.broadcast %gt3A_577 : f32 to vector<16xf32>
        %gt3A_579 = arith.cmpf ogt, %get3A_572, %gt3A_578 : vector<16xf32>
        %eq3A_580 = vector.broadcast %get3A_387 : i32 to vector<16xi32>
        %eq3A_581 = arith.cmpi eq, %add3A_576, %eq3A_580 : vector<16xi32>
        %or3A_582 = arith.ori %gt3A_579, %eq3A_581 : vector<16xi1>
        %select_n3A_583 = arith.select %or3A_582, %broadcast_in_dim3A_2, %get3A_569 : vector<16xi1>, vector<16xf32>
        %swap3A_584 = arith.constant 80 : index
        %swap3A_585 = tpu.vector_load %arg8[%swap3A_584] {strides = array<i32>} : memref<400xf32, #tpu.memory_space<vmem>>, vector<16xf32>,
        tpu.vector_store %arg8[%swap3A_584], %select_n3A_583 {strides = array<i32>} : memref<400xf32, #tpu.memory_space<vmem>>, vector<16xf32>,
        %gt3A_586 = arith.cmpf ogt, %select_n3A_583, %select_n3A_564 : vector<16xf32>
        %select_n3A_587 = arith.select %gt3A_586, %select_n3A_583, %select_n3A_564 : vector<16xi1>, vector<16xf32>
        %broadcast_in_dim3A_588 = arith.constant 5 : i32
        %broadcast_in_dim3A_589 = vector.broadcast %broadcast_in_dim3A_588 : i32 to vector<16xi32>
        %select_n3A_590 = arith.select %gt3A_586, %broadcast_in_dim3A_589, %select_n3A_567 : vector<16xi1>, vector<16xi32>
        %get3A_591 = arith.constant 96 : index
        %get3A_592 = tpu.vector_load %arg8[%get3A_591] {strides = array<i32>} : memref<400xf32, #tpu.memory_space<vmem>>, vector<16xf32>,
        %get3A_593 = arith.index_cast %get3A_382 : i32 to index
        %get3A_594 = arith.constant 96 : index
        %get3A_595 = tpu.vector_load %arg11[%get3A_593, %get3A_594] {strides = array<i32>} : memref<2x384xf32, #tpu.memory_space<vmem>>, vector<16xf32>,
        %add3A_596 = arith.constant 96 : i32
        %add3A_597 = arith.addi %multiple_of3A, %add3A_596 : i32
        %add3A_598 = vector.broadcast %add3A_597 : i32 to vector<16xi32>
        %add3A_599 = arith.addi %add3A_598, %iota3A : vector<16xi32>
        %gt3A_600 = arith.constant 0.899999976 : f32
        %gt3A_601 = vector.broadcast %gt3A_600 : f32 to vector<16xf32>
        %gt3A_602 = arith.cmpf ogt, %get3A_595, %gt3A_601 : vector<16xf32>
        %eq3A_603 = vector.broadcast %get3A_387 : i32 to vector<16xi32>
        %eq3A_604 = arith.cmpi eq, %add3A_599, %eq3A_603 : vector<16xi32>
        %or3A_605 = arith.ori %gt3A_602, %eq3A_604 : vector<16xi1>
        %select_n3A_606 = arith.select %or3A_605, %broadcast_in_dim3A_2, %get3A_592 : vector<16xi1>, vector<16xf32>
        %swap3A_607 = arith.constant 96 : index
        %swap3A_608 = tpu.vector_load %arg8[%swap3A_607] {strides = array<i32>} : memref<400xf32, #tpu.memory_space<vmem>>, vector<16xf32>,
        tpu.vector_store %arg8[%swap3A_607], %select_n3A_606 {strides = array<i32>} : memref<400xf32, #tpu.memory_space<vmem>>, vector<16xf32>,
        %gt3A_609 = arith.cmpf ogt, %select_n3A_606, %select_n3A_587 : vector<16xf32>
        %select_n3A_610 = arith.select %gt3A_609, %select_n3A_606, %select_n3A_587 : vector<16xi1>, vector<16xf32>
        %broadcast_in_dim3A_611 = arith.constant 6 : i32
        %broadcast_in_dim3A_612 = vector.broadcast %broadcast_in_dim3A_611 : i32 to vector<16xi32>
        %select_n3A_613 = arith.select %gt3A_609, %broadcast_in_dim3A_612, %select_n3A_590 : vector<16xi1>, vector<16xi32>
        %get3A_614 = arith.constant 112 : index
        %get3A_615 = tpu.vector_load %arg8[%get3A_614] {strides = array<i32>} : memref<400xf32, #tpu.memory_space<vmem>>, vector<16xf32>,
        %get3A_616 = arith.index_cast %get3A_382 : i32 to index
        %get3A_617 = arith.constant 112 : index
        %get3A_618 = tpu.vector_load %arg11[%get3A_616, %get3A_617] {strides = array<i32>} : memref<2x384xf32, #tpu.memory_space<vmem>>, vector<16xf32>,
        %add3A_619 = arith.constant 112 : i32
        %add3A_620 = arith.addi %multiple_of3A, %add3A_619 : i32
        %add3A_621 = vector.broadcast %add3A_620 : i32 to vector<16xi32>
        %add3A_622 = arith.addi %add3A_621, %iota3A : vector<16xi32>
        %gt3A_623 = arith.constant 0.899999976 : f32
        %gt3A_624 = vector.broadcast %gt3A_623 : f32 to vector<16xf32>
        %gt3A_625 = arith.cmpf ogt, %get3A_618, %gt3A_624 : vector<16xf32>
        %eq3A_626 = vector.broadcast %get3A_387 : i32 to vector<16xi32>
        %eq3A_627 = arith.cmpi eq, %add3A_622, %eq3A_626 : vector<16xi32>
        %or3A_628 = arith.ori %gt3A_625, %eq3A_627 : vector<16xi1>
        %select_n3A_629 = arith.select %or3A_628, %broadcast_in_dim3A_2, %get3A_615 : vector<16xi1>, vector<16xf32>
        %swap3A_630 = arith.constant 112 : index
        %swap3A_631 = tpu.vector_load %arg8[%swap3A_630] {strides = array<i32>} : memref<400xf32, #tpu.memory_space<vmem>>, vector<16xf32>,
        tpu.vector_store %arg8[%swap3A_630], %select_n3A_629 {strides = array<i32>} : memref<400xf32, #tpu.memory_space<vmem>>, vector<16xf32>,
        %gt3A_632 = arith.cmpf ogt, %select_n3A_629, %select_n3A_610 : vector<16xf32>
        %select_n3A_633 = arith.select %gt3A_632, %select_n3A_629, %select_n3A_610 : vector<16xi1>, vector<16xf32>
        %broadcast_in_dim3A_634 = arith.constant 7 : i32
        %broadcast_in_dim3A_635 = vector.broadcast %broadcast_in_dim3A_634 : i32 to vector<16xi32>
        %select_n3A_636 = arith.select %gt3A_632, %broadcast_in_dim3A_635, %select_n3A_613 : vector<16xi1>, vector<16xi32>
        %get3A_637 = arith.constant 128 : index
        %get3A_638 = tpu.vector_load %arg8[%get3A_637] {strides = array<i32>} : memref<400xf32, #tpu.memory_space<vmem>>, vector<16xf32>,
        %get3A_639 = arith.index_cast %get3A_382 : i32 to index
        %get3A_640 = arith.constant 128 : index
        %get3A_641 = tpu.vector_load %arg11[%get3A_639, %get3A_640] {strides = array<i32>} : memref<2x384xf32, #tpu.memory_space<vmem>>, vector<16xf32>,
        %add3A_642 = arith.constant 128 : i32
        %add3A_643 = arith.addi %multiple_of3A, %add3A_642 : i32
        %add3A_644 = vector.broadcast %add3A_643 : i32 to vector<16xi32>
        %add3A_645 = arith.addi %add3A_644, %iota3A : vector<16xi32>
        %gt3A_646 = arith.constant 0.899999976 : f32
        %gt3A_647 = vector.broadcast %gt3A_646 : f32 to vector<16xf32>
        %gt3A_648 = arith.cmpf ogt, %get3A_641, %gt3A_647 : vector<16xf32>
        %eq3A_649 = vector.broadcast %get3A_387 : i32 to vector<16xi32>
        %eq3A_650 = arith.cmpi eq, %add3A_645, %eq3A_649 : vector<16xi32>
        %or3A_651 = arith.ori %gt3A_648, %eq3A_650 : vector<16xi1>
        %select_n3A_652 = arith.select %or3A_651, %broadcast_in_dim3A_2, %get3A_638 : vector<16xi1>, vector<16xf32>
        %swap3A_653 = arith.constant 128 : index
        %swap3A_654 = tpu.vector_load %arg8[%swap3A_653] {strides = array<i32>} : memref<400xf32, #tpu.memory_space<vmem>>, vector<16xf32>,
        tpu.vector_store %arg8[%swap3A_653], %select_n3A_652 {strides = array<i32>} : memref<400xf32, #tpu.memory_space<vmem>>, vector<16xf32>,
        %gt3A_655 = arith.cmpf ogt, %select_n3A_652, %select_n3A_633 : vector<16xf32>
        %select_n3A_656 = arith.select %gt3A_655, %select_n3A_652, %select_n3A_633 : vector<16xi1>, vector<16xf32>
        %broadcast_in_dim3A_657 = arith.constant 8 : i32
        %broadcast_in_dim3A_658 = vector.broadcast %broadcast_in_dim3A_657 : i32 to vector<16xi32>
        %select_n3A_659 = arith.select %gt3A_655, %broadcast_in_dim3A_658, %select_n3A_636 : vector<16xi1>, vector<16xi32>
        %get3A_660 = arith.constant 144 : index
        %get3A_661 = tpu.vector_load %arg8[%get3A_660] {strides = array<i32>} : memref<400xf32, #tpu.memory_space<vmem>>, vector<16xf32>,
        %get3A_662 = arith.index_cast %get3A_382 : i32 to index
        %get3A_663 = arith.constant 144 : index
        %get3A_664 = tpu.vector_load %arg11[%get3A_662, %get3A_663] {strides = array<i32>} : memref<2x384xf32, #tpu.memory_space<vmem>>, vector<16xf32>,
        %add3A_665 = arith.constant 144 : i32
        %add3A_666 = arith.addi %multiple_of3A, %add3A_665 : i32
        %add3A_667 = vector.broadcast %add3A_666 : i32 to vector<16xi32>
        %add3A_668 = arith.addi %add3A_667, %iota3A : vector<16xi32>
        %gt3A_669 = arith.constant 0.899999976 : f32
        %gt3A_670 = vector.broadcast %gt3A_669 : f32 to vector<16xf32>
        %gt3A_671 = arith.cmpf ogt, %get3A_664, %gt3A_670 : vector<16xf32>
        %eq3A_672 = vector.broadcast %get3A_387 : i32 to vector<16xi32>
        %eq3A_673 = arith.cmpi eq, %add3A_668, %eq3A_672 : vector<16xi32>
        %or3A_674 = arith.ori %gt3A_671, %eq3A_673 : vector<16xi1>
        %select_n3A_675 = arith.select %or3A_674, %broadcast_in_dim3A_2, %get3A_661 : vector<16xi1>, vector<16xf32>
        %swap3A_676 = arith.constant 144 : index
        %swap3A_677 = tpu.vector_load %arg8[%swap3A_676] {strides = array<i32>} : memref<400xf32, #tpu.memory_space<vmem>>, vector<16xf32>,
        tpu.vector_store %arg8[%swap3A_676], %select_n3A_675 {strides = array<i32>} : memref<400xf32, #tpu.memory_space<vmem>>, vector<16xf32>,
        %gt3A_678 = arith.cmpf ogt, %select_n3A_675, %select_n3A_656 : vector<16xf32>
        %select_n3A_679 = arith.select %gt3A_678, %select_n3A_675, %select_n3A_656 : vector<16xi1>, vector<16xf32>
        %broadcast_in_dim3A_680 = arith.constant 9 : i32
        %broadcast_in_dim3A_681 = vector.broadcast %broadcast_in_dim3A_680 : i32 to vector<16xi32>
        %select_n3A_682 = arith.select %gt3A_678, %broadcast_in_dim3A_681, %select_n3A_659 : vector<16xi1>, vector<16xi32>
        %get3A_683 = arith.constant 160 : index
        %get3A_684 = tpu.vector_load %arg8[%get3A_683] {strides = array<i32>} : memref<400xf32, #tpu.memory_space<vmem>>, vector<16xf32>,
        %get3A_685 = arith.index_cast %get3A_382 : i32 to index
        %get3A_686 = arith.constant 160 : index
        %get3A_687 = tpu.vector_load %arg11[%get3A_685, %get3A_686] {strides = array<i32>} : memref<2x384xf32, #tpu.memory_space<vmem>>, vector<16xf32>,
        %add3A_688 = arith.constant 160 : i32
        %add3A_689 = arith.addi %multiple_of3A, %add3A_688 : i32
        %add3A_690 = vector.broadcast %add3A_689 : i32 to vector<16xi32>
        %add3A_691 = arith.addi %add3A_690, %iota3A : vector<16xi32>
        %gt3A_692 = arith.constant 0.899999976 : f32
        %gt3A_693 = vector.broadcast %gt3A_692 : f32 to vector<16xf32>
        %gt3A_694 = arith.cmpf ogt, %get3A_687, %gt3A_693 : vector<16xf32>
        %eq3A_695 = vector.broadcast %get3A_387 : i32 to vector<16xi32>
        %eq3A_696 = arith.cmpi eq, %add3A_691, %eq3A_695 : vector<16xi32>
        %or3A_697 = arith.ori %gt3A_694, %eq3A_696 : vector<16xi1>
        %select_n3A_698 = arith.select %or3A_697, %broadcast_in_dim3A_2, %get3A_684 : vector<16xi1>, vector<16xf32>
        %swap3A_699 = arith.constant 160 : index
        %swap3A_700 = tpu.vector_load %arg8[%swap3A_699] {strides = array<i32>} : memref<400xf32, #tpu.memory_space<vmem>>, vector<16xf32>,
        tpu.vector_store %arg8[%swap3A_699], %select_n3A_698 {strides = array<i32>} : memref<400xf32, #tpu.memory_space<vmem>>, vector<16xf32>,
        %gt3A_701 = arith.cmpf ogt, %select_n3A_698, %select_n3A_679 : vector<16xf32>
        %select_n3A_702 = arith.select %gt3A_701, %select_n3A_698, %select_n3A_679 : vector<16xi1>, vector<16xf32>
        %broadcast_in_dim3A_703 = arith.constant 10 : i32
        %broadcast_in_dim3A_704 = vector.broadcast %broadcast_in_dim3A_703 : i32 to vector<16xi32>
        %select_n3A_705 = arith.select %gt3A_701, %broadcast_in_dim3A_704, %select_n3A_682 : vector<16xi1>, vector<16xi32>
        %get3A_706 = arith.constant 176 : index
        %get3A_707 = tpu.vector_load %arg8[%get3A_706] {strides = array<i32>} : memref<400xf32, #tpu.memory_space<vmem>>, vector<16xf32>,
        %get3A_708 = arith.index_cast %get3A_382 : i32 to index
        %get3A_709 = arith.constant 176 : index
        %get3A_710 = tpu.vector_load %arg11[%get3A_708, %get3A_709] {strides = array<i32>} : memref<2x384xf32, #tpu.memory_space<vmem>>, vector<16xf32>,
        %add3A_711 = arith.constant 176 : i32
        %add3A_712 = arith.addi %multiple_of3A, %add3A_711 : i32
        %add3A_713 = vector.broadcast %add3A_712 : i32 to vector<16xi32>
        %add3A_714 = arith.addi %add3A_713, %iota3A : vector<16xi32>
        %gt3A_715 = arith.constant 0.899999976 : f32
        %gt3A_716 = vector.broadcast %gt3A_715 : f32 to vector<16xf32>
        %gt3A_717 = arith.cmpf ogt, %get3A_710, %gt3A_716 : vector<16xf32>
        %eq3A_718 = vector.broadcast %get3A_387 : i32 to vector<16xi32>
        %eq3A_719 = arith.cmpi eq, %add3A_714, %eq3A_718 : vector<16xi32>
        %or3A_720 = arith.ori %gt3A_717, %eq3A_719 : vector<16xi1>
        %select_n3A_721 = arith.select %or3A_720, %broadcast_in_dim3A_2, %get3A_707 : vector<16xi1>, vector<16xf32>
        %swap3A_722 = arith.constant 176 : index
        %swap3A_723 = tpu.vector_load %arg8[%swap3A_722] {strides = array<i32>} : memref<400xf32, #tpu.memory_space<vmem>>, vector<16xf32>,
        tpu.vector_store %arg8[%swap3A_722], %select_n3A_721 {strides = array<i32>} : memref<400xf32, #tpu.memory_space<vmem>>, vector<16xf32>,
        %gt3A_724 = arith.cmpf ogt, %select_n3A_721, %select_n3A_702 : vector<16xf32>
        %select_n3A_725 = arith.select %gt3A_724, %select_n3A_721, %select_n3A_702 : vector<16xi1>, vector<16xf32>
        %broadcast_in_dim3A_726 = arith.constant 11 : i32
        %broadcast_in_dim3A_727 = vector.broadcast %broadcast_in_dim3A_726 : i32 to vector<16xi32>
        %select_n3A_728 = arith.select %gt3A_724, %broadcast_in_dim3A_727, %select_n3A_705 : vector<16xi1>, vector<16xi32>
        %get3A_729 = arith.constant 192 : index
        %get3A_730 = tpu.vector_load %arg8[%get3A_729] {strides = array<i32>} : memref<400xf32, #tpu.memory_space<vmem>>, vector<16xf32>,
        %get3A_731 = arith.index_cast %get3A_382 : i32 to index
        %get3A_732 = arith.constant 192 : index
        %get3A_733 = tpu.vector_load %arg11[%get3A_731, %get3A_732] {strides = array<i32>} : memref<2x384xf32, #tpu.memory_space<vmem>>, vector<16xf32>,
        %add3A_734 = arith.constant 192 : i32
        %add3A_735 = arith.addi %multiple_of3A, %add3A_734 : i32
        %add3A_736 = vector.broadcast %add3A_735 : i32 to vector<16xi32>
        %add3A_737 = arith.addi %add3A_736, %iota3A : vector<16xi32>
        %gt3A_738 = arith.constant 0.899999976 : f32
        %gt3A_739 = vector.broadcast %gt3A_738 : f32 to vector<16xf32>
        %gt3A_740 = arith.cmpf ogt, %get3A_733, %gt3A_739 : vector<16xf32>
        %eq3A_741 = vector.broadcast %get3A_387 : i32 to vector<16xi32>
        %eq3A_742 = arith.cmpi eq, %add3A_737, %eq3A_741 : vector<16xi32>
        %or3A_743 = arith.ori %gt3A_740, %eq3A_742 : vector<16xi1>
        %select_n3A_744 = arith.select %or3A_743, %broadcast_in_dim3A_2, %get3A_730 : vector<16xi1>, vector<16xf32>
        %swap3A_745 = arith.constant 192 : index
        %swap3A_746 = tpu.vector_load %arg8[%swap3A_745] {strides = array<i32>} : memref<400xf32, #tpu.memory_space<vmem>>, vector<16xf32>,
        tpu.vector_store %arg8[%swap3A_745], %select_n3A_744 {strides = array<i32>} : memref<400xf32, #tpu.memory_space<vmem>>, vector<16xf32>,
        %gt3A_747 = arith.cmpf ogt, %select_n3A_744, %select_n3A_725 : vector<16xf32>
        %select_n3A_748 = arith.select %gt3A_747, %select_n3A_744, %select_n3A_725 : vector<16xi1>, vector<16xf32>
        %broadcast_in_dim3A_749 = arith.constant 12 : i32
        %broadcast_in_dim3A_750 = vector.broadcast %broadcast_in_dim3A_749 : i32 to vector<16xi32>
        %select_n3A_751 = arith.select %gt3A_747, %broadcast_in_dim3A_750, %select_n3A_728 : vector<16xi1>, vector<16xi32>
        %get3A_752 = arith.constant 208 : index
        %get3A_753 = tpu.vector_load %arg8[%get3A_752] {strides = array<i32>} : memref<400xf32, #tpu.memory_space<vmem>>, vector<16xf32>,
        %get3A_754 = arith.index_cast %get3A_382 : i32 to index
        %get3A_755 = arith.constant 208 : index
        %get3A_756 = tpu.vector_load %arg11[%get3A_754, %get3A_755] {strides = array<i32>} : memref<2x384xf32, #tpu.memory_space<vmem>>, vector<16xf32>,
        %add3A_757 = arith.constant 208 : i32
        %add3A_758 = arith.addi %multiple_of3A, %add3A_757 : i32
        %add3A_759 = vector.broadcast %add3A_758 : i32 to vector<16xi32>
        %add3A_760 = arith.addi %add3A_759, %iota3A : vector<16xi32>
        %gt3A_761 = arith.constant 0.899999976 : f32
        %gt3A_762 = vector.broadcast %gt3A_761 : f32 to vector<16xf32>
        %gt3A_763 = arith.cmpf ogt, %get3A_756, %gt3A_762 : vector<16xf32>
        %eq3A_764 = vector.broadcast %get3A_387 : i32 to vector<16xi32>
        %eq3A_765 = arith.cmpi eq, %add3A_760, %eq3A_764 : vector<16xi32>
        %or3A_766 = arith.ori %gt3A_763, %eq3A_765 : vector<16xi1>
        %select_n3A_767 = arith.select %or3A_766, %broadcast_in_dim3A_2, %get3A_753 : vector<16xi1>, vector<16xf32>
        %swap3A_768 = arith.constant 208 : index
        %swap3A_769 = tpu.vector_load %arg8[%swap3A_768] {strides = array<i32>} : memref<400xf32, #tpu.memory_space<vmem>>, vector<16xf32>,
        tpu.vector_store %arg8[%swap3A_768], %select_n3A_767 {strides = array<i32>} : memref<400xf32, #tpu.memory_space<vmem>>, vector<16xf32>,
        %gt3A_770 = arith.cmpf ogt, %select_n3A_767, %select_n3A_748 : vector<16xf32>
        %select_n3A_771 = arith.select %gt3A_770, %select_n3A_767, %select_n3A_748 : vector<16xi1>, vector<16xf32>
        %broadcast_in_dim3A_772 = arith.constant 13 : i32
        %broadcast_in_dim3A_773 = vector.broadcast %broadcast_in_dim3A_772 : i32 to vector<16xi32>
        %select_n3A_774 = arith.select %gt3A_770, %broadcast_in_dim3A_773, %select_n3A_751 : vector<16xi1>, vector<16xi32>
        %get3A_775 = arith.constant 224 : index
        %get3A_776 = tpu.vector_load %arg8[%get3A_775] {strides = array<i32>} : memref<400xf32, #tpu.memory_space<vmem>>, vector<16xf32>,
        %get3A_777 = arith.index_cast %get3A_382 : i32 to index
        %get3A_778 = arith.constant 224 : index
        %get3A_779 = tpu.vector_load %arg11[%get3A_777, %get3A_778] {strides = array<i32>} : memref<2x384xf32, #tpu.memory_space<vmem>>, vector<16xf32>,
        %add3A_780 = arith.constant 224 : i32
        %add3A_781 = arith.addi %multiple_of3A, %add3A_780 : i32
        %add3A_782 = vector.broadcast %add3A_781 : i32 to vector<16xi32>
        %add3A_783 = arith.addi %add3A_782, %iota3A : vector<16xi32>
        %gt3A_784 = arith.constant 0.899999976 : f32
        %gt3A_785 = vector.broadcast %gt3A_784 : f32 to vector<16xf32>
        %gt3A_786 = arith.cmpf ogt, %get3A_779, %gt3A_785 : vector<16xf32>
        %eq3A_787 = vector.broadcast %get3A_387 : i32 to vector<16xi32>
        %eq3A_788 = arith.cmpi eq, %add3A_783, %eq3A_787 : vector<16xi32>
        %or3A_789 = arith.ori %gt3A_786, %eq3A_788 : vector<16xi1>
        %select_n3A_790 = arith.select %or3A_789, %broadcast_in_dim3A_2, %get3A_776 : vector<16xi1>, vector<16xf32>
        %swap3A_791 = arith.constant 224 : index
        %swap3A_792 = tpu.vector_load %arg8[%swap3A_791] {strides = array<i32>} : memref<400xf32, #tpu.memory_space<vmem>>, vector<16xf32>,
        tpu.vector_store %arg8[%swap3A_791], %select_n3A_790 {strides = array<i32>} : memref<400xf32, #tpu.memory_space<vmem>>, vector<16xf32>,
        %gt3A_793 = arith.cmpf ogt, %select_n3A_790, %select_n3A_771 : vector<16xf32>
        %select_n3A_794 = arith.select %gt3A_793, %select_n3A_790, %select_n3A_771 : vector<16xi1>, vector<16xf32>
        %broadcast_in_dim3A_795 = arith.constant 14 : i32
        %broadcast_in_dim3A_796 = vector.broadcast %broadcast_in_dim3A_795 : i32 to vector<16xi32>
        %select_n3A_797 = arith.select %gt3A_793, %broadcast_in_dim3A_796, %select_n3A_774 : vector<16xi1>, vector<16xi32>
        %get3A_798 = arith.constant 240 : index
        %get3A_799 = tpu.vector_load %arg8[%get3A_798] {strides = array<i32>} : memref<400xf32, #tpu.memory_space<vmem>>, vector<16xf32>,
        %get3A_800 = arith.index_cast %get3A_382 : i32 to index
        %get3A_801 = arith.constant 240 : index
        %get3A_802 = tpu.vector_load %arg11[%get3A_800, %get3A_801] {strides = array<i32>} : memref<2x384xf32, #tpu.memory_space<vmem>>, vector<16xf32>,
        %add3A_803 = arith.constant 240 : i32
        %add3A_804 = arith.addi %multiple_of3A, %add3A_803 : i32
        %add3A_805 = vector.broadcast %add3A_804 : i32 to vector<16xi32>
        %add3A_806 = arith.addi %add3A_805, %iota3A : vector<16xi32>
        %gt3A_807 = arith.constant 0.899999976 : f32
        %gt3A_808 = vector.broadcast %gt3A_807 : f32 to vector<16xf32>
        %gt3A_809 = arith.cmpf ogt, %get3A_802, %gt3A_808 : vector<16xf32>
        %eq3A_810 = vector.broadcast %get3A_387 : i32 to vector<16xi32>
        %eq3A_811 = arith.cmpi eq, %add3A_806, %eq3A_810 : vector<16xi32>
        %or3A_812 = arith.ori %gt3A_809, %eq3A_811 : vector<16xi1>
        %select_n3A_813 = arith.select %or3A_812, %broadcast_in_dim3A_2, %get3A_799 : vector<16xi1>, vector<16xf32>
        %swap3A_814 = arith.constant 240 : index
        %swap3A_815 = tpu.vector_load %arg8[%swap3A_814] {strides = array<i32>} : memref<400xf32, #tpu.memory_space<vmem>>, vector<16xf32>,
        tpu.vector_store %arg8[%swap3A_814], %select_n3A_813 {strides = array<i32>} : memref<400xf32, #tpu.memory_space<vmem>>, vector<16xf32>,
        %gt3A_816 = arith.cmpf ogt, %select_n3A_813, %select_n3A_794 : vector<16xf32>
        %select_n3A_817 = arith.select %gt3A_816, %select_n3A_813, %select_n3A_794 : vector<16xi1>, vector<16xf32>
        %broadcast_in_dim3A_818 = arith.constant 15 : i32
        %broadcast_in_dim3A_819 = vector.broadcast %broadcast_in_dim3A_818 : i32 to vector<16xi32>
        %select_n3A_820 = arith.select %gt3A_816, %broadcast_in_dim3A_819, %select_n3A_797 : vector<16xi1>, vector<16xi32>
        %get3A_821 = arith.constant 256 : index
        %get3A_822 = tpu.vector_load %arg8[%get3A_821] {strides = array<i32>} : memref<400xf32, #tpu.memory_space<vmem>>, vector<16xf32>,
        %get3A_823 = arith.index_cast %get3A_382 : i32 to index
        %get3A_824 = arith.constant 256 : index
        %get3A_825 = tpu.vector_load %arg11[%get3A_823, %get3A_824] {strides = array<i32>} : memref<2x384xf32, #tpu.memory_space<vmem>>, vector<16xf32>,
        %add3A_826 = arith.constant 256 : i32
        %add3A_827 = arith.addi %multiple_of3A, %add3A_826 : i32
        %add3A_828 = vector.broadcast %add3A_827 : i32 to vector<16xi32>
        %add3A_829 = arith.addi %add3A_828, %iota3A : vector<16xi32>
        %gt3A_830 = arith.constant 0.899999976 : f32
        %gt3A_831 = vector.broadcast %gt3A_830 : f32 to vector<16xf32>
        %gt3A_832 = arith.cmpf ogt, %get3A_825, %gt3A_831 : vector<16xf32>
        %eq3A_833 = vector.broadcast %get3A_387 : i32 to vector<16xi32>
        %eq3A_834 = arith.cmpi eq, %add3A_829, %eq3A_833 : vector<16xi32>
        %or3A_835 = arith.ori %gt3A_832, %eq3A_834 : vector<16xi1>
        %select_n3A_836 = arith.select %or3A_835, %broadcast_in_dim3A_2, %get3A_822 : vector<16xi1>, vector<16xf32>
        %swap3A_837 = arith.constant 256 : index
        %swap3A_838 = tpu.vector_load %arg8[%swap3A_837] {strides = array<i32>} : memref<400xf32, #tpu.memory_space<vmem>>, vector<16xf32>,
        tpu.vector_store %arg8[%swap3A_837], %select_n3A_836 {strides = array<i32>} : memref<400xf32, #tpu.memory_space<vmem>>, vector<16xf32>,
        %gt3A_839 = arith.cmpf ogt, %select_n3A_836, %select_n3A_817 : vector<16xf32>
        %select_n3A_840 = arith.select %gt3A_839, %select_n3A_836, %select_n3A_817 : vector<16xi1>, vector<16xf32>
        %broadcast_in_dim3A_841 = arith.constant 16 : i32
        %broadcast_in_dim3A_842 = vector.broadcast %broadcast_in_dim3A_841 : i32 to vector<16xi32>
        %select_n3A_843 = arith.select %gt3A_839, %broadcast_in_dim3A_842, %select_n3A_820 : vector<16xi1>, vector<16xi32>
        %get3A_844 = arith.constant 272 : index
        %get3A_845 = tpu.vector_load %arg8[%get3A_844] {strides = array<i32>} : memref<400xf32, #tpu.memory_space<vmem>>, vector<16xf32>,
        %get3A_846 = arith.index_cast %get3A_382 : i32 to index
        %get3A_847 = arith.constant 272 : index
        %get3A_848 = tpu.vector_load %arg11[%get3A_846, %get3A_847] {strides = array<i32>} : memref<2x384xf32, #tpu.memory_space<vmem>>, vector<16xf32>,
        %add3A_849 = arith.constant 272 : i32
        %add3A_850 = arith.addi %multiple_of3A, %add3A_849 : i32
        %add3A_851 = vector.broadcast %add3A_850 : i32 to vector<16xi32>
        %add3A_852 = arith.addi %add3A_851, %iota3A : vector<16xi32>
        %gt3A_853 = arith.constant 0.899999976 : f32
        %gt3A_854 = vector.broadcast %gt3A_853 : f32 to vector<16xf32>
        %gt3A_855 = arith.cmpf ogt, %get3A_848, %gt3A_854 : vector<16xf32>
        %eq3A_856 = vector.broadcast %get3A_387 : i32 to vector<16xi32>
        %eq3A_857 = arith.cmpi eq, %add3A_852, %eq3A_856 : vector<16xi32>
        %or3A_858 = arith.ori %gt3A_855, %eq3A_857 : vector<16xi1>
        %select_n3A_859 = arith.select %or3A_858, %broadcast_in_dim3A_2, %get3A_845 : vector<16xi1>, vector<16xf32>
        %swap3A_860 = arith.constant 272 : index
        %swap3A_861 = tpu.vector_load %arg8[%swap3A_860] {strides = array<i32>} : memref<400xf32, #tpu.memory_space<vmem>>, vector<16xf32>,
        tpu.vector_store %arg8[%swap3A_860], %select_n3A_859 {strides = array<i32>} : memref<400xf32, #tpu.memory_space<vmem>>, vector<16xf32>,
        %gt3A_862 = arith.cmpf ogt, %select_n3A_859, %select_n3A_840 : vector<16xf32>
        %select_n3A_863 = arith.select %gt3A_862, %select_n3A_859, %select_n3A_840 : vector<16xi1>, vector<16xf32>
        %broadcast_in_dim3A_864 = arith.constant 17 : i32
        %broadcast_in_dim3A_865 = vector.broadcast %broadcast_in_dim3A_864 : i32 to vector<16xi32>
        %select_n3A_866 = arith.select %gt3A_862, %broadcast_in_dim3A_865, %select_n3A_843 : vector<16xi1>, vector<16xi32>
        %get3A_867 = arith.constant 288 : index
        %get3A_868 = tpu.vector_load %arg8[%get3A_867] {strides = array<i32>} : memref<400xf32, #tpu.memory_space<vmem>>, vector<16xf32>,
        %get3A_869 = arith.index_cast %get3A_382 : i32 to index
        %get3A_870 = arith.constant 288 : index
        %get3A_871 = tpu.vector_load %arg11[%get3A_869, %get3A_870] {strides = array<i32>} : memref<2x384xf32, #tpu.memory_space<vmem>>, vector<16xf32>,
        %add3A_872 = arith.constant 288 : i32
        %add3A_873 = arith.addi %multiple_of3A, %add3A_872 : i32
        %add3A_874 = vector.broadcast %add3A_873 : i32 to vector<16xi32>
        %add3A_875 = arith.addi %add3A_874, %iota3A : vector<16xi32>
        %gt3A_876 = arith.constant 0.899999976 : f32
        %gt3A_877 = vector.broadcast %gt3A_876 : f32 to vector<16xf32>
        %gt3A_878 = arith.cmpf ogt, %get3A_871, %gt3A_877 : vector<16xf32>
        %eq3A_879 = vector.broadcast %get3A_387 : i32 to vector<16xi32>
        %eq3A_880 = arith.cmpi eq, %add3A_875, %eq3A_879 : vector<16xi32>
        %or3A_881 = arith.ori %gt3A_878, %eq3A_880 : vector<16xi1>
        %select_n3A_882 = arith.select %or3A_881, %broadcast_in_dim3A_2, %get3A_868 : vector<16xi1>, vector<16xf32>
        %swap3A_883 = arith.constant 288 : index
        %swap3A_884 = tpu.vector_load %arg8[%swap3A_883] {strides = array<i32>} : memref<400xf32, #tpu.memory_space<vmem>>, vector<16xf32>,
        tpu.vector_store %arg8[%swap3A_883], %select_n3A_882 {strides = array<i32>} : memref<400xf32, #tpu.memory_space<vmem>>, vector<16xf32>,
        %gt3A_885 = arith.cmpf ogt, %select_n3A_882, %select_n3A_863 : vector<16xf32>
        %select_n3A_886 = arith.select %gt3A_885, %select_n3A_882, %select_n3A_863 : vector<16xi1>, vector<16xf32>
        %broadcast_in_dim3A_887 = arith.constant 18 : i32
        %broadcast_in_dim3A_888 = vector.broadcast %broadcast_in_dim3A_887 : i32 to vector<16xi32>
        %select_n3A_889 = arith.select %gt3A_885, %broadcast_in_dim3A_888, %select_n3A_866 : vector<16xi1>, vector<16xi32>
        %get3A_890 = arith.constant 304 : index
        %get3A_891 = tpu.vector_load %arg8[%get3A_890] {strides = array<i32>} : memref<400xf32, #tpu.memory_space<vmem>>, vector<16xf32>,
        %get3A_892 = arith.index_cast %get3A_382 : i32 to index
        %get3A_893 = arith.constant 304 : index
        %get3A_894 = tpu.vector_load %arg11[%get3A_892, %get3A_893] {strides = array<i32>} : memref<2x384xf32, #tpu.memory_space<vmem>>, vector<16xf32>,
        %add3A_895 = arith.constant 304 : i32
        %add3A_896 = arith.addi %multiple_of3A, %add3A_895 : i32
        %add3A_897 = vector.broadcast %add3A_896 : i32 to vector<16xi32>
        %add3A_898 = arith.addi %add3A_897, %iota3A : vector<16xi32>
        %gt3A_899 = arith.constant 0.899999976 : f32
        %gt3A_900 = vector.broadcast %gt3A_899 : f32 to vector<16xf32>
        %gt3A_901 = arith.cmpf ogt, %get3A_894, %gt3A_900 : vector<16xf32>
        %eq3A_902 = vector.broadcast %get3A_387 : i32 to vector<16xi32>
        %eq3A_903 = arith.cmpi eq, %add3A_898, %eq3A_902 : vector<16xi32>
        %or3A_904 = arith.ori %gt3A_901, %eq3A_903 : vector<16xi1>
        %select_n3A_905 = arith.select %or3A_904, %broadcast_in_dim3A_2, %get3A_891 : vector<16xi1>, vector<16xf32>
        %swap3A_906 = arith.constant 304 : index
        %swap3A_907 = tpu.vector_load %arg8[%swap3A_906] {strides = array<i32>} : memref<400xf32, #tpu.memory_space<vmem>>, vector<16xf32>,
        tpu.vector_store %arg8[%swap3A_906], %select_n3A_905 {strides = array<i32>} : memref<400xf32, #tpu.memory_space<vmem>>, vector<16xf32>,
        %gt3A_908 = arith.cmpf ogt, %select_n3A_905, %select_n3A_886 : vector<16xf32>
        %select_n3A_909 = arith.select %gt3A_908, %select_n3A_905, %select_n3A_886 : vector<16xi1>, vector<16xf32>
        %broadcast_in_dim3A_910 = arith.constant 19 : i32
        %broadcast_in_dim3A_911 = vector.broadcast %broadcast_in_dim3A_910 : i32 to vector<16xi32>
        %select_n3A_912 = arith.select %gt3A_908, %broadcast_in_dim3A_911, %select_n3A_889 : vector<16xi1>, vector<16xi32>
        %get3A_913 = arith.constant 320 : index
        %get3A_914 = tpu.vector_load %arg8[%get3A_913] {strides = array<i32>} : memref<400xf32, #tpu.memory_space<vmem>>, vector<16xf32>,
        %get3A_915 = arith.index_cast %get3A_382 : i32 to index
        %get3A_916 = arith.constant 320 : index
        %get3A_917 = tpu.vector_load %arg11[%get3A_915, %get3A_916] {strides = array<i32>} : memref<2x384xf32, #tpu.memory_space<vmem>>, vector<16xf32>,
        %add3A_918 = arith.constant 320 : i32
        %add3A_919 = arith.addi %multiple_of3A, %add3A_918 : i32
        %add3A_920 = vector.broadcast %add3A_919 : i32 to vector<16xi32>
        %add3A_921 = arith.addi %add3A_920, %iota3A : vector<16xi32>
        %gt3A_922 = arith.constant 0.899999976 : f32
        %gt3A_923 = vector.broadcast %gt3A_922 : f32 to vector<16xf32>
        %gt3A_924 = arith.cmpf ogt, %get3A_917, %gt3A_923 : vector<16xf32>
        %eq3A_925 = vector.broadcast %get3A_387 : i32 to vector<16xi32>
        %eq3A_926 = arith.cmpi eq, %add3A_921, %eq3A_925 : vector<16xi32>
        %or3A_927 = arith.ori %gt3A_924, %eq3A_926 : vector<16xi1>
        %select_n3A_928 = arith.select %or3A_927, %broadcast_in_dim3A_2, %get3A_914 : vector<16xi1>, vector<16xf32>
        %swap3A_929 = arith.constant 320 : index
        %swap3A_930 = tpu.vector_load %arg8[%swap3A_929] {strides = array<i32>} : memref<400xf32, #tpu.memory_space<vmem>>, vector<16xf32>,
        tpu.vector_store %arg8[%swap3A_929], %select_n3A_928 {strides = array<i32>} : memref<400xf32, #tpu.memory_space<vmem>>, vector<16xf32>,
        %gt3A_931 = arith.cmpf ogt, %select_n3A_928, %select_n3A_909 : vector<16xf32>
        %select_n3A_932 = arith.select %gt3A_931, %select_n3A_928, %select_n3A_909 : vector<16xi1>, vector<16xf32>
        %broadcast_in_dim3A_933 = arith.constant 20 : i32
        %broadcast_in_dim3A_934 = vector.broadcast %broadcast_in_dim3A_933 : i32 to vector<16xi32>
        %select_n3A_935 = arith.select %gt3A_931, %broadcast_in_dim3A_934, %select_n3A_912 : vector<16xi1>, vector<16xi32>
        %get3A_936 = arith.constant 336 : index
        %get3A_937 = tpu.vector_load %arg8[%get3A_936] {strides = array<i32>} : memref<400xf32, #tpu.memory_space<vmem>>, vector<16xf32>,
        %get3A_938 = arith.index_cast %get3A_382 : i32 to index
        %get3A_939 = arith.constant 336 : index
        %get3A_940 = tpu.vector_load %arg11[%get3A_938, %get3A_939] {strides = array<i32>} : memref<2x384xf32, #tpu.memory_space<vmem>>, vector<16xf32>,
        %add3A_941 = arith.constant 336 : i32
        %add3A_942 = arith.addi %multiple_of3A, %add3A_941 : i32
        %add3A_943 = vector.broadcast %add3A_942 : i32 to vector<16xi32>
        %add3A_944 = arith.addi %add3A_943, %iota3A : vector<16xi32>
        %gt3A_945 = arith.constant 0.899999976 : f32
        %gt3A_946 = vector.broadcast %gt3A_945 : f32 to vector<16xf32>
        %gt3A_947 = arith.cmpf ogt, %get3A_940, %gt3A_946 : vector<16xf32>
        %eq3A_948 = vector.broadcast %get3A_387 : i32 to vector<16xi32>
        %eq3A_949 = arith.cmpi eq, %add3A_944, %eq3A_948 : vector<16xi32>
        %or3A_950 = arith.ori %gt3A_947, %eq3A_949 : vector<16xi1>
        %select_n3A_951 = arith.select %or3A_950, %broadcast_in_dim3A_2, %get3A_937 : vector<16xi1>, vector<16xf32>
        %swap3A_952 = arith.constant 336 : index
        %swap3A_953 = tpu.vector_load %arg8[%swap3A_952] {strides = array<i32>} : memref<400xf32, #tpu.memory_space<vmem>>, vector<16xf32>,
        tpu.vector_store %arg8[%swap3A_952], %select_n3A_951 {strides = array<i32>} : memref<400xf32, #tpu.memory_space<vmem>>, vector<16xf32>,
        %gt3A_954 = arith.cmpf ogt, %select_n3A_951, %select_n3A_932 : vector<16xf32>
        %select_n3A_955 = arith.select %gt3A_954, %select_n3A_951, %select_n3A_932 : vector<16xi1>, vector<16xf32>
        %broadcast_in_dim3A_956 = arith.constant 21 : i32
        %broadcast_in_dim3A_957 = vector.broadcast %broadcast_in_dim3A_956 : i32 to vector<16xi32>
        %select_n3A_958 = arith.select %gt3A_954, %broadcast_in_dim3A_957, %select_n3A_935 : vector<16xi1>, vector<16xi32>
        %get3A_959 = arith.constant 352 : index
        %get3A_960 = tpu.vector_load %arg8[%get3A_959] {strides = array<i32>} : memref<400xf32, #tpu.memory_space<vmem>>, vector<16xf32>,
        %get3A_961 = arith.index_cast %get3A_382 : i32 to index
        %get3A_962 = arith.constant 352 : index
        %get3A_963 = tpu.vector_load %arg11[%get3A_961, %get3A_962] {strides = array<i32>} : memref<2x384xf32, #tpu.memory_space<vmem>>, vector<16xf32>,
        %add3A_964 = arith.constant 352 : i32
        %add3A_965 = arith.addi %multiple_of3A, %add3A_964 : i32
        %add3A_966 = vector.broadcast %add3A_965 : i32 to vector<16xi32>
        %add3A_967 = arith.addi %add3A_966, %iota3A : vector<16xi32>
        %gt3A_968 = arith.constant 0.899999976 : f32
        %gt3A_969 = vector.broadcast %gt3A_968 : f32 to vector<16xf32>
        %gt3A_970 = arith.cmpf ogt, %get3A_963, %gt3A_969 : vector<16xf32>
        %eq3A_971 = vector.broadcast %get3A_387 : i32 to vector<16xi32>
        %eq3A_972 = arith.cmpi eq, %add3A_967, %eq3A_971 : vector<16xi32>
        %or3A_973 = arith.ori %gt3A_970, %eq3A_972 : vector<16xi1>
        %select_n3A_974 = arith.select %or3A_973, %broadcast_in_dim3A_2, %get3A_960 : vector<16xi1>, vector<16xf32>
        %swap3A_975 = arith.constant 352 : index
        %swap3A_976 = tpu.vector_load %arg8[%swap3A_975] {strides = array<i32>} : memref<400xf32, #tpu.memory_space<vmem>>, vector<16xf32>,
        tpu.vector_store %arg8[%swap3A_975], %select_n3A_974 {strides = array<i32>} : memref<400xf32, #tpu.memory_space<vmem>>, vector<16xf32>,
        %gt3A_977 = arith.cmpf ogt, %select_n3A_974, %select_n3A_955 : vector<16xf32>
        %select_n3A_978 = arith.select %gt3A_977, %select_n3A_974, %select_n3A_955 : vector<16xi1>, vector<16xf32>
        %broadcast_in_dim3A_979 = arith.constant 22 : i32
        %broadcast_in_dim3A_980 = vector.broadcast %broadcast_in_dim3A_979 : i32 to vector<16xi32>
        %select_n3A_981 = arith.select %gt3A_977, %broadcast_in_dim3A_980, %select_n3A_958 : vector<16xi1>, vector<16xi32>
        %get3A_982 = arith.constant 368 : index
        %get3A_983 = tpu.vector_load %arg8[%get3A_982] {strides = array<i32>} : memref<400xf32, #tpu.memory_space<vmem>>, vector<16xf32>,
        %get3A_984 = arith.index_cast %get3A_382 : i32 to index
        %get3A_985 = arith.constant 368 : index
        %get3A_986 = tpu.vector_load %arg11[%get3A_984, %get3A_985] {strides = array<i32>} : memref<2x384xf32, #tpu.memory_space<vmem>>, vector<16xf32>,
        %add3A_987 = arith.constant 368 : i32
        %add3A_988 = arith.addi %multiple_of3A, %add3A_987 : i32
        %add3A_989 = vector.broadcast %add3A_988 : i32 to vector<16xi32>
        %add3A_990 = arith.addi %add3A_989, %iota3A : vector<16xi32>
        %gt3A_991 = arith.constant 0.899999976 : f32
        %gt3A_992 = vector.broadcast %gt3A_991 : f32 to vector<16xf32>
        %gt3A_993 = arith.cmpf ogt, %get3A_986, %gt3A_992 : vector<16xf32>
        %eq3A_994 = vector.broadcast %get3A_387 : i32 to vector<16xi32>
        %eq3A_995 = arith.cmpi eq, %add3A_990, %eq3A_994 : vector<16xi32>
        %or3A_996 = arith.ori %gt3A_993, %eq3A_995 : vector<16xi1>
        %select_n3A_997 = arith.select %or3A_996, %broadcast_in_dim3A_2, %get3A_983 : vector<16xi1>, vector<16xf32>
        %swap3A_998 = arith.constant 368 : index
        %swap3A_999 = tpu.vector_load %arg8[%swap3A_998] {strides = array<i32>} : memref<400xf32, #tpu.memory_space<vmem>>, vector<16xf32>,
        tpu.vector_store %arg8[%swap3A_998], %select_n3A_997 {strides = array<i32>} : memref<400xf32, #tpu.memory_space<vmem>>, vector<16xf32>,
        %gt3A_1000 = arith.cmpf ogt, %select_n3A_997, %select_n3A_978 : vector<16xf32>
        %select_n3A_1001 = arith.select %gt3A_1000, %select_n3A_997, %select_n3A_978 : vector<16xi1>, vector<16xf32>
        %broadcast_in_dim3A_1002 = arith.constant 23 : i32
        %broadcast_in_dim3A_1003 = vector.broadcast %broadcast_in_dim3A_1002 : i32 to vector<16xi32>
        %select_n3A_1004 = arith.select %gt3A_1000, %broadcast_in_dim3A_1003, %select_n3A_981 : vector<16xi1>, vector<16xi32>
        %get3A_1005 = arith.constant 384 : index
        %get3A_1006 = tpu.vector_load %arg8[%get3A_1005] {strides = array<i32>} : memref<400xf32, #tpu.memory_space<vmem>>, vector<16xf32>,
        %jit3A_1007 = arith.constant 1 : i32
        %jit3A_1008 = arith.constant 0 : i32
        %select_n3A_1009 = arith.select %eq3A_384, %jit3A_1007, %jit3A_1008 : i32
        %broadcast_in_dim3A_1010 = vector.broadcast %select_n3A_1009 : i32 to vector<16xi32>
        %lt3A = arith.constant 8 : i32
        %lt3A_1011 = vector.broadcast %lt3A : i32 to vector<16xi32>
        %lt3A_1012 = arith.cmpi slt, %iota3A, %lt3A_1011 : vector<16xi32>
        %jit3A_1013 = arith.constant 0 : i32
        %broadcast_in_dim3A_1014 = vector.broadcast %jit3A_1013 : i32 to vector<16xi32>
        %select_n3A_1015 = arith.select %lt3A_1012, %iota3A, %broadcast_in_dim3A_1014 : vector<16xi1>, vector<16xi32>
        %gather3A_1016 = tpu.vector_load_idx %arg21[%broadcast_in_dim3A_1010, %select_n3A_1015] : memref<2x8xf32, #tpu.memory_space<vmem>>[vector<16xi32>, vector<16xi32>], vector<16xf32>,
        %add3A_1017 = arith.constant 4992 : i32
        %add3A_1018 = vector.broadcast %add3A_1017 : i32 to vector<16xi32>
        %add3A_1019 = arith.addi %add3A_1018, %iota3A : vector<16xi32>
        %gt3A_1020 = arith.constant 0.899999976 : f32
        %gt3A_1021 = vector.broadcast %gt3A_1020 : f32 to vector<16xf32>
        %gt3A_1022 = arith.cmpf ogt, %gather3A_1016, %gt3A_1021 : vector<16xf32>
        %lt3A_1023 = arith.constant 8 : i32
        %lt3A_1024 = vector.broadcast %lt3A_1023 : i32 to vector<16xi32>
        %lt3A_1025 = arith.cmpi slt, %iota3A, %lt3A_1024 : vector<16xi32>
        %and3A_1026 = arith.andi %gt3A_1022, %lt3A_1025 : vector<16xi1>
        %eq3A_1027 = vector.broadcast %get3A_387 : i32 to vector<16xi32>
        %eq3A_1028 = arith.cmpi eq, %add3A_1019, %eq3A_1027 : vector<16xi32>
        %or3A_1029 = arith.ori %and3A_1026, %eq3A_1028 : vector<16xi1>
        %select_n3A_1030 = arith.select %or3A_1029, %broadcast_in_dim3A_2, %get3A_1006 : vector<16xi1>, vector<16xf32>
        %swap3A_1031 = arith.constant 384 : index
        %swap3A_1032 = tpu.vector_load %arg8[%swap3A_1031] {strides = array<i32>} : memref<400xf32, #tpu.memory_space<vmem>>, vector<16xf32>,
        tpu.vector_store %arg8[%swap3A_1031], %select_n3A_1030 {strides = array<i32>} : memref<400xf32, #tpu.memory_space<vmem>>, vector<16xf32>,
        %gt3A_1033 = arith.cmpf ogt, %select_n3A_1030, %select_n3A_1001 : vector<16xf32>
        %select_n3A_1034 = arith.select %gt3A_1033, %select_n3A_1030, %select_n3A_1001 : vector<16xi1>, vector<16xf32>
        %broadcast_in_dim3A_1035 = arith.constant 24 : i32
        %broadcast_in_dim3A_1036 = vector.broadcast %broadcast_in_dim3A_1035 : i32 to vector<16xi32>
        %select_n3A_1037 = arith.select %gt3A_1033, %broadcast_in_dim3A_1036, %select_n3A_1004 : vector<16xi1>, vector<16xi32>
        %mul3A_1038 = arith.constant 16 : i32
        %mul3A_1039 = vector.broadcast %mul3A_1038 : i32 to vector<16xi32>
        %mul3A_1040 = arith.muli %select_n3A_1037, %mul3A_1039 : vector<16xi32>
        %add3A_1041 = vector.broadcast %multiple_of3A : i32 to vector<16xi32>
        %add3A_1042 = arith.addi %add3A_1041, %mul3A_1040 : vector<16xi32>
        %add3A_1043 = arith.addi %add3A_1042, %iota3A : vector<16xi32>
        %reduce_max3A_1044 = arith.constant true
        %reduce_max3A_1045 = vector.broadcast %reduce_max3A_1044 : i1 to vector<16xi1>
        %reduce_max3A_1046 = tpu.scan <max>, %select_n3A_1034 masked %reduce_max3A_1045 : vector<16xf32>, vector<16xi1> -> vector<16xf32>
        %reduce_max3A_1047 = vector.extract %reduce_max3A_1046[15] : f32 from vector<16xf32>
        %eq3A_1048 = vector.broadcast %reduce_max3A_1047 : f32 to vector<16xf32>
        %eq3A_1049 = arith.cmpf oeq, %select_n3A_1034, %eq3A_1048 : vector<16xf32>
        %jit3A_1050 = arith.constant 1073741824 : i32
        %broadcast_in_dim3A_1051 = vector.broadcast %jit3A_1050 : i32 to vector<16xi32>
        %select_n3A_1052 = arith.select %eq3A_1049, %add3A_1043, %broadcast_in_dim3A_1051 : vector<16xi1>, vector<16xi32>
        %reduce_min3A_1053 = arith.constant true
        %reduce_min3A_1054 = vector.broadcast %reduce_min3A_1053 : i1 to vector<16xi1>
        %reduce_min3A_1055 = arith.constant -2147483648 : i32
        %reduce_min3A_1056 = vector.broadcast %reduce_min3A_1055 : i32 to vector<16xi32>
        %reduce_min3A_1057 = arith.xori %select_n3A_1052, %reduce_min3A_1056 : vector<16xi32>
        %reduce_min3A_1058 = tpu.scan <min>, %reduce_min3A_1057 masked %reduce_min3A_1054 : vector<16xi32>, vector<16xi1> -> vector<16xi32>
        %reduce_min3A_1059 = arith.xori %reduce_min3A_1058, %reduce_min3A_1056 : vector<16xi32>
        %reduce_min3A_1060 = vector.extract %reduce_min3A_1059[15] : i32 from vector<16xi32>
        %eq3A_1061 = arith.constant 0 : i32
        %eq3A_1062 = vector.broadcast %eq3A_1061 : i32 to vector<16xi32>
        %eq3A_1063 = arith.cmpi eq, %iota3A, %eq3A_1062 : vector<16xi32>
        %broadcast_in_dim3A_1064 = vector.broadcast %reduce_max3A_1047 : f32 to vector<16xf32>
        %broadcast_in_dim3A_1065 = vector.broadcast %reduce_min3A_1060 : i32 to vector<16xi32>
        %bitcast3A_1066 = vector.bitcast %broadcast_in_dim3A_1065 : vector<16xi32> to vector<16xf32>
        %select_n3A_1067 = arith.select %eq3A_1063, %broadcast_in_dim3A_1064, %bitcast3A_1066 : vector<16xi1>, vector<16xf32>
        %swap3A_1068 = arith.constant 0 : index
        %swap3A_1069 = tpu.vector_load %arg16[%swap3A_1068] {strides = array<i32>} : memref<16xf32, #tpu.memory_space<vmem>>, vector<16xf32>,
        tpu.vector_store %arg16[%swap3A_1068], %select_n3A_1067 {strides = array<i32>} : memref<16xf32, #tpu.memory_space<vmem>>, vector<16xf32>,
      } else {
      }
      %and3A = arith.constant 1 : i32
      %and3A_408 = arith.andi %while3A_375, %and3A : i32
      %mul3A_409 = arith.constant 16 : i32
      %mul3A_410 = arith.muli %mul3A_409, %and3A_408 : i32
      %add3A_411 = arith.constant 32 : i32
      %add3A_412 = arith.addi %add3A_411, %mul3A_410 : i32
      %multiple_of3A_413 = tpu.assume_multiple %add3A_412, 16 : i32
      %add3A_414 = arith.addi %multiple_of3A_413, %arg1 : i32
      "tpu.region"() ({
        %run_scoped3A = tpu.sem_alloc : memref<!tpu.dma_semaphore, #tpu.memory_space<semaphore_mem>>
        %dma_start3A = arith.constant 0 : i32
        %dma_start3A_446 = tpu.memref_slice %arg22[%add3A_414, %dma_start3A] : memref<64x16xf32, #tpu.memory_space<vmem_shared>> -> memref<1x16xf32, #tpu.memory_space<vmem_shared>>
        %dma_start3A_447 = tpu.memref_squeeze %dma_start3A_446 : memref<1x16xf32, #tpu.memory_space<vmem_shared>> -> memref<16xf32, #tpu.memory_space<vmem_shared>>
        %dma_start3A_448 = arith.constant 0 : i32
        %dma_start3A_449 = tpu.memref_slice %arg22[%add3A_414, %dma_start3A_448] : memref<64x16xf32, #tpu.memory_space<vmem_shared>> -> memref<1x16xf32, #tpu.memory_space<vmem_shared>>
        %dma_start3A_450 = tpu.memref_squeeze %dma_start3A_449 : memref<1x16xf32, #tpu.memory_space<vmem_shared>> -> memref<16xf32, #tpu.memory_space<vmem_shared>>
        tpu.enqueue_dma source(%arg16 : memref<16xf32, #tpu.memory_space<vmem>>) target(%dma_start3A_450 : memref<16xf32, #tpu.memory_space<vmem_shared>>) target_semaphore(%run_scoped3A : memref<!tpu.dma_semaphore, #tpu.memory_space<semaphore_mem>>)
        %dma_wait3A = arith.constant 0 : i32
        %dma_wait3A_451 = tpu.memref_slice %arg22[%add3A_414, %dma_wait3A] : memref<64x16xf32, #tpu.memory_space<vmem_shared>> -> memref<1x16xf32, #tpu.memory_space<vmem_shared>>
        %dma_wait3A_452 = tpu.memref_squeeze %dma_wait3A_451 : memref<1x16xf32, #tpu.memory_space<vmem_shared>> -> memref<16xf32, #tpu.memory_space<vmem_shared>>
        %dma_wait3A_453 = arith.constant 0 : i32
        %dma_wait3A_454 = tpu.memref_slice %arg22[%add3A_414, %dma_wait3A_453] : memref<64x16xf32, #tpu.memory_space<vmem_shared>> -> memref<1x16xf32, #tpu.memory_space<vmem_shared>>
        %dma_wait3A_455 = tpu.memref_squeeze %dma_wait3A_454 : memref<1x16xf32, #tpu.memory_space<vmem_shared>> -> memref<16xf32, #tpu.memory_space<vmem_shared>>
        tpu.wait_dma2 semaphore(%run_scoped3A : memref<!tpu.dma_semaphore, #tpu.memory_space<semaphore_mem>>) src(%arg16 : memref<16xf32, #tpu.memory_space<vmem>>) dst(%dma_wait3A_455 : memref<16xf32, #tpu.memory_space<vmem_shared>>)
        tpu.yield
      }) : () -> ()
      %barrier3A = arith.constant 0 : index
      tpu.barrier barrier_id(%barrier3A)
      "tpu.region"() ({
        %run_scoped3A = tpu.sem_alloc : memref<!tpu.dma_semaphore, #tpu.memory_space<semaphore_mem>>
        %dma_start3A = arith.constant 0 : i32
        %dma_start3A_446 = tpu.memref_slice %arg22[%multiple_of3A_413, %dma_start3A] : memref<64x16xf32, #tpu.memory_space<vmem_shared>> -> memref<16x16xf32, #tpu.memory_space<vmem_shared>>
        %dma_start3A_447 = arith.constant 0 : i32
        %dma_start3A_448 = tpu.memref_slice %arg22[%multiple_of3A_413, %dma_start3A_447] : memref<64x16xf32, #tpu.memory_space<vmem_shared>> -> memref<16x16xf32, #tpu.memory_space<vmem_shared>>
        tpu.enqueue_dma source(%dma_start3A_448 : memref<16x16xf32, #tpu.memory_space<vmem_shared>>) target(%arg15 : memref<16x16xf32, #tpu.memory_space<vmem>>) target_semaphore(%run_scoped3A : memref<!tpu.dma_semaphore, #tpu.memory_space<semaphore_mem>>)
        %dma_wait3A = arith.constant 0 : i32
        %dma_wait3A_449 = tpu.memref_slice %arg22[%multiple_of3A_413, %dma_wait3A] : memref<64x16xf32, #tpu.memory_space<vmem_shared>> -> memref<16x16xf32, #tpu.memory_space<vmem_shared>>
        %dma_wait3A_450 = arith.constant 0 : i32
        %dma_wait3A_451 = tpu.memref_slice %arg22[%multiple_of3A_413, %dma_wait3A_450] : memref<64x16xf32, #tpu.memory_space<vmem_shared>> -> memref<16x16xf32, #tpu.memory_space<vmem_shared>>
        tpu.wait_dma2 semaphore(%run_scoped3A : memref<!tpu.dma_semaphore, #tpu.memory_space<semaphore_mem>>) src(%dma_wait3A_451 : memref<16x16xf32, #tpu.memory_space<vmem_shared>>) dst(%arg15 : memref<16x16xf32, #tpu.memory_space<vmem>>)
        tpu.yield
      }) : () -> ()
      %gather3A = tpu.vector_load_idx %arg15[%iota3A, %broadcast_in_dim3A_200] : memref<16x16xf32, #tpu.memory_space<vmem>>[vector<16xi32>, vector<16xi32>], vector<16xf32>,
      %broadcast_in_dim3A_415 = arith.constant 1 : i32
      %broadcast_in_dim3A_416 = vector.broadcast %broadcast_in_dim3A_415 : i32 to vector<16xi32>
      %gather3A_417 = tpu.vector_load_idx %arg15[%iota3A, %broadcast_in_dim3A_416] : memref<16x16xf32, #tpu.memory_space<vmem>>[vector<16xi32>, vector<16xi32>], vector<16xf32>,
      %bitcast3A = vector.bitcast %gather3A_417 : vector<16xf32> to vector<16xi32>
      %reduce_max3A = arith.constant true
      %reduce_max3A_418 = vector.broadcast %reduce_max3A : i1 to vector<16xi1>
      %reduce_max3A_419 = tpu.scan <max>, %gather3A masked %reduce_max3A_418 : vector<16xf32>, vector<16xi1> -> vector<16xf32>
      %reduce_max3A_420 = vector.extract %reduce_max3A_419[15] : f32 from vector<16xf32>
      %eq3A_421 = vector.broadcast %reduce_max3A_420 : f32 to vector<16xf32>
      %eq3A_422 = arith.cmpf oeq, %gather3A, %eq3A_421 : vector<16xf32>
      %jit3A = arith.constant 1073741824 : i32
      %broadcast_in_dim3A_423 = vector.broadcast %jit3A : i32 to vector<16xi32>
      %select_n3A_424 = arith.select %eq3A_422, %bitcast3A, %broadcast_in_dim3A_423 : vector<16xi1>, vector<16xi32>
      %reduce_min3A = arith.constant true
      %reduce_min3A_425 = vector.broadcast %reduce_min3A : i1 to vector<16xi1>
      %reduce_min3A_426 = arith.constant -2147483648 : i32
      %reduce_min3A_427 = vector.broadcast %reduce_min3A_426 : i32 to vector<16xi32>
      %reduce_min3A_428 = arith.xori %select_n3A_424, %reduce_min3A_427 : vector<16xi32>
      %reduce_min3A_429 = tpu.scan <min>, %reduce_min3A_428 masked %reduce_min3A_425 : vector<16xi32>, vector<16xi1> -> vector<16xi32>
      %reduce_min3A_430 = arith.xori %reduce_min3A_429, %reduce_min3A_427 : vector<16xi32>
      %reduce_min3A_431 = vector.extract %reduce_min3A_430[15] : i32 from vector<16xi32>
      %gt3A_432 = arith.constant 0xFF800000 : f32
      %gt3A_433 = arith.cmpf ogt, %reduce_max3A_420, %gt3A_432 : f32
      %not3A = arith.constant true
      %not3A_434 = arith.xori %gt3A_433, %not3A : i1
      %convert_element_type3A_435 = arith.extui %not3A_434 : i1 to i32
      %cond3A_436 = arith.constant 0 : i32
      %cond3A_437 = arith.cmpi ne, %convert_element_type3A_435, %cond3A_436 : i32
      scf.if %cond3A_437 {
        %swap3A_446 = arith.constant 1 : i32
        %swap3A_447 = arith.constant 0 : i32
        %swap3A_448 = arith.index_cast %swap3A_447 : i32 to index
        %swap3A_449 = memref.load %arg23[%swap3A_448] : memref<8xi32, #tpu.memory_space<smem>>
        memref.store %swap3A_446, %arg23[%swap3A_448] : memref<8xi32, #tpu.memory_space<smem>>
        %swap3A_450 = arith.constant 0 : i32
        %swap3A_451 = arith.constant 1 : i32
        %swap3A_452 = arith.index_cast %swap3A_451 : i32 to index
        %swap3A_453 = memref.load %arg23[%swap3A_452] : memref<8xi32, #tpu.memory_space<smem>>
        memref.store %swap3A_450, %arg23[%swap3A_452] : memref<8xi32, #tpu.memory_space<smem>>
      } else {
      }
      %convert_element_type3A_438 = arith.extui %gt3A_433 : i1 to i32
      %cond3A_439 = arith.constant 0 : i32
      %cond3A_440 = arith.cmpi ne, %convert_element_type3A_438, %cond3A_439 : i32
      scf.if %cond3A_440 {
        %eq3A_446 = arith.constant 1 : i32
        %eq3A_447 = arith.cmpi eq, %and3A_408, %eq3A_446 : i32
        %get3A_448 = arith.constant 4 : i32
        %get3A_449 = arith.index_cast %get3A_448 : i32 to index
        %get3A_450 = memref.load %arg23[%get3A_449] : memref<8xi32, #tpu.memory_space<smem>>
        %get3A_451 = arith.constant 5 : i32
        %get3A_452 = arith.index_cast %get3A_451 : i32 to index
        %get3A_453 = memref.load %arg23[%get3A_452] : memref<8xi32, #tpu.memory_space<smem>>
        %select_n3A_454 = arith.select %eq3A_447, %get3A_450, %get3A_453 : i32
        %get3A_455 = arith.constant 6 : i32
        %get3A_456 = arith.index_cast %get3A_455 : i32 to index
        %get3A_457 = memref.load %arg23[%get3A_456] : memref<8xi32, #tpu.memory_space<smem>>
        %get3A_458 = arith.constant 7 : i32
        %get3A_459 = arith.index_cast %get3A_458 : i32 to index
        %get3A_460 = memref.load %arg23[%get3A_459] : memref<8xi32, #tpu.memory_space<smem>>
        %select_n3A_461 = arith.select %eq3A_447, %get3A_457, %get3A_460 : i32
        %eq3A_462 = arith.constant 1 : i32
        %eq3A_463 = arith.cmpi eq, %select_n3A_454, %eq3A_462 : i32
        %eq3A_464 = arith.cmpi eq, %select_n3A_461, %reduce_min3A_431 : i32
        %and3A_465 = arith.andi %eq3A_463, %eq3A_464 : i1
        %convert_element_type3A_466 = arith.extui %and3A_465 : i1 to i32
        %cond3A_467 = arith.constant 0 : i32
        %cond3A_468 = arith.cmpi ne, %convert_element_type3A_466, %cond3A_467 : i32
        scf.if %cond3A_468 {
          %jit3A_515 = arith.constant 2 : i32
          %jit3A_516 = arith.constant 3 : i32
          %select_n3A_517 = arith.select %eq3A_447, %jit3A_515, %jit3A_516 : i32
          %swap3A_518 = arith.constant 1 : i32
          %swap3A_519 = arith.index_cast %swap3A_518 : i32 to index
          %swap3A_520 = memref.load %arg23[%swap3A_519] : memref<8xi32, #tpu.memory_space<smem>>
          memref.store %select_n3A_517, %arg23[%swap3A_519] : memref<8xi32, #tpu.memory_space<smem>>
          %get3A_521 = arith.constant 4 : i32
          %get3A_522 = arith.index_cast %get3A_521 : i32 to index
          %get3A_523 = memref.load %arg23[%get3A_522] : memref<8xi32, #tpu.memory_space<smem>>
          %jit3A_524 = arith.constant 0 : i32
          %select_n3A_525 = arith.select %eq3A_447, %jit3A_524, %get3A_523 : i32
          %swap3A_526 = arith.constant 4 : i32
          %swap3A_527 = arith.index_cast %swap3A_526 : i32 to index
          %swap3A_528 = memref.load %arg23[%swap3A_527] : memref<8xi32, #tpu.memory_space<smem>>
          memref.store %select_n3A_525, %arg23[%swap3A_527] : memref<8xi32, #tpu.memory_space<smem>>
          %get3A_529 = arith.constant 5 : i32
          %get3A_530 = arith.index_cast %get3A_529 : i32 to index
          %get3A_531 = memref.load %arg23[%get3A_530] : memref<8xi32, #tpu.memory_space<smem>>
          %jit3A_532 = arith.constant 0 : i32
          %select_n3A_533 = arith.select %eq3A_447, %get3A_531, %jit3A_532 : i32
          %swap3A_534 = arith.constant 5 : i32
          %swap3A_535 = arith.index_cast %swap3A_534 : i32 to index
          %swap3A_536 = memref.load %arg23[%swap3A_535] : memref<8xi32, #tpu.memory_space<smem>>
          memref.store %select_n3A_533, %arg23[%swap3A_535] : memref<8xi32, #tpu.memory_space<smem>>
        } else {
        }
        %not3A_469 = arith.constant true
        %not3A_470 = arith.xori %and3A_465, %not3A_469 : i1
        %convert_element_type3A_471 = arith.extui %not3A_470 : i1 to i32
        %cond3A_472 = arith.constant 0 : i32
        %cond3A_473 = arith.cmpi ne, %convert_element_type3A_471, %cond3A_472 : i32
        scf.if %cond3A_473 {
          %shift_right_arithmetic3A = arith.constant 1 : i32
          %shift_right_arithmetic3A_515 = arith.shrsi %reduce_min3A_431, %shift_right_arithmetic3A : i32
          %mul3A_516 = arith.constant 2 : i32
          %mul3A_517 = arith.muli %shift_right_arithmetic3A_515, %mul3A_516 : i32
          %multiple_of3A_518 = tpu.assume_multiple %mul3A_517, 2 : i32
          %dma_start3A = tpu.memref_slice %arg2[%arg0, %multiple_of3A_518, %multiple_of3A] : memref<2x5000x5000xf32, #tpu.memory_space<hbm>> -> memref<1x2x384xf32, #tpu.memory_space<hbm>>
          %dma_start3A_519 = tpu.memref_squeeze %dma_start3A : memref<1x2x384xf32, #tpu.memory_space<hbm>> -> memref<2x384xf32, #tpu.memory_space<hbm>>
          %dma_start3A_520 = tpu.memref_slice %arg2[%arg0, %multiple_of3A_518, %multiple_of3A] : memref<2x5000x5000xf32, #tpu.memory_space<hbm>> -> memref<1x2x384xf32, #tpu.memory_space<hbm>>
          %dma_start3A_521 = tpu.memref_squeeze %dma_start3A_520 : memref<1x2x384xf32, #tpu.memory_space<hbm>> -> memref<2x384xf32, #tpu.memory_space<hbm>>
          tpu.enqueue_dma source(%dma_start3A_521 : memref<2x384xf32, #tpu.memory_space<hbm>>) target(%arg9 : memref<2x384xf32, #tpu.memory_space<vmem>>) target_semaphore(%arg24 : memref<!tpu.dma_semaphore, #tpu.memory_space<semaphore_mem>>)
          %eq3A_522 = arith.constant 15 : i32
          %eq3A_523 = arith.cmpi eq, %arg1, %eq3A_522 : i32
          %convert_element_type3A_524 = arith.extui %eq3A_523 : i1 to i32
          %cond3A_525 = arith.constant 0 : i32
          %cond3A_526 = arith.cmpi ne, %convert_element_type3A_524, %cond3A_525 : i32
          scf.if %cond3A_526 {
            %dma_start3A_531 = arith.constant 4992 : i32
            %dma_start3A_532 = tpu.memref_slice %arg2[%arg0, %multiple_of3A_518, %dma_start3A_531] : memref<2x5000x5000xf32, #tpu.memory_space<hbm>> -> memref<1x2x8xf32, #tpu.memory_space<hbm>>
            %dma_start3A_533 = tpu.memref_squeeze %dma_start3A_532 : memref<1x2x8xf32, #tpu.memory_space<hbm>> -> memref<2x8xf32, #tpu.memory_space<hbm>>
            %dma_start3A_534 = arith.constant 4992 : i32
            %dma_start3A_535 = tpu.memref_slice %arg2[%arg0, %multiple_of3A_518, %dma_start3A_534] : memref<2x5000x5000xf32, #tpu.memory_space<hbm>> -> memref<1x2x8xf32, #tpu.memory_space<hbm>>
            %dma_start3A_536 = tpu.memref_squeeze %dma_start3A_535 : memref<1x2x8xf32, #tpu.memory_space<hbm>> -> memref<2x8xf32, #tpu.memory_space<hbm>>
            tpu.enqueue_dma source(%dma_start3A_536 : memref<2x8xf32, #tpu.memory_space<hbm>>) target(%arg19 : memref<2x8xf32, #tpu.memory_space<vmem>>) target_semaphore(%arg24 : memref<!tpu.dma_semaphore, #tpu.memory_space<semaphore_mem>>)
          } else {
          }
          %swap3A_527 = arith.constant 1 : i32
          %swap3A_528 = arith.constant 1 : i32
          %swap3A_529 = arith.index_cast %swap3A_528 : i32 to index
          %swap3A_530 = memref.load %arg23[%swap3A_529] : memref<8xi32, #tpu.memory_space<smem>>
          memref.store %swap3A_527, %arg23[%swap3A_529] : memref<8xi32, #tpu.memory_space<smem>>
        } else {
        }
        %and3A_474 = arith.constant 1 : i32
        %and3A_475 = arith.andi %reduce_min3A_431, %and3A_474 : i32
        %swap3A_476 = arith.constant 2 : i32
        %swap3A_477 = arith.index_cast %swap3A_476 : i32 to index
        %swap3A_478 = memref.load %arg23[%swap3A_477] : memref<8xi32, #tpu.memory_space<smem>>
        memref.store %and3A_475, %arg23[%swap3A_477] : memref<8xi32, #tpu.memory_space<smem>>
        %swap3A_479 = arith.constant 3 : i32
        %swap3A_480 = arith.index_cast %swap3A_479 : i32 to index
        %swap3A_481 = memref.load %arg23[%swap3A_480] : memref<8xi32, #tpu.memory_space<smem>>
        memref.store %reduce_min3A_431, %arg23[%swap3A_480] : memref<8xi32, #tpu.memory_space<smem>>
        %broadcast_in_dim3A_482 = vector.broadcast %while3A_375 : i32 to vector<16xi32>
        %eq3A_483 = arith.constant 0 : i32
        %eq3A_484 = vector.broadcast %eq3A_483 : i32 to vector<16xi32>
        %eq3A_485 = arith.cmpi eq, %iota3A, %eq3A_484 : vector<16xi32>
        %broadcast_in_dim3A_486 = vector.broadcast %reduce_min3A_431 : i32 to vector<16xi32>
        tpu.vector_store_idx %arg12[%broadcast_in_dim3A_482], %broadcast_in_dim3A_486 masked %eq3A_485 : memref<256xi32, #tpu.memory_space<vmem>>[vector<16xi32>], vector<16xi32>, vector<16xi1>
        %broadcast_in_dim3A_487 = arith.constant 1.000000e+00 : f32
        %broadcast_in_dim3A_488 = vector.broadcast %broadcast_in_dim3A_487 : f32 to vector<16xf32>
        tpu.vector_store_idx %arg13[%broadcast_in_dim3A_482], %broadcast_in_dim3A_488 masked %eq3A_485 : memref<256xf32, #tpu.memory_space<vmem>>[vector<16xi32>], vector<16xf32>, vector<16xi1>
        %broadcast_in_dim3A_489 = vector.broadcast %reduce_min3A_431 : i32 to vector<16xi32>
        tpu.vector_store_idx %arg14[%broadcast_in_dim3A_482], %broadcast_in_dim3A_489 masked %eq3A_485 : memref<256xi32, #tpu.memory_space<vmem>>[vector<16xi32>], vector<16xi32>, vector<16xi1>
        %eq3A_490 = vector.broadcast %reduce_min3A_431 : i32 to vector<16xi32>
        %eq3A_491 = arith.cmpi eq, %bitcast3A, %eq3A_490 : vector<16xi32>
        %select_n3A_492 = arith.select %eq3A_491, %broadcast_in_dim3A_2, %gather3A : vector<16xi1>, vector<16xf32>
        %reduce_max3A_493 = arith.constant true
        %reduce_max3A_494 = vector.broadcast %reduce_max3A_493 : i1 to vector<16xi1>
        %reduce_max3A_495 = tpu.scan <max>, %select_n3A_492 masked %reduce_max3A_494 : vector<16xf32>, vector<16xi1> -> vector<16xf32>
        %reduce_max3A_496 = vector.extract %reduce_max3A_495[15] : f32 from vector<16xf32>
        %eq3A_497 = vector.broadcast %reduce_max3A_496 : f32 to vector<16xf32>
        %eq3A_498 = arith.cmpf oeq, %select_n3A_492, %eq3A_497 : vector<16xf32>
        %jit3A_499 = arith.constant 1073741824 : i32
        %broadcast_in_dim3A_500 = vector.broadcast %jit3A_499 : i32 to vector<16xi32>
        %select_n3A_501 = arith.select %eq3A_498, %bitcast3A, %broadcast_in_dim3A_500 : vector<16xi1>, vector<16xi32>
        %reduce_min3A_502 = arith.constant true
        %reduce_min3A_503 = vector.broadcast %reduce_min3A_502 : i1 to vector<16xi1>
        %reduce_min3A_504 = arith.constant -2147483648 : i32
        %reduce_min3A_505 = vector.broadcast %reduce_min3A_504 : i32 to vector<16xi32>
        %reduce_min3A_506 = arith.xori %select_n3A_501, %reduce_min3A_505 : vector<16xi32>
        %reduce_min3A_507 = tpu.scan <min>, %reduce_min3A_506 masked %reduce_min3A_503 : vector<16xi32>, vector<16xi1> -> vector<16xi32>
        %reduce_min3A_508 = arith.xori %reduce_min3A_507, %reduce_min3A_505 : vector<16xi32>
        %reduce_min3A_509 = vector.extract %reduce_min3A_508[15] : i32 from vector<16xi32>
        %gt3A_510 = arith.constant 0xFF800000 : f32
        %gt3A_511 = arith.cmpf ogt, %reduce_max3A_496, %gt3A_510 : f32
        %convert_element_type3A_512 = arith.extui %gt3A_511 : i1 to i32
        %cond3A_513 = arith.constant 0 : i32
        %cond3A_514 = arith.cmpi ne, %convert_element_type3A_512, %cond3A_513 : i32
        scf.if %cond3A_514 {
          %eq3A_515 = arith.constant 0 : i32
          %eq3A_516 = arith.cmpi eq, %and3A_408, %eq3A_515 : i32
          %get3A_517 = arith.constant 4 : i32
          %get3A_518 = arith.index_cast %get3A_517 : i32 to index
          %get3A_519 = memref.load %arg23[%get3A_518] : memref<8xi32, #tpu.memory_space<smem>>
          %eq3A_520 = arith.constant 1 : i32
          %eq3A_521 = arith.cmpi eq, %get3A_519, %eq3A_520 : i32
          %and3A_522 = arith.andi %eq3A_516, %eq3A_521 : i1
          %convert_element_type3A_523 = arith.extui %and3A_522 : i1 to i32
          %cond3A_524 = arith.constant 0 : i32
          %cond3A_525 = arith.cmpi ne, %convert_element_type3A_523, %cond3A_524 : i32
          scf.if %cond3A_525 {
            %dma_wait3A = arith.constant 0 : i32
            %dma_wait3A_545 = tpu.memref_slice %arg2[%arg0, %dma_wait3A, %multiple_of3A] : memref<2x5000x5000xf32, #tpu.memory_space<hbm>> -> memref<1x2x384xf32, #tpu.memory_space<hbm>>
            %dma_wait3A_546 = tpu.memref_squeeze %dma_wait3A_545 : memref<1x2x384xf32, #tpu.memory_space<hbm>> -> memref<2x384xf32, #tpu.memory_space<hbm>>
            %dma_wait3A_547 = arith.constant 0 : i32
            %dma_wait3A_548 = tpu.memref_slice %arg2[%arg0, %dma_wait3A_547, %multiple_of3A] : memref<2x5000x5000xf32, #tpu.memory_space<hbm>> -> memref<1x2x384xf32, #tpu.memory_space<hbm>>
            %dma_wait3A_549 = tpu.memref_squeeze %dma_wait3A_548 : memref<1x2x384xf32, #tpu.memory_space<hbm>> -> memref<2x384xf32, #tpu.memory_space<hbm>>
            tpu.wait_dma2 semaphore(%arg25 : memref<!tpu.dma_semaphore, #tpu.memory_space<semaphore_mem>>) src(%dma_wait3A_549 : memref<2x384xf32, #tpu.memory_space<hbm>>) dst(%arg10 : memref<2x384xf32, #tpu.memory_space<vmem>>)
            %eq3A_550 = arith.constant 15 : i32
            %eq3A_551 = arith.cmpi eq, %arg1, %eq3A_550 : i32
            %convert_element_type3A_552 = arith.extui %eq3A_551 : i1 to i32
            %cond3A_553 = arith.constant 0 : i32
            %cond3A_554 = arith.cmpi ne, %convert_element_type3A_552, %cond3A_553 : i32
            scf.if %cond3A_554 {
              %dma_wait3A_555 = arith.constant 0 : i32
              %dma_wait3A_556 = arith.constant 4992 : i32
              %dma_wait3A_557 = tpu.memref_slice %arg2[%arg0, %dma_wait3A_555, %dma_wait3A_556] : memref<2x5000x5000xf32, #tpu.memory_space<hbm>> -> memref<1x2x8xf32, #tpu.memory_space<hbm>>
              %dma_wait3A_558 = tpu.memref_squeeze %dma_wait3A_557 : memref<1x2x8xf32, #tpu.memory_space<hbm>> -> memref<2x8xf32, #tpu.memory_space<hbm>>
              %dma_wait3A_559 = arith.constant 0 : i32
              %dma_wait3A_560 = arith.constant 4992 : i32
              %dma_wait3A_561 = tpu.memref_slice %arg2[%arg0, %dma_wait3A_559, %dma_wait3A_560] : memref<2x5000x5000xf32, #tpu.memory_space<hbm>> -> memref<1x2x8xf32, #tpu.memory_space<hbm>>
              %dma_wait3A_562 = tpu.memref_squeeze %dma_wait3A_561 : memref<1x2x8xf32, #tpu.memory_space<hbm>> -> memref<2x8xf32, #tpu.memory_space<hbm>>
              tpu.wait_dma2 semaphore(%arg25 : memref<!tpu.dma_semaphore, #tpu.memory_space<semaphore_mem>>) src(%dma_wait3A_562 : memref<2x8xf32, #tpu.memory_space<hbm>>) dst(%arg20 : memref<2x8xf32, #tpu.memory_space<vmem>>)
            } else {
            }
          } else {
          }
          %not3A_526 = arith.constant true
          %not3A_527 = arith.xori %eq3A_516, %not3A_526 : i1
          %get3A_528 = arith.constant 5 : i32
          %get3A_529 = arith.index_cast %get3A_528 : i32 to index
          %get3A_530 = memref.load %arg23[%get3A_529] : memref<8xi32, #tpu.memory_space<smem>>
          %eq3A_531 = arith.constant 1 : i32
          %eq3A_532 = arith.cmpi eq, %get3A_530, %eq3A_531 : i32
          %and3A_533 = arith.andi %not3A_527, %eq3A_532 : i1
          %convert_element_type3A_534 = arith.extui %and3A_533 : i1 to i32
          %cond3A_535 = arith.constant 0 : i32
          %cond3A_536 = arith.cmpi ne, %convert_element_type3A_534, %cond3A_535 : i32
          scf.if %cond3A_536 {
            %dma_wait3A = arith.constant 0 : i32
            %dma_wait3A_545 = tpu.memref_slice %arg2[%arg0, %dma_wait3A, %multiple_of3A] : memref<2x5000x5000xf32, #tpu.memory_space<hbm>> -> memref<1x2x384xf32, #tpu.memory_space<hbm>>
            %dma_wait3A_546 = tpu.memref_squeeze %dma_wait3A_545 : memref<1x2x384xf32, #tpu.memory_space<hbm>> -> memref<2x384xf32, #tpu.memory_space<hbm>>
            %dma_wait3A_547 = arith.constant 0 : i32
            %dma_wait3A_548 = tpu.memref_slice %arg2[%arg0, %dma_wait3A_547, %multiple_of3A] : memref<2x5000x5000xf32, #tpu.memory_space<hbm>> -> memref<1x2x384xf32, #tpu.memory_space<hbm>>
            %dma_wait3A_549 = tpu.memref_squeeze %dma_wait3A_548 : memref<1x2x384xf32, #tpu.memory_space<hbm>> -> memref<2x384xf32, #tpu.memory_space<hbm>>
            tpu.wait_dma2 semaphore(%arg26 : memref<!tpu.dma_semaphore, #tpu.memory_space<semaphore_mem>>) src(%dma_wait3A_549 : memref<2x384xf32, #tpu.memory_space<hbm>>) dst(%arg11 : memref<2x384xf32, #tpu.memory_space<vmem>>)
            %eq3A_550 = arith.constant 15 : i32
            %eq3A_551 = arith.cmpi eq, %arg1, %eq3A_550 : i32
            %convert_element_type3A_552 = arith.extui %eq3A_551 : i1 to i32
            %cond3A_553 = arith.constant 0 : i32
            %cond3A_554 = arith.cmpi ne, %convert_element_type3A_552, %cond3A_553 : i32
            scf.if %cond3A_554 {
              %dma_wait3A_555 = arith.constant 0 : i32
              %dma_wait3A_556 = arith.constant 4992 : i32
              %dma_wait3A_557 = tpu.memref_slice %arg2[%arg0, %dma_wait3A_555, %dma_wait3A_556] : memref<2x5000x5000xf32, #tpu.memory_space<hbm>> -> memref<1x2x8xf32, #tpu.memory_space<hbm>>
              %dma_wait3A_558 = tpu.memref_squeeze %dma_wait3A_557 : memref<1x2x8xf32, #tpu.memory_space<hbm>> -> memref<2x8xf32, #tpu.memory_space<hbm>>
              %dma_wait3A_559 = arith.constant 0 : i32
              %dma_wait3A_560 = arith.constant 4992 : i32
              %dma_wait3A_561 = tpu.memref_slice %arg2[%arg0, %dma_wait3A_559, %dma_wait3A_560] : memref<2x5000x5000xf32, #tpu.memory_space<hbm>> -> memref<1x2x8xf32, #tpu.memory_space<hbm>>
              %dma_wait3A_562 = tpu.memref_squeeze %dma_wait3A_561 : memref<1x2x8xf32, #tpu.memory_space<hbm>> -> memref<2x8xf32, #tpu.memory_space<hbm>>
              tpu.wait_dma2 semaphore(%arg26 : memref<!tpu.dma_semaphore, #tpu.memory_space<semaphore_mem>>) src(%dma_wait3A_562 : memref<2x8xf32, #tpu.memory_space<hbm>>) dst(%arg21 : memref<2x8xf32, #tpu.memory_space<vmem>>)
            } else {
            }
          } else {
          }
          %convert_element_type3A_537 = arith.extui %eq3A_516 : i1 to i32
          %cond3A_538 = arith.constant 0 : i32
          %cond3A_539 = arith.cmpi ne, %convert_element_type3A_537, %cond3A_538 : i32
          scf.if %cond3A_539 {
            %shift_right_arithmetic3A = arith.constant 1 : i32
            %shift_right_arithmetic3A_545 = arith.shrsi %reduce_min3A_509, %shift_right_arithmetic3A : i32
            %mul3A_546 = arith.constant 2 : i32
            %mul3A_547 = arith.muli %shift_right_arithmetic3A_545, %mul3A_546 : i32
            %multiple_of3A_548 = tpu.assume_multiple %mul3A_547, 2 : i32
            %dma_start3A = tpu.memref_slice %arg2[%arg0, %multiple_of3A_548, %multiple_of3A] : memref<2x5000x5000xf32, #tpu.memory_space<hbm>> -> memref<1x2x384xf32, #tpu.memory_space<hbm>>
            %dma_start3A_549 = tpu.memref_squeeze %dma_start3A : memref<1x2x384xf32, #tpu.memory_space<hbm>> -> memref<2x384xf32, #tpu.memory_space<hbm>>
            %dma_start3A_550 = tpu.memref_slice %arg2[%arg0, %multiple_of3A_548, %multiple_of3A] : memref<2x5000x5000xf32, #tpu.memory_space<hbm>> -> memref<1x2x384xf32, #tpu.memory_space<hbm>>
            %dma_start3A_551 = tpu.memref_squeeze %dma_start3A_550 : memref<1x2x384xf32, #tpu.memory_space<hbm>> -> memref<2x384xf32, #tpu.memory_space<hbm>>
            tpu.enqueue_dma source(%dma_start3A_551 : memref<2x384xf32, #tpu.memory_space<hbm>>) target(%arg10 : memref<2x384xf32, #tpu.memory_space<vmem>>) target_semaphore(%arg25 : memref<!tpu.dma_semaphore, #tpu.memory_space<semaphore_mem>>)
            %eq3A_552 = arith.constant 15 : i32
            %eq3A_553 = arith.cmpi eq, %arg1, %eq3A_552 : i32
            %convert_element_type3A_554 = arith.extui %eq3A_553 : i1 to i32
            %cond3A_555 = arith.constant 0 : i32
            %cond3A_556 = arith.cmpi ne, %convert_element_type3A_554, %cond3A_555 : i32
            scf.if %cond3A_556 {
              %dma_start3A_564 = arith.constant 4992 : i32
              %dma_start3A_565 = tpu.memref_slice %arg2[%arg0, %multiple_of3A_548, %dma_start3A_564] : memref<2x5000x5000xf32, #tpu.memory_space<hbm>> -> memref<1x2x8xf32, #tpu.memory_space<hbm>>
              %dma_start3A_566 = tpu.memref_squeeze %dma_start3A_565 : memref<1x2x8xf32, #tpu.memory_space<hbm>> -> memref<2x8xf32, #tpu.memory_space<hbm>>
              %dma_start3A_567 = arith.constant 4992 : i32
              %dma_start3A_568 = tpu.memref_slice %arg2[%arg0, %multiple_of3A_548, %dma_start3A_567] : memref<2x5000x5000xf32, #tpu.memory_space<hbm>> -> memref<1x2x8xf32, #tpu.memory_space<hbm>>
              %dma_start3A_569 = tpu.memref_squeeze %dma_start3A_568 : memref<1x2x8xf32, #tpu.memory_space<hbm>> -> memref<2x8xf32, #tpu.memory_space<hbm>>
              tpu.enqueue_dma source(%dma_start3A_569 : memref<2x8xf32, #tpu.memory_space<hbm>>) target(%arg20 : memref<2x8xf32, #tpu.memory_space<vmem>>) target_semaphore(%arg25 : memref<!tpu.dma_semaphore, #tpu.memory_space<semaphore_mem>>)
            } else {
            }
            %swap3A_557 = arith.constant 1 : i32
            %swap3A_558 = arith.constant 4 : i32
            %swap3A_559 = arith.index_cast %swap3A_558 : i32 to index
            %swap3A_560 = memref.load %arg23[%swap3A_559] : memref<8xi32, #tpu.memory_space<smem>>
            memref.store %swap3A_557, %arg23[%swap3A_559] : memref<8xi32, #tpu.memory_space<smem>>
            %swap3A_561 = arith.constant 6 : i32
            %swap3A_562 = arith.index_cast %swap3A_561 : i32 to index
            %swap3A_563 = memref.load %arg23[%swap3A_562] : memref<8xi32, #tpu.memory_space<smem>>
            memref.store %reduce_min3A_509, %arg23[%swap3A_562] : memref<8xi32, #tpu.memory_space<smem>>
          } else {
          }
          %not3A_540 = arith.constant true
          %not3A_541 = arith.xori %eq3A_516, %not3A_540 : i1
          %convert_element_type3A_542 = arith.extui %not3A_541 : i1 to i32
          %cond3A_543 = arith.constant 0 : i32
          %cond3A_544 = arith.cmpi ne, %convert_element_type3A_542, %cond3A_543 : i32
          scf.if %cond3A_544 {
            %shift_right_arithmetic3A = arith.constant 1 : i32
            %shift_right_arithmetic3A_545 = arith.shrsi %reduce_min3A_509, %shift_right_arithmetic3A : i32
            %mul3A_546 = arith.constant 2 : i32
            %mul3A_547 = arith.muli %shift_right_arithmetic3A_545, %mul3A_546 : i32
            %multiple_of3A_548 = tpu.assume_multiple %mul3A_547, 2 : i32
            %dma_start3A = tpu.memref_slice %arg2[%arg0, %multiple_of3A_548, %multiple_of3A] : memref<2x5000x5000xf32, #tpu.memory_space<hbm>> -> memref<1x2x384xf32, #tpu.memory_space<hbm>>
            %dma_start3A_549 = tpu.memref_squeeze %dma_start3A : memref<1x2x384xf32, #tpu.memory_space<hbm>> -> memref<2x384xf32, #tpu.memory_space<hbm>>
            %dma_start3A_550 = tpu.memref_slice %arg2[%arg0, %multiple_of3A_548, %multiple_of3A] : memref<2x5000x5000xf32, #tpu.memory_space<hbm>> -> memref<1x2x384xf32, #tpu.memory_space<hbm>>
            %dma_start3A_551 = tpu.memref_squeeze %dma_start3A_550 : memref<1x2x384xf32, #tpu.memory_space<hbm>> -> memref<2x384xf32, #tpu.memory_space<hbm>>
            tpu.enqueue_dma source(%dma_start3A_551 : memref<2x384xf32, #tpu.memory_space<hbm>>) target(%arg11 : memref<2x384xf32, #tpu.memory_space<vmem>>) target_semaphore(%arg26 : memref<!tpu.dma_semaphore, #tpu.memory_space<semaphore_mem>>)
            %eq3A_552 = arith.constant 15 : i32
            %eq3A_553 = arith.cmpi eq, %arg1, %eq3A_552 : i32
            %convert_element_type3A_554 = arith.extui %eq3A_553 : i1 to i32
            %cond3A_555 = arith.constant 0 : i32
            %cond3A_556 = arith.cmpi ne, %convert_element_type3A_554, %cond3A_555 : i32
            scf.if %cond3A_556 {
              %dma_start3A_564 = arith.constant 4992 : i32
              %dma_start3A_565 = tpu.memref_slice %arg2[%arg0, %multiple_of3A_548, %dma_start3A_564] : memref<2x5000x5000xf32, #tpu.memory_space<hbm>> -> memref<1x2x8xf32, #tpu.memory_space<hbm>>
              %dma_start3A_566 = tpu.memref_squeeze %dma_start3A_565 : memref<1x2x8xf32, #tpu.memory_space<hbm>> -> memref<2x8xf32, #tpu.memory_space<hbm>>
              %dma_start3A_567 = arith.constant 4992 : i32
              %dma_start3A_568 = tpu.memref_slice %arg2[%arg0, %multiple_of3A_548, %dma_start3A_567] : memref<2x5000x5000xf32, #tpu.memory_space<hbm>> -> memref<1x2x8xf32, #tpu.memory_space<hbm>>
              %dma_start3A_569 = tpu.memref_squeeze %dma_start3A_568 : memref<1x2x8xf32, #tpu.memory_space<hbm>> -> memref<2x8xf32, #tpu.memory_space<hbm>>
              tpu.enqueue_dma source(%dma_start3A_569 : memref<2x8xf32, #tpu.memory_space<hbm>>) target(%arg21 : memref<2x8xf32, #tpu.memory_space<vmem>>) target_semaphore(%arg26 : memref<!tpu.dma_semaphore, #tpu.memory_space<semaphore_mem>>)
            } else {
            }
            %swap3A_557 = arith.constant 1 : i32
            %swap3A_558 = arith.constant 5 : i32
            %swap3A_559 = arith.index_cast %swap3A_558 : i32 to index
            %swap3A_560 = memref.load %arg23[%swap3A_559] : memref<8xi32, #tpu.memory_space<smem>>
            memref.store %swap3A_557, %arg23[%swap3A_559] : memref<8xi32, #tpu.memory_space<smem>>
            %swap3A_561 = arith.constant 7 : i32
            %swap3A_562 = arith.index_cast %swap3A_561 : i32 to index
            %swap3A_563 = memref.load %arg23[%swap3A_562] : memref<8xi32, #tpu.memory_space<smem>>
            memref.store %reduce_min3A_509, %arg23[%swap3A_562] : memref<8xi32, #tpu.memory_space<smem>>
          } else {
          }
        } else {
        }
      } else {
      }
      %add3A_441 = arith.constant 1 : i32
      %add3A_442 = arith.addi %while3A_375, %add3A_441 : i32
      %get3A_443 = arith.constant 0 : i32
      %get3A_444 = arith.index_cast %get3A_443 : i32 to index
      %get3A_445 = memref.load %arg23[%get3A_444] : memref<8xi32, #tpu.memory_space<smem>>
      scf.yield %add3A_442, %get3A_445 : i32, i32
    }
    %get3A_333 = arith.constant 1 : i32
    %get3A_334 = arith.index_cast %get3A_333 : i32 to index
    %get3A_335 = memref.load %arg23[%get3A_334] : memref<8xi32, #tpu.memory_space<smem>>
    %eq3A_336 = arith.constant 1 : i32
    %eq3A_337 = arith.cmpi eq, %get3A_335, %eq3A_336 : i32
    %convert_element_type3A_338 = arith.extui %eq3A_337 : i1 to i32
    %cond3A_339 = arith.constant 0 : i32
    %cond3A_340 = arith.cmpi ne, %convert_element_type3A_338, %cond3A_339 : i32
    scf.if %cond3A_340 {
      %dma_wait3A = arith.constant 0 : i32
      %dma_wait3A_375 = tpu.memref_slice %arg2[%arg0, %dma_wait3A, %multiple_of3A] : memref<2x5000x5000xf32, #tpu.memory_space<hbm>> -> memref<1x2x384xf32, #tpu.memory_space<hbm>>
      %dma_wait3A_376 = tpu.memref_squeeze %dma_wait3A_375 : memref<1x2x384xf32, #tpu.memory_space<hbm>> -> memref<2x384xf32, #tpu.memory_space<hbm>>
      %dma_wait3A_377 = arith.constant 0 : i32
      %dma_wait3A_378 = tpu.memref_slice %arg2[%arg0, %dma_wait3A_377, %multiple_of3A] : memref<2x5000x5000xf32, #tpu.memory_space<hbm>> -> memref<1x2x384xf32, #tpu.memory_space<hbm>>
      %dma_wait3A_379 = tpu.memref_squeeze %dma_wait3A_378 : memref<1x2x384xf32, #tpu.memory_space<hbm>> -> memref<2x384xf32, #tpu.memory_space<hbm>>
      tpu.wait_dma2 semaphore(%arg24 : memref<!tpu.dma_semaphore, #tpu.memory_space<semaphore_mem>>) src(%dma_wait3A_379 : memref<2x384xf32, #tpu.memory_space<hbm>>) dst(%arg9 : memref<2x384xf32, #tpu.memory_space<vmem>>)
      %eq3A_380 = arith.constant 15 : i32
      %eq3A_381 = arith.cmpi eq, %arg1, %eq3A_380 : i32
      %convert_element_type3A_382 = arith.extui %eq3A_381 : i1 to i32
      %cond3A_383 = arith.constant 0 : i32
      %cond3A_384 = arith.cmpi ne, %convert_element_type3A_382, %cond3A_383 : i32
      scf.if %cond3A_384 {
        %dma_wait3A_385 = arith.constant 0 : i32
        %dma_wait3A_386 = arith.constant 4992 : i32
        %dma_wait3A_387 = tpu.memref_slice %arg2[%arg0, %dma_wait3A_385, %dma_wait3A_386] : memref<2x5000x5000xf32, #tpu.memory_space<hbm>> -> memref<1x2x8xf32, #tpu.memory_space<hbm>>
        %dma_wait3A_388 = tpu.memref_squeeze %dma_wait3A_387 : memref<1x2x8xf32, #tpu.memory_space<hbm>> -> memref<2x8xf32, #tpu.memory_space<hbm>>
        %dma_wait3A_389 = arith.constant 0 : i32
        %dma_wait3A_390 = arith.constant 4992 : i32
        %dma_wait3A_391 = tpu.memref_slice %arg2[%arg0, %dma_wait3A_389, %dma_wait3A_390] : memref<2x5000x5000xf32, #tpu.memory_space<hbm>> -> memref<1x2x8xf32, #tpu.memory_space<hbm>>
        %dma_wait3A_392 = tpu.memref_squeeze %dma_wait3A_391 : memref<1x2x8xf32, #tpu.memory_space<hbm>> -> memref<2x8xf32, #tpu.memory_space<hbm>>
        tpu.wait_dma2 semaphore(%arg24 : memref<!tpu.dma_semaphore, #tpu.memory_space<semaphore_mem>>) src(%dma_wait3A_392 : memref<2x8xf32, #tpu.memory_space<hbm>>) dst(%arg19 : memref<2x8xf32, #tpu.memory_space<vmem>>)
      } else {
      }
    } else {
    }
    %get3A_341 = arith.constant 4 : i32
    %get3A_342 = arith.index_cast %get3A_341 : i32 to index
    %get3A_343 = memref.load %arg23[%get3A_342] : memref<8xi32, #tpu.memory_space<smem>>
    %eq3A_344 = arith.constant 1 : i32
    %eq3A_345 = arith.cmpi eq, %get3A_343, %eq3A_344 : i32
    %convert_element_type3A_346 = arith.extui %eq3A_345 : i1 to i32
    %cond3A_347 = arith.constant 0 : i32
    %cond3A_348 = arith.cmpi ne, %convert_element_type3A_346, %cond3A_347 : i32
    scf.if %cond3A_348 {
      %dma_wait3A = arith.constant 0 : i32
      %dma_wait3A_375 = tpu.memref_slice %arg2[%arg0, %dma_wait3A, %multiple_of3A] : memref<2x5000x5000xf32, #tpu.memory_space<hbm>> -> memref<1x2x384xf32, #tpu.memory_space<hbm>>
      %dma_wait3A_376 = tpu.memref_squeeze %dma_wait3A_375 : memref<1x2x384xf32, #tpu.memory_space<hbm>> -> memref<2x384xf32, #tpu.memory_space<hbm>>
      %dma_wait3A_377 = arith.constant 0 : i32
      %dma_wait3A_378 = tpu.memref_slice %arg2[%arg0, %dma_wait3A_377, %multiple_of3A] : memref<2x5000x5000xf32, #tpu.memory_space<hbm>> -> memref<1x2x384xf32, #tpu.memory_space<hbm>>
      %dma_wait3A_379 = tpu.memref_squeeze %dma_wait3A_378 : memref<1x2x384xf32, #tpu.memory_space<hbm>> -> memref<2x384xf32, #tpu.memory_space<hbm>>
      tpu.wait_dma2 semaphore(%arg25 : memref<!tpu.dma_semaphore, #tpu.memory_space<semaphore_mem>>) src(%dma_wait3A_379 : memref<2x384xf32, #tpu.memory_space<hbm>>) dst(%arg10 : memref<2x384xf32, #tpu.memory_space<vmem>>)
      %eq3A_380 = arith.constant 15 : i32
      %eq3A_381 = arith.cmpi eq, %arg1, %eq3A_380 : i32
      %convert_element_type3A_382 = arith.extui %eq3A_381 : i1 to i32
      %cond3A_383 = arith.constant 0 : i32
      %cond3A_384 = arith.cmpi ne, %convert_element_type3A_382, %cond3A_383 : i32
      scf.if %cond3A_384 {
        %dma_wait3A_385 = arith.constant 0 : i32
        %dma_wait3A_386 = arith.constant 4992 : i32
        %dma_wait3A_387 = tpu.memref_slice %arg2[%arg0, %dma_wait3A_385, %dma_wait3A_386] : memref<2x5000x5000xf32, #tpu.memory_space<hbm>> -> memref<1x2x8xf32, #tpu.memory_space<hbm>>
        %dma_wait3A_388 = tpu.memref_squeeze %dma_wait3A_387 : memref<1x2x8xf32, #tpu.memory_space<hbm>> -> memref<2x8xf32, #tpu.memory_space<hbm>>
        %dma_wait3A_389 = arith.constant 0 : i32
        %dma_wait3A_390 = arith.constant 4992 : i32
        %dma_wait3A_391 = tpu.memref_slice %arg2[%arg0, %dma_wait3A_389, %dma_wait3A_390] : memref<2x5000x5000xf32, #tpu.memory_space<hbm>> -> memref<1x2x8xf32, #tpu.memory_space<hbm>>
        %dma_wait3A_392 = tpu.memref_squeeze %dma_wait3A_391 : memref<1x2x8xf32, #tpu.memory_space<hbm>> -> memref<2x8xf32, #tpu.memory_space<hbm>>
        tpu.wait_dma2 semaphore(%arg25 : memref<!tpu.dma_semaphore, #tpu.memory_space<semaphore_mem>>) src(%dma_wait3A_392 : memref<2x8xf32, #tpu.memory_space<hbm>>) dst(%arg20 : memref<2x8xf32, #tpu.memory_space<vmem>>)
      } else {
      }
    } else {
    }
    %get3A_349 = arith.constant 5 : i32
    %get3A_350 = arith.index_cast %get3A_349 : i32 to index
    %get3A_351 = memref.load %arg23[%get3A_350] : memref<8xi32, #tpu.memory_space<smem>>
    %eq3A_352 = arith.constant 1 : i32
    %eq3A_353 = arith.cmpi eq, %get3A_351, %eq3A_352 : i32
    %convert_element_type3A_354 = arith.extui %eq3A_353 : i1 to i32
    %cond3A_355 = arith.constant 0 : i32
    %cond3A_356 = arith.cmpi ne, %convert_element_type3A_354, %cond3A_355 : i32
    scf.if %cond3A_356 {
      %dma_wait3A = arith.constant 0 : i32
      %dma_wait3A_375 = tpu.memref_slice %arg2[%arg0, %dma_wait3A, %multiple_of3A] : memref<2x5000x5000xf32, #tpu.memory_space<hbm>> -> memref<1x2x384xf32, #tpu.memory_space<hbm>>
      %dma_wait3A_376 = tpu.memref_squeeze %dma_wait3A_375 : memref<1x2x384xf32, #tpu.memory_space<hbm>> -> memref<2x384xf32, #tpu.memory_space<hbm>>
      %dma_wait3A_377 = arith.constant 0 : i32
      %dma_wait3A_378 = tpu.memref_slice %arg2[%arg0, %dma_wait3A_377, %multiple_of3A] : memref<2x5000x5000xf32, #tpu.memory_space<hbm>> -> memref<1x2x384xf32, #tpu.memory_space<hbm>>
      %dma_wait3A_379 = tpu.memref_squeeze %dma_wait3A_378 : memref<1x2x384xf32, #tpu.memory_space<hbm>> -> memref<2x384xf32, #tpu.memory_space<hbm>>
      tpu.wait_dma2 semaphore(%arg26 : memref<!tpu.dma_semaphore, #tpu.memory_space<semaphore_mem>>) src(%dma_wait3A_379 : memref<2x384xf32, #tpu.memory_space<hbm>>) dst(%arg11 : memref<2x384xf32, #tpu.memory_space<vmem>>)
      %eq3A_380 = arith.constant 15 : i32
      %eq3A_381 = arith.cmpi eq, %arg1, %eq3A_380 : i32
      %convert_element_type3A_382 = arith.extui %eq3A_381 : i1 to i32
      %cond3A_383 = arith.constant 0 : i32
      %cond3A_384 = arith.cmpi ne, %convert_element_type3A_382, %cond3A_383 : i32
      scf.if %cond3A_384 {
        %dma_wait3A_385 = arith.constant 0 : i32
        %dma_wait3A_386 = arith.constant 4992 : i32
        %dma_wait3A_387 = tpu.memref_slice %arg2[%arg0, %dma_wait3A_385, %dma_wait3A_386] : memref<2x5000x5000xf32, #tpu.memory_space<hbm>> -> memref<1x2x8xf32, #tpu.memory_space<hbm>>
        %dma_wait3A_388 = tpu.memref_squeeze %dma_wait3A_387 : memref<1x2x8xf32, #tpu.memory_space<hbm>> -> memref<2x8xf32, #tpu.memory_space<hbm>>
        %dma_wait3A_389 = arith.constant 0 : i32
        %dma_wait3A_390 = arith.constant 4992 : i32
        %dma_wait3A_391 = tpu.memref_slice %arg2[%arg0, %dma_wait3A_389, %dma_wait3A_390] : memref<2x5000x5000xf32, #tpu.memory_space<hbm>> -> memref<1x2x8xf32, #tpu.memory_space<hbm>>
        %dma_wait3A_392 = tpu.memref_squeeze %dma_wait3A_391 : memref<1x2x8xf32, #tpu.memory_space<hbm>> -> memref<2x8xf32, #tpu.memory_space<hbm>>
        tpu.wait_dma2 semaphore(%arg26 : memref<!tpu.dma_semaphore, #tpu.memory_space<semaphore_mem>>) src(%dma_wait3A_392 : memref<2x8xf32, #tpu.memory_space<hbm>>) dst(%arg21 : memref<2x8xf32, #tpu.memory_space<vmem>>)
      } else {
      }
    } else {
    }
    %get3A_357 = arith.constant 1 : i32
    %get3A_358 = arith.index_cast %get3A_357 : i32 to index
    %get3A_359 = memref.load %arg23[%get3A_358] : memref<8xi32, #tpu.memory_space<smem>>
    %eq3A_360 = arith.constant 2 : i32
    %eq3A_361 = arith.cmpi eq, %get3A_359, %eq3A_360 : i32
    %get3A_362 = arith.constant 1 : i32
    %get3A_363 = arith.index_cast %get3A_362 : i32 to index
    %get3A_364 = memref.load %arg23[%get3A_363] : memref<8xi32, #tpu.memory_space<smem>>
    %eq3A_365 = arith.constant 3 : i32
    %eq3A_366 = arith.cmpi eq, %get3A_364, %eq3A_365 : i32
    %or3A = arith.ori %eq3A_361, %eq3A_366 : i1
    %convert_element_type3A_367 = arith.extui %or3A : i1 to i32
    %cond3A_368 = arith.constant 0 : i32
    %cond3A_369 = arith.cmpi ne, %convert_element_type3A_367, %cond3A_368 : i32
    scf.if %cond3A_369 {
      %get3A_375 = arith.constant 1 : i32
      %get3A_376 = arith.index_cast %get3A_375 : i32 to index
      %get3A_377 = memref.load %arg23[%get3A_376] : memref<8xi32, #tpu.memory_space<smem>>
      %eq3A_378 = arith.constant 2 : i32
      %eq3A_379 = arith.cmpi eq, %get3A_377, %eq3A_378 : i32
      %convert_element_type3A_380 = arith.extui %eq3A_379 : i1 to i32
      %cond3A_381 = arith.constant 0 : i32
      %cond3A_382 = arith.cmpi ne, %convert_element_type3A_380, %cond3A_381 : i32
      scf.if %cond3A_382 {
        %dma_wait3A = arith.constant 0 : i32
        %dma_wait3A_391 = tpu.memref_slice %arg2[%arg0, %dma_wait3A, %multiple_of3A] : memref<2x5000x5000xf32, #tpu.memory_space<hbm>> -> memref<1x2x384xf32, #tpu.memory_space<hbm>>
        %dma_wait3A_392 = tpu.memref_squeeze %dma_wait3A_391 : memref<1x2x384xf32, #tpu.memory_space<hbm>> -> memref<2x384xf32, #tpu.memory_space<hbm>>
        %dma_wait3A_393 = arith.constant 0 : i32
        %dma_wait3A_394 = tpu.memref_slice %arg2[%arg0, %dma_wait3A_393, %multiple_of3A] : memref<2x5000x5000xf32, #tpu.memory_space<hbm>> -> memref<1x2x384xf32, #tpu.memory_space<hbm>>
        %dma_wait3A_395 = tpu.memref_squeeze %dma_wait3A_394 : memref<1x2x384xf32, #tpu.memory_space<hbm>> -> memref<2x384xf32, #tpu.memory_space<hbm>>
        tpu.wait_dma2 semaphore(%arg25 : memref<!tpu.dma_semaphore, #tpu.memory_space<semaphore_mem>>) src(%dma_wait3A_395 : memref<2x384xf32, #tpu.memory_space<hbm>>) dst(%arg10 : memref<2x384xf32, #tpu.memory_space<vmem>>)
        %eq3A_396 = arith.constant 15 : i32
        %eq3A_397 = arith.cmpi eq, %arg1, %eq3A_396 : i32
        %convert_element_type3A_398 = arith.extui %eq3A_397 : i1 to i32
        %cond3A_399 = arith.constant 0 : i32
        %cond3A_400 = arith.cmpi ne, %convert_element_type3A_398, %cond3A_399 : i32
        scf.if %cond3A_400 {
          %dma_wait3A_401 = arith.constant 0 : i32
          %dma_wait3A_402 = arith.constant 4992 : i32
          %dma_wait3A_403 = tpu.memref_slice %arg2[%arg0, %dma_wait3A_401, %dma_wait3A_402] : memref<2x5000x5000xf32, #tpu.memory_space<hbm>> -> memref<1x2x8xf32, #tpu.memory_space<hbm>>
          %dma_wait3A_404 = tpu.memref_squeeze %dma_wait3A_403 : memref<1x2x8xf32, #tpu.memory_space<hbm>> -> memref<2x8xf32, #tpu.memory_space<hbm>>
          %dma_wait3A_405 = arith.constant 0 : i32
          %dma_wait3A_406 = arith.constant 4992 : i32
          %dma_wait3A_407 = tpu.memref_slice %arg2[%arg0, %dma_wait3A_405, %dma_wait3A_406] : memref<2x5000x5000xf32, #tpu.memory_space<hbm>> -> memref<1x2x8xf32, #tpu.memory_space<hbm>>
          %dma_wait3A_408 = tpu.memref_squeeze %dma_wait3A_407 : memref<1x2x8xf32, #tpu.memory_space<hbm>> -> memref<2x8xf32, #tpu.memory_space<hbm>>
          tpu.wait_dma2 semaphore(%arg25 : memref<!tpu.dma_semaphore, #tpu.memory_space<semaphore_mem>>) src(%dma_wait3A_408 : memref<2x8xf32, #tpu.memory_space<hbm>>) dst(%arg20 : memref<2x8xf32, #tpu.memory_space<vmem>>)
        } else {
        }
      } else {
      }
      %get3A_383 = arith.constant 1 : i32
      %get3A_384 = arith.index_cast %get3A_383 : i32 to index
      %get3A_385 = memref.load %arg23[%get3A_384] : memref<8xi32, #tpu.memory_space<smem>>
      %eq3A_386 = arith.constant 3 : i32
      %eq3A_387 = arith.cmpi eq, %get3A_385, %eq3A_386 : i32
      %convert_element_type3A_388 = arith.extui %eq3A_387 : i1 to i32
      %cond3A_389 = arith.constant 0 : i32
      %cond3A_390 = arith.cmpi ne, %convert_element_type3A_388, %cond3A_389 : i32
      scf.if %cond3A_390 {
        %dma_wait3A = arith.constant 0 : i32
        %dma_wait3A_391 = tpu.memref_slice %arg2[%arg0, %dma_wait3A, %multiple_of3A] : memref<2x5000x5000xf32, #tpu.memory_space<hbm>> -> memref<1x2x384xf32, #tpu.memory_space<hbm>>
        %dma_wait3A_392 = tpu.memref_squeeze %dma_wait3A_391 : memref<1x2x384xf32, #tpu.memory_space<hbm>> -> memref<2x384xf32, #tpu.memory_space<hbm>>
        %dma_wait3A_393 = arith.constant 0 : i32
        %dma_wait3A_394 = tpu.memref_slice %arg2[%arg0, %dma_wait3A_393, %multiple_of3A] : memref<2x5000x5000xf32, #tpu.memory_space<hbm>> -> memref<1x2x384xf32, #tpu.memory_space<hbm>>
        %dma_wait3A_395 = tpu.memref_squeeze %dma_wait3A_394 : memref<1x2x384xf32, #tpu.memory_space<hbm>> -> memref<2x384xf32, #tpu.memory_space<hbm>>
        tpu.wait_dma2 semaphore(%arg26 : memref<!tpu.dma_semaphore, #tpu.memory_space<semaphore_mem>>) src(%dma_wait3A_395 : memref<2x384xf32, #tpu.memory_space<hbm>>) dst(%arg11 : memref<2x384xf32, #tpu.memory_space<vmem>>)
        %eq3A_396 = arith.constant 15 : i32
        %eq3A_397 = arith.cmpi eq, %arg1, %eq3A_396 : i32
        %convert_element_type3A_398 = arith.extui %eq3A_397 : i1 to i32
        %cond3A_399 = arith.constant 0 : i32
        %cond3A_400 = arith.cmpi ne, %convert_element_type3A_398, %cond3A_399 : i32
        scf.if %cond3A_400 {
          %dma_wait3A_401 = arith.constant 0 : i32
          %dma_wait3A_402 = arith.constant 4992 : i32
          %dma_wait3A_403 = tpu.memref_slice %arg2[%arg0, %dma_wait3A_401, %dma_wait3A_402] : memref<2x5000x5000xf32, #tpu.memory_space<hbm>> -> memref<1x2x8xf32, #tpu.memory_space<hbm>>
          %dma_wait3A_404 = tpu.memref_squeeze %dma_wait3A_403 : memref<1x2x8xf32, #tpu.memory_space<hbm>> -> memref<2x8xf32, #tpu.memory_space<hbm>>
          %dma_wait3A_405 = arith.constant 0 : i32
          %dma_wait3A_406 = arith.constant 4992 : i32
          %dma_wait3A_407 = tpu.memref_slice %arg2[%arg0, %dma_wait3A_405, %dma_wait3A_406] : memref<2x5000x5000xf32, #tpu.memory_space<hbm>> -> memref<1x2x8xf32, #tpu.memory_space<hbm>>
          %dma_wait3A_408 = tpu.memref_squeeze %dma_wait3A_407 : memref<1x2x8xf32, #tpu.memory_space<hbm>> -> memref<2x8xf32, #tpu.memory_space<hbm>>
          tpu.wait_dma2 semaphore(%arg26 : memref<!tpu.dma_semaphore, #tpu.memory_space<semaphore_mem>>) src(%dma_wait3A_408 : memref<2x8xf32, #tpu.memory_space<hbm>>) dst(%arg21 : memref<2x8xf32, #tpu.memory_space<vmem>>)
        } else {
        }
      } else {
      }
    } else {
    }
    %eq3A_370 = arith.constant 0 : i32
    %eq3A_371 = arith.cmpi eq, %arg1, %eq3A_370 : i32
    %convert_element_type3A_372 = arith.extui %eq3A_371 : i1 to i32
    %cond3A_373 = arith.constant 0 : i32
    %cond3A_374 = arith.cmpi ne, %convert_element_type3A_372, %cond3A_373 : i32
    scf.if %cond3A_374 {
      %mul3A_375 = arith.constant 256 : i32
      %mul3A_376 = arith.muli %arg0, %mul3A_375 : i32
      "tpu.region"() ({
        %run_scoped3A = tpu.sem_alloc : memref<!tpu.dma_semaphore, #tpu.memory_space<semaphore_mem>>
        %dma_start3A = tpu.memref_slice %arg7[%mul3A_376] : memref<512xi32, #tpu.memory_space<hbm>> -> memref<256xi32, #tpu.memory_space<hbm>>
        %dma_start3A_1090 = tpu.memref_slice %arg7[%mul3A_376] : memref<512xi32, #tpu.memory_space<hbm>> -> memref<256xi32, #tpu.memory_space<hbm>>
        tpu.enqueue_dma source(%arg12 : memref<256xi32, #tpu.memory_space<vmem>>) target(%dma_start3A_1090 : memref<256xi32, #tpu.memory_space<hbm>>) target_semaphore(%run_scoped3A : memref<!tpu.dma_semaphore, #tpu.memory_space<semaphore_mem>>)
        %dma_wait3A = tpu.memref_slice %arg7[%mul3A_376] : memref<512xi32, #tpu.memory_space<hbm>> -> memref<256xi32, #tpu.memory_space<hbm>>
        %dma_wait3A_1091 = tpu.memref_slice %arg7[%mul3A_376] : memref<512xi32, #tpu.memory_space<hbm>> -> memref<256xi32, #tpu.memory_space<hbm>>
        tpu.wait_dma2 semaphore(%run_scoped3A : memref<!tpu.dma_semaphore, #tpu.memory_space<semaphore_mem>>) src(%arg12 : memref<256xi32, #tpu.memory_space<vmem>>) dst(%dma_wait3A_1091 : memref<256xi32, #tpu.memory_space<hbm>>)
        tpu.yield
      }) : () -> ()
      %mul3A_377 = arith.constant 256 : i32
      %mul3A_378 = arith.muli %arg0, %mul3A_377 : i32
      "tpu.region"() ({
        %run_scoped3A = tpu.sem_alloc : memref<!tpu.dma_semaphore, #tpu.memory_space<semaphore_mem>>
        %dma_start3A = tpu.memref_slice %arg6[%mul3A_378] : memref<512xf32, #tpu.memory_space<hbm>> -> memref<256xf32, #tpu.memory_space<hbm>>
        %dma_start3A_1090 = tpu.memref_slice %arg6[%mul3A_378] : memref<512xf32, #tpu.memory_space<hbm>> -> memref<256xf32, #tpu.memory_space<hbm>>
        tpu.enqueue_dma source(%arg13 : memref<256xf32, #tpu.memory_space<vmem>>) target(%dma_start3A_1090 : memref<256xf32, #tpu.memory_space<hbm>>) target_semaphore(%run_scoped3A : memref<!tpu.dma_semaphore, #tpu.memory_space<semaphore_mem>>)
        %dma_wait3A = tpu.memref_slice %arg6[%mul3A_378] : memref<512xf32, #tpu.memory_space<hbm>> -> memref<256xf32, #tpu.memory_space<hbm>>
        %dma_wait3A_1091 = tpu.memref_slice %arg6[%mul3A_378] : memref<512xf32, #tpu.memory_space<hbm>> -> memref<256xf32, #tpu.memory_space<hbm>>
        tpu.wait_dma2 semaphore(%run_scoped3A : memref<!tpu.dma_semaphore, #tpu.memory_space<semaphore_mem>>) src(%arg13 : memref<256xf32, #tpu.memory_space<vmem>>) dst(%dma_wait3A_1091 : memref<256xf32, #tpu.memory_space<hbm>>)
        tpu.yield
      }) : () -> ()
      %mul3A_379 = arith.constant 20096 : i32
      %mul3A_380 = arith.muli %arg0, %mul3A_379 : i32
      "tpu.region"() ({
        %run_scoped3A = tpu.sem_alloc : memref<!tpu.dma_semaphore, #tpu.memory_space<semaphore_mem>>
        %dma_start3A = tpu.memref_slice %arg4[%mul3A_380] : memref<40192xf32, #tpu.memory_space<hbm>> -> memref<20096xf32, #tpu.memory_space<hbm>>
        %dma_start3A_1090 = tpu.memref_slice %arg4[%mul3A_380] : memref<40192xf32, #tpu.memory_space<hbm>> -> memref<20096xf32, #tpu.memory_space<hbm>>
        tpu.enqueue_dma source(%dma_start3A_1090 : memref<20096xf32, #tpu.memory_space<hbm>>) target(%arg18 : memref<20096xf32, #tpu.memory_space<vmem>>) target_semaphore(%run_scoped3A : memref<!tpu.dma_semaphore, #tpu.memory_space<semaphore_mem>>)
        %dma_wait3A = tpu.memref_slice %arg4[%mul3A_380] : memref<40192xf32, #tpu.memory_space<hbm>> -> memref<20096xf32, #tpu.memory_space<hbm>>
        %dma_wait3A_1091 = tpu.memref_slice %arg4[%mul3A_380] : memref<40192xf32, #tpu.memory_space<hbm>> -> memref<20096xf32, #tpu.memory_space<hbm>>
        tpu.wait_dma2 semaphore(%run_scoped3A : memref<!tpu.dma_semaphore, #tpu.memory_space<semaphore_mem>>) src(%dma_wait3A_1091 : memref<20096xf32, #tpu.memory_space<hbm>>) dst(%arg18 : memref<20096xf32, #tpu.memory_space<vmem>>)
        tpu.yield
      }) : () -> ()
      %shift_right_arithmetic3A = arith.constant 2 : i32
      %shift_right_arithmetic3A_381 = vector.broadcast %shift_right_arithmetic3A : i32 to vector<16xi32>
      %shift_right_arithmetic3A_382 = arith.shrsi %iota3A, %shift_right_arithmetic3A_381 : vector<16xi32>
      %and3A = arith.constant 3 : i32
      %and3A_383 = vector.broadcast %and3A : i32 to vector<16xi32>
      %and3A_384 = arith.andi %iota3A, %and3A_383 : vector<16xi32>
      %add3A_385 = arith.constant 0 : i32
      %add3A_386 = vector.broadcast %add3A_385 : i32 to vector<16xi32>
      %add3A_387 = arith.addi %add3A_386, %shift_right_arithmetic3A_382 : vector<16xi32>
      %gather3A = tpu.vector_load_idx %arg14[%add3A_387] : memref<256xi32, #tpu.memory_space<vmem>>[vector<16xi32>], vector<16xi32>,
      %mul3A_388 = arith.constant 4 : i32
      %mul3A_389 = vector.broadcast %mul3A_388 : i32 to vector<16xi32>
      %mul3A_390 = arith.muli %gather3A, %mul3A_389 : vector<16xi32>
      %add3A_391 = arith.addi %mul3A_390, %and3A_384 : vector<16xi32>
      %gather3A_392 = tpu.vector_load_idx %arg18[%add3A_391] : memref<20096xf32, #tpu.memory_space<vmem>>[vector<16xi32>], vector<16xf32>,
      %swap3A_393 = arith.constant 0 : index
      %swap3A_394 = tpu.vector_load %arg17[%swap3A_393] {strides = array<i32>} : memref<1024xf32, #tpu.memory_space<vmem>>, vector<16xf32>,
      tpu.vector_store %arg17[%swap3A_393], %gather3A_392 {strides = array<i32>} : memref<1024xf32, #tpu.memory_space<vmem>>, vector<16xf32>,
      %add3A_395 = arith.constant 4 : i32
      %add3A_396 = vector.broadcast %add3A_395 : i32 to vector<16xi32>
      %add3A_397 = arith.addi %add3A_396, %shift_right_arithmetic3A_382 : vector<16xi32>
      %gather3A_398 = tpu.vector_load_idx %arg14[%add3A_397] : memref<256xi32, #tpu.memory_space<vmem>>[vector<16xi32>], vector<16xi32>,
      %mul3A_399 = arith.constant 4 : i32
      %mul3A_400 = vector.broadcast %mul3A_399 : i32 to vector<16xi32>
      %mul3A_401 = arith.muli %gather3A_398, %mul3A_400 : vector<16xi32>
      %add3A_402 = arith.addi %mul3A_401, %and3A_384 : vector<16xi32>
      %gather3A_403 = tpu.vector_load_idx %arg18[%add3A_402] : memref<20096xf32, #tpu.memory_space<vmem>>[vector<16xi32>], vector<16xf32>,
      %swap3A_404 = arith.constant 16 : index
      %swap3A_405 = tpu.vector_load %arg17[%swap3A_404] {strides = array<i32>} : memref<1024xf32, #tpu.memory_space<vmem>>, vector<16xf32>,
      tpu.vector_store %arg17[%swap3A_404], %gather3A_403 {strides = array<i32>} : memref<1024xf32, #tpu.memory_space<vmem>>, vector<16xf32>,
      %add3A_406 = arith.constant 8 : i32
      %add3A_407 = vector.broadcast %add3A_406 : i32 to vector<16xi32>
      %add3A_408 = arith.addi %add3A_407, %shift_right_arithmetic3A_382 : vector<16xi32>
      %gather3A_409 = tpu.vector_load_idx %arg14[%add3A_408] : memref<256xi32, #tpu.memory_space<vmem>>[vector<16xi32>], vector<16xi32>,
      %mul3A_410 = arith.constant 4 : i32
      %mul3A_411 = vector.broadcast %mul3A_410 : i32 to vector<16xi32>
      %mul3A_412 = arith.muli %gather3A_409, %mul3A_411 : vector<16xi32>
      %add3A_413 = arith.addi %mul3A_412, %and3A_384 : vector<16xi32>
      %gather3A_414 = tpu.vector_load_idx %arg18[%add3A_413] : memref<20096xf32, #tpu.memory_space<vmem>>[vector<16xi32>], vector<16xf32>,
      %swap3A_415 = arith.constant 32 : index
      %swap3A_416 = tpu.vector_load %arg17[%swap3A_415] {strides = array<i32>} : memref<1024xf32, #tpu.memory_space<vmem>>, vector<16xf32>,
      tpu.vector_store %arg17[%swap3A_415], %gather3A_414 {strides = array<i32>} : memref<1024xf32, #tpu.memory_space<vmem>>, vector<16xf32>,
      %add3A_417 = arith.constant 12 : i32
      %add3A_418 = vector.broadcast %add3A_417 : i32 to vector<16xi32>
      %add3A_419 = arith.addi %add3A_418, %shift_right_arithmetic3A_382 : vector<16xi32>
      %gather3A_420 = tpu.vector_load_idx %arg14[%add3A_419] : memref<256xi32, #tpu.memory_space<vmem>>[vector<16xi32>], vector<16xi32>,
      %mul3A_421 = arith.constant 4 : i32
      %mul3A_422 = vector.broadcast %mul3A_421 : i32 to vector<16xi32>
      %mul3A_423 = arith.muli %gather3A_420, %mul3A_422 : vector<16xi32>
      %add3A_424 = arith.addi %mul3A_423, %and3A_384 : vector<16xi32>
      %gather3A_425 = tpu.vector_load_idx %arg18[%add3A_424] : memref<20096xf32, #tpu.memory_space<vmem>>[vector<16xi32>], vector<16xf32>,
      %swap3A_426 = arith.constant 48 : index
      %swap3A_427 = tpu.vector_load %arg17[%swap3A_426] {strides = array<i32>} : memref<1024xf32, #tpu.memory_space<vmem>>, vector<16xf32>,
      tpu.vector_store %arg17[%swap3A_426], %gather3A_425 {strides = array<i32>} : memref<1024xf32, #tpu.memory_space<vmem>>, vector<16xf32>,
      %add3A_428 = arith.constant 16 : i32
      %add3A_429 = vector.broadcast %add3A_428 : i32 to vector<16xi32>
      %add3A_430 = arith.addi %add3A_429, %shift_right_arithmetic3A_382 : vector<16xi32>
      %gather3A_431 = tpu.vector_load_idx %arg14[%add3A_430] : memref<256xi32, #tpu.memory_space<vmem>>[vector<16xi32>], vector<16xi32>,
      %mul3A_432 = arith.constant 4 : i32
      %mul3A_433 = vector.broadcast %mul3A_432 : i32 to vector<16xi32>
      %mul3A_434 = arith.muli %gather3A_431, %mul3A_433 : vector<16xi32>
      %add3A_435 = arith.addi %mul3A_434, %and3A_384 : vector<16xi32>
      %gather3A_436 = tpu.vector_load_idx %arg18[%add3A_435] : memref<20096xf32, #tpu.memory_space<vmem>>[vector<16xi32>], vector<16xf32>,
      %swap3A_437 = arith.constant 64 : index
      %swap3A_438 = tpu.vector_load %arg17[%swap3A_437] {strides = array<i32>} : memref<1024xf32, #tpu.memory_space<vmem>>, vector<16xf32>,
      tpu.vector_store %arg17[%swap3A_437], %gather3A_436 {strides = array<i32>} : memref<1024xf32, #tpu.memory_space<vmem>>, vector<16xf32>,
      %add3A_439 = arith.constant 20 : i32
      %add3A_440 = vector.broadcast %add3A_439 : i32 to vector<16xi32>
      %add3A_441 = arith.addi %add3A_440, %shift_right_arithmetic3A_382 : vector<16xi32>
      %gather3A_442 = tpu.vector_load_idx %arg14[%add3A_441] : memref<256xi32, #tpu.memory_space<vmem>>[vector<16xi32>], vector<16xi32>,
      %mul3A_443 = arith.constant 4 : i32
      %mul3A_444 = vector.broadcast %mul3A_443 : i32 to vector<16xi32>
      %mul3A_445 = arith.muli %gather3A_442, %mul3A_444 : vector<16xi32>
      %add3A_446 = arith.addi %mul3A_445, %and3A_384 : vector<16xi32>
      %gather3A_447 = tpu.vector_load_idx %arg18[%add3A_446] : memref<20096xf32, #tpu.memory_space<vmem>>[vector<16xi32>], vector<16xf32>,
      %swap3A_448 = arith.constant 80 : index
      %swap3A_449 = tpu.vector_load %arg17[%swap3A_448] {strides = array<i32>} : memref<1024xf32, #tpu.memory_space<vmem>>, vector<16xf32>,
      tpu.vector_store %arg17[%swap3A_448], %gather3A_447 {strides = array<i32>} : memref<1024xf32, #tpu.memory_space<vmem>>, vector<16xf32>,
      %add3A_450 = arith.constant 24 : i32
      %add3A_451 = vector.broadcast %add3A_450 : i32 to vector<16xi32>
      %add3A_452 = arith.addi %add3A_451, %shift_right_arithmetic3A_382 : vector<16xi32>
      %gather3A_453 = tpu.vector_load_idx %arg14[%add3A_452] : memref<256xi32, #tpu.memory_space<vmem>>[vector<16xi32>], vector<16xi32>,
      %mul3A_454 = arith.constant 4 : i32
      %mul3A_455 = vector.broadcast %mul3A_454 : i32 to vector<16xi32>
      %mul3A_456 = arith.muli %gather3A_453, %mul3A_455 : vector<16xi32>
      %add3A_457 = arith.addi %mul3A_456, %and3A_384 : vector<16xi32>
      %gather3A_458 = tpu.vector_load_idx %arg18[%add3A_457] : memref<20096xf32, #tpu.memory_space<vmem>>[vector<16xi32>], vector<16xf32>,
      %swap3A_459 = arith.constant 96 : index
      %swap3A_460 = tpu.vector_load %arg17[%swap3A_459] {strides = array<i32>} : memref<1024xf32, #tpu.memory_space<vmem>>, vector<16xf32>,
      tpu.vector_store %arg17[%swap3A_459], %gather3A_458 {strides = array<i32>} : memref<1024xf32, #tpu.memory_space<vmem>>, vector<16xf32>,
      %add3A_461 = arith.constant 28 : i32
      %add3A_462 = vector.broadcast %add3A_461 : i32 to vector<16xi32>
      %add3A_463 = arith.addi %add3A_462, %shift_right_arithmetic3A_382 : vector<16xi32>
      %gather3A_464 = tpu.vector_load_idx %arg14[%add3A_463] : memref<256xi32, #tpu.memory_space<vmem>>[vector<16xi32>], vector<16xi32>,
      %mul3A_465 = arith.constant 4 : i32
      %mul3A_466 = vector.broadcast %mul3A_465 : i32 to vector<16xi32>
      %mul3A_467 = arith.muli %gather3A_464, %mul3A_466 : vector<16xi32>
      %add3A_468 = arith.addi %mul3A_467, %and3A_384 : vector<16xi32>
      %gather3A_469 = tpu.vector_load_idx %arg18[%add3A_468] : memref<20096xf32, #tpu.memory_space<vmem>>[vector<16xi32>], vector<16xf32>,
      %swap3A_470 = arith.constant 112 : index
      %swap3A_471 = tpu.vector_load %arg17[%swap3A_470] {strides = array<i32>} : memref<1024xf32, #tpu.memory_space<vmem>>, vector<16xf32>,
      tpu.vector_store %arg17[%swap3A_470], %gather3A_469 {strides = array<i32>} : memref<1024xf32, #tpu.memory_space<vmem>>, vector<16xf32>,
      %add3A_472 = arith.constant 32 : i32
      %add3A_473 = vector.broadcast %add3A_472 : i32 to vector<16xi32>
      %add3A_474 = arith.addi %add3A_473, %shift_right_arithmetic3A_382 : vector<16xi32>
      %gather3A_475 = tpu.vector_load_idx %arg14[%add3A_474] : memref<256xi32, #tpu.memory_space<vmem>>[vector<16xi32>], vector<16xi32>,
      %mul3A_476 = arith.constant 4 : i32
      %mul3A_477 = vector.broadcast %mul3A_476 : i32 to vector<16xi32>
      %mul3A_478 = arith.muli %gather3A_475, %mul3A_477 : vector<16xi32>
      %add3A_479 = arith.addi %mul3A_478, %and3A_384 : vector<16xi32>
      %gather3A_480 = tpu.vector_load_idx %arg18[%add3A_479] : memref<20096xf32, #tpu.memory_space<vmem>>[vector<16xi32>], vector<16xf32>,
      %swap3A_481 = arith.constant 128 : index
      %swap3A_482 = tpu.vector_load %arg17[%swap3A_481] {strides = array<i32>} : memref<1024xf32, #tpu.memory_space<vmem>>, vector<16xf32>,
      tpu.vector_store %arg17[%swap3A_481], %gather3A_480 {strides = array<i32>} : memref<1024xf32, #tpu.memory_space<vmem>>, vector<16xf32>,
      %add3A_483 = arith.constant 36 : i32
      %add3A_484 = vector.broadcast %add3A_483 : i32 to vector<16xi32>
      %add3A_485 = arith.addi %add3A_484, %shift_right_arithmetic3A_382 : vector<16xi32>
      %gather3A_486 = tpu.vector_load_idx %arg14[%add3A_485] : memref<256xi32, #tpu.memory_space<vmem>>[vector<16xi32>], vector<16xi32>,
      %mul3A_487 = arith.constant 4 : i32
      %mul3A_488 = vector.broadcast %mul3A_487 : i32 to vector<16xi32>
      %mul3A_489 = arith.muli %gather3A_486, %mul3A_488 : vector<16xi32>
      %add3A_490 = arith.addi %mul3A_489, %and3A_384 : vector<16xi32>
      %gather3A_491 = tpu.vector_load_idx %arg18[%add3A_490] : memref<20096xf32, #tpu.memory_space<vmem>>[vector<16xi32>], vector<16xf32>,
      %swap3A_492 = arith.constant 144 : index
      %swap3A_493 = tpu.vector_load %arg17[%swap3A_492] {strides = array<i32>} : memref<1024xf32, #tpu.memory_space<vmem>>, vector<16xf32>,
      tpu.vector_store %arg17[%swap3A_492], %gather3A_491 {strides = array<i32>} : memref<1024xf32, #tpu.memory_space<vmem>>, vector<16xf32>,
      %add3A_494 = arith.constant 40 : i32
      %add3A_495 = vector.broadcast %add3A_494 : i32 to vector<16xi32>
      %add3A_496 = arith.addi %add3A_495, %shift_right_arithmetic3A_382 : vector<16xi32>
      %gather3A_497 = tpu.vector_load_idx %arg14[%add3A_496] : memref<256xi32, #tpu.memory_space<vmem>>[vector<16xi32>], vector<16xi32>,
      %mul3A_498 = arith.constant 4 : i32
      %mul3A_499 = vector.broadcast %mul3A_498 : i32 to vector<16xi32>
      %mul3A_500 = arith.muli %gather3A_497, %mul3A_499 : vector<16xi32>
      %add3A_501 = arith.addi %mul3A_500, %and3A_384 : vector<16xi32>
      %gather3A_502 = tpu.vector_load_idx %arg18[%add3A_501] : memref<20096xf32, #tpu.memory_space<vmem>>[vector<16xi32>], vector<16xf32>,
      %swap3A_503 = arith.constant 160 : index
      %swap3A_504 = tpu.vector_load %arg17[%swap3A_503] {strides = array<i32>} : memref<1024xf32, #tpu.memory_space<vmem>>, vector<16xf32>,
      tpu.vector_store %arg17[%swap3A_503], %gather3A_502 {strides = array<i32>} : memref<1024xf32, #tpu.memory_space<vmem>>, vector<16xf32>,
      %add3A_505 = arith.constant 44 : i32
      %add3A_506 = vector.broadcast %add3A_505 : i32 to vector<16xi32>
      %add3A_507 = arith.addi %add3A_506, %shift_right_arithmetic3A_382 : vector<16xi32>
      %gather3A_508 = tpu.vector_load_idx %arg14[%add3A_507] : memref<256xi32, #tpu.memory_space<vmem>>[vector<16xi32>], vector<16xi32>,
      %mul3A_509 = arith.constant 4 : i32
      %mul3A_510 = vector.broadcast %mul3A_509 : i32 to vector<16xi32>
      %mul3A_511 = arith.muli %gather3A_508, %mul3A_510 : vector<16xi32>
      %add3A_512 = arith.addi %mul3A_511, %and3A_384 : vector<16xi32>
      %gather3A_513 = tpu.vector_load_idx %arg18[%add3A_512] : memref<20096xf32, #tpu.memory_space<vmem>>[vector<16xi32>], vector<16xf32>,
      %swap3A_514 = arith.constant 176 : index
      %swap3A_515 = tpu.vector_load %arg17[%swap3A_514] {strides = array<i32>} : memref<1024xf32, #tpu.memory_space<vmem>>, vector<16xf32>,
      tpu.vector_store %arg17[%swap3A_514], %gather3A_513 {strides = array<i32>} : memref<1024xf32, #tpu.memory_space<vmem>>, vector<16xf32>,
      %add3A_516 = arith.constant 48 : i32
      %add3A_517 = vector.broadcast %add3A_516 : i32 to vector<16xi32>
      %add3A_518 = arith.addi %add3A_517, %shift_right_arithmetic3A_382 : vector<16xi32>
      %gather3A_519 = tpu.vector_load_idx %arg14[%add3A_518] : memref<256xi32, #tpu.memory_space<vmem>>[vector<16xi32>], vector<16xi32>,
      %mul3A_520 = arith.constant 4 : i32
      %mul3A_521 = vector.broadcast %mul3A_520 : i32 to vector<16xi32>
      %mul3A_522 = arith.muli %gather3A_519, %mul3A_521 : vector<16xi32>
      %add3A_523 = arith.addi %mul3A_522, %and3A_384 : vector<16xi32>
      %gather3A_524 = tpu.vector_load_idx %arg18[%add3A_523] : memref<20096xf32, #tpu.memory_space<vmem>>[vector<16xi32>], vector<16xf32>,
      %swap3A_525 = arith.constant 192 : index
      %swap3A_526 = tpu.vector_load %arg17[%swap3A_525] {strides = array<i32>} : memref<1024xf32, #tpu.memory_space<vmem>>, vector<16xf32>,
      tpu.vector_store %arg17[%swap3A_525], %gather3A_524 {strides = array<i32>} : memref<1024xf32, #tpu.memory_space<vmem>>, vector<16xf32>,
      %add3A_527 = arith.constant 52 : i32
      %add3A_528 = vector.broadcast %add3A_527 : i32 to vector<16xi32>
      %add3A_529 = arith.addi %add3A_528, %shift_right_arithmetic3A_382 : vector<16xi32>
      %gather3A_530 = tpu.vector_load_idx %arg14[%add3A_529] : memref<256xi32, #tpu.memory_space<vmem>>[vector<16xi32>], vector<16xi32>,
      %mul3A_531 = arith.constant 4 : i32
      %mul3A_532 = vector.broadcast %mul3A_531 : i32 to vector<16xi32>
      %mul3A_533 = arith.muli %gather3A_530, %mul3A_532 : vector<16xi32>
      %add3A_534 = arith.addi %mul3A_533, %and3A_384 : vector<16xi32>
      %gather3A_535 = tpu.vector_load_idx %arg18[%add3A_534] : memref<20096xf32, #tpu.memory_space<vmem>>[vector<16xi32>], vector<16xf32>,
      %swap3A_536 = arith.constant 208 : index
      %swap3A_537 = tpu.vector_load %arg17[%swap3A_536] {strides = array<i32>} : memref<1024xf32, #tpu.memory_space<vmem>>, vector<16xf32>,
      tpu.vector_store %arg17[%swap3A_536], %gather3A_535 {strides = array<i32>} : memref<1024xf32, #tpu.memory_space<vmem>>, vector<16xf32>,
      %add3A_538 = arith.constant 56 : i32
      %add3A_539 = vector.broadcast %add3A_538 : i32 to vector<16xi32>
      %add3A_540 = arith.addi %add3A_539, %shift_right_arithmetic3A_382 : vector<16xi32>
      %gather3A_541 = tpu.vector_load_idx %arg14[%add3A_540] : memref<256xi32, #tpu.memory_space<vmem>>[vector<16xi32>], vector<16xi32>,
      %mul3A_542 = arith.constant 4 : i32
      %mul3A_543 = vector.broadcast %mul3A_542 : i32 to vector<16xi32>
      %mul3A_544 = arith.muli %gather3A_541, %mul3A_543 : vector<16xi32>
      %add3A_545 = arith.addi %mul3A_544, %and3A_384 : vector<16xi32>
      %gather3A_546 = tpu.vector_load_idx %arg18[%add3A_545] : memref<20096xf32, #tpu.memory_space<vmem>>[vector<16xi32>], vector<16xf32>,
      %swap3A_547 = arith.constant 224 : index
      %swap3A_548 = tpu.vector_load %arg17[%swap3A_547] {strides = array<i32>} : memref<1024xf32, #tpu.memory_space<vmem>>, vector<16xf32>,
      tpu.vector_store %arg17[%swap3A_547], %gather3A_546 {strides = array<i32>} : memref<1024xf32, #tpu.memory_space<vmem>>, vector<16xf32>,
      %add3A_549 = arith.constant 60 : i32
      %add3A_550 = vector.broadcast %add3A_549 : i32 to vector<16xi32>
      %add3A_551 = arith.addi %add3A_550, %shift_right_arithmetic3A_382 : vector<16xi32>
      %gather3A_552 = tpu.vector_load_idx %arg14[%add3A_551] : memref<256xi32, #tpu.memory_space<vmem>>[vector<16xi32>], vector<16xi32>,
      %mul3A_553 = arith.constant 4 : i32
      %mul3A_554 = vector.broadcast %mul3A_553 : i32 to vector<16xi32>
      %mul3A_555 = arith.muli %gather3A_552, %mul3A_554 : vector<16xi32>
      %add3A_556 = arith.addi %mul3A_555, %and3A_384 : vector<16xi32>
      %gather3A_557 = tpu.vector_load_idx %arg18[%add3A_556] : memref<20096xf32, #tpu.memory_space<vmem>>[vector<16xi32>], vector<16xf32>,
      %swap3A_558 = arith.constant 240 : index
      %swap3A_559 = tpu.vector_load %arg17[%swap3A_558] {strides = array<i32>} : memref<1024xf32, #tpu.memory_space<vmem>>, vector<16xf32>,
      tpu.vector_store %arg17[%swap3A_558], %gather3A_557 {strides = array<i32>} : memref<1024xf32, #tpu.memory_space<vmem>>, vector<16xf32>,
      %add3A_560 = arith.constant 64 : i32
      %add3A_561 = vector.broadcast %add3A_560 : i32 to vector<16xi32>
      %add3A_562 = arith.addi %add3A_561, %shift_right_arithmetic3A_382 : vector<16xi32>
      %gather3A_563 = tpu.vector_load_idx %arg14[%add3A_562] : memref<256xi32, #tpu.memory_space<vmem>>[vector<16xi32>], vector<16xi32>,
      %mul3A_564 = arith.constant 4 : i32
      %mul3A_565 = vector.broadcast %mul3A_564 : i32 to vector<16xi32>
      %mul3A_566 = arith.muli %gather3A_563, %mul3A_565 : vector<16xi32>
      %add3A_567 = arith.addi %mul3A_566, %and3A_384 : vector<16xi32>
      %gather3A_568 = tpu.vector_load_idx %arg18[%add3A_567] : memref<20096xf32, #tpu.memory_space<vmem>>[vector<16xi32>], vector<16xf32>,
      %swap3A_569 = arith.constant 256 : index
      %swap3A_570 = tpu.vector_load %arg17[%swap3A_569] {strides = array<i32>} : memref<1024xf32, #tpu.memory_space<vmem>>, vector<16xf32>,
      tpu.vector_store %arg17[%swap3A_569], %gather3A_568 {strides = array<i32>} : memref<1024xf32, #tpu.memory_space<vmem>>, vector<16xf32>,
      %add3A_571 = arith.constant 68 : i32
      %add3A_572 = vector.broadcast %add3A_571 : i32 to vector<16xi32>
      %add3A_573 = arith.addi %add3A_572, %shift_right_arithmetic3A_382 : vector<16xi32>
      %gather3A_574 = tpu.vector_load_idx %arg14[%add3A_573] : memref<256xi32, #tpu.memory_space<vmem>>[vector<16xi32>], vector<16xi32>,
      %mul3A_575 = arith.constant 4 : i32
      %mul3A_576 = vector.broadcast %mul3A_575 : i32 to vector<16xi32>
      %mul3A_577 = arith.muli %gather3A_574, %mul3A_576 : vector<16xi32>
      %add3A_578 = arith.addi %mul3A_577, %and3A_384 : vector<16xi32>
      %gather3A_579 = tpu.vector_load_idx %arg18[%add3A_578] : memref<20096xf32, #tpu.memory_space<vmem>>[vector<16xi32>], vector<16xf32>,
      %swap3A_580 = arith.constant 272 : index
      %swap3A_581 = tpu.vector_load %arg17[%swap3A_580] {strides = array<i32>} : memref<1024xf32, #tpu.memory_space<vmem>>, vector<16xf32>,
      tpu.vector_store %arg17[%swap3A_580], %gather3A_579 {strides = array<i32>} : memref<1024xf32, #tpu.memory_space<vmem>>, vector<16xf32>,
      %add3A_582 = arith.constant 72 : i32
      %add3A_583 = vector.broadcast %add3A_582 : i32 to vector<16xi32>
      %add3A_584 = arith.addi %add3A_583, %shift_right_arithmetic3A_382 : vector<16xi32>
      %gather3A_585 = tpu.vector_load_idx %arg14[%add3A_584] : memref<256xi32, #tpu.memory_space<vmem>>[vector<16xi32>], vector<16xi32>,
      %mul3A_586 = arith.constant 4 : i32
      %mul3A_587 = vector.broadcast %mul3A_586 : i32 to vector<16xi32>
      %mul3A_588 = arith.muli %gather3A_585, %mul3A_587 : vector<16xi32>
      %add3A_589 = arith.addi %mul3A_588, %and3A_384 : vector<16xi32>
      %gather3A_590 = tpu.vector_load_idx %arg18[%add3A_589] : memref<20096xf32, #tpu.memory_space<vmem>>[vector<16xi32>], vector<16xf32>,
      %swap3A_591 = arith.constant 288 : index
      %swap3A_592 = tpu.vector_load %arg17[%swap3A_591] {strides = array<i32>} : memref<1024xf32, #tpu.memory_space<vmem>>, vector<16xf32>,
      tpu.vector_store %arg17[%swap3A_591], %gather3A_590 {strides = array<i32>} : memref<1024xf32, #tpu.memory_space<vmem>>, vector<16xf32>,
      %add3A_593 = arith.constant 76 : i32
      %add3A_594 = vector.broadcast %add3A_593 : i32 to vector<16xi32>
      %add3A_595 = arith.addi %add3A_594, %shift_right_arithmetic3A_382 : vector<16xi32>
      %gather3A_596 = tpu.vector_load_idx %arg14[%add3A_595] : memref<256xi32, #tpu.memory_space<vmem>>[vector<16xi32>], vector<16xi32>,
      %mul3A_597 = arith.constant 4 : i32
      %mul3A_598 = vector.broadcast %mul3A_597 : i32 to vector<16xi32>
      %mul3A_599 = arith.muli %gather3A_596, %mul3A_598 : vector<16xi32>
      %add3A_600 = arith.addi %mul3A_599, %and3A_384 : vector<16xi32>
      %gather3A_601 = tpu.vector_load_idx %arg18[%add3A_600] : memref<20096xf32, #tpu.memory_space<vmem>>[vector<16xi32>], vector<16xf32>,
      %swap3A_602 = arith.constant 304 : index
      %swap3A_603 = tpu.vector_load %arg17[%swap3A_602] {strides = array<i32>} : memref<1024xf32, #tpu.memory_space<vmem>>, vector<16xf32>,
      tpu.vector_store %arg17[%swap3A_602], %gather3A_601 {strides = array<i32>} : memref<1024xf32, #tpu.memory_space<vmem>>, vector<16xf32>,
      %add3A_604 = arith.constant 80 : i32
      %add3A_605 = vector.broadcast %add3A_604 : i32 to vector<16xi32>
      %add3A_606 = arith.addi %add3A_605, %shift_right_arithmetic3A_382 : vector<16xi32>
      %gather3A_607 = tpu.vector_load_idx %arg14[%add3A_606] : memref<256xi32, #tpu.memory_space<vmem>>[vector<16xi32>], vector<16xi32>,
      %mul3A_608 = arith.constant 4 : i32
      %mul3A_609 = vector.broadcast %mul3A_608 : i32 to vector<16xi32>
      %mul3A_610 = arith.muli %gather3A_607, %mul3A_609 : vector<16xi32>
      %add3A_611 = arith.addi %mul3A_610, %and3A_384 : vector<16xi32>
      %gather3A_612 = tpu.vector_load_idx %arg18[%add3A_611] : memref<20096xf32, #tpu.memory_space<vmem>>[vector<16xi32>], vector<16xf32>,
      %swap3A_613 = arith.constant 320 : index
      %swap3A_614 = tpu.vector_load %arg17[%swap3A_613] {strides = array<i32>} : memref<1024xf32, #tpu.memory_space<vmem>>, vector<16xf32>,
      tpu.vector_store %arg17[%swap3A_613], %gather3A_612 {strides = array<i32>} : memref<1024xf32, #tpu.memory_space<vmem>>, vector<16xf32>,
      %add3A_615 = arith.constant 84 : i32
      %add3A_616 = vector.broadcast %add3A_615 : i32 to vector<16xi32>
      %add3A_617 = arith.addi %add3A_616, %shift_right_arithmetic3A_382 : vector<16xi32>
      %gather3A_618 = tpu.vector_load_idx %arg14[%add3A_617] : memref<256xi32, #tpu.memory_space<vmem>>[vector<16xi32>], vector<16xi32>,
      %mul3A_619 = arith.constant 4 : i32
      %mul3A_620 = vector.broadcast %mul3A_619 : i32 to vector<16xi32>
      %mul3A_621 = arith.muli %gather3A_618, %mul3A_620 : vector<16xi32>
      %add3A_622 = arith.addi %mul3A_621, %and3A_384 : vector<16xi32>
      %gather3A_623 = tpu.vector_load_idx %arg18[%add3A_622] : memref<20096xf32, #tpu.memory_space<vmem>>[vector<16xi32>], vector<16xf32>,
      %swap3A_624 = arith.constant 336 : index
      %swap3A_625 = tpu.vector_load %arg17[%swap3A_624] {strides = array<i32>} : memref<1024xf32, #tpu.memory_space<vmem>>, vector<16xf32>,
      tpu.vector_store %arg17[%swap3A_624], %gather3A_623 {strides = array<i32>} : memref<1024xf32, #tpu.memory_space<vmem>>, vector<16xf32>,
      %add3A_626 = arith.constant 88 : i32
      %add3A_627 = vector.broadcast %add3A_626 : i32 to vector<16xi32>
      %add3A_628 = arith.addi %add3A_627, %shift_right_arithmetic3A_382 : vector<16xi32>
      %gather3A_629 = tpu.vector_load_idx %arg14[%add3A_628] : memref<256xi32, #tpu.memory_space<vmem>>[vector<16xi32>], vector<16xi32>,
      %mul3A_630 = arith.constant 4 : i32
      %mul3A_631 = vector.broadcast %mul3A_630 : i32 to vector<16xi32>
      %mul3A_632 = arith.muli %gather3A_629, %mul3A_631 : vector<16xi32>
      %add3A_633 = arith.addi %mul3A_632, %and3A_384 : vector<16xi32>
      %gather3A_634 = tpu.vector_load_idx %arg18[%add3A_633] : memref<20096xf32, #tpu.memory_space<vmem>>[vector<16xi32>], vector<16xf32>,
      %swap3A_635 = arith.constant 352 : index
      %swap3A_636 = tpu.vector_load %arg17[%swap3A_635] {strides = array<i32>} : memref<1024xf32, #tpu.memory_space<vmem>>, vector<16xf32>,
      tpu.vector_store %arg17[%swap3A_635], %gather3A_634 {strides = array<i32>} : memref<1024xf32, #tpu.memory_space<vmem>>, vector<16xf32>,
      %add3A_637 = arith.constant 92 : i32
      %add3A_638 = vector.broadcast %add3A_637 : i32 to vector<16xi32>
      %add3A_639 = arith.addi %add3A_638, %shift_right_arithmetic3A_382 : vector<16xi32>
      %gather3A_640 = tpu.vector_load_idx %arg14[%add3A_639] : memref<256xi32, #tpu.memory_space<vmem>>[vector<16xi32>], vector<16xi32>,
      %mul3A_641 = arith.constant 4 : i32
      %mul3A_642 = vector.broadcast %mul3A_641 : i32 to vector<16xi32>
      %mul3A_643 = arith.muli %gather3A_640, %mul3A_642 : vector<16xi32>
      %add3A_644 = arith.addi %mul3A_643, %and3A_384 : vector<16xi32>
      %gather3A_645 = tpu.vector_load_idx %arg18[%add3A_644] : memref<20096xf32, #tpu.memory_space<vmem>>[vector<16xi32>], vector<16xf32>,
      %swap3A_646 = arith.constant 368 : index
      %swap3A_647 = tpu.vector_load %arg17[%swap3A_646] {strides = array<i32>} : memref<1024xf32, #tpu.memory_space<vmem>>, vector<16xf32>,
      tpu.vector_store %arg17[%swap3A_646], %gather3A_645 {strides = array<i32>} : memref<1024xf32, #tpu.memory_space<vmem>>, vector<16xf32>,
      %add3A_648 = arith.constant 96 : i32
      %add3A_649 = vector.broadcast %add3A_648 : i32 to vector<16xi32>
      %add3A_650 = arith.addi %add3A_649, %shift_right_arithmetic3A_382 : vector<16xi32>
      %gather3A_651 = tpu.vector_load_idx %arg14[%add3A_650] : memref<256xi32, #tpu.memory_space<vmem>>[vector<16xi32>], vector<16xi32>,
      %mul3A_652 = arith.constant 4 : i32
      %mul3A_653 = vector.broadcast %mul3A_652 : i32 to vector<16xi32>
      %mul3A_654 = arith.muli %gather3A_651, %mul3A_653 : vector<16xi32>
      %add3A_655 = arith.addi %mul3A_654, %and3A_384 : vector<16xi32>
      %gather3A_656 = tpu.vector_load_idx %arg18[%add3A_655] : memref<20096xf32, #tpu.memory_space<vmem>>[vector<16xi32>], vector<16xf32>,
      %swap3A_657 = arith.constant 384 : index
      %swap3A_658 = tpu.vector_load %arg17[%swap3A_657] {strides = array<i32>} : memref<1024xf32, #tpu.memory_space<vmem>>, vector<16xf32>,
      tpu.vector_store %arg17[%swap3A_657], %gather3A_656 {strides = array<i32>} : memref<1024xf32, #tpu.memory_space<vmem>>, vector<16xf32>,
      %add3A_659 = arith.constant 100 : i32
      %add3A_660 = vector.broadcast %add3A_659 : i32 to vector<16xi32>
      %add3A_661 = arith.addi %add3A_660, %shift_right_arithmetic3A_382 : vector<16xi32>
      %gather3A_662 = tpu.vector_load_idx %arg14[%add3A_661] : memref<256xi32, #tpu.memory_space<vmem>>[vector<16xi32>], vector<16xi32>,
      %mul3A_663 = arith.constant 4 : i32
      %mul3A_664 = vector.broadcast %mul3A_663 : i32 to vector<16xi32>
      %mul3A_665 = arith.muli %gather3A_662, %mul3A_664 : vector<16xi32>
      %add3A_666 = arith.addi %mul3A_665, %and3A_384 : vector<16xi32>
      %gather3A_667 = tpu.vector_load_idx %arg18[%add3A_666] : memref<20096xf32, #tpu.memory_space<vmem>>[vector<16xi32>], vector<16xf32>,
      %swap3A_668 = arith.constant 400 : index
      %swap3A_669 = tpu.vector_load %arg17[%swap3A_668] {strides = array<i32>} : memref<1024xf32, #tpu.memory_space<vmem>>, vector<16xf32>,
      tpu.vector_store %arg17[%swap3A_668], %gather3A_667 {strides = array<i32>} : memref<1024xf32, #tpu.memory_space<vmem>>, vector<16xf32>,
      %add3A_670 = arith.constant 104 : i32
      %add3A_671 = vector.broadcast %add3A_670 : i32 to vector<16xi32>
      %add3A_672 = arith.addi %add3A_671, %shift_right_arithmetic3A_382 : vector<16xi32>
      %gather3A_673 = tpu.vector_load_idx %arg14[%add3A_672] : memref<256xi32, #tpu.memory_space<vmem>>[vector<16xi32>], vector<16xi32>,
      %mul3A_674 = arith.constant 4 : i32
      %mul3A_675 = vector.broadcast %mul3A_674 : i32 to vector<16xi32>
      %mul3A_676 = arith.muli %gather3A_673, %mul3A_675 : vector<16xi32>
      %add3A_677 = arith.addi %mul3A_676, %and3A_384 : vector<16xi32>
      %gather3A_678 = tpu.vector_load_idx %arg18[%add3A_677] : memref<20096xf32, #tpu.memory_space<vmem>>[vector<16xi32>], vector<16xf32>,
      %swap3A_679 = arith.constant 416 : index
      %swap3A_680 = tpu.vector_load %arg17[%swap3A_679] {strides = array<i32>} : memref<1024xf32, #tpu.memory_space<vmem>>, vector<16xf32>,
      tpu.vector_store %arg17[%swap3A_679], %gather3A_678 {strides = array<i32>} : memref<1024xf32, #tpu.memory_space<vmem>>, vector<16xf32>,
      %add3A_681 = arith.constant 108 : i32
      %add3A_682 = vector.broadcast %add3A_681 : i32 to vector<16xi32>
      %add3A_683 = arith.addi %add3A_682, %shift_right_arithmetic3A_382 : vector<16xi32>
      %gather3A_684 = tpu.vector_load_idx %arg14[%add3A_683] : memref<256xi32, #tpu.memory_space<vmem>>[vector<16xi32>], vector<16xi32>,
      %mul3A_685 = arith.constant 4 : i32
      %mul3A_686 = vector.broadcast %mul3A_685 : i32 to vector<16xi32>
      %mul3A_687 = arith.muli %gather3A_684, %mul3A_686 : vector<16xi32>
      %add3A_688 = arith.addi %mul3A_687, %and3A_384 : vector<16xi32>
      %gather3A_689 = tpu.vector_load_idx %arg18[%add3A_688] : memref<20096xf32, #tpu.memory_space<vmem>>[vector<16xi32>], vector<16xf32>,
      %swap3A_690 = arith.constant 432 : index
      %swap3A_691 = tpu.vector_load %arg17[%swap3A_690] {strides = array<i32>} : memref<1024xf32, #tpu.memory_space<vmem>>, vector<16xf32>,
      tpu.vector_store %arg17[%swap3A_690], %gather3A_689 {strides = array<i32>} : memref<1024xf32, #tpu.memory_space<vmem>>, vector<16xf32>,
      %add3A_692 = arith.constant 112 : i32
      %add3A_693 = vector.broadcast %add3A_692 : i32 to vector<16xi32>
      %add3A_694 = arith.addi %add3A_693, %shift_right_arithmetic3A_382 : vector<16xi32>
      %gather3A_695 = tpu.vector_load_idx %arg14[%add3A_694] : memref<256xi32, #tpu.memory_space<vmem>>[vector<16xi32>], vector<16xi32>,
      %mul3A_696 = arith.constant 4 : i32
      %mul3A_697 = vector.broadcast %mul3A_696 : i32 to vector<16xi32>
      %mul3A_698 = arith.muli %gather3A_695, %mul3A_697 : vector<16xi32>
      %add3A_699 = arith.addi %mul3A_698, %and3A_384 : vector<16xi32>
      %gather3A_700 = tpu.vector_load_idx %arg18[%add3A_699] : memref<20096xf32, #tpu.memory_space<vmem>>[vector<16xi32>], vector<16xf32>,
      %swap3A_701 = arith.constant 448 : index
      %swap3A_702 = tpu.vector_load %arg17[%swap3A_701] {strides = array<i32>} : memref<1024xf32, #tpu.memory_space<vmem>>, vector<16xf32>,
      tpu.vector_store %arg17[%swap3A_701], %gather3A_700 {strides = array<i32>} : memref<1024xf32, #tpu.memory_space<vmem>>, vector<16xf32>,
      %add3A_703 = arith.constant 116 : i32
      %add3A_704 = vector.broadcast %add3A_703 : i32 to vector<16xi32>
      %add3A_705 = arith.addi %add3A_704, %shift_right_arithmetic3A_382 : vector<16xi32>
      %gather3A_706 = tpu.vector_load_idx %arg14[%add3A_705] : memref<256xi32, #tpu.memory_space<vmem>>[vector<16xi32>], vector<16xi32>,
      %mul3A_707 = arith.constant 4 : i32
      %mul3A_708 = vector.broadcast %mul3A_707 : i32 to vector<16xi32>
      %mul3A_709 = arith.muli %gather3A_706, %mul3A_708 : vector<16xi32>
      %add3A_710 = arith.addi %mul3A_709, %and3A_384 : vector<16xi32>
      %gather3A_711 = tpu.vector_load_idx %arg18[%add3A_710] : memref<20096xf32, #tpu.memory_space<vmem>>[vector<16xi32>], vector<16xf32>,
      %swap3A_712 = arith.constant 464 : index
      %swap3A_713 = tpu.vector_load %arg17[%swap3A_712] {strides = array<i32>} : memref<1024xf32, #tpu.memory_space<vmem>>, vector<16xf32>,
      tpu.vector_store %arg17[%swap3A_712], %gather3A_711 {strides = array<i32>} : memref<1024xf32, #tpu.memory_space<vmem>>, vector<16xf32>,
      %add3A_714 = arith.constant 120 : i32
      %add3A_715 = vector.broadcast %add3A_714 : i32 to vector<16xi32>
      %add3A_716 = arith.addi %add3A_715, %shift_right_arithmetic3A_382 : vector<16xi32>
      %gather3A_717 = tpu.vector_load_idx %arg14[%add3A_716] : memref<256xi32, #tpu.memory_space<vmem>>[vector<16xi32>], vector<16xi32>,
      %mul3A_718 = arith.constant 4 : i32
      %mul3A_719 = vector.broadcast %mul3A_718 : i32 to vector<16xi32>
      %mul3A_720 = arith.muli %gather3A_717, %mul3A_719 : vector<16xi32>
      %add3A_721 = arith.addi %mul3A_720, %and3A_384 : vector<16xi32>
      %gather3A_722 = tpu.vector_load_idx %arg18[%add3A_721] : memref<20096xf32, #tpu.memory_space<vmem>>[vector<16xi32>], vector<16xf32>,
      %swap3A_723 = arith.constant 480 : index
      %swap3A_724 = tpu.vector_load %arg17[%swap3A_723] {strides = array<i32>} : memref<1024xf32, #tpu.memory_space<vmem>>, vector<16xf32>,
      tpu.vector_store %arg17[%swap3A_723], %gather3A_722 {strides = array<i32>} : memref<1024xf32, #tpu.memory_space<vmem>>, vector<16xf32>,
      %add3A_725 = arith.constant 124 : i32
      %add3A_726 = vector.broadcast %add3A_725 : i32 to vector<16xi32>
      %add3A_727 = arith.addi %add3A_726, %shift_right_arithmetic3A_382 : vector<16xi32>
      %gather3A_728 = tpu.vector_load_idx %arg14[%add3A_727] : memref<256xi32, #tpu.memory_space<vmem>>[vector<16xi32>], vector<16xi32>,
      %mul3A_729 = arith.constant 4 : i32
      %mul3A_730 = vector.broadcast %mul3A_729 : i32 to vector<16xi32>
      %mul3A_731 = arith.muli %gather3A_728, %mul3A_730 : vector<16xi32>
      %add3A_732 = arith.addi %mul3A_731, %and3A_384 : vector<16xi32>
      %gather3A_733 = tpu.vector_load_idx %arg18[%add3A_732] : memref<20096xf32, #tpu.memory_space<vmem>>[vector<16xi32>], vector<16xf32>,
      %swap3A_734 = arith.constant 496 : index
      %swap3A_735 = tpu.vector_load %arg17[%swap3A_734] {strides = array<i32>} : memref<1024xf32, #tpu.memory_space<vmem>>, vector<16xf32>,
      tpu.vector_store %arg17[%swap3A_734], %gather3A_733 {strides = array<i32>} : memref<1024xf32, #tpu.memory_space<vmem>>, vector<16xf32>,
      %add3A_736 = arith.constant 128 : i32
      %add3A_737 = vector.broadcast %add3A_736 : i32 to vector<16xi32>
      %add3A_738 = arith.addi %add3A_737, %shift_right_arithmetic3A_382 : vector<16xi32>
      %gather3A_739 = tpu.vector_load_idx %arg14[%add3A_738] : memref<256xi32, #tpu.memory_space<vmem>>[vector<16xi32>], vector<16xi32>,
      %mul3A_740 = arith.constant 4 : i32
      %mul3A_741 = vector.broadcast %mul3A_740 : i32 to vector<16xi32>
      %mul3A_742 = arith.muli %gather3A_739, %mul3A_741 : vector<16xi32>
      %add3A_743 = arith.addi %mul3A_742, %and3A_384 : vector<16xi32>
      %gather3A_744 = tpu.vector_load_idx %arg18[%add3A_743] : memref<20096xf32, #tpu.memory_space<vmem>>[vector<16xi32>], vector<16xf32>,
      %swap3A_745 = arith.constant 512 : index
      %swap3A_746 = tpu.vector_load %arg17[%swap3A_745] {strides = array<i32>} : memref<1024xf32, #tpu.memory_space<vmem>>, vector<16xf32>,
      tpu.vector_store %arg17[%swap3A_745], %gather3A_744 {strides = array<i32>} : memref<1024xf32, #tpu.memory_space<vmem>>, vector<16xf32>,
      %add3A_747 = arith.constant 132 : i32
      %add3A_748 = vector.broadcast %add3A_747 : i32 to vector<16xi32>
      %add3A_749 = arith.addi %add3A_748, %shift_right_arithmetic3A_382 : vector<16xi32>
      %gather3A_750 = tpu.vector_load_idx %arg14[%add3A_749] : memref<256xi32, #tpu.memory_space<vmem>>[vector<16xi32>], vector<16xi32>,
      %mul3A_751 = arith.constant 4 : i32
      %mul3A_752 = vector.broadcast %mul3A_751 : i32 to vector<16xi32>
      %mul3A_753 = arith.muli %gather3A_750, %mul3A_752 : vector<16xi32>
      %add3A_754 = arith.addi %mul3A_753, %and3A_384 : vector<16xi32>
      %gather3A_755 = tpu.vector_load_idx %arg18[%add3A_754] : memref<20096xf32, #tpu.memory_space<vmem>>[vector<16xi32>], vector<16xf32>,
      %swap3A_756 = arith.constant 528 : index
      %swap3A_757 = tpu.vector_load %arg17[%swap3A_756] {strides = array<i32>} : memref<1024xf32, #tpu.memory_space<vmem>>, vector<16xf32>,
      tpu.vector_store %arg17[%swap3A_756], %gather3A_755 {strides = array<i32>} : memref<1024xf32, #tpu.memory_space<vmem>>, vector<16xf32>,
      %add3A_758 = arith.constant 136 : i32
      %add3A_759 = vector.broadcast %add3A_758 : i32 to vector<16xi32>
      %add3A_760 = arith.addi %add3A_759, %shift_right_arithmetic3A_382 : vector<16xi32>
      %gather3A_761 = tpu.vector_load_idx %arg14[%add3A_760] : memref<256xi32, #tpu.memory_space<vmem>>[vector<16xi32>], vector<16xi32>,
      %mul3A_762 = arith.constant 4 : i32
      %mul3A_763 = vector.broadcast %mul3A_762 : i32 to vector<16xi32>
      %mul3A_764 = arith.muli %gather3A_761, %mul3A_763 : vector<16xi32>
      %add3A_765 = arith.addi %mul3A_764, %and3A_384 : vector<16xi32>
      %gather3A_766 = tpu.vector_load_idx %arg18[%add3A_765] : memref<20096xf32, #tpu.memory_space<vmem>>[vector<16xi32>], vector<16xf32>,
      %swap3A_767 = arith.constant 544 : index
      %swap3A_768 = tpu.vector_load %arg17[%swap3A_767] {strides = array<i32>} : memref<1024xf32, #tpu.memory_space<vmem>>, vector<16xf32>,
      tpu.vector_store %arg17[%swap3A_767], %gather3A_766 {strides = array<i32>} : memref<1024xf32, #tpu.memory_space<vmem>>, vector<16xf32>,
      %add3A_769 = arith.constant 140 : i32
      %add3A_770 = vector.broadcast %add3A_769 : i32 to vector<16xi32>
      %add3A_771 = arith.addi %add3A_770, %shift_right_arithmetic3A_382 : vector<16xi32>
      %gather3A_772 = tpu.vector_load_idx %arg14[%add3A_771] : memref<256xi32, #tpu.memory_space<vmem>>[vector<16xi32>], vector<16xi32>,
      %mul3A_773 = arith.constant 4 : i32
      %mul3A_774 = vector.broadcast %mul3A_773 : i32 to vector<16xi32>
      %mul3A_775 = arith.muli %gather3A_772, %mul3A_774 : vector<16xi32>
      %add3A_776 = arith.addi %mul3A_775, %and3A_384 : vector<16xi32>
      %gather3A_777 = tpu.vector_load_idx %arg18[%add3A_776] : memref<20096xf32, #tpu.memory_space<vmem>>[vector<16xi32>], vector<16xf32>,
      %swap3A_778 = arith.constant 560 : index
      %swap3A_779 = tpu.vector_load %arg17[%swap3A_778] {strides = array<i32>} : memref<1024xf32, #tpu.memory_space<vmem>>, vector<16xf32>,
      tpu.vector_store %arg17[%swap3A_778], %gather3A_777 {strides = array<i32>} : memref<1024xf32, #tpu.memory_space<vmem>>, vector<16xf32>,
      %add3A_780 = arith.constant 144 : i32
      %add3A_781 = vector.broadcast %add3A_780 : i32 to vector<16xi32>
      %add3A_782 = arith.addi %add3A_781, %shift_right_arithmetic3A_382 : vector<16xi32>
      %gather3A_783 = tpu.vector_load_idx %arg14[%add3A_782] : memref<256xi32, #tpu.memory_space<vmem>>[vector<16xi32>], vector<16xi32>,
      %mul3A_784 = arith.constant 4 : i32
      %mul3A_785 = vector.broadcast %mul3A_784 : i32 to vector<16xi32>
      %mul3A_786 = arith.muli %gather3A_783, %mul3A_785 : vector<16xi32>
      %add3A_787 = arith.addi %mul3A_786, %and3A_384 : vector<16xi32>
      %gather3A_788 = tpu.vector_load_idx %arg18[%add3A_787] : memref<20096xf32, #tpu.memory_space<vmem>>[vector<16xi32>], vector<16xf32>,
      %swap3A_789 = arith.constant 576 : index
      %swap3A_790 = tpu.vector_load %arg17[%swap3A_789] {strides = array<i32>} : memref<1024xf32, #tpu.memory_space<vmem>>, vector<16xf32>,
      tpu.vector_store %arg17[%swap3A_789], %gather3A_788 {strides = array<i32>} : memref<1024xf32, #tpu.memory_space<vmem>>, vector<16xf32>,
      %add3A_791 = arith.constant 148 : i32
      %add3A_792 = vector.broadcast %add3A_791 : i32 to vector<16xi32>
      %add3A_793 = arith.addi %add3A_792, %shift_right_arithmetic3A_382 : vector<16xi32>
      %gather3A_794 = tpu.vector_load_idx %arg14[%add3A_793] : memref<256xi32, #tpu.memory_space<vmem>>[vector<16xi32>], vector<16xi32>,
      %mul3A_795 = arith.constant 4 : i32
      %mul3A_796 = vector.broadcast %mul3A_795 : i32 to vector<16xi32>
      %mul3A_797 = arith.muli %gather3A_794, %mul3A_796 : vector<16xi32>
      %add3A_798 = arith.addi %mul3A_797, %and3A_384 : vector<16xi32>
      %gather3A_799 = tpu.vector_load_idx %arg18[%add3A_798] : memref<20096xf32, #tpu.memory_space<vmem>>[vector<16xi32>], vector<16xf32>,
      %swap3A_800 = arith.constant 592 : index
      %swap3A_801 = tpu.vector_load %arg17[%swap3A_800] {strides = array<i32>} : memref<1024xf32, #tpu.memory_space<vmem>>, vector<16xf32>,
      tpu.vector_store %arg17[%swap3A_800], %gather3A_799 {strides = array<i32>} : memref<1024xf32, #tpu.memory_space<vmem>>, vector<16xf32>,
      %add3A_802 = arith.constant 152 : i32
      %add3A_803 = vector.broadcast %add3A_802 : i32 to vector<16xi32>
      %add3A_804 = arith.addi %add3A_803, %shift_right_arithmetic3A_382 : vector<16xi32>
      %gather3A_805 = tpu.vector_load_idx %arg14[%add3A_804] : memref<256xi32, #tpu.memory_space<vmem>>[vector<16xi32>], vector<16xi32>,
      %mul3A_806 = arith.constant 4 : i32
      %mul3A_807 = vector.broadcast %mul3A_806 : i32 to vector<16xi32>
      %mul3A_808 = arith.muli %gather3A_805, %mul3A_807 : vector<16xi32>
      %add3A_809 = arith.addi %mul3A_808, %and3A_384 : vector<16xi32>
      %gather3A_810 = tpu.vector_load_idx %arg18[%add3A_809] : memref<20096xf32, #tpu.memory_space<vmem>>[vector<16xi32>], vector<16xf32>,
      %swap3A_811 = arith.constant 608 : index
      %swap3A_812 = tpu.vector_load %arg17[%swap3A_811] {strides = array<i32>} : memref<1024xf32, #tpu.memory_space<vmem>>, vector<16xf32>,
      tpu.vector_store %arg17[%swap3A_811], %gather3A_810 {strides = array<i32>} : memref<1024xf32, #tpu.memory_space<vmem>>, vector<16xf32>,
      %add3A_813 = arith.constant 156 : i32
      %add3A_814 = vector.broadcast %add3A_813 : i32 to vector<16xi32>
      %add3A_815 = arith.addi %add3A_814, %shift_right_arithmetic3A_382 : vector<16xi32>
      %gather3A_816 = tpu.vector_load_idx %arg14[%add3A_815] : memref<256xi32, #tpu.memory_space<vmem>>[vector<16xi32>], vector<16xi32>,
      %mul3A_817 = arith.constant 4 : i32
      %mul3A_818 = vector.broadcast %mul3A_817 : i32 to vector<16xi32>
      %mul3A_819 = arith.muli %gather3A_816, %mul3A_818 : vector<16xi32>
      %add3A_820 = arith.addi %mul3A_819, %and3A_384 : vector<16xi32>
      %gather3A_821 = tpu.vector_load_idx %arg18[%add3A_820] : memref<20096xf32, #tpu.memory_space<vmem>>[vector<16xi32>], vector<16xf32>,
      %swap3A_822 = arith.constant 624 : index
      %swap3A_823 = tpu.vector_load %arg17[%swap3A_822] {strides = array<i32>} : memref<1024xf32, #tpu.memory_space<vmem>>, vector<16xf32>,
      tpu.vector_store %arg17[%swap3A_822], %gather3A_821 {strides = array<i32>} : memref<1024xf32, #tpu.memory_space<vmem>>, vector<16xf32>,
      %add3A_824 = arith.constant 160 : i32
      %add3A_825 = vector.broadcast %add3A_824 : i32 to vector<16xi32>
      %add3A_826 = arith.addi %add3A_825, %shift_right_arithmetic3A_382 : vector<16xi32>
      %gather3A_827 = tpu.vector_load_idx %arg14[%add3A_826] : memref<256xi32, #tpu.memory_space<vmem>>[vector<16xi32>], vector<16xi32>,
      %mul3A_828 = arith.constant 4 : i32
      %mul3A_829 = vector.broadcast %mul3A_828 : i32 to vector<16xi32>
      %mul3A_830 = arith.muli %gather3A_827, %mul3A_829 : vector<16xi32>
      %add3A_831 = arith.addi %mul3A_830, %and3A_384 : vector<16xi32>
      %gather3A_832 = tpu.vector_load_idx %arg18[%add3A_831] : memref<20096xf32, #tpu.memory_space<vmem>>[vector<16xi32>], vector<16xf32>,
      %swap3A_833 = arith.constant 640 : index
      %swap3A_834 = tpu.vector_load %arg17[%swap3A_833] {strides = array<i32>} : memref<1024xf32, #tpu.memory_space<vmem>>, vector<16xf32>,
      tpu.vector_store %arg17[%swap3A_833], %gather3A_832 {strides = array<i32>} : memref<1024xf32, #tpu.memory_space<vmem>>, vector<16xf32>,
      %add3A_835 = arith.constant 164 : i32
      %add3A_836 = vector.broadcast %add3A_835 : i32 to vector<16xi32>
      %add3A_837 = arith.addi %add3A_836, %shift_right_arithmetic3A_382 : vector<16xi32>
      %gather3A_838 = tpu.vector_load_idx %arg14[%add3A_837] : memref<256xi32, #tpu.memory_space<vmem>>[vector<16xi32>], vector<16xi32>,
      %mul3A_839 = arith.constant 4 : i32
      %mul3A_840 = vector.broadcast %mul3A_839 : i32 to vector<16xi32>
      %mul3A_841 = arith.muli %gather3A_838, %mul3A_840 : vector<16xi32>
      %add3A_842 = arith.addi %mul3A_841, %and3A_384 : vector<16xi32>
      %gather3A_843 = tpu.vector_load_idx %arg18[%add3A_842] : memref<20096xf32, #tpu.memory_space<vmem>>[vector<16xi32>], vector<16xf32>,
      %swap3A_844 = arith.constant 656 : index
      %swap3A_845 = tpu.vector_load %arg17[%swap3A_844] {strides = array<i32>} : memref<1024xf32, #tpu.memory_space<vmem>>, vector<16xf32>,
      tpu.vector_store %arg17[%swap3A_844], %gather3A_843 {strides = array<i32>} : memref<1024xf32, #tpu.memory_space<vmem>>, vector<16xf32>,
      %add3A_846 = arith.constant 168 : i32
      %add3A_847 = vector.broadcast %add3A_846 : i32 to vector<16xi32>
      %add3A_848 = arith.addi %add3A_847, %shift_right_arithmetic3A_382 : vector<16xi32>
      %gather3A_849 = tpu.vector_load_idx %arg14[%add3A_848] : memref<256xi32, #tpu.memory_space<vmem>>[vector<16xi32>], vector<16xi32>,
      %mul3A_850 = arith.constant 4 : i32
      %mul3A_851 = vector.broadcast %mul3A_850 : i32 to vector<16xi32>
      %mul3A_852 = arith.muli %gather3A_849, %mul3A_851 : vector<16xi32>
      %add3A_853 = arith.addi %mul3A_852, %and3A_384 : vector<16xi32>
      %gather3A_854 = tpu.vector_load_idx %arg18[%add3A_853] : memref<20096xf32, #tpu.memory_space<vmem>>[vector<16xi32>], vector<16xf32>,
      %swap3A_855 = arith.constant 672 : index
      %swap3A_856 = tpu.vector_load %arg17[%swap3A_855] {strides = array<i32>} : memref<1024xf32, #tpu.memory_space<vmem>>, vector<16xf32>,
      tpu.vector_store %arg17[%swap3A_855], %gather3A_854 {strides = array<i32>} : memref<1024xf32, #tpu.memory_space<vmem>>, vector<16xf32>,
      %add3A_857 = arith.constant 172 : i32
      %add3A_858 = vector.broadcast %add3A_857 : i32 to vector<16xi32>
      %add3A_859 = arith.addi %add3A_858, %shift_right_arithmetic3A_382 : vector<16xi32>
      %gather3A_860 = tpu.vector_load_idx %arg14[%add3A_859] : memref<256xi32, #tpu.memory_space<vmem>>[vector<16xi32>], vector<16xi32>,
      %mul3A_861 = arith.constant 4 : i32
      %mul3A_862 = vector.broadcast %mul3A_861 : i32 to vector<16xi32>
      %mul3A_863 = arith.muli %gather3A_860, %mul3A_862 : vector<16xi32>
      %add3A_864 = arith.addi %mul3A_863, %and3A_384 : vector<16xi32>
      %gather3A_865 = tpu.vector_load_idx %arg18[%add3A_864] : memref<20096xf32, #tpu.memory_space<vmem>>[vector<16xi32>], vector<16xf32>,
      %swap3A_866 = arith.constant 688 : index
      %swap3A_867 = tpu.vector_load %arg17[%swap3A_866] {strides = array<i32>} : memref<1024xf32, #tpu.memory_space<vmem>>, vector<16xf32>,
      tpu.vector_store %arg17[%swap3A_866], %gather3A_865 {strides = array<i32>} : memref<1024xf32, #tpu.memory_space<vmem>>, vector<16xf32>,
      %add3A_868 = arith.constant 176 : i32
      %add3A_869 = vector.broadcast %add3A_868 : i32 to vector<16xi32>
      %add3A_870 = arith.addi %add3A_869, %shift_right_arithmetic3A_382 : vector<16xi32>
      %gather3A_871 = tpu.vector_load_idx %arg14[%add3A_870] : memref<256xi32, #tpu.memory_space<vmem>>[vector<16xi32>], vector<16xi32>,
      %mul3A_872 = arith.constant 4 : i32
      %mul3A_873 = vector.broadcast %mul3A_872 : i32 to vector<16xi32>
      %mul3A_874 = arith.muli %gather3A_871, %mul3A_873 : vector<16xi32>
      %add3A_875 = arith.addi %mul3A_874, %and3A_384 : vector<16xi32>
      %gather3A_876 = tpu.vector_load_idx %arg18[%add3A_875] : memref<20096xf32, #tpu.memory_space<vmem>>[vector<16xi32>], vector<16xf32>,
      %swap3A_877 = arith.constant 704 : index
      %swap3A_878 = tpu.vector_load %arg17[%swap3A_877] {strides = array<i32>} : memref<1024xf32, #tpu.memory_space<vmem>>, vector<16xf32>,
      tpu.vector_store %arg17[%swap3A_877], %gather3A_876 {strides = array<i32>} : memref<1024xf32, #tpu.memory_space<vmem>>, vector<16xf32>,
      %add3A_879 = arith.constant 180 : i32
      %add3A_880 = vector.broadcast %add3A_879 : i32 to vector<16xi32>
      %add3A_881 = arith.addi %add3A_880, %shift_right_arithmetic3A_382 : vector<16xi32>
      %gather3A_882 = tpu.vector_load_idx %arg14[%add3A_881] : memref<256xi32, #tpu.memory_space<vmem>>[vector<16xi32>], vector<16xi32>,
      %mul3A_883 = arith.constant 4 : i32
      %mul3A_884 = vector.broadcast %mul3A_883 : i32 to vector<16xi32>
      %mul3A_885 = arith.muli %gather3A_882, %mul3A_884 : vector<16xi32>
      %add3A_886 = arith.addi %mul3A_885, %and3A_384 : vector<16xi32>
      %gather3A_887 = tpu.vector_load_idx %arg18[%add3A_886] : memref<20096xf32, #tpu.memory_space<vmem>>[vector<16xi32>], vector<16xf32>,
      %swap3A_888 = arith.constant 720 : index
      %swap3A_889 = tpu.vector_load %arg17[%swap3A_888] {strides = array<i32>} : memref<1024xf32, #tpu.memory_space<vmem>>, vector<16xf32>,
      tpu.vector_store %arg17[%swap3A_888], %gather3A_887 {strides = array<i32>} : memref<1024xf32, #tpu.memory_space<vmem>>, vector<16xf32>,
      %add3A_890 = arith.constant 184 : i32
      %add3A_891 = vector.broadcast %add3A_890 : i32 to vector<16xi32>
      %add3A_892 = arith.addi %add3A_891, %shift_right_arithmetic3A_382 : vector<16xi32>
      %gather3A_893 = tpu.vector_load_idx %arg14[%add3A_892] : memref<256xi32, #tpu.memory_space<vmem>>[vector<16xi32>], vector<16xi32>,
      %mul3A_894 = arith.constant 4 : i32
      %mul3A_895 = vector.broadcast %mul3A_894 : i32 to vector<16xi32>
      %mul3A_896 = arith.muli %gather3A_893, %mul3A_895 : vector<16xi32>
      %add3A_897 = arith.addi %mul3A_896, %and3A_384 : vector<16xi32>
      %gather3A_898 = tpu.vector_load_idx %arg18[%add3A_897] : memref<20096xf32, #tpu.memory_space<vmem>>[vector<16xi32>], vector<16xf32>,
      %swap3A_899 = arith.constant 736 : index
      %swap3A_900 = tpu.vector_load %arg17[%swap3A_899] {strides = array<i32>} : memref<1024xf32, #tpu.memory_space<vmem>>, vector<16xf32>,
      tpu.vector_store %arg17[%swap3A_899], %gather3A_898 {strides = array<i32>} : memref<1024xf32, #tpu.memory_space<vmem>>, vector<16xf32>,
      %add3A_901 = arith.constant 188 : i32
      %add3A_902 = vector.broadcast %add3A_901 : i32 to vector<16xi32>
      %add3A_903 = arith.addi %add3A_902, %shift_right_arithmetic3A_382 : vector<16xi32>
      %gather3A_904 = tpu.vector_load_idx %arg14[%add3A_903] : memref<256xi32, #tpu.memory_space<vmem>>[vector<16xi32>], vector<16xi32>,
      %mul3A_905 = arith.constant 4 : i32
      %mul3A_906 = vector.broadcast %mul3A_905 : i32 to vector<16xi32>
      %mul3A_907 = arith.muli %gather3A_904, %mul3A_906 : vector<16xi32>
      %add3A_908 = arith.addi %mul3A_907, %and3A_384 : vector<16xi32>
      %gather3A_909 = tpu.vector_load_idx %arg18[%add3A_908] : memref<20096xf32, #tpu.memory_space<vmem>>[vector<16xi32>], vector<16xf32>,
      %swap3A_910 = arith.constant 752 : index
      %swap3A_911 = tpu.vector_load %arg17[%swap3A_910] {strides = array<i32>} : memref<1024xf32, #tpu.memory_space<vmem>>, vector<16xf32>,
      tpu.vector_store %arg17[%swap3A_910], %gather3A_909 {strides = array<i32>} : memref<1024xf32, #tpu.memory_space<vmem>>, vector<16xf32>,
      %add3A_912 = arith.constant 192 : i32
      %add3A_913 = vector.broadcast %add3A_912 : i32 to vector<16xi32>
      %add3A_914 = arith.addi %add3A_913, %shift_right_arithmetic3A_382 : vector<16xi32>
      %gather3A_915 = tpu.vector_load_idx %arg14[%add3A_914] : memref<256xi32, #tpu.memory_space<vmem>>[vector<16xi32>], vector<16xi32>,
      %mul3A_916 = arith.constant 4 : i32
      %mul3A_917 = vector.broadcast %mul3A_916 : i32 to vector<16xi32>
      %mul3A_918 = arith.muli %gather3A_915, %mul3A_917 : vector<16xi32>
      %add3A_919 = arith.addi %mul3A_918, %and3A_384 : vector<16xi32>
      %gather3A_920 = tpu.vector_load_idx %arg18[%add3A_919] : memref<20096xf32, #tpu.memory_space<vmem>>[vector<16xi32>], vector<16xf32>,
      %swap3A_921 = arith.constant 768 : index
      %swap3A_922 = tpu.vector_load %arg17[%swap3A_921] {strides = array<i32>} : memref<1024xf32, #tpu.memory_space<vmem>>, vector<16xf32>,
      tpu.vector_store %arg17[%swap3A_921], %gather3A_920 {strides = array<i32>} : memref<1024xf32, #tpu.memory_space<vmem>>, vector<16xf32>,
      %add3A_923 = arith.constant 196 : i32
      %add3A_924 = vector.broadcast %add3A_923 : i32 to vector<16xi32>
      %add3A_925 = arith.addi %add3A_924, %shift_right_arithmetic3A_382 : vector<16xi32>
      %gather3A_926 = tpu.vector_load_idx %arg14[%add3A_925] : memref<256xi32, #tpu.memory_space<vmem>>[vector<16xi32>], vector<16xi32>,
      %mul3A_927 = arith.constant 4 : i32
      %mul3A_928 = vector.broadcast %mul3A_927 : i32 to vector<16xi32>
      %mul3A_929 = arith.muli %gather3A_926, %mul3A_928 : vector<16xi32>
      %add3A_930 = arith.addi %mul3A_929, %and3A_384 : vector<16xi32>
      %gather3A_931 = tpu.vector_load_idx %arg18[%add3A_930] : memref<20096xf32, #tpu.memory_space<vmem>>[vector<16xi32>], vector<16xf32>,
      %swap3A_932 = arith.constant 784 : index
      %swap3A_933 = tpu.vector_load %arg17[%swap3A_932] {strides = array<i32>} : memref<1024xf32, #tpu.memory_space<vmem>>, vector<16xf32>,
      tpu.vector_store %arg17[%swap3A_932], %gather3A_931 {strides = array<i32>} : memref<1024xf32, #tpu.memory_space<vmem>>, vector<16xf32>,
      %add3A_934 = arith.constant 200 : i32
      %add3A_935 = vector.broadcast %add3A_934 : i32 to vector<16xi32>
      %add3A_936 = arith.addi %add3A_935, %shift_right_arithmetic3A_382 : vector<16xi32>
      %gather3A_937 = tpu.vector_load_idx %arg14[%add3A_936] : memref<256xi32, #tpu.memory_space<vmem>>[vector<16xi32>], vector<16xi32>,
      %mul3A_938 = arith.constant 4 : i32
      %mul3A_939 = vector.broadcast %mul3A_938 : i32 to vector<16xi32>
      %mul3A_940 = arith.muli %gather3A_937, %mul3A_939 : vector<16xi32>
      %add3A_941 = arith.addi %mul3A_940, %and3A_384 : vector<16xi32>
      %gather3A_942 = tpu.vector_load_idx %arg18[%add3A_941] : memref<20096xf32, #tpu.memory_space<vmem>>[vector<16xi32>], vector<16xf32>,
      %swap3A_943 = arith.constant 800 : index
      %swap3A_944 = tpu.vector_load %arg17[%swap3A_943] {strides = array<i32>} : memref<1024xf32, #tpu.memory_space<vmem>>, vector<16xf32>,
      tpu.vector_store %arg17[%swap3A_943], %gather3A_942 {strides = array<i32>} : memref<1024xf32, #tpu.memory_space<vmem>>, vector<16xf32>,
      %add3A_945 = arith.constant 204 : i32
      %add3A_946 = vector.broadcast %add3A_945 : i32 to vector<16xi32>
      %add3A_947 = arith.addi %add3A_946, %shift_right_arithmetic3A_382 : vector<16xi32>
      %gather3A_948 = tpu.vector_load_idx %arg14[%add3A_947] : memref<256xi32, #tpu.memory_space<vmem>>[vector<16xi32>], vector<16xi32>,
      %mul3A_949 = arith.constant 4 : i32
      %mul3A_950 = vector.broadcast %mul3A_949 : i32 to vector<16xi32>
      %mul3A_951 = arith.muli %gather3A_948, %mul3A_950 : vector<16xi32>
      %add3A_952 = arith.addi %mul3A_951, %and3A_384 : vector<16xi32>
      %gather3A_953 = tpu.vector_load_idx %arg18[%add3A_952] : memref<20096xf32, #tpu.memory_space<vmem>>[vector<16xi32>], vector<16xf32>,
      %swap3A_954 = arith.constant 816 : index
      %swap3A_955 = tpu.vector_load %arg17[%swap3A_954] {strides = array<i32>} : memref<1024xf32, #tpu.memory_space<vmem>>, vector<16xf32>,
      tpu.vector_store %arg17[%swap3A_954], %gather3A_953 {strides = array<i32>} : memref<1024xf32, #tpu.memory_space<vmem>>, vector<16xf32>,
      %add3A_956 = arith.constant 208 : i32
      %add3A_957 = vector.broadcast %add3A_956 : i32 to vector<16xi32>
      %add3A_958 = arith.addi %add3A_957, %shift_right_arithmetic3A_382 : vector<16xi32>
      %gather3A_959 = tpu.vector_load_idx %arg14[%add3A_958] : memref<256xi32, #tpu.memory_space<vmem>>[vector<16xi32>], vector<16xi32>,
      %mul3A_960 = arith.constant 4 : i32
      %mul3A_961 = vector.broadcast %mul3A_960 : i32 to vector<16xi32>
      %mul3A_962 = arith.muli %gather3A_959, %mul3A_961 : vector<16xi32>
      %add3A_963 = arith.addi %mul3A_962, %and3A_384 : vector<16xi32>
      %gather3A_964 = tpu.vector_load_idx %arg18[%add3A_963] : memref<20096xf32, #tpu.memory_space<vmem>>[vector<16xi32>], vector<16xf32>,
      %swap3A_965 = arith.constant 832 : index
      %swap3A_966 = tpu.vector_load %arg17[%swap3A_965] {strides = array<i32>} : memref<1024xf32, #tpu.memory_space<vmem>>, vector<16xf32>,
      tpu.vector_store %arg17[%swap3A_965], %gather3A_964 {strides = array<i32>} : memref<1024xf32, #tpu.memory_space<vmem>>, vector<16xf32>,
      %add3A_967 = arith.constant 212 : i32
      %add3A_968 = vector.broadcast %add3A_967 : i32 to vector<16xi32>
      %add3A_969 = arith.addi %add3A_968, %shift_right_arithmetic3A_382 : vector<16xi32>
      %gather3A_970 = tpu.vector_load_idx %arg14[%add3A_969] : memref<256xi32, #tpu.memory_space<vmem>>[vector<16xi32>], vector<16xi32>,
      %mul3A_971 = arith.constant 4 : i32
      %mul3A_972 = vector.broadcast %mul3A_971 : i32 to vector<16xi32>
      %mul3A_973 = arith.muli %gather3A_970, %mul3A_972 : vector<16xi32>
      %add3A_974 = arith.addi %mul3A_973, %and3A_384 : vector<16xi32>
      %gather3A_975 = tpu.vector_load_idx %arg18[%add3A_974] : memref<20096xf32, #tpu.memory_space<vmem>>[vector<16xi32>], vector<16xf32>,
      %swap3A_976 = arith.constant 848 : index
      %swap3A_977 = tpu.vector_load %arg17[%swap3A_976] {strides = array<i32>} : memref<1024xf32, #tpu.memory_space<vmem>>, vector<16xf32>,
      tpu.vector_store %arg17[%swap3A_976], %gather3A_975 {strides = array<i32>} : memref<1024xf32, #tpu.memory_space<vmem>>, vector<16xf32>,
      %add3A_978 = arith.constant 216 : i32
      %add3A_979 = vector.broadcast %add3A_978 : i32 to vector<16xi32>
      %add3A_980 = arith.addi %add3A_979, %shift_right_arithmetic3A_382 : vector<16xi32>
      %gather3A_981 = tpu.vector_load_idx %arg14[%add3A_980] : memref<256xi32, #tpu.memory_space<vmem>>[vector<16xi32>], vector<16xi32>,
      %mul3A_982 = arith.constant 4 : i32
      %mul3A_983 = vector.broadcast %mul3A_982 : i32 to vector<16xi32>
      %mul3A_984 = arith.muli %gather3A_981, %mul3A_983 : vector<16xi32>
      %add3A_985 = arith.addi %mul3A_984, %and3A_384 : vector<16xi32>
      %gather3A_986 = tpu.vector_load_idx %arg18[%add3A_985] : memref<20096xf32, #tpu.memory_space<vmem>>[vector<16xi32>], vector<16xf32>,
      %swap3A_987 = arith.constant 864 : index
      %swap3A_988 = tpu.vector_load %arg17[%swap3A_987] {strides = array<i32>} : memref<1024xf32, #tpu.memory_space<vmem>>, vector<16xf32>,
      tpu.vector_store %arg17[%swap3A_987], %gather3A_986 {strides = array<i32>} : memref<1024xf32, #tpu.memory_space<vmem>>, vector<16xf32>,
      %add3A_989 = arith.constant 220 : i32
      %add3A_990 = vector.broadcast %add3A_989 : i32 to vector<16xi32>
      %add3A_991 = arith.addi %add3A_990, %shift_right_arithmetic3A_382 : vector<16xi32>
      %gather3A_992 = tpu.vector_load_idx %arg14[%add3A_991] : memref<256xi32, #tpu.memory_space<vmem>>[vector<16xi32>], vector<16xi32>,
      %mul3A_993 = arith.constant 4 : i32
      %mul3A_994 = vector.broadcast %mul3A_993 : i32 to vector<16xi32>
      %mul3A_995 = arith.muli %gather3A_992, %mul3A_994 : vector<16xi32>
      %add3A_996 = arith.addi %mul3A_995, %and3A_384 : vector<16xi32>
      %gather3A_997 = tpu.vector_load_idx %arg18[%add3A_996] : memref<20096xf32, #tpu.memory_space<vmem>>[vector<16xi32>], vector<16xf32>,
      %swap3A_998 = arith.constant 880 : index
      %swap3A_999 = tpu.vector_load %arg17[%swap3A_998] {strides = array<i32>} : memref<1024xf32, #tpu.memory_space<vmem>>, vector<16xf32>,
      tpu.vector_store %arg17[%swap3A_998], %gather3A_997 {strides = array<i32>} : memref<1024xf32, #tpu.memory_space<vmem>>, vector<16xf32>,
      %add3A_1000 = arith.constant 224 : i32
      %add3A_1001 = vector.broadcast %add3A_1000 : i32 to vector<16xi32>
      %add3A_1002 = arith.addi %add3A_1001, %shift_right_arithmetic3A_382 : vector<16xi32>
      %gather3A_1003 = tpu.vector_load_idx %arg14[%add3A_1002] : memref<256xi32, #tpu.memory_space<vmem>>[vector<16xi32>], vector<16xi32>,
      %mul3A_1004 = arith.constant 4 : i32
      %mul3A_1005 = vector.broadcast %mul3A_1004 : i32 to vector<16xi32>
      %mul3A_1006 = arith.muli %gather3A_1003, %mul3A_1005 : vector<16xi32>
      %add3A_1007 = arith.addi %mul3A_1006, %and3A_384 : vector<16xi32>
      %gather3A_1008 = tpu.vector_load_idx %arg18[%add3A_1007] : memref<20096xf32, #tpu.memory_space<vmem>>[vector<16xi32>], vector<16xf32>,
      %swap3A_1009 = arith.constant 896 : index
      %swap3A_1010 = tpu.vector_load %arg17[%swap3A_1009] {strides = array<i32>} : memref<1024xf32, #tpu.memory_space<vmem>>, vector<16xf32>,
      tpu.vector_store %arg17[%swap3A_1009], %gather3A_1008 {strides = array<i32>} : memref<1024xf32, #tpu.memory_space<vmem>>, vector<16xf32>,
      %add3A_1011 = arith.constant 228 : i32
      %add3A_1012 = vector.broadcast %add3A_1011 : i32 to vector<16xi32>
      %add3A_1013 = arith.addi %add3A_1012, %shift_right_arithmetic3A_382 : vector<16xi32>
      %gather3A_1014 = tpu.vector_load_idx %arg14[%add3A_1013] : memref<256xi32, #tpu.memory_space<vmem>>[vector<16xi32>], vector<16xi32>,
      %mul3A_1015 = arith.constant 4 : i32
      %mul3A_1016 = vector.broadcast %mul3A_1015 : i32 to vector<16xi32>
      %mul3A_1017 = arith.muli %gather3A_1014, %mul3A_1016 : vector<16xi32>
      %add3A_1018 = arith.addi %mul3A_1017, %and3A_384 : vector<16xi32>
      %gather3A_1019 = tpu.vector_load_idx %arg18[%add3A_1018] : memref<20096xf32, #tpu.memory_space<vmem>>[vector<16xi32>], vector<16xf32>,
      %swap3A_1020 = arith.constant 912 : index
      %swap3A_1021 = tpu.vector_load %arg17[%swap3A_1020] {strides = array<i32>} : memref<1024xf32, #tpu.memory_space<vmem>>, vector<16xf32>,
      tpu.vector_store %arg17[%swap3A_1020], %gather3A_1019 {strides = array<i32>} : memref<1024xf32, #tpu.memory_space<vmem>>, vector<16xf32>,
      %add3A_1022 = arith.constant 232 : i32
      %add3A_1023 = vector.broadcast %add3A_1022 : i32 to vector<16xi32>
      %add3A_1024 = arith.addi %add3A_1023, %shift_right_arithmetic3A_382 : vector<16xi32>
      %gather3A_1025 = tpu.vector_load_idx %arg14[%add3A_1024] : memref<256xi32, #tpu.memory_space<vmem>>[vector<16xi32>], vector<16xi32>,
      %mul3A_1026 = arith.constant 4 : i32
      %mul3A_1027 = vector.broadcast %mul3A_1026 : i32 to vector<16xi32>
      %mul3A_1028 = arith.muli %gather3A_1025, %mul3A_1027 : vector<16xi32>
      %add3A_1029 = arith.addi %mul3A_1028, %and3A_384 : vector<16xi32>
      %gather3A_1030 = tpu.vector_load_idx %arg18[%add3A_1029] : memref<20096xf32, #tpu.memory_space<vmem>>[vector<16xi32>], vector<16xf32>,
      %swap3A_1031 = arith.constant 928 : index
      %swap3A_1032 = tpu.vector_load %arg17[%swap3A_1031] {strides = array<i32>} : memref<1024xf32, #tpu.memory_space<vmem>>, vector<16xf32>,
      tpu.vector_store %arg17[%swap3A_1031], %gather3A_1030 {strides = array<i32>} : memref<1024xf32, #tpu.memory_space<vmem>>, vector<16xf32>,
      %add3A_1033 = arith.constant 236 : i32
      %add3A_1034 = vector.broadcast %add3A_1033 : i32 to vector<16xi32>
      %add3A_1035 = arith.addi %add3A_1034, %shift_right_arithmetic3A_382 : vector<16xi32>
      %gather3A_1036 = tpu.vector_load_idx %arg14[%add3A_1035] : memref<256xi32, #tpu.memory_space<vmem>>[vector<16xi32>], vector<16xi32>,
      %mul3A_1037 = arith.constant 4 : i32
      %mul3A_1038 = vector.broadcast %mul3A_1037 : i32 to vector<16xi32>
      %mul3A_1039 = arith.muli %gather3A_1036, %mul3A_1038 : vector<16xi32>
      %add3A_1040 = arith.addi %mul3A_1039, %and3A_384 : vector<16xi32>
      %gather3A_1041 = tpu.vector_load_idx %arg18[%add3A_1040] : memref<20096xf32, #tpu.memory_space<vmem>>[vector<16xi32>], vector<16xf32>,
      %swap3A_1042 = arith.constant 944 : index
      %swap3A_1043 = tpu.vector_load %arg17[%swap3A_1042] {strides = array<i32>} : memref<1024xf32, #tpu.memory_space<vmem>>, vector<16xf32>,
      tpu.vector_store %arg17[%swap3A_1042], %gather3A_1041 {strides = array<i32>} : memref<1024xf32, #tpu.memory_space<vmem>>, vector<16xf32>,
      %add3A_1044 = arith.constant 240 : i32
      %add3A_1045 = vector.broadcast %add3A_1044 : i32 to vector<16xi32>
      %add3A_1046 = arith.addi %add3A_1045, %shift_right_arithmetic3A_382 : vector<16xi32>
      %gather3A_1047 = tpu.vector_load_idx %arg14[%add3A_1046] : memref<256xi32, #tpu.memory_space<vmem>>[vector<16xi32>], vector<16xi32>,
      %mul3A_1048 = arith.constant 4 : i32
      %mul3A_1049 = vector.broadcast %mul3A_1048 : i32 to vector<16xi32>
      %mul3A_1050 = arith.muli %gather3A_1047, %mul3A_1049 : vector<16xi32>
      %add3A_1051 = arith.addi %mul3A_1050, %and3A_384 : vector<16xi32>
      %gather3A_1052 = tpu.vector_load_idx %arg18[%add3A_1051] : memref<20096xf32, #tpu.memory_space<vmem>>[vector<16xi32>], vector<16xf32>,
      %swap3A_1053 = arith.constant 960 : index
      %swap3A_1054 = tpu.vector_load %arg17[%swap3A_1053] {strides = array<i32>} : memref<1024xf32, #tpu.memory_space<vmem>>, vector<16xf32>,
      tpu.vector_store %arg17[%swap3A_1053], %gather3A_1052 {strides = array<i32>} : memref<1024xf32, #tpu.memory_space<vmem>>, vector<16xf32>,
      %add3A_1055 = arith.constant 244 : i32
      %add3A_1056 = vector.broadcast %add3A_1055 : i32 to vector<16xi32>
      %add3A_1057 = arith.addi %add3A_1056, %shift_right_arithmetic3A_382 : vector<16xi32>
      %gather3A_1058 = tpu.vector_load_idx %arg14[%add3A_1057] : memref<256xi32, #tpu.memory_space<vmem>>[vector<16xi32>], vector<16xi32>,
      %mul3A_1059 = arith.constant 4 : i32
      %mul3A_1060 = vector.broadcast %mul3A_1059 : i32 to vector<16xi32>
      %mul3A_1061 = arith.muli %gather3A_1058, %mul3A_1060 : vector<16xi32>
      %add3A_1062 = arith.addi %mul3A_1061, %and3A_384 : vector<16xi32>
      %gather3A_1063 = tpu.vector_load_idx %arg18[%add3A_1062] : memref<20096xf32, #tpu.memory_space<vmem>>[vector<16xi32>], vector<16xf32>,
      %swap3A_1064 = arith.constant 976 : index
      %swap3A_1065 = tpu.vector_load %arg17[%swap3A_1064] {strides = array<i32>} : memref<1024xf32, #tpu.memory_space<vmem>>, vector<16xf32>,
      tpu.vector_store %arg17[%swap3A_1064], %gather3A_1063 {strides = array<i32>} : memref<1024xf32, #tpu.memory_space<vmem>>, vector<16xf32>,
      %add3A_1066 = arith.constant 248 : i32
      %add3A_1067 = vector.broadcast %add3A_1066 : i32 to vector<16xi32>
      %add3A_1068 = arith.addi %add3A_1067, %shift_right_arithmetic3A_382 : vector<16xi32>
      %gather3A_1069 = tpu.vector_load_idx %arg14[%add3A_1068] : memref<256xi32, #tpu.memory_space<vmem>>[vector<16xi32>], vector<16xi32>,
      %mul3A_1070 = arith.constant 4 : i32
      %mul3A_1071 = vector.broadcast %mul3A_1070 : i32 to vector<16xi32>
      %mul3A_1072 = arith.muli %gather3A_1069, %mul3A_1071 : vector<16xi32>
      %add3A_1073 = arith.addi %mul3A_1072, %and3A_384 : vector<16xi32>
      %gather3A_1074 = tpu.vector_load_idx %arg18[%add3A_1073] : memref<20096xf32, #tpu.memory_space<vmem>>[vector<16xi32>], vector<16xf32>,
      %swap3A_1075 = arith.constant 992 : index
      %swap3A_1076 = tpu.vector_load %arg17[%swap3A_1075] {strides = array<i32>} : memref<1024xf32, #tpu.memory_space<vmem>>, vector<16xf32>,
      tpu.vector_store %arg17[%swap3A_1075], %gather3A_1074 {strides = array<i32>} : memref<1024xf32, #tpu.memory_space<vmem>>, vector<16xf32>,
      %add3A_1077 = arith.constant 252 : i32
      %add3A_1078 = vector.broadcast %add3A_1077 : i32 to vector<16xi32>
      %add3A_1079 = arith.addi %add3A_1078, %shift_right_arithmetic3A_382 : vector<16xi32>
      %gather3A_1080 = tpu.vector_load_idx %arg14[%add3A_1079] : memref<256xi32, #tpu.memory_space<vmem>>[vector<16xi32>], vector<16xi32>,
      %mul3A_1081 = arith.constant 4 : i32
      %mul3A_1082 = vector.broadcast %mul3A_1081 : i32 to vector<16xi32>
      %mul3A_1083 = arith.muli %gather3A_1080, %mul3A_1082 : vector<16xi32>
      %add3A_1084 = arith.addi %mul3A_1083, %and3A_384 : vector<16xi32>
      %gather3A_1085 = tpu.vector_load_idx %arg18[%add3A_1084] : memref<20096xf32, #tpu.memory_space<vmem>>[vector<16xi32>], vector<16xf32>,
      %swap3A_1086 = arith.constant 1008 : index
      %swap3A_1087 = tpu.vector_load %arg17[%swap3A_1086] {strides = array<i32>} : memref<1024xf32, #tpu.memory_space<vmem>>, vector<16xf32>,
      tpu.vector_store %arg17[%swap3A_1086], %gather3A_1085 {strides = array<i32>} : memref<1024xf32, #tpu.memory_space<vmem>>, vector<16xf32>,
      %mul3A_1088 = arith.constant 1024 : i32
      %mul3A_1089 = arith.muli %arg0, %mul3A_1088 : i32
      "tpu.region"() ({
        %run_scoped3A = tpu.sem_alloc : memref<!tpu.dma_semaphore, #tpu.memory_space<semaphore_mem>>
        %dma_start3A = tpu.memref_slice %arg5[%mul3A_1089] : memref<2048xf32, #tpu.memory_space<hbm>> -> memref<1024xf32, #tpu.memory_space<hbm>>
        %dma_start3A_1090 = tpu.memref_slice %arg5[%mul3A_1089] : memref<2048xf32, #tpu.memory_space<hbm>> -> memref<1024xf32, #tpu.memory_space<hbm>>
        tpu.enqueue_dma source(%arg17 : memref<1024xf32, #tpu.memory_space<vmem>>) target(%dma_start3A_1090 : memref<1024xf32, #tpu.memory_space<hbm>>) target_semaphore(%run_scoped3A : memref<!tpu.dma_semaphore, #tpu.memory_space<semaphore_mem>>)
        %dma_wait3A = tpu.memref_slice %arg5[%mul3A_1089] : memref<2048xf32, #tpu.memory_space<hbm>> -> memref<1024xf32, #tpu.memory_space<hbm>>
        %dma_wait3A_1091 = tpu.memref_slice %arg5[%mul3A_1089] : memref<2048xf32, #tpu.memory_space<hbm>> -> memref<1024xf32, #tpu.memory_space<hbm>>
        tpu.wait_dma2 semaphore(%run_scoped3A : memref<!tpu.dma_semaphore, #tpu.memory_space<semaphore_mem>>) src(%arg17 : memref<1024xf32, #tpu.memory_space<vmem>>) dst(%dma_wait3A_1091 : memref<1024xf32, #tpu.memory_space<hbm>>)
        tpu.yield
      }) : () -> ()
    } else {
    }
    return
  }
}

</mosaic_0001>

<sc_bundles>
// kernel: _nms_call.3.cloned.1.call-start
scs
__scs_entry_jumppad:
0x0: {  	(pc) =	sbr.rel $0x88, $3  }
0x1: {  	(tag) =	ssettag $0x0;
	lr =	simm.s32 $0x1  }
0x2: {  	[smem:$0x3F9E] =	sst lr;
	_ =	strace $0xD0000000  }
0x3: {  	_ = 	snop  }
0x4: {  	_ = 	snop  }
0x5: {  	_ = 	snop  }
0x6: {  	_ = 	snop  }
0x7: {  	_ = 	snop  }
__scs_overlays_trampoline_lowered:
0x8: {  	[smem:$0x3FAD] =	sst s0  }
0x9: {  	[smem:$0x3FAE] =	sst s1  }
0xa: {  	[smem:$0x3FAF] =	sst s2  }
0xb: {  	[smem:$0x3FB0] =	sst s3  }
0xc: {  	[smem:$0x3FB1] =	sst s4  }
0xd: {  	[smem:$0x3FB2] =	sst s5  }
0xe: {  	[smem:$0x3FB3] =	sst s6  }
0xf: {  	[smem:$0x3FB4] =	sst s7  }
0x10: {  	[smem:$0x3FB5] =	sst s8  }
0x11: {  	[smem:$0x3FB6] =	sst s9;
	s0 =	simm.s32 @!p0 $0x0  }
0x12: {  	s1 =	sld [smem:$0x3F9C];
	s0 =	simm.s32 @p0 $0x1  }
0x13: {  	[smem:$0x3FB7] =	sst s0;
	s0 =	simm.s32 @!p1 $0x0  }
0x14: {  	s2 =	sld [smem:$0x3F9B];
	s0 =	simm.s32 @p1 $0x1  }
0x15: {  	[smem:$0x3FB8] =	sst s0;
	s0 =	simm.s32 @!p2 $0x0  }
0x16: {  	s3 =	sld [smem:$0x3FDB];
	s0 =	simm.s32 @p2 $0x1  }
0x17: {  	s4 =	simm.s32 $0x1BF5;
	[smem:$0x3FBA] =	sst s0  }
0x18: {  	s0 =	sld [smem:$0x3F9D];
	_ =	swait.ge [sflag:s4], $0x0  }
0x19: {  	s7 =	sld [smem:$0x3F9E]  }
0x1a: {  	s8 =	sadd.s32 $0xFFFFE003, lr  }
0x1b: {  	s9 =	sadd.s32 $0xFFFFFEF7, lr;
	s5 =	simm.s32 $0xFFFFFFFF;
	p2 =	slt.u32 s8, $0xFFFFF086  }
0x1c: {  	p1 =	slt.u32 s9, $0xF7A;
	s5 =	simm.s32 @!p2 $0x0  }
0x1d: {  	s5 =	simm.s32 @p1 $0x1;
	p0 =	seq.s32 s7, s2  }
0x1e: {  	s7 =	smul.u32 @!p0 $0xF7A, s2;
	p2 =	seq.s32 @!p0 s5, $0x0  }
0x1f: {  	s9 =	smul.u32 $0xF7A, s1;
	s8 =	simm.s32 @!p0 $0x1BF5;
	p2 =	por !p2, p0  }
0x20: {  	[sflag:s8] =	ssyncset.s32 @!p0 $0xFFFFF086;
	s6 =	sadd.s32 @!p0 s3, s7;
	s7 =	simm.s32 @!p0 $0x108  }
0x21: {  	s3 =	sadd.s32 s3, s9;
	s6 =	sadd.s32 @!p0 $0x88, s6;
	s7 =	simm.s32 @p2 $0x1082  }
0x22: {  	[simem:s7], [sflag:s8] =	dma.local @!p0 [hbm:s6], $0xF7A  }
0x23: {  	s9 =	sor.u32 $0xD0000000, s2;
	s6 =	simm.s32 $0x108;
	_ =	swait.ge @!p0 [sflag:s8], $0x0  }
0x24: {  	s3 =	sadd.s32 $0x88, s3;
	s6 =	simm.s32 @!p1 $0x1082;
	[sflag:s4] =	ssyncset.s32 $0xFFFFF086  }
0x25: {  	[simem:s6], [sflag:s4] =	dma.local [hbm:s3], $0xF7A  }
0x26: {  	[smem:$0x3F9E] =	sst s1;
	(tag) =	ssettag s2;
	_ =	strace s9  }
0x27: {  	s1 =	sld [smem:$0x3FAE]  }
0x28: {  	s2 =	sld [smem:$0x3FAF]  }
0x29: {  	s4 =	sld [smem:$0x3FB1]  }
0x2a: {  	p0 =	seq.s32 s5, $0x0;
	s5 =	sld [smem:$0x3FB2]  }
0x2b: {  	s6 =	sld [smem:$0x3FB3]  }
0x2c: {  	s7 =	sld [smem:$0x3FB4]  }
0x2d: {  	s3 =	simm.s32 $0x108;
	s8 =	sld [smem:$0x3FB5]  }
0x2e: {  	s3 =	simm.s32 @!p0 $0x1082;
	s9 =	sld [smem:$0x3FB6]  }
0x2f: {  	lr =	sadd.s32 s0, s3;
	s0 =	sld [smem:$0x3FAD]  }
0x30: {  	s3 =	sld [smem:$0x3FB0]  }
0x31: {  	[smem:$0x3FB9] =	sst s10  }
0x32: {  	s10 =	sld [smem:$0x3FB7];
	_ =	sdelay $0x3  }
0x33: {  	p0 =	seq.s32 s10, $0x1;
	s10 =	sld [smem:$0x3FB9];
	_ =	sdelay $0x3  }
0x34: {  	[smem:$0x3FB9] =	sst s10  }
0x35: {  	s10 =	sld [smem:$0x3FB8];
	_ =	sdelay $0x3  }
0x36: {  	p1 =	seq.s32 s10, $0x1;
	s10 =	sld [smem:$0x3FB9];
	_ =	sdelay $0x3  }
0x37: {  	[smem:$0x3FB9] =	sst s10  }
0x38: {  	s10 =	sld [smem:$0x3FBA]  }
0x39: {  	_ = 	snop;
	(pc) =	sbr.ind lr, $3  }
0x3a: {  	_ = 	snop  }
0x3b: {  	_ = 	snop  }
0x3c: {  	p2 =	seq.s32 s10, $0x1;
	s10 =	sld [smem:$0x3FB9]  }
0x3d: {  	_ =	shalt  }
0x3e: {  	_ =	shalt  }
0x3f: {  	_ =	shalt  }
0x40: {  	_ =	shalt  }
0x41: {  	_ =	shalt  }
0x42: {  	_ =	shalt  }
0x43: {  	_ =	shalt  }
0x44: {  	_ =	shalt  }
0x45: {  	_ =	shalt  }
0x46: {  	_ =	shalt  }
0x47: {  	_ =	shalt  }
0x48: {  	_ =	shalt  }
0x49: {  	_ =	shalt  }
0x4a: {  	_ =	shalt  }
0x4b: {  	_ =	shalt  }
0x4c: {  	_ =	shalt  }
0x4d: {  	_ =	shalt  }
0x4e: {  	_ =	shalt  }
0x4f: {  	_ =	shalt  }
0x50: {  	_ =	shalt  }
0x51: {  	_ =	shalt  }
0x52: {  	_ =	shalt  }
0x53: {  	_ =	shalt  }
0x54: {  	_ =	shalt  }
0x55: {  	_ =	shalt  }
0x56: {  	_ =	shalt  }
0x57: {  	_ =	shalt  }
0x58: {  	_ =	shalt  }
0x59: {  	_ =	shalt  }
0x5a: {  	_ =	shalt  }
0x5b: {  	_ =	shalt  }
0x5c: {  	_ =	shalt  }
0x5d: {  	_ =	shalt  }
0x5e: {  	_ =	shalt  }
0x5f: {  	_ =	shalt  }
0x60: {  	_ =	shalt  }
0x61: {  	_ =	shalt  }
0x62: {  	_ =	shalt  }
0x63: {  	_ =	shalt  }
0x64: {  	_ =	shalt  }
0x65: {  	_ =	shalt  }
0x66: {  	_ =	shalt  }
0x67: {  	_ =	shalt  }
0x68: {  	_ =	shalt  }
0x69: {  	_ =	shalt  }
0x6a: {  	_ =	shalt  }
0x6b: {  	_ =	shalt  }
0x6c: {  	_ =	shalt  }
0x6d: {  	_ =	shalt  }
0x6e: {  	_ =	shalt  }
0x6f: {  	_ =	shalt  }
0x70: {  	_ =	shalt  }
0x71: {  	_ =	shalt  }
0x72: {  	_ =	shalt  }
0x73: {  	_ =	shalt  }
0x74: {  	_ =	shalt  }
0x75: {  	_ =	shalt  }
0x76: {  	_ =	shalt  }
0x77: {  	_ =	shalt  }
0x78: {  	_ =	shalt  }
0x79: {  	_ =	shalt  }
0x7a: {  	_ =	shalt  }
0x7b: {  	_ =	shalt  }
0x7c: {  	_ =	shalt  }
0x7d: {  	_ =	shalt  }
0x7e: {  	_ =	shalt  }
0x7f: {  	_ =	shalt  }
0x80: {  	_ =	shalt  }
0x81: {  	_ =	shalt  }
0x82: {  	_ =	shalt  }
0x83: {  	_ =	shalt  }
0x84: {  	_ =	shalt  }
0x85: {  	_ =	shalt  }
0x86: {  	_ =	shalt  }
0x87: {  	_ =	shalt  }
.Lfunc_end0:
.L_simem_size_0:
called_computation_lowered:
.L_overlay_start_0:
0x88: {  	s2 =	sld [smem:$0x3FD9]  }
0x89: {  	s3 =	sld [smem:$0x3FFE];
	_ =	sdelay $0x1  }
0x8a: {  	s1 =	srdreg.scid  }
0x8b: {  	s0 =	sand.u32 $0x1, s1  }
0x8c: {  	s15 =	sshll.u32 s0, $0xA;
	s2 =	sadd.s32 s3, s2  }
0x8d: {  	s2 =	sadd.s32 s2, s15  }
0x8e: {  	[smem:$0x3FC5] =	sst s2  }
0x8f: {  	_ = 	snop  }
0x90: {  	s2 =	sld [smem:$0x3FD0]  }
0x91: {  	s16 =	sld [smem:$0x3FC9]  }
0x92: {  	s4 =	sld [smem:$0x3FC8]  }
0x93: {  	s6 =	simm.s32 $0xA;
	s7 =	simm.s32 $0x10;
	s5 =	sld [smem:$0x3FC7]  }
0x94: {  	[smem:s7], [sflag:s6] =	dma.local [hbm:s2], $0x1  }
0x95: {  	_ =	swait.eq [sflag:s6], $0x1  }
0x96: {  	s17 =	sld [smem:$0x10];
	[sflag:s6] =	ssyncset.done $0x0  }
0x97: {  	s18 =	sld [smem:$0x11];
	[sflag:s6] =	ssyncadd.s32 $0xFFFFFFFF  }
0x98: {  	s19 =	sld [smem:$0x12];
	(tm) =	ssettm $0x1  }
0x99: {  	s8 =	sld [smem:$0x3FFB];
	_ =	sdelay $0x3  }
0x9a: {  	_ =	strace s8  }
0x9b: {  	s8 =	sld [smem:$0x3FFC];
	_ =	sdelay $0x3  }
0x9c: {  	_ =	strace s8  }
0x9d: {  	s8 =	sld [smem:$0x3FFD];
	_ =	sdelay $0x3  }
0x9e: {  	_ =	strace s8  }
0x9f: {  	_ =	strace $0x8FFFFFFF  }
0xa0: {  	s20 =	sld [smem:$0x3FDB];
	_ =	sdelay $0x1  }
0xa1: {  	s9 =	simm.s32 $_scs_section_size  }
0xa2: {  	s10 =	simm.s32 $_size__tile_overlayer_lowered;
	s11 =	simm.s32 $_tile_overlayer_lowered  }
0xa3: {  	s23 =	simm.s32 $0x1BFF;
	s22 =	sshll.u32 s11, $0x1;
	s8 =	sadd.s32 s9, s20  }
0xa4: {  	s12 =	simm.s32 $0x0;
	s21 =	sshll.u32 s10, $0x1;
	s10 =	sadd.s32 s22, s8  }
0xa5: {  	[timem:s12], [sflag:s23] =	dma.local [hbm:s10], s21  }
0xa6: {  	_ =	swait.ge [sflag:s23], s21  }
0xa7: {  	s9 =	ssub.s32 $0x0, s21;
	[sflag:s23] =	ssyncset.done $0x0  }
0xa8: {  	[sflag:s23] =	ssyncadd.s32 s9;
	_ =	sdelay $0x1  }
0xa9: {  	s24 =	simm.s32 $0x1B8B  }
0xaa: {  	_ =	swait.ge [sflag:s24], $0x1  }
0xab: {  	[sflag:s24] =	ssyncset.done $0x0  }
0xac: {  	s25 =	simm.s32 $0x1B8E;
	[sflag:s24] =	ssyncadd.s32 $0xFFFFFFFF  }
0xad: {  	s26 =	simm.s32 $execute0_lowered;
	[smem:$0x3FD2] =	sst s25  }
0xae: {  	s9 =	sshll.u32 s26, $0x1;
	_ =	strace $0x80000046;
	[dreg:$0x1] =	wrdreg $0xFFFFFFFF  }
0xaf: {  	s28 =	simm.s32 $_size_execute0_lowered;
	s8 =	sadd.s32 s8, s9;
	[dreg:$0x0] =	wrdreg $0x0  }
0xb0: {  	s9 =	sshll.u32 s28, $0x1;
	[dreg:$0x2] =	wrdreg s8  }
0xb1: {  	[dreg:$0x3] =	wrdreg s9  }
0xb2: {  	[dreg:$0x4] =	wrdreg $0xC0  }
0xb3: {  	_ =	task [dreg:s12], $0x5FFFF  }
0xb4: {  	[dreg:$0x1] =	wrdreg $0xFFFFFFFF  }
0xb5: {  	[dreg:$0x0] =	wrdreg $0x60  }
0xb6: {  	[dreg:$0x2] =	wrdreg s16  }
0xb7: {  	[dreg:$0x3] =	wrdreg s4  }
0xb8: {  	[dreg:$0x4] =	wrdreg s5  }
0xb9: {  	[dreg:$0x5] =	wrdreg s17  }
0xba: {  	[dreg:$0x6] =	wrdreg s18  }
0xbb: {  	[dreg:$0x7] =	wrdreg s19  }
0xbc: {  	[dreg:$0x8] =	wrdreg $0x6C000  }
0xbd: {  	[dreg:$0x9] =	wrdreg $0x9  }
0xbe: {  	_ =	task.clear_ibuf [dreg:s12], $0xAFFFF;
	_ =	strace $0x90000046  }
0xbf: {  	s29 =	simm.s32 $0x9;
	_ =	strace $0x80000048  }
0xc0: {  	_ =	swait.ge [sflag:s29], $0x1  }
0xc1: {  	[sflag:s29] =	ssyncadd.s32 $0xFFFFFFFF  }
0xc2: {  	_ =	strace $0x90000048  }
0xc3: {  	_ =	sfence  }
0xc4: {  	s30 =	sld [smem:$0x0];
	_ =	sdelay $0x2  }
0xc5: {  	s31 =	sshll.u32 s1, $0xD;
	s1 =	sshrl.u32 s1, $0x2  }
0xc6: {  	s3 =	sand.u32 $0x4000, s31;
	s1 =	sadd.s32 s1, s30  }
0xc7: {  	s0 =	sor.u32 s3, s0;
	s1 =	sshll.u32 s1, $0x11  }
0xc8: {  	s0 =	sor.u32 s1, s0  }
0xc9: {  	s0 =	sadd.s32 $0x8F2B, s0  }
0xca: {  	[sflag:s0] =	ssyncadd.remote.s32 $0x1  }
0xcb: {  	_ =	sfence.sel $0xFFFF  }
0xcc: {  	[dreg:$0x0] =	wrdreg $0xFFFFFFFF;
	(pc) =	sbr.abs _section_cstart, $3  }
0xcd: {  	[dreg:$0x1] =	wrdreg $0xFFFFFFFF  }
0xce: {  	_ =	task.clear_ibuf [dreg:s12], $0x2FFFF;
	_ =	strace $0x9FFFFFFF  }
0xcf: {  	(tm) =	ssettm $0x7FFFFFFF  }
tec
execute0_lowered:
.L_overlay_start_1:
0x0: {  	(tag) =	ssettag $0x1  }
0x1: {  	s0 =	rddreg [dreg:$0x0]  }
0x2: {  	s5 =	rddreg [dreg:$0x1]  }
0x3: {  	s1 =	rddreg [dreg:$0x2]  }
0x4: {  	s7 =	rddreg [dreg:$0x3]  }
0x5: {  	s6 =	rddreg [dreg:$0x4]  }
0x6: {  	s8 =	rddreg [dreg:$0x5]  }
0x7: {  	s2 =	rddreg [dreg:$0x6]  }
0x8: {  	s9 =	srdreg.scid;
	s3 =	stileid.u32  }
0x9: {  	s4 =	simm.s32 $0x0;
	s11 =	sand.u32 $0x1, s9;
	s22 =	smul.u32 $0x180, s3  }
0xa: {  	[smem:$0x7FF] =	sst s4;
	p0 =	sne.s32 s3, $0xF;
	p1 =	seq.s32 s3, $0x0  }
0xb: {  	p2 =	sne.s32 s3, $0x0;
	s10 =	smul.u32 $0x1388, s11;
	s12 =	ssub.s32 $0x2, s11  }
0xc: {  	_ =	strace $0x80000047;
	s9 =	smin.u32 s22, $0x1200;
	s14 =	sshrl.u32 s12, $0x1  }
0xd: {  	s22 =	sshll.u32 s11, $0x5;
	s13 =	sadd.s32 s10, s9;
	s10 =	sshrl.u32 s10, $0x3  }
0xe: {  	s12 =	ssub.s32 s12, s14;
	s24 =	sor.u32 $0x10, s9;
	s25 =	sor.u32 $0x20, s9  }
0xf: {  	s26 =	sor.u32 $0x30, s9;
	s30 =	sor.u32 $0x40, s9;
	s15 =	sor.u32 $0x50, s9  }
0x10: {  	s16 =	sor.u32 $0x60, s9;
	s17 =	sor.u32 $0x70, s9;
	s18 =	sadd.s32 $0x80, s9  }
0x11: {  	s19 =	sadd.s32 $0x90, s9;
	s20 =	sadd.s32 $0xA0, s9;
	s21 =	sadd.s32 $0xB0, s9  }
0x12: {  	s8 =	sadd.s32 s8, s22;
	s6 =	sadd.s32 s6, s22;
	s22 =	sadd.s32 $0xE0, s9  }
0x13: {  	s28 =	sadd.s32 $0x140, s9;
	s29 =	sadd.s32 $0x150, s9;
	s31 =	sadd.s32 $0x170, s9  }
0x14: {  	s14 =	simm.s32 $0x4;
	s13 =	sshrl.u32 s13, $0x3;
	[dreg:$0xa] =	wrdreg s8  }
0x15: {  	v0 =	vlaneseq.u32;
	s10 =	sadd.s32 s5, s10;
	[dreg:$0xb] =	wrdreg s6;
	s6 =	sadd.s32 $0xC0, s9  }
0x16: {  	v22 =	vimm.s32 $0x76543210;
	s8 =	sadd.s32 $0xD0, s9;
	v1 =	vor.u32 s24, v0;
	v2 =	vor.u32 s25, v0;
	s24 =	sadd.s32 $0x110, s9;
	s25 =	sadd.s32 $0x120, s9  }
0x17: {  	v3 =	vor.u32 s26, v0;
	v4 =	vor.u32 s30, v0;
	s26 =	sadd.s32 $0x130, s9;
	v8 =	vor.u32 s18, v0;
	s30 =	sadd.s32 $0x160, s9;
	s18 =	smul.u32 $0x9D0, s11  }
0x18: {  	v5 =	vor.u32 s15, v0;
	v7 =	vor.u32 s17, v0;
	v12 =	vor.u32 s21, v0;
	s21 =	smax.u32 s12, $0x1;
	s15 =	simm.s32 $0x1;
	s17 =	simm.s32 $0x1600  }
0x19: {  	v9 =	vor.u32 s19, v0;
	v15 =	vor.u32 s22, v0;
	v21 =	vor.u32 s28, v0;
	s19 =	simm.s32 $0x2;
	s22 =	simm.s32 $0xC00;
	s28 =	simm.s32 $0x400  }
0x1a: {  	v26 =	vunpack.c.l.s4.s8 v22;
	v22 =	vor.u32 s29, v0;
	v24 =	vor.u32 s31, v0;
	s29 =	simm.s32 $0x200;
	s31 =	simm.s32 $0x6B00;
	s5 =	sadd.s32 s5, s13  }
0x1b: {  	v25 =	vimm.f32 $-Inf;
	s23 =	sadd.s32 $0x270, s10;
	s10 =	smul.u32 $0x186A000, s11;
	[dreg:$0xe] =	wrdreg s21  }
0x1c: {  	v27 =	vimm.s32 $0x0;
	vm15 =	vcmask $0x2300;
	v28 =	vimm.s32 $0x139F;
	s11 =	sshll.u32 s11, $0x7;
	s21 =	simm.s32 $0xB00;
	[dreg:$0x8] =	wrdreg s5  }
0x1d: {  	vm0 =	vmmov @!p0 $0xff;
	v18 =	vor.u32 s24, v0;
	v20 =	vor.u32 s26, v0;
	s24 =	simm.s32 $0xD00;
	s26 =	simm.s32 $0x100;
	[dreg:$0x9] =	wrdreg s23  }
.Ltmp0:
0x1e: {  	v30 =	vimm.f32 $1.000000000e+00;
	v27 =	vsel vm0, $0xFFFFFFFF, v27;
	v29 =	vunpack.c.0.s8.s32 v26;
	s23 =	sadd.s32 $0xF0, s9;
	s5 =	sadd.s32 $0x100, s9;
	(pc) =	sbr.rel .LBB2_1-.Ltmp0, $4  }
0x1f: {  	v26 =	vimm.s32 $0x0;
	v11 =	vor.u32 s9, v0;
	v10 =	vor.u32 s20, v0;
	s9 =	sshll.u32 s9, $0x3;
	s1 =	sadd.s32 s1, s18;
	s20 =	sadd.s32 s7, s11  }
0x20: {  	[tilespmem:$0x1FFF0] =	vst v27;
	v27 =	vimm.f32 $0.0e+00;
	v6 =	vor.u32 s16, v0;
	v29 =	vnsel vm15, $0x0, v29;
	s18 =	simm.s32 $0xE00;
	[dreg:$0xc] =	wrdreg s1;
	s1 =	simm.s32 @!p1 $0x0  }
0x21: {  	v13 =	vor.u32 s6, v0;
	v14 =	vor.u32 s8, v0;
	v19 =	vor.u32 s25, v0;
	[dreg:$0xd] =	wrdreg s20;
	s20 =	simm.s32 $0x3;
	s1 =	simm.s32 @p1 $0x1  }
0x22: {  	v23 =	vor.u32 s30, v0;
	v16 =	vor.u32 s23, v0;
	v17 =	vor.u32 s5, v0;
	s23 =	simm.s32 $0x1A80;
	[smem:$0x7FD] =	sst s1;
	s1 =	simm.s32 $0x0  }
.LBB2_24:
0x23: {  	s5 =	rddreg [dreg:$0xa]  }
0x24: {  	[hbm4b:s5+s4] =	stream.linear.scatter [tilespmem:s21], [sflag:$0x4], $0x100, $0x38;
	[tilespmem:$0x6C40] =	vst v63  }
0x25: {  	_ =	swait.ge [sflag:s14], $0x100  }
0x26: {  	[sflag:s14] =	ssyncset.done $0x0  }
0x27: {  	s16 =	rddreg [dreg:$0xb];
	[sflag:s14] =	ssyncadd.s32 $0xFFFFFF00  }
0x28: {  	[hbm4b:s16+s4] =	stream.linear.scatter [tilespmem:s22], [sflag:$0x4], $0x100, $0x38;
	[tilespmem:$0x6C40] =	vst v63  }
0x29: {  	_ =	swait.ge [sflag:s14], $0x100  }
0x2a: {  	[sflag:s14] =	ssyncset.done $0x0  }
0x2b: {  	v31 =	vshrl.u32 v0, $0x2;
	s25 =	rddreg [dreg:$0xc];
	[sflag:s14] =	ssyncadd.s32 $0xFFFFFF00  }
0x2c: {  	[tilespmem:s23], [sflag:$0x4] =	stream.linear.gather [hbm4b:s25+s4], $0x4E80, $0x38;
	[tilespmem:$0x6C40] =	vst v63  }
0x2d: {  	_ =	swait.ge [sflag:s14], $0x4E80  }
0x2e: {  	[sflag:s14] =	ssyncset.done $0x0  }
0x2f: {  	[sflag:s14] =	ssyncadd.s32 $0xFFFFB180  }
0x30: {  	v32 =	vld.idx.msk [tilespmem:v31+s24+$0x0], $0xffff;
	_ =	sdelay $0x4  }
0x31: {  	v33 =	vshll.u32 v32, $0x2;
	v32 =	vand.u32 $0x3, v0  }
0x32: {  	v33 =	vor.u32 v32, v33;
	_ =	sdelay $0x4  }
0x33: {  	v33 =	vld.idx.msk [tilespmem:v33+s23+$0x0], $0xffff  }
0x34: {  	v34 =	vor.u32 $0x4, v31;
	_ =	sdelay $0x3  }
0x35: {  	[tilespmem:$0x1680] =	vst v33  }
0x36: {  	v33 =	vld.idx.msk [tilespmem:v34+s24+$0x0], $0xffff;
	_ =	sdelay $0x4  }
0x37: {  	v33 =	vshll.u32 v33, $0x2  }
0x38: {  	v33 =	vor.u32 v32, v33;
	_ =	sdelay $0x4  }
0x39: {  	v33 =	vld.idx.msk [tilespmem:v33+s23+$0x0], $0xffff  }
0x3a: {  	v59 =	vor.u32 $0x8, v31;
	_ =	sdelay $0x3  }
0x3b: {  	[tilespmem:$0x1690] =	vst v33  }
0x3c: {  	v33 =	vld.idx.msk [tilespmem:v59+s24+$0x0], $0xffff;
	_ =	sdelay $0x4  }
0x3d: {  	v33 =	vshll.u32 v33, $0x2  }
0x3e: {  	v33 =	vor.u32 v32, v33;
	_ =	sdelay $0x4  }
0x3f: {  	v33 =	vld.idx.msk [tilespmem:v33+s23+$0x0], $0xffff  }
0x40: {  	v60 =	vor.u32 $0xC, v31;
	_ =	sdelay $0x3  }
0x41: {  	[tilespmem:$0x16A0] =	vst v33  }
0x42: {  	v33 =	vld.idx.msk [tilespmem:v60+s24+$0x0], $0xffff;
	_ =	sdelay $0x4  }
0x43: {  	v33 =	vshll.u32 v33, $0x2  }
0x44: {  	v33 =	vor.u32 v32, v33;
	_ =	sdelay $0x4  }
0x45: {  	v33 =	vld.idx.msk [tilespmem:v33+s23+$0x0], $0xffff  }
0x46: {  	v61 =	vor.u32 $0x10, v31;
	_ =	sdelay $0x3  }
0x47: {  	[tilespmem:$0x16B0] =	vst v33  }
0x48: {  	v33 =	vld.idx.msk [tilespmem:v61+s24+$0x0], $0xffff;
	_ =	sdelay $0x4  }
0x49: {  	v33 =	vshll.u32 v33, $0x2  }
0x4a: {  	v33 =	vor.u32 v32, v33;
	_ =	sdelay $0x4  }
0x4b: {  	v33 =	vld.idx.msk [tilespmem:v33+s23+$0x0], $0xffff  }
0x4c: {  	v62 =	vor.u32 $0x14, v31;
	_ =	sdelay $0x3  }
0x4d: {  	[tilespmem:$0x16C0] =	vst v33  }
0x4e: {  	v33 =	vld.idx.msk [tilespmem:v62+s24+$0x0], $0xffff;
	_ =	sdelay $0x4  }
0x4f: {  	v33 =	vshll.u32 v33, $0x2  }
0x50: {  	v33 =	vor.u32 v32, v33;
	_ =	sdelay $0x4  }
0x51: {  	v33 =	vld.idx.msk [tilespmem:v33+s23+$0x0], $0xffff  }
0x52: {  	v63 =	vor.u32 $0x18, v31;
	_ =	sdelay $0x3  }
0x53: {  	[tilespmem:$0x16D0] =	vst v33  }
0x54: {  	v33 =	vld.idx.msk [tilespmem:v63+s24+$0x0], $0xffff;
	_ =	sdelay $0x4  }
0x55: {  	v33 =	vshll.u32 v33, $0x2  }
0x56: {  	v33 =	vor.u32 v32, v33;
	_ =	sdelay $0x4  }
0x57: {  	v33 =	vld.idx.msk [tilespmem:v33+s23+$0x0], $0xffff  }
0x58: {  	v36 =	vor.u32 $0x1C, v31;
	_ =	sdelay $0x3  }
0x59: {  	[tilespmem:$0x16E0] =	vst v33  }
0x5a: {  	v33 =	vld.idx.msk [tilespmem:v36+s24+$0x0], $0xffff;
	_ =	sdelay $0x4  }
0x5b: {  	v33 =	vshll.u32 v33, $0x2  }
0x5c: {  	v33 =	vor.u32 v32, v33;
	_ =	sdelay $0x4  }
0x5d: {  	v33 =	vld.idx.msk [tilespmem:v33+s23+$0x0], $0xffff  }
0x5e: {  	v37 =	vor.u32 $0x20, v31;
	_ =	sdelay $0x3  }
0x5f: {  	[tilespmem:$0x16F0] =	vst v33  }
0x60: {  	v33 =	vld.idx.msk [tilespmem:v37+s24+$0x0], $0xffff;
	_ =	sdelay $0x4  }
0x61: {  	v33 =	vshll.u32 v33, $0x2  }
0x62: {  	v33 =	vor.u32 v32, v33;
	_ =	sdelay $0x4  }
0x63: {  	v33 =	vld.idx.msk [tilespmem:v33+s23+$0x0], $0xffff  }
0x64: {  	v38 =	vor.u32 $0x24, v31;
	_ =	sdelay $0x3  }
0x65: {  	[tilespmem:$0x1700] =	vst v33  }
0x66: {  	v33 =	vld.idx.msk [tilespmem:v38+s24+$0x0], $0xffff;
	_ =	sdelay $0x4  }
0x67: {  	v33 =	vshll.u32 v33, $0x2  }
0x68: {  	v33 =	vor.u32 v32, v33;
	_ =	sdelay $0x4  }
0x69: {  	v33 =	vld.idx.msk [tilespmem:v33+s23+$0x0], $0xffff  }
0x6a: {  	v39 =	vor.u32 $0x28, v31;
	_ =	sdelay $0x3  }
0x6b: {  	[tilespmem:$0x1710] =	vst v33  }
0x6c: {  	v33 =	vld.idx.msk [tilespmem:v39+s24+$0x0], $0xffff;
	_ =	sdelay $0x4  }
0x6d: {  	v33 =	vshll.u32 v33, $0x2  }
0x6e: {  	v33 =	vor.u32 v32, v33;
	_ =	sdelay $0x4  }
0x6f: {  	v33 =	vld.idx.msk [tilespmem:v33+s23+$0x0], $0xffff  }
0x70: {  	v40 =	vor.u32 $0x2C, v31;
	_ =	sdelay $0x3  }
0x71: {  	[tilespmem:$0x1720] =	vst v33  }
0x72: {  	v33 =	vld.idx.msk [tilespmem:v40+s24+$0x0], $0xffff;
	_ =	sdelay $0x4  }
0x73: {  	v33 =	vshll.u32 v33, $0x2  }
0x74: {  	v33 =	vor.u32 v32, v33;
	_ =	sdelay $0x4  }
0x75: {  	v33 =	vld.idx.msk [tilespmem:v33+s23+$0x0], $0xffff  }
0x76: {  	v41 =	vor.u32 $0x30, v31;
	_ =	sdelay $0x3  }
0x77: {  	[tilespmem:$0x1730] =	vst v33  }
0x78: {  	v33 =	vld.idx.msk [tilespmem:v41+s24+$0x0], $0xffff;
	_ =	sdelay $0x4  }
0x79: {  	v33 =	vshll.u32 v33, $0x2  }
0x7a: {  	v33 =	vor.u32 v32, v33;
	_ =	sdelay $0x4  }
0x7b: {  	v33 =	vld.idx.msk [tilespmem:v33+s23+$0x0], $0xffff  }
0x7c: {  	v42 =	vor.u32 $0x34, v31;
	_ =	sdelay $0x3  }
0x7d: {  	[tilespmem:$0x1740] =	vst v33  }
0x7e: {  	v33 =	vld.idx.msk [tilespmem:v42+s24+$0x0], $0xffff;
	_ =	sdelay $0x4  }
0x7f: {  	v33 =	vshll.u32 v33, $0x2  }
0x80: {  	v33 =	vor.u32 v32, v33;
	_ =	sdelay $0x4  }
0x81: {  	v33 =	vld.idx.msk [tilespmem:v33+s23+$0x0], $0xffff  }
0x82: {  	v43 =	vor.u32 $0x38, v31;
	_ =	sdelay $0x3  }
0x83: {  	[tilespmem:$0x1750] =	vst v33  }
0x84: {  	v33 =	vld.idx.msk [tilespmem:v43+s24+$0x0], $0xffff;
	_ =	sdelay $0x4  }
0x85: {  	v33 =	vshll.u32 v33, $0x2  }
0x86: {  	v33 =	vor.u32 v32, v33;
	_ =	sdelay $0x4  }
0x87: {  	v33 =	vld.idx.msk [tilespmem:v33+s23+$0x0], $0xffff  }
0x88: {  	v44 =	vor.u32 $0x3C, v31;
	_ =	sdelay $0x3  }
0x89: {  	[tilespmem:$0x1760] =	vst v33  }
0x8a: {  	v33 =	vld.idx.msk [tilespmem:v44+s24+$0x0], $0xffff;
	_ =	sdelay $0x4  }
0x8b: {  	v33 =	vshll.u32 v33, $0x2  }
0x8c: {  	v33 =	vor.u32 v32, v33;
	_ =	sdelay $0x4  }
0x8d: {  	v33 =	vld.idx.msk [tilespmem:v33+s23+$0x0], $0xffff  }
0x8e: {  	v45 =	vor.u32 $0x40, v31;
	_ =	sdelay $0x3  }
0x8f: {  	[tilespmem:$0x1770] =	vst v33  }
0x90: {  	v33 =	vld.idx.msk [tilespmem:v45+s24+$0x0], $0xffff;
	_ =	sdelay $0x4  }
0x91: {  	v33 =	vshll.u32 v33, $0x2  }
0x92: {  	v33 =	vor.u32 v32, v33;
	_ =	sdelay $0x4  }
0x93: {  	v33 =	vld.idx.msk [tilespmem:v33+s23+$0x0], $0xffff  }
0x94: {  	v46 =	vor.u32 $0x44, v31;
	_ =	sdelay $0x3  }
0x95: {  	[tilespmem:$0x1780] =	vst v33  }
0x96: {  	v33 =	vld.idx.msk [tilespmem:v46+s24+$0x0], $0xffff;
	_ =	sdelay $0x4  }
0x97: {  	v33 =	vshll.u32 v33, $0x2  }
0x98: {  	v33 =	vor.u32 v32, v33;
	_ =	sdelay $0x4  }
0x99: {  	v33 =	vld.idx.msk [tilespmem:v33+s23+$0x0], $0xffff  }
0x9a: {  	v47 =	vor.u32 $0x48, v31;
	_ =	sdelay $0x3  }
0x9b: {  	[tilespmem:$0x1790] =	vst v33  }
0x9c: {  	v33 =	vld.idx.msk [tilespmem:v47+s24+$0x0], $0xffff;
	_ =	sdelay $0x4  }
0x9d: {  	v33 =	vshll.u32 v33, $0x2  }
0x9e: {  	v33 =	vor.u32 v32, v33;
	_ =	sdelay $0x4  }
0x9f: {  	v33 =	vld.idx.msk [tilespmem:v33+s23+$0x0], $0xffff  }
0xa0: {  	v48 =	vor.u32 $0x4C, v31;
	_ =	sdelay $0x3  }
0xa1: {  	[tilespmem:$0x17A0] =	vst v33  }
0xa2: {  	v33 =	vld.idx.msk [tilespmem:v48+s24+$0x0], $0xffff;
	_ =	sdelay $0x4  }
0xa3: {  	v33 =	vshll.u32 v33, $0x2  }
0xa4: {  	v33 =	vor.u32 v32, v33;
	_ =	sdelay $0x4  }
0xa5: {  	v33 =	vld.idx.msk [tilespmem:v33+s23+$0x0], $0xffff  }
0xa6: {  	v49 =	vor.u32 $0x50, v31;
	_ =	sdelay $0x3  }
0xa7: {  	[tilespmem:$0x17B0] =	vst v33  }
0xa8: {  	v33 =	vld.idx.msk [tilespmem:v49+s24+$0x0], $0xffff;
	_ =	sdelay $0x4  }
0xa9: {  	v33 =	vshll.u32 v33, $0x2  }
0xaa: {  	v33 =	vor.u32 v32, v33;
	_ =	sdelay $0x4  }
0xab: {  	v33 =	vld.idx.msk [tilespmem:v33+s23+$0x0], $0xffff  }
0xac: {  	v50 =	vor.u32 $0x54, v31;
	_ =	sdelay $0x3  }
0xad: {  	[tilespmem:$0x17C0] =	vst v33  }
0xae: {  	v33 =	vld.idx.msk [tilespmem:v50+s24+$0x0], $0xffff;
	_ =	sdelay $0x4  }
0xaf: {  	v33 =	vshll.u32 v33, $0x2  }
0xb0: {  	v33 =	vor.u32 v32, v33;
	_ =	sdelay $0x4  }
0xb1: {  	v33 =	vld.idx.msk [tilespmem:v33+s23+$0x0], $0xffff  }
0xb2: {  	v51 =	vor.u32 $0x58, v31;
	_ =	sdelay $0x3  }
0xb3: {  	[tilespmem:$0x17D0] =	vst v33  }
0xb4: {  	v33 =	vld.idx.msk [tilespmem:v51+s24+$0x0], $0xffff;
	_ =	sdelay $0x4  }
0xb5: {  	v33 =	vshll.u32 v33, $0x2  }
0xb6: {  	v33 =	vor.u32 v32, v33;
	_ =	sdelay $0x4  }
0xb7: {  	v33 =	vld.idx.msk [tilespmem:v33+s23+$0x0], $0xffff  }
0xb8: {  	v52 =	vor.u32 $0x5C, v31;
	_ =	sdelay $0x3  }
0xb9: {  	[tilespmem:$0x17E0] =	vst v33  }
0xba: {  	v33 =	vld.idx.msk [tilespmem:v52+s24+$0x0], $0xffff;
	_ =	sdelay $0x4  }
0xbb: {  	v33 =	vshll.u32 v33, $0x2  }
0xbc: {  	v33 =	vor.u32 v32, v33;
	_ =	sdelay $0x4  }
0xbd: {  	v33 =	vld.idx.msk [tilespmem:v33+s23+$0x0], $0xffff  }
0xbe: {  	v53 =	vor.u32 $0x60, v31;
	_ =	sdelay $0x3  }
0xbf: {  	[tilespmem:$0x17F0] =	vst v33  }
0xc0: {  	v33 =	vld.idx.msk [tilespmem:v53+s24+$0x0], $0xffff;
	_ =	sdelay $0x4  }
0xc1: {  	v33 =	vshll.u32 v33, $0x2  }
0xc2: {  	v33 =	vor.u32 v32, v33;
	_ =	sdelay $0x4  }
0xc3: {  	v33 =	vld.idx.msk [tilespmem:v33+s23+$0x0], $0xffff  }
0xc4: {  	v54 =	vor.u32 $0x64, v31;
	_ =	sdelay $0x3  }
0xc5: {  	[tilespmem:$0x1800] =	vst v33  }
0xc6: {  	v33 =	vld.idx.msk [tilespmem:v54+s24+$0x0], $0xffff;
	_ =	sdelay $0x4  }
0xc7: {  	v33 =	vshll.u32 v33, $0x2  }
0xc8: {  	v33 =	vor.u32 v32, v33;
	_ =	sdelay $0x4  }
0xc9: {  	v33 =	vld.idx.msk [tilespmem:v33+s23+$0x0], $0xffff  }
0xca: {  	v55 =	vor.u32 $0x68, v31;
	_ =	sdelay $0x3  }
0xcb: {  	[tilespmem:$0x1810] =	vst v33  }
0xcc: {  	v33 =	vld.idx.msk [tilespmem:v55+s24+$0x0], $0xffff;
	_ =	sdelay $0x4  }
0xcd: {  	v33 =	vshll.u32 v33, $0x2  }
0xce: {  	v33 =	vor.u32 v32, v33;
	_ =	sdelay $0x4  }
0xcf: {  	v33 =	vld.idx.msk [tilespmem:v33+s23+$0x0], $0xffff  }
0xd0: {  	v56 =	vor.u32 $0x6C, v31;
	_ =	sdelay $0x3  }
0xd1: {  	[tilespmem:$0x1820] =	vst v33  }
0xd2: {  	v33 =	vld.idx.msk [tilespmem:v56+s24+$0x0], $0xffff;
	_ =	sdelay $0x4  }
0xd3: {  	v33 =	vshll.u32 v33, $0x2  }
0xd4: {  	v33 =	vor.u32 v32, v33;
	_ =	sdelay $0x4  }
0xd5: {  	v33 =	vld.idx.msk [tilespmem:v33+s23+$0x0], $0xffff  }
0xd6: {  	v57 =	vor.u32 $0x70, v31;
	_ =	sdelay $0x3  }
0xd7: {  	[tilespmem:$0x1830] =	vst v33  }
0xd8: {  	v33 =	vld.idx.msk [tilespmem:v57+s24+$0x0], $0xffff;
	_ =	sdelay $0x4  }
0xd9: {  	v33 =	vshll.u32 v33, $0x2  }
0xda: {  	v33 =	vor.u32 v32, v33;
	_ =	sdelay $0x4  }
0xdb: {  	v33 =	vld.idx.msk [tilespmem:v33+s23+$0x0], $0xffff  }
0xdc: {  	v58 =	vor.u32 $0x74, v31;
	_ =	sdelay $0x3  }
0xdd: {  	[tilespmem:$0x1840] =	vst v33  }
0xde: {  	v33 =	vld.idx.msk [tilespmem:v58+s24+$0x0], $0xffff;
	_ =	sdelay $0x4  }
0xdf: {  	v33 =	vshll.u32 v33, $0x2  }
0xe0: {  	v33 =	vor.u32 v32, v33;
	_ =	sdelay $0x4  }
0xe1: {  	v33 =	vld.idx.msk [tilespmem:v33+s23+$0x0], $0xffff  }
0xe2: {  	v59 =	vor.u32 $0x78, v31;
	_ =	sdelay $0x3  }
0xe3: {  	[tilespmem:$0x1850] =	vst v33  }
0xe4: {  	v33 =	vld.idx.msk [tilespmem:v59+s24+$0x0], $0xffff;
	_ =	sdelay $0x4  }
0xe5: {  	v33 =	vshll.u32 v33, $0x2  }
0xe6: {  	v33 =	vor.u32 v32, v33;
	_ =	sdelay $0x4  }
0xe7: {  	v33 =	vld.idx.msk [tilespmem:v33+s23+$0x0], $0xffff  }
0xe8: {  	v60 =	vor.u32 $0x7C, v31;
	_ =	sdelay $0x3  }
0xe9: {  	[tilespmem:$0x1860] =	vst v33  }
0xea: {  	v33 =	vld.idx.msk [tilespmem:v60+s24+$0x0], $0xffff;
	_ =	sdelay $0x4  }
0xeb: {  	v33 =	vshll.u32 v33, $0x2  }
0xec: {  	v33 =	vor.u32 v32, v33;
	_ =	sdelay $0x4  }
0xed: {  	v33 =	vld.idx.msk [tilespmem:v33+s23+$0x0], $0xffff  }
0xee: {  	v61 =	vor.u32 $0x80, v31;
	_ =	sdelay $0x3  }
0xef: {  	[tilespmem:$0x1870] =	vst v33  }
0xf0: {  	v33 =	vld.idx.msk [tilespmem:v61+s24+$0x0], $0xffff;
	_ =	sdelay $0x4  }
0xf1: {  	v33 =	vshll.u32 v33, $0x2  }
0xf2: {  	v33 =	vor.u32 v32, v33;
	_ =	sdelay $0x4  }
0xf3: {  	v33 =	vld.idx.msk [tilespmem:v33+s23+$0x0], $0xffff  }
0xf4: {  	v62 =	vor.u32 $0x84, v31;
	_ =	sdelay $0x3  }
0xf5: {  	[tilespmem:$0x1880] =	vst v33  }
0xf6: {  	v33 =	vld.idx.msk [tilespmem:v62+s24+$0x0], $0xffff;
	_ =	sdelay $0x4  }
0xf7: {  	v33 =	vshll.u32 v33, $0x2  }
0xf8: {  	v33 =	vor.u32 v32, v33;
	_ =	sdelay $0x4  }
0xf9: {  	v33 =	vld.idx.msk [tilespmem:v33+s23+$0x0], $0xffff  }
0xfa: {  	v63 =	vor.u32 $0x88, v31;
	_ =	sdelay $0x3  }
0xfb: {  	[tilespmem:$0x1890] =	vst v33  }
0xfc: {  	v33 =	vld.idx.msk [tilespmem:v63+s24+$0x0], $0xffff;
	_ =	sdelay $0x4  }
0xfd: {  	v33 =	vshll.u32 v33, $0x2  }
0xfe: {  	v33 =	vor.u32 v32, v33;
	_ =	sdelay $0x4  }
0xff: {  	v33 =	vld.idx.msk [tilespmem:v33+s23+$0x0], $0xffff  }
0x100: {  	v36 =	vor.u32 $0x8C, v31;
	_ =	sdelay $0x3  }
0x101: {  	[tilespmem:$0x18A0] =	vst v33  }
0x102: {  	v33 =	vld.idx.msk [tilespmem:v36+s24+$0x0], $0xffff;
	_ =	sdelay $0x4  }
0x103: {  	v33 =	vshll.u32 v33, $0x2  }
0x104: {  	v33 =	vor.u32 v32, v33;
	_ =	sdelay $0x4  }
0x105: {  	v33 =	vld.idx.msk [tilespmem:v33+s23+$0x0], $0xffff  }
0x106: {  	v37 =	vor.u32 $0x90, v31;
	_ =	sdelay $0x3  }
0x107: {  	[tilespmem:$0x18B0] =	vst v33  }
0x108: {  	v33 =	vld.idx.msk [tilespmem:v37+s24+$0x0], $0xffff;
	_ =	sdelay $0x4  }
0x109: {  	v33 =	vshll.u32 v33, $0x2  }
0x10a: {  	v33 =	vor.u32 v32, v33;
	_ =	sdelay $0x4  }
0x10b: {  	v33 =	vld.idx.msk [tilespmem:v33+s23+$0x0], $0xffff  }
0x10c: {  	v38 =	vor.u32 $0x94, v31;
	_ =	sdelay $0x3  }
0x10d: {  	[tilespmem:$0x18C0] =	vst v33  }
0x10e: {  	v33 =	vld.idx.msk [tilespmem:v38+s24+$0x0], $0xffff;
	_ =	sdelay $0x4  }
0x10f: {  	v33 =	vshll.u32 v33, $0x2  }
0x110: {  	v33 =	vor.u32 v32, v33;
	_ =	sdelay $0x4  }
0x111: {  	v33 =	vld.idx.msk [tilespmem:v33+s23+$0x0], $0xffff  }
0x112: {  	v39 =	vor.u32 $0x98, v31;
	_ =	sdelay $0x3  }
0x113: {  	[tilespmem:$0x18D0] =	vst v33  }
0x114: {  	v33 =	vld.idx.msk [tilespmem:v39+s24+$0x0], $0xffff;
	_ =	sdelay $0x4  }
0x115: {  	v33 =	vshll.u32 v33, $0x2  }
0x116: {  	v33 =	vor.u32 v32, v33;
	_ =	sdelay $0x4  }
0x117: {  	v33 =	vld.idx.msk [tilespmem:v33+s23+$0x0], $0xffff  }
0x118: {  	v40 =	vor.u32 $0x9C, v31;
	_ =	sdelay $0x3  }
0x119: {  	[tilespmem:$0x18E0] =	vst v33  }
0x11a: {  	v33 =	vld.idx.msk [tilespmem:v40+s24+$0x0], $0xffff;
	_ =	sdelay $0x4  }
0x11b: {  	v33 =	vshll.u32 v33, $0x2  }
0x11c: {  	v33 =	vor.u32 v32, v33;
	_ =	sdelay $0x4  }
0x11d: {  	v33 =	vld.idx.msk [tilespmem:v33+s23+$0x0], $0xffff  }
0x11e: {  	v41 =	vor.u32 $0xA0, v31;
	_ =	sdelay $0x3  }
0x11f: {  	[tilespmem:$0x18F0] =	vst v33  }
0x120: {  	v33 =	vld.idx.msk [tilespmem:v41+s24+$0x0], $0xffff;
	_ =	sdelay $0x4  }
0x121: {  	v33 =	vshll.u32 v33, $0x2  }
0x122: {  	v33 =	vor.u32 v32, v33;
	_ =	sdelay $0x4  }
0x123: {  	v33 =	vld.idx.msk [tilespmem:v33+s23+$0x0], $0xffff  }
0x124: {  	v42 =	vor.u32 $0xA4, v31;
	_ =	sdelay $0x3  }
0x125: {  	[tilespmem:$0x1900] =	vst v33  }
0x126: {  	v33 =	vld.idx.msk [tilespmem:v42+s24+$0x0], $0xffff;
	_ =	sdelay $0x4  }
0x127: {  	v33 =	vshll.u32 v33, $0x2  }
0x128: {  	v33 =	vor.u32 v32, v33;
	_ =	sdelay $0x4  }
0x129: {  	v33 =	vld.idx.msk [tilespmem:v33+s23+$0x0], $0xffff  }
0x12a: {  	v43 =	vor.u32 $0xA8, v31;
	_ =	sdelay $0x3  }
0x12b: {  	[tilespmem:$0x1910] =	vst v33  }
0x12c: {  	v33 =	vld.idx.msk [tilespmem:v43+s24+$0x0], $0xffff;
	_ =	sdelay $0x4  }
0x12d: {  	v33 =	vshll.u32 v33, $0x2  }
0x12e: {  	v33 =	vor.u32 v32, v33;
	_ =	sdelay $0x4  }
0x12f: {  	v33 =	vld.idx.msk [tilespmem:v33+s23+$0x0], $0xffff  }
0x130: {  	v44 =	vor.u32 $0xAC, v31;
	_ =	sdelay $0x3  }
0x131: {  	[tilespmem:$0x1920] =	vst v33  }
0x132: {  	v33 =	vld.idx.msk [tilespmem:v44+s24+$0x0], $0xffff;
	_ =	sdelay $0x4  }
0x133: {  	v33 =	vshll.u32 v33, $0x2  }
0x134: {  	v33 =	vor.u32 v32, v33;
	_ =	sdelay $0x4  }
0x135: {  	v33 =	vld.idx.msk [tilespmem:v33+s23+$0x0], $0xffff  }
0x136: {  	v45 =	vor.u32 $0xB0, v31;
	_ =	sdelay $0x3  }
0x137: {  	[tilespmem:$0x1930] =	vst v33  }
0x138: {  	v33 =	vld.idx.msk [tilespmem:v45+s24+$0x0], $0xffff;
	_ =	sdelay $0x4  }
0x139: {  	v33 =	vshll.u32 v33, $0x2  }
0x13a: {  	v33 =	vor.u32 v32, v33;
	_ =	sdelay $0x4  }
0x13b: {  	v33 =	vld.idx.msk [tilespmem:v33+s23+$0x0], $0xffff  }
0x13c: {  	v46 =	vor.u32 $0xB4, v31;
	_ =	sdelay $0x3  }
0x13d: {  	[tilespmem:$0x1940] =	vst v33  }
0x13e: {  	v33 =	vld.idx.msk [tilespmem:v46+s24+$0x0], $0xffff;
	_ =	sdelay $0x4  }
0x13f: {  	v33 =	vshll.u32 v33, $0x2  }
0x140: {  	v33 =	vor.u32 v32, v33;
	_ =	sdelay $0x4  }
0x141: {  	v33 =	vld.idx.msk [tilespmem:v33+s23+$0x0], $0xffff  }
0x142: {  	v47 =	vor.u32 $0xB8, v31;
	_ =	sdelay $0x3  }
0x143: {  	[tilespmem:$0x1950] =	vst v33  }
0x144: {  	v33 =	vld.idx.msk [tilespmem:v47+s24+$0x0], $0xffff;
	_ =	sdelay $0x4  }
0x145: {  	v33 =	vshll.u32 v33, $0x2  }
0x146: {  	v33 =	vor.u32 v32, v33;
	_ =	sdelay $0x4  }
0x147: {  	v33 =	vld.idx.msk [tilespmem:v33+s23+$0x0], $0xffff  }
0x148: {  	v48 =	vor.u32 $0xBC, v31;
	_ =	sdelay $0x3  }
0x149: {  	[tilespmem:$0x1960] =	vst v33  }
0x14a: {  	v33 =	vld.idx.msk [tilespmem:v48+s24+$0x0], $0xffff;
	_ =	sdelay $0x4  }
0x14b: {  	v33 =	vshll.u32 v33, $0x2  }
0x14c: {  	v33 =	vor.u32 v32, v33;
	_ =	sdelay $0x4  }
0x14d: {  	v33 =	vld.idx.msk [tilespmem:v33+s23+$0x0], $0xffff  }
0x14e: {  	v49 =	vor.u32 $0xC0, v31;
	_ =	sdelay $0x3  }
0x14f: {  	[tilespmem:$0x1970] =	vst v33  }
0x150: {  	v33 =	vld.idx.msk [tilespmem:v49+s24+$0x0], $0xffff;
	_ =	sdelay $0x4  }
0x151: {  	v33 =	vshll.u32 v33, $0x2  }
0x152: {  	v33 =	vor.u32 v32, v33;
	_ =	sdelay $0x4  }
0x153: {  	v33 =	vld.idx.msk [tilespmem:v33+s23+$0x0], $0xffff  }
0x154: {  	v50 =	vor.u32 $0xC4, v31;
	_ =	sdelay $0x3  }
0x155: {  	[tilespmem:$0x1980] =	vst v33  }
0x156: {  	v33 =	vld.idx.msk [tilespmem:v50+s24+$0x0], $0xffff;
	_ =	sdelay $0x4  }
0x157: {  	v33 =	vshll.u32 v33, $0x2  }
0x158: {  	v33 =	vor.u32 v32, v33;
	_ =	sdelay $0x4  }
0x159: {  	v33 =	vld.idx.msk [tilespmem:v33+s23+$0x0], $0xffff  }
0x15a: {  	v51 =	vor.u32 $0xC8, v31;
	_ =	sdelay $0x3  }
0x15b: {  	[tilespmem:$0x1990] =	vst v33  }
0x15c: {  	v33 =	vld.idx.msk [tilespmem:v51+s24+$0x0], $0xffff;
	_ =	sdelay $0x4  }
0x15d: {  	v33 =	vshll.u32 v33, $0x2  }
0x15e: {  	v33 =	vor.u32 v32, v33;
	_ =	sdelay $0x4  }
0x15f: {  	v33 =	vld.idx.msk [tilespmem:v33+s23+$0x0], $0xffff  }
0x160: {  	v52 =	vor.u32 $0xCC, v31;
	_ =	sdelay $0x3  }
0x161: {  	[tilespmem:$0x19A0] =	vst v33  }
0x162: {  	v33 =	vld.idx.msk [tilespmem:v52+s24+$0x0], $0xffff;
	_ =	sdelay $0x4  }
0x163: {  	v33 =	vshll.u32 v33, $0x2  }
0x164: {  	v33 =	vor.u32 v32, v33;
	_ =	sdelay $0x4  }
0x165: {  	v33 =	vld.idx.msk [tilespmem:v33+s23+$0x0], $0xffff  }
0x166: {  	v53 =	vor.u32 $0xD0, v31;
	_ =	sdelay $0x3  }
0x167: {  	[tilespmem:$0x19B0] =	vst v33  }
0x168: {  	v33 =	vld.idx.msk [tilespmem:v53+s24+$0x0], $0xffff;
	_ =	sdelay $0x4  }
0x169: {  	v33 =	vshll.u32 v33, $0x2  }
0x16a: {  	v33 =	vor.u32 v32, v33;
	_ =	sdelay $0x4  }
0x16b: {  	v33 =	vld.idx.msk [tilespmem:v33+s23+$0x0], $0xffff  }
0x16c: {  	v54 =	vor.u32 $0xD4, v31;
	_ =	sdelay $0x3  }
0x16d: {  	[tilespmem:$0x19C0] =	vst v33  }
0x16e: {  	v33 =	vld.idx.msk [tilespmem:v54+s24+$0x0], $0xffff;
	_ =	sdelay $0x4  }
0x16f: {  	v33 =	vshll.u32 v33, $0x2  }
0x170: {  	v33 =	vor.u32 v32, v33;
	_ =	sdelay $0x4  }
0x171: {  	v33 =	vld.idx.msk [tilespmem:v33+s23+$0x0], $0xffff  }
0x172: {  	v55 =	vor.u32 $0xD8, v31;
	_ =	sdelay $0x3  }
0x173: {  	[tilespmem:$0x19D0] =	vst v33  }
0x174: {  	v33 =	vld.idx.msk [tilespmem:v55+s24+$0x0], $0xffff;
	_ =	sdelay $0x4  }
0x175: {  	v33 =	vshll.u32 v33, $0x2  }
0x176: {  	v33 =	vor.u32 v32, v33;
	_ =	sdelay $0x4  }
0x177: {  	v33 =	vld.idx.msk [tilespmem:v33+s23+$0x0], $0xffff  }
0x178: {  	v56 =	vor.u32 $0xDC, v31;
	_ =	sdelay $0x3  }
0x179: {  	[tilespmem:$0x19E0] =	vst v33  }
0x17a: {  	v33 =	vld.idx.msk [tilespmem:v56+s24+$0x0], $0xffff;
	_ =	sdelay $0x4  }
0x17b: {  	v33 =	vshll.u32 v33, $0x2  }
0x17c: {  	v33 =	vor.u32 v32, v33;
	_ =	sdelay $0x4  }
0x17d: {  	v33 =	vld.idx.msk [tilespmem:v33+s23+$0x0], $0xffff  }
0x17e: {  	v57 =	vor.u32 $0xE0, v31;
	_ =	sdelay $0x3  }
0x17f: {  	[tilespmem:$0x19F0] =	vst v33  }
0x180: {  	v33 =	vld.idx.msk [tilespmem:v57+s24+$0x0], $0xffff;
	_ =	sdelay $0x4  }
0x181: {  	v33 =	vshll.u32 v33, $0x2  }
0x182: {  	v33 =	vor.u32 v32, v33;
	_ =	sdelay $0x4  }
0x183: {  	v33 =	vld.idx.msk [tilespmem:v33+s23+$0x0], $0xffff  }
0x184: {  	v58 =	vor.u32 $0xE4, v31;
	_ =	sdelay $0x3  }
0x185: {  	[tilespmem:$0x1A00] =	vst v33  }
0x186: {  	v33 =	vld.idx.msk [tilespmem:v58+s24+$0x0], $0xffff;
	_ =	sdelay $0x4  }
0x187: {  	v33 =	vshll.u32 v33, $0x2  }
0x188: {  	v33 =	vor.u32 v32, v33;
	_ =	sdelay $0x4  }
0x189: {  	v33 =	vld.idx.msk [tilespmem:v33+s23+$0x0], $0xffff  }
0x18a: {  	v59 =	vor.u32 $0xE8, v31;
	_ =	sdelay $0x3  }
0x18b: {  	[tilespmem:$0x1A10] =	vst v33  }
0x18c: {  	v33 =	vld.idx.msk [tilespmem:v59+s24+$0x0], $0xffff;
	_ =	sdelay $0x4  }
0x18d: {  	v33 =	vshll.u32 v33, $0x2  }
0x18e: {  	v33 =	vor.u32 v32, v33;
	_ =	sdelay $0x4  }
0x18f: {  	v33 =	vld.idx.msk [tilespmem:v33+s23+$0x0], $0xffff  }
0x190: {  	v60 =	vor.u32 $0xEC, v31;
	_ =	sdelay $0x3  }
0x191: {  	[tilespmem:$0x1A20] =	vst v33  }
0x192: {  	v33 =	vld.idx.msk [tilespmem:v60+s24+$0x0], $0xffff;
	_ =	sdelay $0x4  }
0x193: {  	v33 =	vshll.u32 v33, $0x2  }
0x194: {  	v33 =	vor.u32 v32, v33;
	_ =	sdelay $0x4  }
0x195: {  	v33 =	vld.idx.msk [tilespmem:v33+s23+$0x0], $0xffff  }
0x196: {  	v61 =	vor.u32 $0xF0, v31;
	_ =	sdelay $0x3  }
0x197: {  	[tilespmem:$0x1A30] =	vst v33  }
0x198: {  	v33 =	vld.idx.msk [tilespmem:v61+s24+$0x0], $0xffff;
	_ =	sdelay $0x4  }
0x199: {  	v33 =	vshll.u32 v33, $0x2  }
0x19a: {  	v33 =	vor.u32 v32, v33;
	_ =	sdelay $0x4  }
0x19b: {  	v33 =	vld.idx.msk [tilespmem:v33+s23+$0x0], $0xffff  }
0x19c: {  	v62 =	vor.u32 $0xF4, v31;
	_ =	sdelay $0x3  }
0x19d: {  	[tilespmem:$0x1A40] =	vst v33  }
0x19e: {  	v33 =	vld.idx.msk [tilespmem:v62+s24+$0x0], $0xffff;
	_ =	sdelay $0x4  }
0x19f: {  	v33 =	vshll.u32 v33, $0x2  }
0x1a0: {  	v33 =	vor.u32 v32, v33;
	_ =	sdelay $0x4  }
0x1a1: {  	v33 =	vld.idx.msk [tilespmem:v33+s23+$0x0], $0xffff  }
0x1a2: {  	v63 =	vor.u32 $0xF8, v31;
	_ =	sdelay $0x3  }
0x1a3: {  	[tilespmem:$0x1A50] =	vst v33  }
0x1a4: {  	v33 =	vld.idx.msk [tilespmem:v63+s24+$0x0], $0xffff;
	_ =	sdelay $0x4  }
0x1a5: {  	v33 =	vshll.u32 v33, $0x2  }
0x1a6: {  	v33 =	vor.u32 v32, v33;
	_ =	sdelay $0x4  }
0x1a7: {  	v33 =	vld.idx.msk [tilespmem:v33+s23+$0x0], $0xffff  }
0x1a8: {  	v31 =	vor.u32 $0xFC, v31;
	_ =	sdelay $0x3  }
0x1a9: {  	[tilespmem:$0x1A60] =	vst v33  }
0x1aa: {  	v31 =	vld.idx.msk [tilespmem:v31+s24+$0x0], $0xffff;
	_ =	sdelay $0x4  }
0x1ab: {  	v31 =	vshll.u32 v31, $0x2  }
0x1ac: {  	v31 =	vor.u32 v32, v31;
	_ =	sdelay $0x4  }
0x1ad: {  	v31 =	vld.idx.msk [tilespmem:v31+s23+$0x0], $0xffff;
	_ =	sdelay $0x4  }
0x1ae: {  	s6 =	simm.s32 $0x1680;
	s30 =	rddreg [dreg:$0xd];
	[tilespmem:$0x1A70] =	vst v31  }
0x1af: {  	[hbm4b:s30+s4] =	stream.linear.scatter [tilespmem:s6], [sflag:$0x4], $0x400, $0x38;
	[tilespmem:$0x6C40] =	vst v63  }
0x1b0: {  	_ =	swait.ge [sflag:s14], $0x400  }
0x1b1: {  	[sflag:s14] =	ssyncset.done $0x0  }
0x1b2: {  	[sflag:s14] =	ssyncadd.s32 $0xFFFFFC00  }
.LBB2_25:
0x1b3: {  	s1 =	sadd.s32 $0x1, s1;
	s5 =	rddreg [dreg:$0xe]  }
0x1b4: {  	p1 =	sne.s32 s1, s5  }
.Ltmp1:
0x1b5: {  	_ = 	snop;
	(pc) =	sbr.rel @!p1 .LBB2_26-.Ltmp1, $1  }
0x1b6: {  	_ =	sdelay $0x3  }
.LBB2_1:
0x1b7: {  	s5 =	rddreg [dreg:$0x8]  }
0x1b8: {  	[tilespmem:s4], [sflag:$0x4] =	stream.linear.gather [hbm4b:s5+s4], $0x180, $0x38;
	[tilespmem:$0x6C40] =	vst v63  }
0x1b9: {  	_ =	swait.ge [sflag:s14], $0x180  }
0x1ba: {  	[sflag:s14] =	ssyncset.done $0x0  }
0x1bb: {  	[sflag:s14] =	ssyncadd.s32 $0xFFFFFE80  }
0x1bc: {  	v31 =	vld [tilespmem:$0x0]  }
0x1bd: {  	v32 =	vld [tilespmem:$0x10]  }
0x1be: {  	v33 =	vld [tilespmem:$0x20]  }
0x1bf: {  	v34 =	vld [tilespmem:$0x30]  }
0x1c0: {  	v35 =	vld [tilespmem:$0x40]  }
0x1c1: {  	v36 =	vld [tilespmem:$0x50];
	vm0 =	vgt.f32 v31, $1.000000010e-01  }
0x1c2: {  	v37 =	vld [tilespmem:$0x60];
	[tilespmem:$0x180] =	vst v25;
	vm5 =	vgt.f32 v32, $1.000000010e-01;
	v31 =	vnsel vm0, $0xFF800000, v31  }
0x1c3: {  	v46 =	vld [tilespmem:$0x70];
	vm6 =	vgt.f32 v33, $1.000000010e-01;
	[tilespmem:$0x0] =	vst v31;
	v31 =	vnsel vm5, $0xFF800000, v32  }
0x1c4: {  	v47 =	vld [tilespmem:$0x80];
	vm7 =	vgt.f32 v34, $1.000000010e-01;
	[tilespmem:$0x10] =	vst v31;
	v31 =	vnsel vm6, $0xFF800000, v33  }
0x1c5: {  	v48 =	vld [tilespmem:$0x90];
	vm8 =	vgt.f32 v35, $1.000000010e-01;
	[tilespmem:$0x20] =	vst v31;
	v31 =	vnsel vm7, $0xFF800000, v34  }
0x1c6: {  	v49 =	vld [tilespmem:$0xA0];
	vm9 =	vgt.f32 v36, $1.000000010e-01;
	[tilespmem:$0x30] =	vst v31;
	v31 =	vnsel vm8, $0xFF800000, v35  }
0x1c7: {  	v50 =	vld [tilespmem:$0xB0];
	vm10 =	vgt.f32 v37, $1.000000010e-01;
	[tilespmem:$0x40] =	vst v31;
	v31 =	vnsel vm9, $0xFF800000, v36  }
0x1c8: {  	v51 =	vld [tilespmem:$0xC0];
	vm11 =	vgt.f32 v46, $1.000000010e-01;
	[tilespmem:$0x50] =	vst v31;
	v31 =	vnsel vm10, $0xFF800000, v37  }
0x1c9: {  	v52 =	vld [tilespmem:$0xD0];
	vm12 =	vgt.f32 v47, $1.000000010e-01;
	[tilespmem:$0x60] =	vst v31;
	v31 =	vnsel vm11, $0xFF800000, v46  }
0x1ca: {  	v53 =	vld [tilespmem:$0xE0];
	vm13 =	vgt.f32 v48, $1.000000010e-01;
	[tilespmem:$0x70] =	vst v31;
	v31 =	vnsel vm12, $0xFF800000, v47  }
0x1cb: {  	v54 =	vld [tilespmem:$0xF0];
	vm14 =	vgt.f32 v49, $1.000000010e-01;
	[tilespmem:$0x80] =	vst v31;
	v31 =	vnsel vm13, $0xFF800000, v48  }
0x1cc: {  	v55 =	vld [tilespmem:$0x100];
	vm15 =	vgt.f32 v50, $1.000000010e-01;
	[tilespmem:$0x90] =	vst v31;
	v31 =	vnsel vm14, $0xFF800000, v49  }
0x1cd: {  	v56 =	vld [tilespmem:$0x110];
	vm4 =	vgt.f32 v51, $1.000000010e-01;
	[tilespmem:$0xA0] =	vst v31;
	v31 =	vnsel vm15, $0xFF800000, v50  }
0x1ce: {  	v57 =	vld [tilespmem:$0x120];
	vm5 =	vgt.f32 v52, $1.000000010e-01;
	[tilespmem:$0xB0] =	vst v31;
	v31 =	vnsel vm4, $0xFF800000, v51  }
0x1cf: {  	v58 =	vld [tilespmem:$0x130];
	vm6 =	vgt.f32 v53, $1.000000010e-01;
	[tilespmem:$0xC0] =	vst v31;
	v31 =	vnsel vm5, $0xFF800000, v52  }
0x1d0: {  	v59 =	vld [tilespmem:$0x140];
	vm7 =	vgt.f32 v54, $1.000000010e-01;
	[tilespmem:$0xD0] =	vst v31;
	v31 =	vnsel vm6, $0xFF800000, v53  }
0x1d1: {  	v60 =	vld [tilespmem:$0x150];
	vm8 =	vgt.f32 v55, $1.000000010e-01;
	[tilespmem:$0xE0] =	vst v31;
	v31 =	vnsel vm7, $0xFF800000, v54  }
0x1d2: {  	v61 =	vld [tilespmem:$0x160];
	vm9 =	vgt.f32 v56, $1.000000010e-01;
	[tilespmem:$0xF0] =	vst v31;
	v31 =	vnsel vm8, $0xFF800000, v55  }
0x1d3: {  	v62 =	vld [tilespmem:$0x170];
	vm10 =	vgt.f32 v57, $1.000000010e-01;
	[tilespmem:$0x100] =	vst v31;
	v31 =	vnsel vm9, $0xFF800000, v56  }
0x1d4: {  	vm11 =	vgt.f32 v58, $1.000000010e-01;
	[tilespmem:$0x110] =	vst v31;
	v31 =	vnsel vm10, $0xFF800000, v57  }
0x1d5: {  	vm12 =	vgt.f32 v59, $1.000000010e-01;
	[tilespmem:$0x120] =	vst v31;
	v31 =	vnsel vm11, $0xFF800000, v58  }
0x1d6: {  	vm13 =	vgt.f32 v60, $1.000000010e-01;
	[tilespmem:$0x130] =	vst v31;
	v31 =	vnsel vm12, $0xFF800000, v59  }
0x1d7: {  	vm14 =	vgt.f32 v61, $1.000000010e-01;
	[tilespmem:$0x140] =	vst v31;
	v31 =	vnsel vm13, $0xFF800000, v60  }
0x1d8: {  	vm15 =	vgt.f32 v62, $1.000000010e-01;
	[tilespmem:$0x150] =	vst v31;
	v31 =	vnsel vm14, $0xFF800000, v61  }
0x1d9: {  	[tilespmem:$0x160] =	vst v31;
	v31 =	vnsel vm15, $0xFF800000, v62  }
0x1da: {  	s6 =	simm.s32 @!p0 $0x180;
	s5 =	simm.s32 @!p0 $0x0;
	s7 =	rddreg [dreg:$0x9];
	[tilespmem:$0x170] =	vst v31  }
0x1db: {  	[tilespmem:s6], [sflag:$0x4] =	stream.linear.gather @!p0 [hbm4b:s7+s5], $0x8, $0x38;
	[tilespmem:$0x6C40] =	vst v63  }
0x1dc: {  	s5 =	simm.s32 @!p0 $0x4  }
0x1dd: {  	_ =	swait.ge @!p0 [sflag:s5], $0x8  }
0x1de: {  	[sflag:s5] =	ssyncset.done @!p0 $0x0  }
0x1df: {  	[sflag:s5] =	ssyncadd.s32 @!p0 $0xFFFFFFF8  }
0x1e0: {  	[tilespmem:$0xB00] =	vst v26  }
0x1e1: {  	[tilespmem:$0xC00] =	vst v27  }
0x1e2: {  	[tilespmem:$0xD00] =	vst v28  }
0x1e3: {  	[tilespmem:$0xB10] =	vst v26  }
0x1e4: {  	[tilespmem:$0xC10] =	vst v27  }
0x1e5: {  	[tilespmem:$0xD10] =	vst v28  }
0x1e6: {  	[tilespmem:$0xB20] =	vst v26  }
0x1e7: {  	[tilespmem:$0xC20] =	vst v27  }
0x1e8: {  	[tilespmem:$0xD20] =	vst v28  }
0x1e9: {  	[tilespmem:$0xB30] =	vst v26  }
0x1ea: {  	[tilespmem:$0xC30] =	vst v27  }
0x1eb: {  	[tilespmem:$0xD30] =	vst v28  }
0x1ec: {  	[tilespmem:$0xB40] =	vst v26  }
0x1ed: {  	[tilespmem:$0xC40] =	vst v27  }
0x1ee: {  	[tilespmem:$0xD40] =	vst v28  }
0x1ef: {  	[tilespmem:$0xB50] =	vst v26  }
0x1f0: {  	[tilespmem:$0xC50] =	vst v27  }
0x1f1: {  	[tilespmem:$0xD50] =	vst v28  }
0x1f2: {  	[tilespmem:$0xB60] =	vst v26  }
0x1f3: {  	[tilespmem:$0xC60] =	vst v27  }
0x1f4: {  	[tilespmem:$0xD60] =	vst v28  }
0x1f5: {  	[tilespmem:$0xB70] =	vst v26  }
0x1f6: {  	[tilespmem:$0xC70] =	vst v27  }
0x1f7: {  	[tilespmem:$0xD70] =	vst v28  }
0x1f8: {  	[tilespmem:$0xB80] =	vst v26  }
0x1f9: {  	[tilespmem:$0xC80] =	vst v27  }
0x1fa: {  	[tilespmem:$0xD80] =	vst v28  }
0x1fb: {  	[tilespmem:$0xB90] =	vst v26  }
0x1fc: {  	[tilespmem:$0xC90] =	vst v27  }
0x1fd: {  	[tilespmem:$0xD90] =	vst v28  }
0x1fe: {  	[tilespmem:$0xBA0] =	vst v26  }
0x1ff: {  	[tilespmem:$0xCA0] =	vst v27  }
0x200: {  	[tilespmem:$0xDA0] =	vst v28  }
0x201: {  	[tilespmem:$0xBB0] =	vst v26  }
0x202: {  	[tilespmem:$0xCB0] =	vst v27  }
0x203: {  	[tilespmem:$0xDB0] =	vst v28  }
0x204: {  	[tilespmem:$0xBC0] =	vst v26  }
0x205: {  	[tilespmem:$0xCC0] =	vst v27  }
0x206: {  	[tilespmem:$0xDC0] =	vst v28  }
0x207: {  	v63 =	vld [tilespmem:$0x1FFF0];
	[tilespmem:$0xBD0] =	vst v26  }
0x208: {  	v31 =	vld @!p0 [tilespmem:$0x180];
	[tilespmem:$0xCD0] =	vst v27  }
0x209: {  	[smem:$0x0] =	sst s4;
	[tilespmem:$0xDD0] =	vst v28  }
0x20a: {  	[tilespmem:$0xBE0] =	vst v26;
	[smem:$0x1] =	sst s4  }
0x20b: {  	[tilespmem:$0xCE0] =	vst v27;
	[smem:$0x2] =	sst s4  }
.Ltmp2:
0x20c: {  	[tilespmem:$0xDE0] =	vst v28;
	[smem:$0x3] =	sst s4;
	(pc) =	sbr.rel .LBB2_2-.Ltmp2, $4  }
0x20d: {  	[tilespmem:$0xBF0] =	vst v26;
	vm1 =	vnez.u8 v63;
	[smem:$0x4] =	sst s4;
	vm0 =	vgt.f32 @!p0 v31, $1.000000010e-01  }
0x20e: {  	[tilespmem:$0xCF0] =	vst v27;
	[smem:$0x5] =	sst s4;
	vm0 =	vmand @!p0 vm0, vm1  }
0x20f: {  	[tilespmem:$0xDF0] =	vst v28;
	[smem:$0x6] =	sst s4;
	v31 =	vnsel @!p0 vm0, $0xFF800000, v31  }
0x210: {  	s11 =	simm.s32 $0x0;
	s25 =	simm.s32 $0x0;
	[smem:$0x7] =	sst s4;
	[tilespmem:$0x180] =	vst @!p0 v31  }
.LBB2_15:
0x211: {  	s5 =	sld [smem:$0x0];
	_ =	sdelay $0x1  }
0x212: {  	p1 =	sgt.u32 s25, $0xC6  }
0x213: {  	p3 =	seq.s32 @!p1 s5, $0x0  }
0x214: {  	p1 =	por p1, !p3  }
.Ltmp3:
0x215: {  	_ = 	snop;
	(pc) =	sbr.rel @p1 .LBB2_16-.Ltmp3, $2  }
0x216: {  	_ =	sdelay $0x2  }
0x217: {  	s25 =	sadd.s32 $0x1, s25  }
.LBB2_2:
0x218: {  	p3 =	sgt.s32 s11, $0x1  }
.Ltmp4:
0x219: {  	_ = 	snop;
	(pc) =	sbr.rel @p3 .LBB2_7-.Ltmp4, $3  }
0x21a: {  	_ =	sdelay $0x1  }
0x21b: {  	s8 =	sld [smem:$0x2]  }
0x21c: {  	s7 =	sld [smem:$0x3]  }
0x21d: {  	p3 =	seq.s32 s11, $0x0  }
.Ltmp5:
0x21e: {  	_ = 	snop;
	(pc) =	sbr.rel @!p3 .LBB2_5-.Ltmp5, $1  }
0x21f: {  	_ =	sdelay $0x3  }
0x220: {  	v31 =	vld [tilespmem:$0x0]  }
0x221: {  	v32 =	vld [tilespmem:$0x10];
	_ =	sdelay $0x1  }
0x222: {  	v33 =	vld [tilespmem:$0x20];
	_ =	sdelay $0x1  }
0x223: {  	v34 =	vld [tilespmem:$0x30]  }
0x224: {  	vm0 =	vgt.f32 v32, v31  }
0x225: {  	v35 =	vimm.s32 $0x0;
	v63 =	vld [tilespmem:$0x40];
	v31 =	vsel vm0, v32, v31  }
0x226: {  	v35 =	vsel vm0, $0xFFFFFFFF, v35;
	vm0 =	vgt.f32 v33, v31  }
0x227: {  	v36 =	vimm.s32 $0x0;
	v37 =	vld [tilespmem:$0x50];
	v31 =	vsel vm0, v33, v31  }
0x228: {  	[tilespmem:$0x1FF60] =	vst v35;
	v35 =	vsel vm0, $0xFFFFFFFF, v36;
	vm0 =	vgt.f32 v34, v31  }
0x229: {  	v38 =	vimm.s32 $0x0;
	v39 =	vld [tilespmem:$0x60];
	v31 =	vsel vm0, v34, v31  }
0x22a: {  	[tilespmem:$0x1FF70] =	vst v35;
	v35 =	vsel vm0, $0xFFFFFFFF, v38;
	vm0 =	vgt.f32 v63, v31  }
0x22b: {  	v40 =	vimm.s32 $0x0;
	v41 =	vld [tilespmem:$0x70];
	v31 =	vsel vm0, v63, v31  }
0x22c: {  	[tilespmem:$0x1FF80] =	vst v35;
	v35 =	vsel vm0, $0xFFFFFFFF, v40;
	vm0 =	vgt.f32 v37, v31  }
0x22d: {  	v42 =	vimm.s32 $0x0;
	v43 =	vld [tilespmem:$0x80];
	v31 =	vsel vm0, v37, v31  }
0x22e: {  	[tilespmem:$0x1FF90] =	vst v35;
	v35 =	vsel vm0, $0xFFFFFFFF, v42;
	vm0 =	vgt.f32 v39, v31  }
0x22f: {  	v44 =	vimm.s32 $0x0;
	v45 =	vld [tilespmem:$0x90];
	v31 =	vsel vm0, v39, v31  }
0x230: {  	[tilespmem:$0x1FFA0] =	vst v35;
	v35 =	vsel vm0, $0xFFFFFFFF, v44;
	vm0 =	vgt.f32 v41, v31  }
0x231: {  	v46 =	vimm.s32 $0x0;
	v47 =	vld [tilespmem:$0xA0];
	v31 =	vsel vm0, v41, v31  }
0x232: {  	[tilespmem:$0x1FFB0] =	vst v35;
	v35 =	vsel vm0, $0xFFFFFFFF, v46;
	vm0 =	vgt.f32 v43, v31  }
0x233: {  	v48 =	vimm.s32 $0x0;
	v49 =	vld [tilespmem:$0xB0];
	v31 =	vsel vm0, v43, v31  }
0x234: {  	[tilespmem:$0x1FFC0] =	vst v35;
	v35 =	vsel vm0, $0xFFFFFFFF, v48;
	vm0 =	vgt.f32 v45, v31  }
0x235: {  	v51 =	vld [tilespmem:$0xC0];
	v31 =	vsel vm0, v45, v31  }
0x236: {  	vm10 =	vgt.f32 v47, v31  }
0x237: {  	v52 =	vld [tilespmem:$0xD0];
	v31 =	vsel vm10, v47, v31  }
0x238: {  	vm11 =	vgt.f32 v49, v31  }
0x239: {  	v53 =	vld [tilespmem:$0xE0];
	v31 =	vsel vm11, v49, v31  }
0x23a: {  	vm12 =	vgt.f32 v51, v31  }
0x23b: {  	v54 =	vld [tilespmem:$0xF0];
	v31 =	vsel vm12, v51, v31  }
0x23c: {  	vm13 =	vgt.f32 v52, v31  }
0x23d: {  	v55 =	vld [tilespmem:$0x100];
	v31 =	vsel vm13, v52, v31  }
0x23e: {  	vm14 =	vgt.f32 v53, v31  }
0x23f: {  	v56 =	vld [tilespmem:$0x110];
	v31 =	vsel vm14, v53, v31  }
0x240: {  	vm15 =	vgt.f32 v54, v31  }
0x241: {  	v50 =	vimm.s32 $0x0;
	v57 =	vld [tilespmem:$0x120];
	v31 =	vsel vm15, v54, v31  }
0x242: {  	[tilespmem:$0x1FFD0] =	vst v35;
	v35 =	vsel vm0, $0xFFFFFFFF, v50;
	vm0 =	vgt.f32 v55, v31  }
0x243: {  	v58 =	vld [tilespmem:$0x130];
	v31 =	vsel vm0, v55, v31  }
0x244: {  	vm1 =	vgt.f32 v56, v31  }
0x245: {  	v59 =	vld [tilespmem:$0x140];
	v31 =	vsel vm1, v56, v31  }
0x246: {  	vm2 =	vgt.f32 v57, v31  }
0x247: {  	v60 =	vld [tilespmem:$0x150];
	v31 =	vsel vm2, v57, v31  }
0x248: {  	vm3 =	vgt.f32 v58, v31  }
0x249: {  	v61 =	vld [tilespmem:$0x160];
	v31 =	vsel vm3, v58, v31  }
0x24a: {  	vm4 =	vgt.f32 v59, v31  }
0x24b: {  	v62 =	vld [tilespmem:$0x170];
	v31 =	vsel vm4, v59, v31  }
0x24c: {  	vm5 =	vgt.f32 v60, v31  }
0x24d: {  	v63 =	vld [tilespmem:$0x180];
	v31 =	vsel vm5, v60, v31  }
0x24e: {  	vm6 =	vgt.f32 v61, v31  }
.Ltmp6:
0x24f: {  	v31 =	vsel vm6, v61, v31;
	(pc) =	sbr.rel .LBB2_9-.Ltmp6, $4  }
0x250: {  	vm7 =	vgt.f32 v62, v31  }
0x251: {  	v31 =	vsel vm7, v62, v31  }
0x252: {  	vm8 =	vgt.f32 v63, v31  }
0x253: {  	[tilespmem:$0x1FFE0] =	vst v35;
	v31 =	vsel vm8, v63, v31  }
.LBB2_7:
0x254: {  	p3 =	seq.s32 s11, $0x2  }
.Ltmp7:
0x255: {  	_ = 	snop;
	(pc) =	sbr.rel @!p3 .LBB2_8-.Ltmp7, $1  }
0x256: {  	_ =	sdelay $0x3  }
0x257: {  	_ =	swait.ge [sflag:s19], $0x300  }
0x258: {  	s5 =	sshrl.u32 s8, $0x1;
	[sflag:s19] =	ssyncset.done $0x0  }
0x259: {  	s6 =	simm.s32 @!p0 $0x2;
	s5 =	smul.u32 $0xC00, s5;
	[sflag:s19] =	ssyncadd.s32 $0xFFFFFD00  }
0x25a: {  	s11 =	sshll.u32 s8, $0x7;
	_ =	swait.ge @!p0 [sflag:s6], $0x100  }
0x25b: {  	s11 =	sand.u32 $0x80, s11;
	s5 =	sshra.s32 s5, $0x2;
	[sflag:s6] =	ssyncset.done @!p0 $0x0  }
0x25c: {  	s11 =	sor.u32 s11, s5;
	[sflag:s6] =	ssyncadd.s32 @!p0 $0xFFFFFF00  }
0x25d: {  	v31 =	vld [tilespmem:s11+$0x500];
	_ =	sdelay $0x1  }
0x25e: {  	v32 =	vld [tilespmem:$0x0];
	_ =	sdelay $0x2  }
0x25f: {  	vm1 =	veq.s32 v11, s7;
	vm0 =	vgt.f32 v31, $8.999999760e-01  }
0x260: {  	vm0 =	vmor vm1, vm0  }
0x261: {  	v31 =	vsel vm0, $0xFF800000, v32  }
0x262: {  	[tilespmem:$0x0] =	vst v31  }
0x263: {  	v48 =	vld [tilespmem:s11+$0x510];
	_ =	sdelay $0x1  }
0x264: {  	v33 =	vld [tilespmem:$0x10];
	_ =	sdelay $0x2  }
0x265: {  	vm1 =	veq.s32 v1, s7;
	vm0 =	vgt.f32 v48, $8.999999760e-01  }
0x266: {  	vm0 =	vmor vm1, vm0  }
0x267: {  	v32 =	vsel vm0, $0xFF800000, v33  }
0x268: {  	[tilespmem:$0x10] =	vst v32  }
0x269: {  	v49 =	vld [tilespmem:s11+$0x520];
	_ =	sdelay $0x1  }
0x26a: {  	v34 =	vld [tilespmem:$0x20];
	_ =	sdelay $0x2  }
0x26b: {  	vm1 =	veq.s32 v2, s7;
	vm0 =	vgt.f32 v49, $8.999999760e-01  }
0x26c: {  	vm0 =	vmor vm1, vm0  }
0x26d: {  	v33 =	vsel vm0, $0xFF800000, v34  }
0x26e: {  	[tilespmem:$0x20] =	vst v33  }
0x26f: {  	v50 =	vld [tilespmem:s11+$0x530];
	_ =	sdelay $0x1  }
0x270: {  	v35 =	vld [tilespmem:$0x30];
	_ =	sdelay $0x2  }
0x271: {  	vm1 =	veq.s32 v3, s7;
	vm0 =	vgt.f32 v50, $8.999999760e-01  }
0x272: {  	vm0 =	vmor vm1, vm0  }
0x273: {  	v34 =	vsel vm0, $0xFF800000, v35  }
0x274: {  	[tilespmem:$0x30] =	vst v34  }
0x275: {  	v51 =	vld [tilespmem:s11+$0x540];
	_ =	sdelay $0x1  }
0x276: {  	v36 =	vld [tilespmem:$0x40];
	_ =	sdelay $0x2  }
0x277: {  	vm1 =	veq.s32 v4, s7;
	vm0 =	vgt.f32 v51, $8.999999760e-01  }
0x278: {  	vm0 =	vmor vm1, vm0  }
0x279: {  	v35 =	vsel vm0, $0xFF800000, v36  }
0x27a: {  	[tilespmem:$0x40] =	vst v35  }
0x27b: {  	v52 =	vld [tilespmem:s11+$0x550];
	_ =	sdelay $0x1  }
0x27c: {  	v37 =	vld [tilespmem:$0x50];
	_ =	sdelay $0x2  }
0x27d: {  	vm1 =	veq.s32 v5, s7;
	vm0 =	vgt.f32 v52, $8.999999760e-01  }
0x27e: {  	vm0 =	vmor vm1, vm0  }
0x27f: {  	v36 =	vsel vm0, $0xFF800000, v37  }
0x280: {  	[tilespmem:$0x50] =	vst v36  }
0x281: {  	v53 =	vld [tilespmem:s11+$0x560];
	_ =	sdelay $0x1  }
0x282: {  	v38 =	vld [tilespmem:$0x60];
	_ =	sdelay $0x2  }
0x283: {  	vm1 =	veq.s32 v6, s7;
	vm0 =	vgt.f32 v53, $8.999999760e-01  }
0x284: {  	vm0 =	vmor vm1, vm0  }
0x285: {  	v37 =	vsel vm0, $0xFF800000, v38  }
0x286: {  	[tilespmem:$0x60] =	vst v37  }
0x287: {  	v54 =	vld [tilespmem:s11+$0x570];
	_ =	sdelay $0x1  }
0x288: {  	v39 =	vld [tilespmem:$0x70];
	_ =	sdelay $0x2  }
0x289: {  	vm1 =	veq.s32 v7, s7;
	vm0 =	vgt.f32 v54, $8.999999760e-01  }
0x28a: {  	vm0 =	vmor vm1, vm0  }
0x28b: {  	v38 =	vsel vm0, $0xFF800000, v39  }
0x28c: {  	[tilespmem:$0x70] =	vst v38  }
0x28d: {  	v55 =	vld [tilespmem:s11+$0x600];
	_ =	sdelay $0x1  }
0x28e: {  	v40 =	vld [tilespmem:$0x80];
	_ =	sdelay $0x2  }
0x28f: {  	vm1 =	veq.s32 v8, s7;
	vm0 =	vgt.f32 v55, $8.999999760e-01  }
0x290: {  	vm0 =	vmor vm1, vm0  }
0x291: {  	v39 =	vsel vm0, $0xFF800000, v40  }
0x292: {  	[tilespmem:$0x80] =	vst v39  }
0x293: {  	v56 =	vld [tilespmem:s11+$0x610];
	_ =	sdelay $0x1  }
0x294: {  	v41 =	vld [tilespmem:$0x90];
	_ =	sdelay $0x2  }
0x295: {  	vm1 =	veq.s32 v9, s7;
	vm0 =	vgt.f32 v56, $8.999999760e-01  }
0x296: {  	vm0 =	vmor vm1, vm0  }
0x297: {  	v40 =	vsel vm0, $0xFF800000, v41  }
0x298: {  	[tilespmem:$0x90] =	vst v40  }
0x299: {  	v57 =	vld [tilespmem:s11+$0x620];
	_ =	sdelay $0x1  }
0x29a: {  	v42 =	vld [tilespmem:$0xA0];
	_ =	sdelay $0x2  }
0x29b: {  	vm1 =	veq.s32 v10, s7;
	vm0 =	vgt.f32 v57, $8.999999760e-01  }
0x29c: {  	vm0 =	vmor vm1, vm0  }
0x29d: {  	v41 =	vsel vm0, $0xFF800000, v42  }
0x29e: {  	[tilespmem:$0xA0] =	vst v41  }
0x29f: {  	v58 =	vld [tilespmem:s11+$0x630];
	_ =	sdelay $0x1  }
0x2a0: {  	v43 =	vld [tilespmem:$0xB0];
	_ =	sdelay $0x2  }
0x2a1: {  	vm1 =	veq.s32 v12, s7;
	vm0 =	vgt.f32 v58, $8.999999760e-01  }
0x2a2: {  	vm0 =	vmor vm1, vm0  }
0x2a3: {  	v42 =	vsel vm0, $0xFF800000, v43  }
0x2a4: {  	[tilespmem:$0xB0] =	vst v42  }
0x2a5: {  	v59 =	vld [tilespmem:s11+$0x640];
	_ =	sdelay $0x1  }
0x2a6: {  	v44 =	vld [tilespmem:$0xC0];
	_ =	sdelay $0x2  }
0x2a7: {  	vm1 =	veq.s32 v13, s7;
	vm0 =	vgt.f32 v59, $8.999999760e-01  }
0x2a8: {  	vm0 =	vmor vm1, vm0  }
0x2a9: {  	v43 =	vsel vm0, $0xFF800000, v44  }
0x2aa: {  	[tilespmem:$0xC0] =	vst v43  }
0x2ab: {  	v60 =	vld [tilespmem:s11+$0x650];
	_ =	sdelay $0x1  }
0x2ac: {  	v45 =	vld [tilespmem:$0xD0];
	_ =	sdelay $0x2  }
0x2ad: {  	vm1 =	veq.s32 v14, s7;
	vm0 =	vgt.f32 v60, $8.999999760e-01  }
0x2ae: {  	vm0 =	vmor vm1, vm0  }
0x2af: {  	v44 =	vsel vm0, $0xFF800000, v45  }
0x2b0: {  	[tilespmem:$0xD0] =	vst v44  }
0x2b1: {  	v61 =	vld [tilespmem:s11+$0x660];
	_ =	sdelay $0x1  }
0x2b2: {  	v46 =	vld [tilespmem:$0xE0];
	_ =	sdelay $0x2  }
0x2b3: {  	vm1 =	veq.s32 v15, s7;
	vm0 =	vgt.f32 v61, $8.999999760e-01  }
0x2b4: {  	vm0 =	vmor vm1, vm0  }
0x2b5: {  	v45 =	vsel vm0, $0xFF800000, v46  }
0x2b6: {  	[tilespmem:$0xE0] =	vst v45  }
0x2b7: {  	v62 =	vld [tilespmem:s11+$0x670];
	_ =	sdelay $0x1  }
0x2b8: {  	v47 =	vld [tilespmem:$0xF0];
	_ =	sdelay $0x2  }
0x2b9: {  	vm1 =	veq.s32 v16, s7;
	vm0 =	vgt.f32 v62, $8.999999760e-01  }
0x2ba: {  	vm0 =	vmor vm1, vm0  }
0x2bb: {  	v46 =	vsel vm0, $0xFF800000, v47  }
0x2bc: {  	[tilespmem:$0xF0] =	vst v46  }
0x2bd: {  	v63 =	vld [tilespmem:s11+$0x700];
	_ =	sdelay $0x1  }
0x2be: {  	v48 =	vld [tilespmem:$0x100];
	_ =	sdelay $0x2  }
0x2bf: {  	vm1 =	veq.s32 v17, s7;
	vm0 =	vgt.f32 v63, $8.999999760e-01  }
0x2c0: {  	vm0 =	vmor vm1, vm0  }
0x2c1: {  	v47 =	vsel vm0, $0xFF800000, v48  }
0x2c2: {  	[tilespmem:$0x100] =	vst v47  }
0x2c3: {  	v52 =	vld [tilespmem:s11+$0x710];
	_ =	sdelay $0x1  }
0x2c4: {  	v49 =	vld [tilespmem:$0x110];
	_ =	sdelay $0x2  }
0x2c5: {  	vm1 =	veq.s32 v18, s7;
	vm0 =	vgt.f32 v52, $8.999999760e-01  }
0x2c6: {  	vm0 =	vmor vm1, vm0  }
0x2c7: {  	v48 =	vsel vm0, $0xFF800000, v49  }
0x2c8: {  	[tilespmem:$0x110] =	vst v48  }
0x2c9: {  	v53 =	vld [tilespmem:s11+$0x720];
	_ =	sdelay $0x1  }
0x2ca: {  	v50 =	vld [tilespmem:$0x120];
	_ =	sdelay $0x2  }
0x2cb: {  	vm1 =	veq.s32 v19, s7;
	vm0 =	vgt.f32 v53, $8.999999760e-01  }
0x2cc: {  	vm0 =	vmor vm1, vm0  }
0x2cd: {  	v49 =	vsel vm0, $0xFF800000, v50  }
0x2ce: {  	[tilespmem:$0x120] =	vst v49  }
0x2cf: {  	v54 =	vld [tilespmem:s11+$0x730];
	_ =	sdelay $0x1  }
0x2d0: {  	v51 =	vld [tilespmem:$0x130];
	_ =	sdelay $0x2  }
0x2d1: {  	vm1 =	veq.s32 v20, s7;
	vm0 =	vgt.f32 v54, $8.999999760e-01  }
0x2d2: {  	vm0 =	vmor vm1, vm0  }
0x2d3: {  	v50 =	vsel vm0, $0xFF800000, v51  }
0x2d4: {  	vm0 =	vgt.f32 v32, v31;
	[tilespmem:$0x130] =	vst v50  }
0x2d5: {  	v55 =	vimm.s32 $0x0;
	v31 =	vsel vm0, v32, v31;
	v56 =	vld [tilespmem:s11+$0x740]  }
0x2d6: {  	v51 =	vsel vm0, $0xFFFFFFFF, v55;
	vm0 =	vgt.f32 v33, v31  }
0x2d7: {  	v57 =	vimm.s32 $0x0;
	v58 =	vld [tilespmem:$0x140];
	v31 =	vsel vm0, v33, v31  }
0x2d8: {  	v59 =	vimm.s32 $0x0;
	[tilespmem:$0x1FF60] =	vst v51;
	v51 =	vsel vm0, $0xFFFFFFFF, v57;
	vm0 =	vgt.f32 v34, v31  }
0x2d9: {  	v60 =	vimm.s32 $0x0;
	vm1 =	veq.s32 v21, s7;
	v31 =	vsel vm0, v34, v31  }
0x2da: {  	[tilespmem:$0x1FF70] =	vst v51;
	v51 =	vsel vm0, $0xFFFFFFFF, v59;
	vm2 =	vgt.f32 v35, v31;
	vm0 =	vgt.f32 v56, $8.999999760e-01  }
0x2db: {  	v32 =	vsel vm2, $0xFFFFFFFF, v60;
	v31 =	vsel vm2, v35, v31;
	vm0 =	vmor vm1, vm0  }
0x2dc: {  	[tilespmem:$0x1FF90] =	vst v32;
	vm1 =	vgt.f32 v36, v31;
	v32 =	vsel vm0, $0xFF800000, v58  }
0x2dd: {  	v31 =	vsel vm1, v36, v31;
	[tilespmem:$0x140] =	vst v32  }
0x2de: {  	vm0 =	vgt.f32 v37, v31;
	v62 =	vld [tilespmem:s11+$0x750]  }
0x2df: {  	v61 =	vimm.s32 $0x0;
	v63 =	vimm.s32 $0x0;
	v31 =	vsel vm0, v37, v31  }
0x2e0: {  	v33 =	vsel vm1, $0xFFFFFFFF, v61;
	v36 =	vld [tilespmem:$0x150];
	v34 =	vsel vm0, $0xFFFFFFFF, v63;
	vm0 =	vgt.f32 v38, v31  }
0x2e1: {  	vm1 =	veq.s32 v22, s7;
	v37 =	vimm.s32 $0x0;
	v31 =	vsel vm0, v38, v31  }
0x2e2: {  	v35 =	vsel vm0, $0xFFFFFFFF, v37;
	v38 =	vimm.s32 $0x0;
	vm0 =	vgt.f32 v39, v31  }
0x2e3: {  	[tilespmem:$0x1FFC0] =	vst v35;
	v35 =	vsel vm0, $0xFFFFFFFF, v38;
	v31 =	vsel vm0, v39, v31;
	vm0 =	vgt.f32 v62, $8.999999760e-01  }
0x2e4: {  	vm2 =	vgt.f32 v40, v31;
	vm0 =	vmor vm1, vm0  }
0x2e5: {  	v31 =	vsel vm2, v40, v31;
	v52 =	vsel vm0, $0xFF800000, v36  }
0x2e6: {  	vm10 =	vgt.f32 v41, v31;
	[tilespmem:$0x150] =	vst v52  }
0x2e7: {  	v31 =	vsel vm10, v41, v31;
	v53 =	vld [tilespmem:s11+$0x760]  }
0x2e8: {  	vm11 =	vgt.f32 v42, v31  }
0x2e9: {  	v54 =	vld [tilespmem:$0x160];
	v31 =	vsel vm11, v42, v31  }
0x2ea: {  	vm12 =	vgt.f32 v43, v31  }
0x2eb: {  	v31 =	vsel vm12, v43, v31  }
0x2ec: {  	vm1 =	veq.s32 v23, s7;
	vm13 =	vgt.f32 v44, v31;
	vm0 =	vgt.f32 v53, $8.999999760e-01  }
0x2ed: {  	v31 =	vsel vm13, v44, v31;
	vm0 =	vmor vm1, vm0  }
0x2ee: {  	vm14 =	vgt.f32 v45, v31;
	v55 =	vsel vm0, $0xFF800000, v54  }
0x2ef: {  	v31 =	vsel vm14, v45, v31;
	[tilespmem:$0x160] =	vst v55  }
0x2f0: {  	vm15 =	vgt.f32 v46, v31;
	v56 =	vld [tilespmem:s11+$0x770]  }
0x2f1: {  	p3 =	seq.s32 s8, $0x1;
	s5 =	simm.s32 $0x1;
	v31 =	vsel vm15, v46, v31  }
0x2f2: {  	s5 =	simm.s32 @!p3 $0x0;
	v57 =	vld [tilespmem:$0x170];
	vm0 =	vgt.f32 v47, v31  }
0x2f3: {  	vm3 =	veq.s32 v24, s7;
	s5 =	sshll.u32 s5, $0x7;
	v31 =	vsel vm0, v47, v31  }
0x2f4: {  	[tilespmem:$0x1FF80] =	vst v51;
	v51 =	vimm.s32 $0x0;
	v58 =	vor.u32 s5, v29;
	vm1 =	vgt.f32 v48, v31  }
0x2f5: {  	[tilespmem:$0x1FFA0] =	vst v33;
	v33 =	vsel vm2, $0xFFFFFFFF, v51;
	v31 =	vsel vm1, v48, v31;
	vm2 =	vgt.f32 v56, $8.999999760e-01  }
0x2f6: {  	vm3 =	vmor vm3, vm2;
	vm2 =	vgt.f32 v49, v31  }
0x2f7: {  	v59 =	vsel vm3, $0xFF800000, v57;
	v31 =	vsel vm2, v49, v31  }
0x2f8: {  	s30 =	simm.s32 $0x6A00;
	[tilespmem:$0x170] =	vst v59;
	vm3 =	vgt.f32 v50, v31  }
0x2f9: {  	v31 =	vsel vm3, v50, v31;
	v60 =	vld.idx.msk [tilespmem:v58+s30+$0x0], $0xffff  }
0x2fa: {  	vm4 =	vgt.f32 v32, v31  }
0x2fb: {  	v31 =	vsel vm4, v32, v31  }
0x2fc: {  	v61 =	vld [tilespmem:$0x180];
	vm5 =	vgt.f32 v52, v31  }
0x2fd: {  	vm8 =	vmmov $0xff;
	v63 =	vor.u32 $0x1380, v0;
	v31 =	vsel vm5, v52, v31  }
0x2fe: {  	v62 =	vmov s7;
	vm7 =	vgt.f32 v60, $8.999999760e-01;
	vm6 =	vgt.f32 v55, v31  }
.Ltmp8:
0x2ff: {  	vm7 =	vmand vm7, vm8;
	v31 =	vsel vm6, v55, v31;
	vm8 =	veq.s32 v62, v63;
	(pc) =	sbr.rel .LBB2_9-.Ltmp8, $4  }
0x300: {  	[tilespmem:$0x1FFB0] =	vst v34;
	vm8 =	vmor vm8, vm7;
	vm7 =	vgt.f32 v59, v31  }
0x301: {  	[tilespmem:$0x1FFD0] =	vst v35;
	v32 =	vsel vm8, $0xFF800000, v61;
	v31 =	vsel vm7, v59, v31  }
0x302: {  	[tilespmem:$0x1FFE0] =	vst v33;
	vm8 =	vgt.f32 v32, v31  }
0x303: {  	[tilespmem:$0x180] =	vst v32;
	v31 =	vsel vm8, v32, v31  }
.LBB2_5:
0x304: {  	_ =	swait.ge [sflag:s15], $0x300  }
0x305: {  	s5 =	sshrl.u32 s8, $0x1;
	[sflag:s15] =	ssyncset.done $0x0  }
0x306: {  	s6 =	simm.s32 @!p0 $0x1;
	s5 =	smul.u32 $0xC00, s5;
	[sflag:s15] =	ssyncadd.s32 $0xFFFFFD00  }
0x307: {  	s11 =	sshll.u32 s8, $0x7;
	_ =	swait.ge @!p0 [sflag:s6], $0x100  }
0x308: {  	s11 =	sand.u32 $0x80, s11;
	s5 =	sshra.s32 s5, $0x2;
	[sflag:s6] =	ssyncset.done @!p0 $0x0  }
0x309: {  	s11 =	sor.u32 s11, s5;
	[sflag:s6] =	ssyncadd.s32 @!p0 $0xFFFFFF00  }
0x30a: {  	v31 =	vld [tilespmem:s11+$0x200];
	_ =	sdelay $0x1  }
0x30b: {  	v32 =	vld [tilespmem:$0x0];
	_ =	sdelay $0x2  }
0x30c: {  	vm1 =	veq.s32 v11, s7;
	vm0 =	vgt.f32 v31, $8.999999760e-01  }
0x30d: {  	vm0 =	vmor vm1, vm0  }
0x30e: {  	v31 =	vsel vm0, $0xFF800000, v32  }
0x30f: {  	[tilespmem:$0x0] =	vst v31  }
0x310: {  	v48 =	vld [tilespmem:s11+$0x210];
	_ =	sdelay $0x1  }
0x311: {  	v33 =	vld [tilespmem:$0x10];
	_ =	sdelay $0x2  }
0x312: {  	vm1 =	veq.s32 v1, s7;
	vm0 =	vgt.f32 v48, $8.999999760e-01  }
0x313: {  	vm0 =	vmor vm1, vm0  }
0x314: {  	v32 =	vsel vm0, $0xFF800000, v33  }
0x315: {  	[tilespmem:$0x10] =	vst v32  }
0x316: {  	v49 =	vld [tilespmem:s11+$0x220];
	_ =	sdelay $0x1  }
0x317: {  	v34 =	vld [tilespmem:$0x20];
	_ =	sdelay $0x2  }
0x318: {  	vm1 =	veq.s32 v2, s7;
	vm0 =	vgt.f32 v49, $8.999999760e-01  }
0x319: {  	vm0 =	vmor vm1, vm0  }
0x31a: {  	v33 =	vsel vm0, $0xFF800000, v34  }
0x31b: {  	[tilespmem:$0x20] =	vst v33  }
0x31c: {  	v50 =	vld [tilespmem:s11+$0x230];
	_ =	sdelay $0x1  }
0x31d: {  	v35 =	vld [tilespmem:$0x30];
	_ =	sdelay $0x2  }
0x31e: {  	vm1 =	veq.s32 v3, s7;
	vm0 =	vgt.f32 v50, $8.999999760e-01  }
0x31f: {  	vm0 =	vmor vm1, vm0  }
0x320: {  	v34 =	vsel vm0, $0xFF800000, v35  }
0x321: {  	[tilespmem:$0x30] =	vst v34  }
0x322: {  	v51 =	vld [tilespmem:s11+$0x240];
	_ =	sdelay $0x1  }
0x323: {  	v36 =	vld [tilespmem:$0x40];
	_ =	sdelay $0x2  }
0x324: {  	vm1 =	veq.s32 v4, s7;
	vm0 =	vgt.f32 v51, $8.999999760e-01  }
0x325: {  	vm0 =	vmor vm1, vm0  }
0x326: {  	v35 =	vsel vm0, $0xFF800000, v36  }
0x327: {  	[tilespmem:$0x40] =	vst v35  }
0x328: {  	v52 =	vld [tilespmem:s11+$0x250];
	_ =	sdelay $0x1  }
0x329: {  	v37 =	vld [tilespmem:$0x50];
	_ =	sdelay $0x2  }
0x32a: {  	vm1 =	veq.s32 v5, s7;
	vm0 =	vgt.f32 v52, $8.999999760e-01  }
0x32b: {  	vm0 =	vmor vm1, vm0  }
0x32c: {  	v36 =	vsel vm0, $0xFF800000, v37  }
0x32d: {  	[tilespmem:$0x50] =	vst v36  }
0x32e: {  	v53 =	vld [tilespmem:s11+$0x260];
	_ =	sdelay $0x1  }
0x32f: {  	v38 =	vld [tilespmem:$0x60];
	_ =	sdelay $0x2  }
0x330: {  	vm1 =	veq.s32 v6, s7;
	vm0 =	vgt.f32 v53, $8.999999760e-01  }
0x331: {  	vm0 =	vmor vm1, vm0  }
0x332: {  	v37 =	vsel vm0, $0xFF800000, v38  }
0x333: {  	[tilespmem:$0x60] =	vst v37  }
0x334: {  	v54 =	vld [tilespmem:s11+$0x270];
	_ =	sdelay $0x1  }
0x335: {  	v39 =	vld [tilespmem:$0x70];
	_ =	sdelay $0x2  }
0x336: {  	vm1 =	veq.s32 v7, s7;
	vm0 =	vgt.f32 v54, $8.999999760e-01  }
0x337: {  	vm0 =	vmor vm1, vm0  }
0x338: {  	v38 =	vsel vm0, $0xFF800000, v39  }
0x339: {  	[tilespmem:$0x70] =	vst v38  }
0x33a: {  	v55 =	vld [tilespmem:s11+$0x300];
	_ =	sdelay $0x1  }
0x33b: {  	v40 =	vld [tilespmem:$0x80];
	_ =	sdelay $0x2  }
0x33c: {  	vm1 =	veq.s32 v8, s7;
	vm0 =	vgt.f32 v55, $8.999999760e-01  }
0x33d: {  	vm0 =	vmor vm1, vm0  }
0x33e: {  	v39 =	vsel vm0, $0xFF800000, v40  }
0x33f: {  	[tilespmem:$0x80] =	vst v39  }
0x340: {  	v56 =	vld [tilespmem:s11+$0x310];
	_ =	sdelay $0x1  }
0x341: {  	v41 =	vld [tilespmem:$0x90];
	_ =	sdelay $0x2  }
0x342: {  	vm1 =	veq.s32 v9, s7;
	vm0 =	vgt.f32 v56, $8.999999760e-01  }
0x343: {  	vm0 =	vmor vm1, vm0  }
0x344: {  	v40 =	vsel vm0, $0xFF800000, v41  }
0x345: {  	[tilespmem:$0x90] =	vst v40  }
0x346: {  	v57 =	vld [tilespmem:s11+$0x320];
	_ =	sdelay $0x1  }
0x347: {  	v42 =	vld [tilespmem:$0xA0];
	_ =	sdelay $0x2  }
0x348: {  	vm1 =	veq.s32 v10, s7;
	vm0 =	vgt.f32 v57, $8.999999760e-01  }
0x349: {  	vm0 =	vmor vm1, vm0  }
0x34a: {  	v41 =	vsel vm0, $0xFF800000, v42  }
0x34b: {  	[tilespmem:$0xA0] =	vst v41  }
0x34c: {  	v58 =	vld [tilespmem:s11+$0x330];
	_ =	sdelay $0x1  }
0x34d: {  	v43 =	vld [tilespmem:$0xB0];
	_ =	sdelay $0x2  }
0x34e: {  	vm1 =	veq.s32 v12, s7;
	vm0 =	vgt.f32 v58, $8.999999760e-01  }
0x34f: {  	vm0 =	vmor vm1, vm0  }
0x350: {  	v42 =	vsel vm0, $0xFF800000, v43  }
0x351: {  	[tilespmem:$0xB0] =	vst v42  }
0x352: {  	v59 =	vld [tilespmem:s11+$0x340];
	_ =	sdelay $0x1  }
0x353: {  	v44 =	vld [tilespmem:$0xC0];
	_ =	sdelay $0x2  }
0x354: {  	vm1 =	veq.s32 v13, s7;
	vm0 =	vgt.f32 v59, $8.999999760e-01  }
0x355: {  	vm0 =	vmor vm1, vm0  }
0x356: {  	v43 =	vsel vm0, $0xFF800000, v44  }
0x357: {  	[tilespmem:$0xC0] =	vst v43  }
0x358: {  	v60 =	vld [tilespmem:s11+$0x350];
	_ =	sdelay $0x1  }
0x359: {  	v45 =	vld [tilespmem:$0xD0];
	_ =	sdelay $0x2  }
0x35a: {  	vm1 =	veq.s32 v14, s7;
	vm0 =	vgt.f32 v60, $8.999999760e-01  }
0x35b: {  	vm0 =	vmor vm1, vm0  }
0x35c: {  	v44 =	vsel vm0, $0xFF800000, v45  }
0x35d: {  	[tilespmem:$0xD0] =	vst v44  }
0x35e: {  	v61 =	vld [tilespmem:s11+$0x360];
	_ =	sdelay $0x1  }
0x35f: {  	v46 =	vld [tilespmem:$0xE0];
	_ =	sdelay $0x2  }
0x360: {  	vm1 =	veq.s32 v15, s7;
	vm0 =	vgt.f32 v61, $8.999999760e-01  }
0x361: {  	vm0 =	vmor vm1, vm0  }
0x362: {  	v45 =	vsel vm0, $0xFF800000, v46  }
0x363: {  	[tilespmem:$0xE0] =	vst v45  }
0x364: {  	v62 =	vld [tilespmem:s11+$0x370];
	_ =	sdelay $0x1  }
0x365: {  	v47 =	vld [tilespmem:$0xF0];
	_ =	sdelay $0x2  }
0x366: {  	vm1 =	veq.s32 v16, s7;
	vm0 =	vgt.f32 v62, $8.999999760e-01  }
0x367: {  	vm0 =	vmor vm1, vm0  }
0x368: {  	v46 =	vsel vm0, $0xFF800000, v47  }
0x369: {  	[tilespmem:$0xF0] =	vst v46  }
0x36a: {  	v63 =	vld [tilespmem:s11+$0x400];
	_ =	sdelay $0x1  }
0x36b: {  	v48 =	vld [tilespmem:$0x100];
	_ =	sdelay $0x2  }
0x36c: {  	vm1 =	veq.s32 v17, s7;
	vm0 =	vgt.f32 v63, $8.999999760e-01  }
0x36d: {  	vm0 =	vmor vm1, vm0  }
0x36e: {  	v47 =	vsel vm0, $0xFF800000, v48  }
0x36f: {  	[tilespmem:$0x100] =	vst v47  }
0x370: {  	v52 =	vld [tilespmem:s11+$0x410];
	_ =	sdelay $0x1  }
0x371: {  	v49 =	vld [tilespmem:$0x110];
	_ =	sdelay $0x2  }
0x372: {  	vm1 =	veq.s32 v18, s7;
	vm0 =	vgt.f32 v52, $8.999999760e-01  }
0x373: {  	vm0 =	vmor vm1, vm0  }
0x374: {  	v48 =	vsel vm0, $0xFF800000, v49  }
0x375: {  	[tilespmem:$0x110] =	vst v48  }
0x376: {  	v53 =	vld [tilespmem:s11+$0x420];
	_ =	sdelay $0x1  }
0x377: {  	v50 =	vld [tilespmem:$0x120];
	_ =	sdelay $0x2  }
0x378: {  	vm1 =	veq.s32 v19, s7;
	vm0 =	vgt.f32 v53, $8.999999760e-01  }
0x379: {  	vm0 =	vmor vm1, vm0  }
0x37a: {  	v49 =	vsel vm0, $0xFF800000, v50  }
0x37b: {  	[tilespmem:$0x120] =	vst v49  }
0x37c: {  	v54 =	vld [tilespmem:s11+$0x430];
	_ =	sdelay $0x1  }
0x37d: {  	v51 =	vld [tilespmem:$0x130];
	_ =	sdelay $0x2  }
0x37e: {  	vm1 =	veq.s32 v20, s7;
	vm0 =	vgt.f32 v54, $8.999999760e-01  }
0x37f: {  	vm0 =	vmor vm1, vm0  }
0x380: {  	v50 =	vsel vm0, $0xFF800000, v51  }
0x381: {  	vm0 =	vgt.f32 v32, v31;
	[tilespmem:$0x130] =	vst v50  }
0x382: {  	v55 =	vimm.s32 $0x0;
	v31 =	vsel vm0, v32, v31;
	v56 =	vld [tilespmem:s11+$0x440]  }
0x383: {  	v51 =	vsel vm0, $0xFFFFFFFF, v55;
	vm0 =	vgt.f32 v33, v31  }
0x384: {  	v57 =	vimm.s32 $0x0;
	v58 =	vld [tilespmem:$0x140];
	v31 =	vsel vm0, v33, v31  }
0x385: {  	v59 =	vimm.s32 $0x0;
	[tilespmem:$0x1FF60] =	vst v51;
	v51 =	vsel vm0, $0xFFFFFFFF, v57;
	vm0 =	vgt.f32 v34, v31  }
0x386: {  	v60 =	vimm.s32 $0x0;
	vm1 =	veq.s32 v21, s7;
	v31 =	vsel vm0, v34, v31  }
0x387: {  	[tilespmem:$0x1FF70] =	vst v51;
	v51 =	vsel vm0, $0xFFFFFFFF, v59;
	vm2 =	vgt.f32 v35, v31;
	vm0 =	vgt.f32 v56, $8.999999760e-01  }
0x388: {  	v32 =	vsel vm2, $0xFFFFFFFF, v60;
	v31 =	vsel vm2, v35, v31;
	vm0 =	vmor vm1, vm0  }
0x389: {  	[tilespmem:$0x1FF90] =	vst v32;
	vm1 =	vgt.f32 v36, v31;
	v32 =	vsel vm0, $0xFF800000, v58  }
0x38a: {  	v31 =	vsel vm1, v36, v31;
	[tilespmem:$0x140] =	vst v32  }
0x38b: {  	vm0 =	vgt.f32 v37, v31;
	v62 =	vld [tilespmem:s11+$0x450]  }
0x38c: {  	v61 =	vimm.s32 $0x0;
	v63 =	vimm.s32 $0x0;
	v31 =	vsel vm0, v37, v31  }
0x38d: {  	v33 =	vsel vm1, $0xFFFFFFFF, v61;
	v36 =	vld [tilespmem:$0x150];
	v34 =	vsel vm0, $0xFFFFFFFF, v63;
	vm0 =	vgt.f32 v38, v31  }
0x38e: {  	vm1 =	veq.s32 v22, s7;
	v37 =	vimm.s32 $0x0;
	v31 =	vsel vm0, v38, v31  }
0x38f: {  	v35 =	vsel vm0, $0xFFFFFFFF, v37;
	v38 =	vimm.s32 $0x0;
	vm0 =	vgt.f32 v39, v31  }
0x390: {  	[tilespmem:$0x1FFC0] =	vst v35;
	v35 =	vsel vm0, $0xFFFFFFFF, v38;
	v31 =	vsel vm0, v39, v31;
	vm0 =	vgt.f32 v62, $8.999999760e-01  }
0x391: {  	vm2 =	vgt.f32 v40, v31;
	vm0 =	vmor vm1, vm0  }
0x392: {  	v31 =	vsel vm2, v40, v31;
	v52 =	vsel vm0, $0xFF800000, v36  }
0x393: {  	vm10 =	vgt.f32 v41, v31;
	[tilespmem:$0x150] =	vst v52  }
0x394: {  	v31 =	vsel vm10, v41, v31;
	v53 =	vld [tilespmem:s11+$0x460]  }
0x395: {  	vm11 =	vgt.f32 v42, v31  }
0x396: {  	v54 =	vld [tilespmem:$0x160];
	v31 =	vsel vm11, v42, v31  }
0x397: {  	vm12 =	vgt.f32 v43, v31  }
0x398: {  	v31 =	vsel vm12, v43, v31  }
0x399: {  	vm1 =	veq.s32 v23, s7;
	vm13 =	vgt.f32 v44, v31;
	vm0 =	vgt.f32 v53, $8.999999760e-01  }
0x39a: {  	v31 =	vsel vm13, v44, v31;
	vm0 =	vmor vm1, vm0  }
0x39b: {  	vm14 =	vgt.f32 v45, v31;
	v55 =	vsel vm0, $0xFF800000, v54  }
0x39c: {  	v31 =	vsel vm14, v45, v31;
	[tilespmem:$0x160] =	vst v55  }
0x39d: {  	vm15 =	vgt.f32 v46, v31;
	v56 =	vld [tilespmem:s11+$0x470]  }
0x39e: {  	p3 =	seq.s32 s8, $0x1;
	s5 =	simm.s32 $0x1;
	v31 =	vsel vm15, v46, v31  }
0x39f: {  	s5 =	simm.s32 @!p3 $0x0;
	v57 =	vld [tilespmem:$0x170];
	vm0 =	vgt.f32 v47, v31  }
0x3a0: {  	vm3 =	veq.s32 v24, s7;
	s5 =	sshll.u32 s5, $0x7;
	v31 =	vsel vm0, v47, v31  }
0x3a1: {  	[tilespmem:$0x1FF80] =	vst v51;
	v51 =	vimm.s32 $0x0;
	v58 =	vor.u32 s5, v29;
	vm1 =	vgt.f32 v48, v31  }
0x3a2: {  	[tilespmem:$0x1FFA0] =	vst v33;
	v33 =	vsel vm2, $0xFFFFFFFF, v51;
	v31 =	vsel vm1, v48, v31;
	vm2 =	vgt.f32 v56, $8.999999760e-01  }
0x3a3: {  	vm3 =	vmor vm3, vm2;
	vm2 =	vgt.f32 v49, v31  }
0x3a4: {  	v59 =	vsel vm3, $0xFF800000, v57;
	v31 =	vsel vm2, v49, v31  }
0x3a5: {  	s30 =	simm.s32 $0x6900;
	[tilespmem:$0x170] =	vst v59;
	vm3 =	vgt.f32 v50, v31  }
0x3a6: {  	v31 =	vsel vm3, v50, v31;
	v60 =	vld.idx.msk [tilespmem:v58+s30+$0x0], $0xffff  }
0x3a7: {  	vm4 =	vgt.f32 v32, v31  }
0x3a8: {  	v31 =	vsel vm4, v32, v31  }
0x3a9: {  	v61 =	vld [tilespmem:$0x180];
	vm5 =	vgt.f32 v52, v31  }
0x3aa: {  	vm8 =	vmmov $0xff;
	v63 =	vor.u32 $0x1380, v0;
	v31 =	vsel vm5, v52, v31  }
0x3ab: {  	v62 =	vmov s7;
	vm7 =	vgt.f32 v60, $8.999999760e-01;
	vm6 =	vgt.f32 v55, v31  }
.Ltmp9:
0x3ac: {  	vm7 =	vmand vm7, vm8;
	v31 =	vsel vm6, v55, v31;
	vm8 =	veq.s32 v62, v63;
	(pc) =	sbr.rel .LBB2_9-.Ltmp9, $4  }
0x3ad: {  	[tilespmem:$0x1FFB0] =	vst v34;
	vm8 =	vmor vm8, vm7;
	vm7 =	vgt.f32 v59, v31  }
0x3ae: {  	[tilespmem:$0x1FFD0] =	vst v35;
	v32 =	vsel vm8, $0xFF800000, v61;
	v31 =	vsel vm7, v59, v31  }
0x3af: {  	[tilespmem:$0x1FFE0] =	vst v33;
	vm8 =	vgt.f32 v32, v31  }
0x3b0: {  	[tilespmem:$0x180] =	vst v32;
	v31 =	vsel vm8, v32, v31  }
.LBB2_8:
0x3b1: {  	_ =	swait.ge [sflag:s20], $0x300  }
0x3b2: {  	s5 =	sshrl.u32 s8, $0x1;
	[sflag:s20] =	ssyncset.done $0x0  }
0x3b3: {  	s6 =	simm.s32 @!p0 $0x3;
	s5 =	smul.u32 $0xC00, s5;
	[sflag:s20] =	ssyncadd.s32 $0xFFFFFD00  }
0x3b4: {  	s11 =	sshll.u32 s8, $0x7;
	_ =	swait.ge @!p0 [sflag:s6], $0x100  }
0x3b5: {  	s11 =	sand.u32 $0x80, s11;
	s5 =	sshra.s32 s5, $0x2;
	[sflag:s6] =	ssyncset.done @!p0 $0x0  }
0x3b6: {  	s11 =	sor.u32 s11, s5;
	[sflag:s6] =	ssyncadd.s32 @!p0 $0xFFFFFF00  }
0x3b7: {  	v31 =	vld [tilespmem:s11+$0x800];
	_ =	sdelay $0x1  }
0x3b8: {  	v32 =	vld [tilespmem:$0x0];
	_ =	sdelay $0x2  }
0x3b9: {  	vm1 =	veq.s32 v11, s7;
	vm0 =	vgt.f32 v31, $8.999999760e-01  }
0x3ba: {  	vm0 =	vmor vm1, vm0  }
0x3bb: {  	v31 =	vsel vm0, $0xFF800000, v32  }
0x3bc: {  	[tilespmem:$0x0] =	vst v31  }
0x3bd: {  	v48 =	vld [tilespmem:s11+$0x810];
	_ =	sdelay $0x1  }
0x3be: {  	v33 =	vld [tilespmem:$0x10];
	_ =	sdelay $0x2  }
0x3bf: {  	vm1 =	veq.s32 v1, s7;
	vm0 =	vgt.f32 v48, $8.999999760e-01  }
0x3c0: {  	vm0 =	vmor vm1, vm0  }
0x3c1: {  	v32 =	vsel vm0, $0xFF800000, v33  }
0x3c2: {  	[tilespmem:$0x10] =	vst v32  }
0x3c3: {  	v49 =	vld [tilespmem:s11+$0x820];
	_ =	sdelay $0x1  }
0x3c4: {  	v34 =	vld [tilespmem:$0x20];
	_ =	sdelay $0x2  }
0x3c5: {  	vm1 =	veq.s32 v2, s7;
	vm0 =	vgt.f32 v49, $8.999999760e-01  }
0x3c6: {  	vm0 =	vmor vm1, vm0  }
0x3c7: {  	v33 =	vsel vm0, $0xFF800000, v34  }
0x3c8: {  	[tilespmem:$0x20] =	vst v33  }
0x3c9: {  	v50 =	vld [tilespmem:s11+$0x830];
	_ =	sdelay $0x1  }
0x3ca: {  	v35 =	vld [tilespmem:$0x30];
	_ =	sdelay $0x2  }
0x3cb: {  	vm1 =	veq.s32 v3, s7;
	vm0 =	vgt.f32 v50, $8.999999760e-01  }
0x3cc: {  	vm0 =	vmor vm1, vm0  }
0x3cd: {  	v34 =	vsel vm0, $0xFF800000, v35  }
0x3ce: {  	[tilespmem:$0x30] =	vst v34  }
0x3cf: {  	v51 =	vld [tilespmem:s11+$0x840];
	_ =	sdelay $0x1  }
0x3d0: {  	v36 =	vld [tilespmem:$0x40];
	_ =	sdelay $0x2  }
0x3d1: {  	vm1 =	veq.s32 v4, s7;
	vm0 =	vgt.f32 v51, $8.999999760e-01  }
0x3d2: {  	vm0 =	vmor vm1, vm0  }
0x3d3: {  	v35 =	vsel vm0, $0xFF800000, v36  }
0x3d4: {  	[tilespmem:$0x40] =	vst v35  }
0x3d5: {  	v52 =	vld [tilespmem:s11+$0x850];
	_ =	sdelay $0x1  }
0x3d6: {  	v37 =	vld [tilespmem:$0x50];
	_ =	sdelay $0x2  }
0x3d7: {  	vm1 =	veq.s32 v5, s7;
	vm0 =	vgt.f32 v52, $8.999999760e-01  }
0x3d8: {  	vm0 =	vmor vm1, vm0  }
0x3d9: {  	v36 =	vsel vm0, $0xFF800000, v37  }
0x3da: {  	[tilespmem:$0x50] =	vst v36  }
0x3db: {  	v53 =	vld [tilespmem:s11+$0x860];
	_ =	sdelay $0x1  }
0x3dc: {  	v38 =	vld [tilespmem:$0x60];
	_ =	sdelay $0x2  }
0x3dd: {  	vm1 =	veq.s32 v6, s7;
	vm0 =	vgt.f32 v53, $8.999999760e-01  }
0x3de: {  	vm0 =	vmor vm1, vm0  }
0x3df: {  	v37 =	vsel vm0, $0xFF800000, v38  }
0x3e0: {  	[tilespmem:$0x60] =	vst v37  }
0x3e1: {  	v54 =	vld [tilespmem:s11+$0x870];
	_ =	sdelay $0x1  }
0x3e2: {  	v39 =	vld [tilespmem:$0x70];
	_ =	sdelay $0x2  }
0x3e3: {  	vm1 =	veq.s32 v7, s7;
	vm0 =	vgt.f32 v54, $8.999999760e-01  }
0x3e4: {  	vm0 =	vmor vm1, vm0  }
0x3e5: {  	v38 =	vsel vm0, $0xFF800000, v39  }
0x3e6: {  	[tilespmem:$0x70] =	vst v38  }
0x3e7: {  	v55 =	vld [tilespmem:s11+$0x900];
	_ =	sdelay $0x1  }
0x3e8: {  	v40 =	vld [tilespmem:$0x80];
	_ =	sdelay $0x2  }
0x3e9: {  	vm1 =	veq.s32 v8, s7;
	vm0 =	vgt.f32 v55, $8.999999760e-01  }
0x3ea: {  	vm0 =	vmor vm1, vm0  }
0x3eb: {  	v39 =	vsel vm0, $0xFF800000, v40  }
0x3ec: {  	[tilespmem:$0x80] =	vst v39  }
0x3ed: {  	v56 =	vld [tilespmem:s11+$0x910];
	_ =	sdelay $0x1  }
0x3ee: {  	v41 =	vld [tilespmem:$0x90];
	_ =	sdelay $0x2  }
0x3ef: {  	vm1 =	veq.s32 v9, s7;
	vm0 =	vgt.f32 v56, $8.999999760e-01  }
0x3f0: {  	vm0 =	vmor vm1, vm0  }
0x3f1: {  	v40 =	vsel vm0, $0xFF800000, v41  }
0x3f2: {  	[tilespmem:$0x90] =	vst v40  }
0x3f3: {  	v57 =	vld [tilespmem:s11+$0x920];
	_ =	sdelay $0x1  }
0x3f4: {  	v42 =	vld [tilespmem:$0xA0];
	_ =	sdelay $0x2  }
0x3f5: {  	vm1 =	veq.s32 v10, s7;
	vm0 =	vgt.f32 v57, $8.999999760e-01  }
0x3f6: {  	vm0 =	vmor vm1, vm0  }
0x3f7: {  	v41 =	vsel vm0, $0xFF800000, v42  }
0x3f8: {  	[tilespmem:$0xA0] =	vst v41  }
0x3f9: {  	v58 =	vld [tilespmem:s11+$0x930];
	_ =	sdelay $0x1  }
0x3fa: {  	v43 =	vld [tilespmem:$0xB0];
	_ =	sdelay $0x2  }
0x3fb: {  	vm1 =	veq.s32 v12, s7;
	vm0 =	vgt.f32 v58, $8.999999760e-01  }
0x3fc: {  	vm0 =	vmor vm1, vm0  }
0x3fd: {  	v42 =	vsel vm0, $0xFF800000, v43  }
0x3fe: {  	[tilespmem:$0xB0] =	vst v42  }
0x3ff: {  	v59 =	vld [tilespmem:s11+$0x940];
	_ =	sdelay $0x1  }
0x400: {  	v44 =	vld [tilespmem:$0xC0];
	_ =	sdelay $0x2  }
0x401: {  	vm1 =	veq.s32 v13, s7;
	vm0 =	vgt.f32 v59, $8.999999760e-01  }
0x402: {  	vm0 =	vmor vm1, vm0  }
0x403: {  	v43 =	vsel vm0, $0xFF800000, v44  }
0x404: {  	[tilespmem:$0xC0] =	vst v43  }
0x405: {  	v60 =	vld [tilespmem:s11+$0x950];
	_ =	sdelay $0x1  }
0x406: {  	v45 =	vld [tilespmem:$0xD0];
	_ =	sdelay $0x2  }
0x407: {  	vm1 =	veq.s32 v14, s7;
	vm0 =	vgt.f32 v60, $8.999999760e-01  }
0x408: {  	vm0 =	vmor vm1, vm0  }
0x409: {  	v44 =	vsel vm0, $0xFF800000, v45  }
0x40a: {  	[tilespmem:$0xD0] =	vst v44  }
0x40b: {  	v61 =	vld [tilespmem:s11+$0x960];
	_ =	sdelay $0x1  }
0x40c: {  	v46 =	vld [tilespmem:$0xE0];
	_ =	sdelay $0x2  }
0x40d: {  	vm1 =	veq.s32 v15, s7;
	vm0 =	vgt.f32 v61, $8.999999760e-01  }
0x40e: {  	vm0 =	vmor vm1, vm0  }
0x40f: {  	v45 =	vsel vm0, $0xFF800000, v46  }
0x410: {  	[tilespmem:$0xE0] =	vst v45  }
0x411: {  	v62 =	vld [tilespmem:s11+$0x970];
	_ =	sdelay $0x1  }
0x412: {  	v47 =	vld [tilespmem:$0xF0];
	_ =	sdelay $0x2  }
0x413: {  	vm1 =	veq.s32 v16, s7;
	vm0 =	vgt.f32 v62, $8.999999760e-01  }
0x414: {  	vm0 =	vmor vm1, vm0  }
0x415: {  	v46 =	vsel vm0, $0xFF800000, v47  }
0x416: {  	[tilespmem:$0xF0] =	vst v46  }
0x417: {  	v63 =	vld [tilespmem:s11+$0xA00];
	_ =	sdelay $0x1  }
0x418: {  	v48 =	vld [tilespmem:$0x100];
	_ =	sdelay $0x2  }
0x419: {  	vm1 =	veq.s32 v17, s7;
	vm0 =	vgt.f32 v63, $8.999999760e-01  }
0x41a: {  	vm0 =	vmor vm1, vm0  }
0x41b: {  	v47 =	vsel vm0, $0xFF800000, v48  }
0x41c: {  	[tilespmem:$0x100] =	vst v47  }
0x41d: {  	v52 =	vld [tilespmem:s11+$0xA10];
	_ =	sdelay $0x1  }
0x41e: {  	v49 =	vld [tilespmem:$0x110];
	_ =	sdelay $0x2  }
0x41f: {  	vm1 =	veq.s32 v18, s7;
	vm0 =	vgt.f32 v52, $8.999999760e-01  }
0x420: {  	vm0 =	vmor vm1, vm0  }
0x421: {  	v48 =	vsel vm0, $0xFF800000, v49  }
0x422: {  	[tilespmem:$0x110] =	vst v48  }
0x423: {  	v53 =	vld [tilespmem:s11+$0xA20];
	_ =	sdelay $0x1  }
0x424: {  	v50 =	vld [tilespmem:$0x120];
	_ =	sdelay $0x2  }
0x425: {  	vm1 =	veq.s32 v19, s7;
	vm0 =	vgt.f32 v53, $8.999999760e-01  }
0x426: {  	vm0 =	vmor vm1, vm0  }
0x427: {  	v49 =	vsel vm0, $0xFF800000, v50  }
0x428: {  	[tilespmem:$0x120] =	vst v49  }
0x429: {  	v54 =	vld [tilespmem:s11+$0xA30];
	_ =	sdelay $0x1  }
0x42a: {  	v51 =	vld [tilespmem:$0x130];
	_ =	sdelay $0x2  }
0x42b: {  	vm1 =	veq.s32 v20, s7;
	vm0 =	vgt.f32 v54, $8.999999760e-01  }
0x42c: {  	vm0 =	vmor vm1, vm0  }
0x42d: {  	v50 =	vsel vm0, $0xFF800000, v51  }
0x42e: {  	vm0 =	vgt.f32 v32, v31;
	[tilespmem:$0x130] =	vst v50  }
0x42f: {  	v55 =	vimm.s32 $0x0;
	v31 =	vsel vm0, v32, v31;
	v56 =	vld [tilespmem:s11+$0xA40]  }
0x430: {  	v51 =	vsel vm0, $0xFFFFFFFF, v55;
	vm0 =	vgt.f32 v33, v31  }
0x431: {  	v57 =	vimm.s32 $0x0;
	v58 =	vld [tilespmem:$0x140];
	v31 =	vsel vm0, v33, v31  }
0x432: {  	v59 =	vimm.s32 $0x0;
	[tilespmem:$0x1FF60] =	vst v51;
	v51 =	vsel vm0, $0xFFFFFFFF, v57;
	vm0 =	vgt.f32 v34, v31  }
0x433: {  	v60 =	vimm.s32 $0x0;
	vm1 =	veq.s32 v21, s7;
	v31 =	vsel vm0, v34, v31  }
0x434: {  	[tilespmem:$0x1FF70] =	vst v51;
	v51 =	vsel vm0, $0xFFFFFFFF, v59;
	vm2 =	vgt.f32 v35, v31;
	vm0 =	vgt.f32 v56, $8.999999760e-01  }
0x435: {  	v32 =	vsel vm2, $0xFFFFFFFF, v60;
	v31 =	vsel vm2, v35, v31;
	vm0 =	vmor vm1, vm0  }
0x436: {  	[tilespmem:$0x1FF90] =	vst v32;
	vm1 =	vgt.f32 v36, v31;
	v32 =	vsel vm0, $0xFF800000, v58  }
0x437: {  	v31 =	vsel vm1, v36, v31;
	[tilespmem:$0x140] =	vst v32  }
0x438: {  	vm0 =	vgt.f32 v37, v31;
	v62 =	vld [tilespmem:s11+$0xA50]  }
0x439: {  	v61 =	vimm.s32 $0x0;
	v63 =	vimm.s32 $0x0;
	v31 =	vsel vm0, v37, v31  }
0x43a: {  	v33 =	vsel vm1, $0xFFFFFFFF, v61;
	v36 =	vld [tilespmem:$0x150];
	v34 =	vsel vm0, $0xFFFFFFFF, v63;
	vm0 =	vgt.f32 v38, v31  }
0x43b: {  	vm1 =	veq.s32 v22, s7;
	v37 =	vimm.s32 $0x0;
	v31 =	vsel vm0, v38, v31  }
0x43c: {  	v35 =	vsel vm0, $0xFFFFFFFF, v37;
	v38 =	vimm.s32 $0x0;
	vm0 =	vgt.f32 v39, v31  }
0x43d: {  	[tilespmem:$0x1FFC0] =	vst v35;
	v35 =	vsel vm0, $0xFFFFFFFF, v38;
	v31 =	vsel vm0, v39, v31;
	vm0 =	vgt.f32 v62, $8.999999760e-01  }
0x43e: {  	vm2 =	vgt.f32 v40, v31;
	vm0 =	vmor vm1, vm0  }
0x43f: {  	v31 =	vsel vm2, v40, v31;
	v52 =	vsel vm0, $0xFF800000, v36  }
0x440: {  	vm10 =	vgt.f32 v41, v31;
	[tilespmem:$0x150] =	vst v52  }
0x441: {  	v31 =	vsel vm10, v41, v31;
	v53 =	vld [tilespmem:s11+$0xA60]  }
0x442: {  	vm11 =	vgt.f32 v42, v31  }
0x443: {  	v54 =	vld [tilespmem:$0x160];
	v31 =	vsel vm11, v42, v31  }
0x444: {  	vm12 =	vgt.f32 v43, v31  }
0x445: {  	v31 =	vsel vm12, v43, v31  }
0x446: {  	vm1 =	veq.s32 v23, s7;
	vm13 =	vgt.f32 v44, v31;
	vm0 =	vgt.f32 v53, $8.999999760e-01  }
0x447: {  	v31 =	vsel vm13, v44, v31;
	vm0 =	vmor vm1, vm0  }
0x448: {  	vm14 =	vgt.f32 v45, v31;
	v55 =	vsel vm0, $0xFF800000, v54  }
0x449: {  	v31 =	vsel vm14, v45, v31;
	[tilespmem:$0x160] =	vst v55  }
0x44a: {  	vm15 =	vgt.f32 v46, v31;
	v56 =	vld [tilespmem:s11+$0xA70]  }
0x44b: {  	p3 =	seq.s32 s8, $0x1;
	s5 =	simm.s32 $0x1;
	v31 =	vsel vm15, v46, v31  }
0x44c: {  	s5 =	simm.s32 @!p3 $0x0;
	v57 =	vld [tilespmem:$0x170];
	vm0 =	vgt.f32 v47, v31  }
0x44d: {  	vm3 =	veq.s32 v24, s7;
	s5 =	sshll.u32 s5, $0x7;
	v31 =	vsel vm0, v47, v31  }
0x44e: {  	[tilespmem:$0x1FF80] =	vst v51;
	v51 =	vimm.s32 $0x0;
	v58 =	vor.u32 s5, v29;
	vm1 =	vgt.f32 v48, v31  }
0x44f: {  	[tilespmem:$0x1FFA0] =	vst v33;
	v33 =	vsel vm2, $0xFFFFFFFF, v51;
	v31 =	vsel vm1, v48, v31;
	vm2 =	vgt.f32 v56, $8.999999760e-01  }
0x450: {  	vm3 =	vmor vm3, vm2;
	vm2 =	vgt.f32 v49, v31  }
0x451: {  	v59 =	vsel vm3, $0xFF800000, v57;
	v31 =	vsel vm2, v49, v31  }
0x452: {  	[tilespmem:$0x170] =	vst v59;
	vm3 =	vgt.f32 v50, v31  }
0x453: {  	v31 =	vsel vm3, v50, v31;
	v60 =	vld.idx.msk [tilespmem:v58+s31+$0x0], $0xffff  }
0x454: {  	vm4 =	vgt.f32 v32, v31  }
0x455: {  	v31 =	vsel vm4, v32, v31  }
0x456: {  	v61 =	vld [tilespmem:$0x180];
	vm5 =	vgt.f32 v52, v31  }
0x457: {  	vm8 =	vmmov $0xff;
	v63 =	vor.u32 $0x1380, v0;
	v31 =	vsel vm5, v52, v31  }
0x458: {  	v62 =	vmov s7;
	vm7 =	vgt.f32 v60, $8.999999760e-01;
	vm6 =	vgt.f32 v55, v31  }
0x459: {  	vm7 =	vmand vm7, vm8;
	v31 =	vsel vm6, v55, v31;
	vm8 =	veq.s32 v62, v63  }
0x45a: {  	[tilespmem:$0x1FFB0] =	vst v34;
	vm8 =	vmor vm8, vm7;
	vm7 =	vgt.f32 v59, v31  }
0x45b: {  	[tilespmem:$0x1FFD0] =	vst v35;
	v32 =	vsel vm8, $0xFF800000, v61;
	v31 =	vsel vm7, v59, v31  }
0x45c: {  	[tilespmem:$0x1FFE0] =	vst v33;
	vm8 =	vgt.f32 v32, v31  }
0x45d: {  	[tilespmem:$0x180] =	vst v32;
	v31 =	vsel vm8, v32, v31  }
.LBB2_9:
0x45e: {  	v32 =	vld [tilespmem:$0x1FF60]  }
0x45f: {  	v33 =	vld [tilespmem:$0x1FF70]  }
0x460: {  	v53 =	vld [tilespmem:$0x1FF80]  }
0x461: {  	v54 =	vld [tilespmem:$0x1FF90]  }
0x462: {  	v55 =	vld [tilespmem:$0x1FFA0]  }
0x463: {  	v56 =	vld [tilespmem:$0x1FFB0];
	vm9 =	vnez.u8 v32  }
0x464: {  	v57 =	vld [tilespmem:$0x1FFC0];
	v32 =	vsel vm9, $0x10, v26;
	vm9 =	vnez.u8 v33  }
0x465: {  	v58 =	vld [tilespmem:$0x1FFD0];
	v32 =	vsel vm9, $0x20, v32;
	vm9 =	vnez.u8 v53  }
0x466: {  	v59 =	vld [tilespmem:$0x1FFE0];
	v32 =	vsel vm9, $0x30, v32;
	vm9 =	vnez.u8 v54  }
0x467: {  	v32 =	vsel vm9, $0x40, v32;
	vm9 =	vnez.u8 v55  }
0x468: {  	v32 =	vsel vm9, $0x50, v32;
	vm9 =	vnez.u8 v56  }
0x469: {  	v32 =	vsel vm9, $0x60, v32;
	vm9 =	vnez.u8 v57  }
0x46a: {  	v32 =	vsel vm9, $0x70, v32;
	vm9 =	vnez.u8 v58  }
0x46b: {  	v32 =	vsel vm9, $0x80, v32;
	vm9 =	vnez.u8 v59  }
0x46c: {  	v32 =	vsel vm9, $0x90, v32  }
0x46d: {  	v32 =	vsel vm10, $0xA0, v32  }
0x46e: {  	v32 =	vsel vm11, $0xB0, v32  }
0x46f: {  	v32 =	vsel vm12, $0xC0, v32  }
0x470: {  	v32 =	vsel vm13, $0xD0, v32  }
0x471: {  	v32 =	vsel vm14, $0xE0, v32  }
0x472: {  	v32 =	vsel vm15, $0xF0, v32  }
0x473: {  	v32 =	vsel vm0, $0x100, v32  }
0x474: {  	(xrf0) =	vmax.scan.msk.f32 $0xffff, v31;
	v32 =	vsel vm1, $0x110, v32  }
0x475: {  	v32 =	vsel vm2, $0x120, v32  }
0x476: {  	v32 =	vsel vm3, $0x130, v32  }
0x477: {  	v32 =	vsel vm4, $0x140, v32  }
0x478: {  	v32 =	vsel vm5, $0x150, v32  }
0x479: {  	v32 =	vsel vm6, $0x160, v32  }
0x47a: {  	v60, _, _ =	vpop (xrf0);
	v32 =	vsel vm7, $0x170, v32  }
0x47b: {  	v33 =	vbroadcast v60, $0xF;
	v32 =	vsel vm8, $0x180, v32  }
0x47c: {  	v32 =	vadd.s32 v32, v11  }
0x47d: {  	vm13 =	veq.f32 v31, v33;
	v31 =	vxor.u32 $0x80000000, v32  }
0x47e: {  	v31 =	vnsel vm13, $0xC0000000, v31  }
0x47f: {  	(xrf0) =	vmin.scan.msk.u32 $0xffff, v31;
	_ =	sdelay $0x5  }
0x480: {  	v31, _, _ =	vpop (xrf0)  }
0x481: {  	(v2sf) =	vpush v31, $0xF;
	_ =	sdelay $0xe  }
0x482: {  	s5 =	spop (v2sf)  }
0x483: {  	s7 =	sand.u32 $0x1, s25;
	s5 =	sxor.u32 $0x80000000, s5  }
0x484: {  	s16 =	sshll.u32 s7, $0x4;
	v31 =	vmov s5  }
0x485: {  	s5 =	sor.u32 $0x20, s16;
	v31 =	vbroadcast v31, $0x0  }
0x486: {  	vm14 =	vmmov $0x1;
	s6 =	sor.u32 s3, s5  }
0x487: {  	s6 =	sshll.u32 s6, $0x7;
	v31 =	vsel vm14, v33, v31  }
0x488: {  	s6 =	sadd.s32 s6, s2;
	[tilespmem:$0x1600] =	vst v31  }
0x489: {  	[spmem:s6] =	stream.linear.scatter [tilespmem:s17], [sflag:$0x4], $0x80, $0x38;
	[tilespmem:$0x6C40] =	vst v63  }
0x48a: {  	_ =	swait.ge [sflag:s14], $0x80  }
0x48b: {  	[sflag:s14] =	ssyncset.done $0x0  }
0x48c: {  	v61 =	vmul.u32 $0x80, v0;
	s5 =	sshll.u32 s5, $0x7;
	[sflag:s14] =	ssyncadd.s32 $0xFFFFFF80  }
0x48d: {  	s5 =	sadd.s32 s5, s2;
	[bflag:$0x0] =	sbarrier.arrive $0xFFFF  }
0x48e: {  	[tilespmem:s18], [sflag:$0x4] =	stream.linear.gather [spmem:s5], $0x800, $0x38;
	[tilespmem:$0x6C40] =	vst v63  }
0x48f: {  	_ =	swait.ge [sflag:s14], $0x800  }
0x490: {  	[sflag:s14] =	ssyncset.done $0x0  }
0x491: {  	[sflag:s14] =	ssyncadd.s32 $0xFFFFF800  }
0x492: {  	v31 =	vld.idx.msk [tilespmem:v61+s18+$0x0], $0xffff;
	_ =	sdelay $0x3  }
0x493: {  	v32 =	vor.u32 $0x1, v61  }
0x494: {  	(xrf0) =	vmax.scan.msk.f32 $0xffff, v31;
	_ =	sdelay $0x3  }
0x495: {  	v33 =	vld.idx.msk [tilespmem:v32+s18+$0x0], $0xffff;
	_ =	sdelay $0x1  }
0x496: {  	v34, _, _ =	vpop (xrf0)  }
0x497: {  	v62 =	vbroadcast v34, $0xF;
	_ =	sdelay $0x1  }
0x498: {  	v32 =	vxor.u32 $0x80000000, v33;
	(v2sf) =	vpush v34, $0xF;
	vm15 =	veq.f32 v31, v62  }
0x499: {  	v35 =	vnsel vm15, $0xC0000000, v32  }
0x49a: {  	(xrf0) =	vmin.scan.msk.u32 $0xffff, v35;
	_ =	sdelay $0x5  }
0x49b: {  	v63, _, _ =	vpop (xrf0)  }
0x49c: {  	(v2sf) =	vpush v63, $0xF;
	_ =	sdelay $0x5  }
0x49d: {  	s30 =	spop (v2sf)  }
0x49e: {  	p3 =	slt.f32 s30, $-Inf;
	p4 =	sgt.f32 s30, $-Inf  }
0x49f: {  	_ = 	snop  }
0x4a0: {  	p3 =	por p4, p3  }
0x4a1: {  	p3 =	por !p3, !p3  }
.Ltmp10:
0x4a2: {  	_ = 	snop;
	(pc) =	sbr.rel @p3 .LBB2_27-.Ltmp10, $2  }
0x4a3: {  	_ =	sdelay $0x2  }
0x4a4: {  	s5 =	spop (v2sf)  }
0x4a5: {  	s12 =	sld [smem:$0x4]  }
0x4a6: {  	p3 =	seq.s32 s7, $0x0;
	s8 =	sld [smem:$0x5];
	s6 =	simm.s32 $0x7  }
0x4a7: {  	s6 =	simm.s32 @!p3 $0x6  }
0x4a8: {  	s13 =	sld [smem:s6+$0x0];
	s11 =	smov.u32 s12  }
0x4a9: {  	s11 =	smov.u32 @p3 s8  }
0x4aa: {  	s6 =	sxor.u32 $0x80000000, s5;
	p4 =	sne.s32 s11, $0x1  }
0x4ab: {  	p5 =	sne.s32 @!p4 s13, s6  }
0x4ac: {  	p4 =	por p4, p5  }
.Ltmp11:
0x4ad: {  	_ = 	snop;
	(pc) =	sbr.rel @p4 .LBB2_12-.Ltmp11, $1  }
0x4ae: {  	_ =	sdelay $0x3  }
.Ltmp12:
0x4af: {  	(pc) =	sbr.rel .LBB2_13-.Ltmp12, $4  }
0x4b0: {  	s11 =	sxor.u32 $0x3, s7  }
0x4b1: {  	s12 =	simm.s32 @!p3 $0x0;
	[smem:$0x1] =	sst s11  }
0x4b2: {  	s8 =	simm.s32 @p3 $0x0;
	[smem:$0x4] =	sst s12  }
0x4b3: {  	[smem:$0x5] =	sst s8  }
.LBB2_12:
0x4b4: {  	s11 =	sshrl.u32 s6, $0x3  }
0x4b5: {  	s11 =	smul.u32 $0xA000, s11;
	_ =	sdelay $0x1  }
0x4b6: {  	s13 =	sshll.u32 s5, $0x7;
	s11 =	sadd.s32 s10, s11  }
0x4b7: {  	s13 =	sand.u32 $0x300, s13;
	s16 =	sadd.s32 s9, s11  }
0x4b8: {  	s11 =	sadd.s32 @!p0 s13, s11;
	s16 =	sor.u32 s13, s16  }
0x4b9: {  	s11 =	sadd.s32 @!p0 $0x9C00, s11;
	s16 =	sshrl.u32 s16, $0x3  }
0x4ba: {  	s11 =	sshrl.u32 @!p0 s11, $0x3;
	s16 =	sadd.s32 s0, s16  }
0x4bb: {  	[tilespmem:s29], [sflag:$0x1] =	stream.strided.gather [hbm4b:s16+s26], $0x300, s28, s26, $0x38;
	[tilespmem:$0x6C40] =	vst v63  }
0x4bc: {  	s13 =	simm.s32 @!p0 $0x0;
	s11 =	sadd.s32 @!p0 s0, s11;
	s16 =	simm.s32 @!p0 $0x6900  }
0x4bd: {  	[tilespmem:s16], [sflag:$0x1] =	stream.linear.gather @!p0 [hbm4b:s11+s13], $0x100, $0x38;
	[tilespmem:$0x6C40] =	vst v63  }
0x4be: {  	s11 =	simm.s32 $0x1  }
0x4bf: {  	[smem:$0x1] =	sst s11  }
.LBB2_13:
0x4c0: {  	v34 =	vmov s6  }
0x4c1: {  	vm0 =	veq.s32 v34, v33  }
0x4c2: {  	v31 =	vsel vm0, $0xFF800000, v31  }
0x4c3: {  	(xrf0) =	vmax.scan.msk.f32 $0xffff, v31;
	_ =	sdelay $0x5  }
0x4c4: {  	v63, _, _ =	vpop (xrf0)  }
0x4c5: {  	v35 =	vbroadcast v63, $0xF;
	_ =	sdelay $0x1  }
0x4c6: {  	(v2sf) =	vpush v63, $0xF;
	vm0 =	veq.f32 v31, v35  }
0x4c7: {  	v31 =	vnsel vm0, $0xC0000000, v32  }
0x4c8: {  	(xrf0) =	vmin.scan.msk.u32 $0xffff, v31;
	_ =	sdelay $0x5  }
0x4c9: {  	v31, _, _ =	vpop (xrf0)  }
0x4ca: {  	(v2sf) =	vpush v31, $0xF;
	_ =	sdelay $0x5  }
0x4cb: {  	s13 =	spop (v2sf)  }
0x4cc: {  	p3 =	slt.f32 s13, $-Inf;
	p4 =	sgt.f32 s13, $-Inf  }
0x4cd: {  	v31 =	vmov s25  }
0x4ce: {  	p3 =	por p4, p3  }
0x4cf: {  	p3 =	por !p3, !p3  }
.Ltmp13:
0x4d0: {  	_ = 	snop;
	(pc) =	sbr.rel @p3 .LBB2_15-.Ltmp13, $4  }
0x4d1: {  	_ = 	snop  }
0x4d2: {  	s5 =	sand.u32 $0x1, s5;
	[tilespmem:v31+s21+$0x0] =	vst.idx.msk $0x1, v34  }
0x4d3: {  	[smem:$0x2] =	sst s5;
	[tilespmem:v31+s22+$0x0] =	vst.idx.msk $0x1, v30  }
0x4d4: {  	[smem:$0x3] =	sst s6;
	[tilespmem:v31+s24+$0x0] =	vst.idx.msk $0x1, v34;
	s5 =	spop (v2sf)  }
0x4d5: {  	p3 =	sne.s32 s7, $0x0  }
0x4d6: {  	p4 =	sne.s32 @!p3 s12, $0x1  }
0x4d7: {  	p5 =	por p4, p3  }
0x4d8: {  	p6 =	sne.s32 @!p5 s3, $0xF;
	s6 =	simm.s32 @!p5 $0x2  }
0x4d9: {  	_ =	swait.ge @!p5 [sflag:s6], $0x300;
	p4 =	por @!p3 p6, p4  }
0x4da: {  	[sflag:s6] =	ssyncset.done @!p5 $0x0;
	p6 =	por p4, p3  }
0x4db: {  	[sflag:s6] =	ssyncadd.s32 @!p5 $0xFFFFFD00;
	s6 =	simm.s32 @!p6 $0x2  }
0x4dc: {  	p4 =	seq.s32 s7, $0x1;
	p5 =	sne.s32 s8, $0x1;
	_ =	swait.ge @!p6 [sflag:s6], $0x100  }
0x4dd: {  	p1 =	por !p4, p5;
	[sflag:s6] =	ssyncset.done @!p6 $0x0  }
0x4de: {  	[sflag:s6] =	ssyncadd.s32 @!p6 $0xFFFFFF00;
	s6 =	simm.s32 @!p1 $0x3  }
0x4df: {  	s7 =	sxor.u32 $0x80000000, s5;
	_ =	swait.ge @!p1 [sflag:s6], $0x300  }
0x4e0: {  	s8 =	sshrl.u32 @!p3 s7, $0x3;
	p6 =	sne.s32 @!p1 s3, $0xF;
	[sflag:s6] =	ssyncset.done @!p1 $0x0  }
0x4e1: {  	s8 =	smul.u32 @!p3 $0xA000, s8;
	[sflag:s6] =	ssyncadd.s32 @!p1 $0xFFFFFD00;
	p1 =	por @!p5 p6, !p4  }
0x4e2: {  	p1 =	por p1, p5  }
0x4e3: {  	s6 =	sadd.s32 @!p3 s10, s8;
	s8 =	sshll.u32 @!p3 s5, $0x7;
	s12 =	simm.s32 @!p1 $0x3  }
0x4e4: {  	s8 =	sand.u32 @!p3 $0x300, s8;
	s13 =	sadd.s32 @!p3 s9, s6;
	_ =	swait.ge @!p1 [sflag:s12], $0x100  }
0x4e5: {  	s16 =	simm.s32 @!p3 $0x400;
	s13 =	sor.u32 @!p3 s8, s13;
	[sflag:s12] =	ssyncset.done @!p1 $0x0  }
0x4e6: {  	s30 =	simm.s32 @!p3 $0x500;
	s13 =	sshrl.u32 @!p3 s13, $0x3;
	[sflag:s12] =	ssyncadd.s32 @!p1 $0xFFFFFF00  }
0x4e7: {  	p1 =	sne.s32 @!p3 s3, $0xF;
	s12 =	sadd.s32 @!p3 s0, s13;
	s13 =	simm.s32 @!p3 $0x100  }
0x4e8: {  	[tilespmem:s30], [sflag:$0x2] =	stream.strided.gather @!p3 [hbm4b:s12+s13], $0x300, s16, s13, $0x38;
	[tilespmem:$0x6C40] =	vst v63  }
0x4e9: {  	p1 =	por p1, p3  }
0x4ea: {  	s5 =	sshll.u32 @p4 s5, $0x7;
	s6 =	sadd.s32 @!p1 s8, s6  }
0x4eb: {  	s5 =	sand.u32 @p4 $0x300, s5;
	s16 =	simm.s32 @p4 $0x800;
	s6 =	sadd.s32 @!p1 $0x9C00, s6  }
0x4ec: {  	s8 =	sshrl.u32 @p4 s7, $0x3;
	s12 =	simm.s32 @!p1 $0x0;
	s6 =	sshrl.u32 @!p1 s6, $0x3  }
0x4ed: {  	s13 =	simm.s32 @!p1 $0x6A00;
	s8 =	smul.u32 @p4 $0xA000, s8;
	s6 =	sadd.s32 @!p1 s0, s6  }
0x4ee: {  	[tilespmem:s13], [sflag:$0x2] =	stream.linear.gather @!p1 [hbm4b:s6+s12], $0x100, $0x38;
	[tilespmem:$0x6C40] =	vst v63  }
0x4ef: {  	s6 =	sadd.s32 @p4 s10, s8;
	p1 =	sne.s32 @p4 s3, $0xF;
	s12 =	simm.s32 @p4 $0x100  }
0x4f0: {  	s13 =	simm.s32 @p4 $0x400;
	s8 =	sadd.s32 @p4 s9, s6;
	p1 =	por p1, !p4  }
0x4f1: {  	s8 =	sor.u32 @p4 s5, s8;
	s5 =	sadd.s32 @!p1 s5, s6;
	s6 =	simm.s32 @!p3 $0x1  }
0x4f2: {  	s8 =	sshrl.u32 @p4 s8, $0x3;
	s5 =	sadd.s32 @!p1 $0x9C00, s5;
	[smem:$0x4] =	sst @!p3 s6  }
0x4f3: {  	s6 =	simm.s32 @!p1 $0x0;
	s8 =	sadd.s32 @p4 s0, s8;
	s5 =	sshrl.u32 @!p1 s5, $0x3  }
0x4f4: {  	[tilespmem:s16], [sflag:$0x3] =	stream.strided.gather @p4 [hbm4b:s8+s12], $0x300, s13, s12, $0x38;
	[tilespmem:$0x6C40] =	vst v63  }
.Ltmp14:
0x4f5: {  	s5 =	sadd.s32 @!p1 s0, s5;
	s8 =	simm.s32 @!p1 $0x6B00;
	(pc) =	sbr.rel .LBB2_15-.Ltmp14, $4  }
0x4f6: {  	[tilespmem:s8], [sflag:$0x3] =	stream.linear.gather @!p1 [hbm4b:s5+s6], $0x100, $0x38;
	[tilespmem:$0x6C40] =	vst v63  }
0x4f7: {  	[smem:$0x6] =	sst @!p3 s7;
	s5 =	simm.s32 @p4 $0x1  }
0x4f8: {  	[smem:$0x5] =	sst @p4 s5  }
0x4f9: {  	[smem:$0x7] =	sst @p4 s7  }
.LBB2_27:
.Ltmp15:
0x4fa: {  	(pc) =	sbr.rel .LBB2_17-.Ltmp15, $3  }
0x4fb: {  	_ =	sdelay $0x1  }
0x4fc: {  	[smem:$0x0] =	sst s15;
	s5 =	simm.s32 $0x0  }
0x4fd: {  	[smem:$0x1] =	sst s5  }
.LBB2_16:
0x4fe: {  	p1 =	sne.s32 s11, $0x1  }
0x4ff: {  	s5 =	simm.s32 @!p1 $0x1  }
0x500: {  	p3 =	sne.s32 @!p1 s3, $0xF;
	_ =	swait.ge @!p1 [sflag:s5], $0x300  }
0x501: {  	p4 =	por p3, p1;
	[sflag:s5] =	ssyncset.done @!p1 $0x0  }
0x502: {  	s6 =	simm.s32 @!p4 $0x1;
	[sflag:s5] =	ssyncadd.s32 @!p1 $0xFFFFFD00  }
0x503: {  	p3 =	por !p3, p1;
	_ =	swait.ge @!p4 [sflag:s6], $0x100  }
0x504: {  	s5 =	simm.s32 @p3 $0x1;
	[sflag:s6] =	ssyncset.done @!p4 $0x0  }
0x505: {  	s5 =	smov.u32 @p1 s11;
	[sflag:s6] =	ssyncadd.s32 @!p4 $0xFFFFFF00  }
.LBB2_17:
0x506: {  	s6 =	sld [smem:$0x4];
	_ =	sdelay $0x2  }
0x507: {  	p1 =	sne.s32 s6, $0x1  }
0x508: {  	s6 =	simm.s32 @!p1 $0x2  }
0x509: {  	p3 =	sne.s32 @!p1 s3, $0xF;
	_ =	swait.ge @!p1 [sflag:s6], $0x300  }
0x50a: {  	p3 =	por p3, p1;
	[sflag:s6] =	ssyncset.done @!p1 $0x0  }
0x50b: {  	[sflag:s6] =	ssyncadd.s32 @!p1 $0xFFFFFD00;
	s6 =	simm.s32 @!p3 $0x2  }
0x50c: {  	_ =	swait.ge @!p3 [sflag:s6], $0x100  }
0x50d: {  	[sflag:s6] =	ssyncset.done @!p3 $0x0  }
0x50e: {  	[sflag:s6] =	ssyncadd.s32 @!p3 $0xFFFFFF00  }
0x50f: {  	s6 =	sld [smem:$0x5];
	_ =	sdelay $0x2  }
0x510: {  	p1 =	sne.s32 s6, $0x1  }
0x511: {  	s6 =	simm.s32 @!p1 $0x3  }
0x512: {  	_ =	swait.ge @!p1 [sflag:s6], $0x300  }
0x513: {  	p3 =	sne.s32 @!p1 s3, $0xF;
	[sflag:s6] =	ssyncset.done @!p1 $0x0  }
0x514: {  	p3 =	por p3, p1;
	[sflag:s6] =	ssyncadd.s32 @!p1 $0xFFFFFD00;
	p1 =	slt.u32 s5, $0x2  }
.Ltmp16:
0x515: {  	_ = 	snop;
	(pc) =	sbr.rel @p1 .LBB2_23-.Ltmp16, $4  }
0x516: {  	s6 =	simm.s32 @!p3 $0x3  }
0x517: {  	_ =	swait.ge @!p3 [sflag:s6], $0x100  }
0x518: {  	[sflag:s6] =	ssyncset.done @!p3 $0x0  }
0x519: {  	[sflag:s6] =	ssyncadd.s32 @!p3 $0xFFFFFF00  }
0x51a: {  	p1 =	sne.s32 s5, $0x2  }
.Ltmp17:
0x51b: {  	_ = 	snop;
	(pc) =	sbr.rel @p1 .LBB2_21-.Ltmp17, $1  }
0x51c: {  	_ =	sdelay $0x3  }
0x51d: {  	_ =	swait.ge [sflag:s19], $0x300  }
0x51e: {  	s5 =	sld [smem:$0x7FD];
	_ =	sdelay $0x2  }
0x51f: {  	p1 =	seq.s32 s5, $0x1  }
.Ltmp18:
0x520: {  	_ = 	snop;
	(pc) =	sbr.rel @p1 .LBB2_24-.Ltmp18, $3  }
0x521: {  	_ =	sdelay $0x1  }
0x522: {  	[sflag:s19] =	ssyncset.done $0x0  }
0x523: {  	[sflag:s19] =	ssyncadd.s32 $0xFFFFFD00  }
.Ltmp19:
0x524: {  	(pc) =	sbr.rel .LBB2_25-.Ltmp19, $4  }
0x525: {  	s5 =	simm.s32 @!p0 $0x2  }
0x526: {  	_ =	swait.ge @!p0 [sflag:s5], $0x100  }
0x527: {  	[sflag:s5] =	ssyncset.done @!p0 $0x0  }
0x528: {  	[sflag:s5] =	ssyncadd.s32 @!p0 $0xFFFFFF00  }
.LBB2_23:
.Ltmp20:
0x529: {  	(pc) =	sbr.rel @p2 .LBB2_25-.Ltmp20, $4  }
.Ltmp21:
0x52a: {  	(pc) =	sbr.rel @!p2 .LBB2_24-.Ltmp21, $4  }
0x52b: {  	_ = 	snop  }
0x52c: {  	_ = 	snop  }
0x52d: {  	_ = 	snop  }
0x52e: {  	_ = 	snop  }
.LBB2_21:
0x52f: {  	_ =	swait.ge [sflag:s20], $0x300  }
0x530: {  	s5 =	sld [smem:$0x7FD];
	_ =	sdelay $0x2  }
0x531: {  	p1 =	seq.s32 s5, $0x1  }
.Ltmp22:
0x532: {  	_ = 	snop;
	(pc) =	sbr.rel @p1 .LBB2_24-.Ltmp22, $3  }
0x533: {  	_ =	sdelay $0x1  }
0x534: {  	[sflag:s20] =	ssyncset.done $0x0  }
0x535: {  	[sflag:s20] =	ssyncadd.s32 $0xFFFFFD00  }
.Ltmp23:
0x536: {  	(pc) =	sbr.rel .LBB2_25-.Ltmp23, $4  }
0x537: {  	s5 =	simm.s32 @!p0 $0x3  }
0x538: {  	_ =	swait.ge @!p0 [sflag:s5], $0x100  }
0x539: {  	[sflag:s5] =	ssyncset.done @!p0 $0x0  }
0x53a: {  	[sflag:s5] =	ssyncadd.s32 @!p0 $0xFFFFFF00  }
.LBB2_26:
0x53b: {  	_ =	sfence.sel $0x180000  }
0x53c: {  	[bflag:$0x0] =	sbarrier.arrive $0xFFFF  }
0x53d: {  	_ =	strace $0x90000047  }
0x53e: {  	[bflag:$0x2] =	sbarrier.arrive $0xFFFF  }
0x53f: {  	s0 =	rddreg [dreg:$0x7]  }
0x540: {  	s0 =	sadd.s32 @!p2 $0x100000, s0  }
0x541: {  	[sflag:s0] =	ssyncadd.tile.s32 @!p2 $0x1;
	_ =	shalt  }
.Lfunc_end2:
_tile_overlayer_lowered:
.L_overlay_start_2:
0x542: {  	(tag) =	ssettag $0x2  }
0x543: {  	s0 =	rddreg [dreg:$0x0];
	s2 =	stileid.u32  }
0x544: {  	s1 =	rddreg [dreg:$0x1];
	p0 =	sne.s32 s2, $0x0  }
0x545: {  	s3 =	rddreg [dreg:$0x2];
	[bflag:$0x3] =	sbarrier.arrive $0xFFFF;
	s2 =	simm.s32 @!p0 $0x1C04  }
0x546: {  	[timem:s3], [sflag:s2] =	dma.local @!p0 [hbm:s0], s1  }
0x547: {  	s0 =	simm.s32 @!p0 $0x4  }
0x548: {  	_ =	swait.ge @!p0 [sflag:s0], s1  }
0x549: {  	s1 =	ssub.s32 @!p0 $0x0, s1;
	[sflag:s0] =	ssyncset.done @!p0 $0x0  }
0x54a: {  	[sflag:s0] =	ssyncadd.s32 @!p0 s1  }
0x54b: {  	[bflag:$0x3] =	sbarrier.arrive $0xFFFF  }
0x54c: {  	_ =	shalt  }

</sc_bundles>
